<compile_context>
chip_gen: v7x
topology: tpu7x:2x2x1
jax: 0.10.2.dev20260603
libtpu: 0.0.44.dev20260713+nightly
codegen_flags: <defaults>
</compile_context>

<pallas_src>
import functools

import jax
import jax.numpy as jnp
from jax import lax
from jax.experimental import pallas as pl
from jax.experimental.pallas import tpu as pltpu
from jax.experimental.pallas import tpu_sc as plsc

N = 10000
E = 320000
D = 128
H = 256
G = 128

NC = 2
NS = 16
NW = NC * NS
K = 96
NBUF = 4
CPW = 108
KD = 96
CPWD = 108
E_PAD = NW * CPW * K
NACC = 10112
RPT = NACC // NS
ZSTEPS = [K] * (RPT // K) + ([RPT % K] if RPT % K else [])
ZSTEPSD = [KD] * (RPT // KD) + ([RPT % KD] if RPT % KD else [])

BN = 2000
NB = N // BN

_mesh = plsc.VectorSubcoreMesh(
    core_axis_name="c", subcore_axis_name="s", num_cores=NC, num_subcores=NS)



@functools.partial(
    pl.kernel,
    out_type=jax.ShapeDtypeStruct((NC * NACC, D), jnp.float32),
    mesh=_mesh,
    scratch_types=[
        [pltpu.VMEM((KD,), jnp.int32)] * 2,
        pltpu.VMEM((KD, D), jnp.float32),
        pltpu.VMEM((KD, D), jnp.float32),
        pltpu.VMEM_SHARED((NACC, D), jnp.float32),
        [pltpu.SemaphoreType.DMA] * 2,
    ],
)
def _sc_degree(dst_hbm, ones_hbm, zeros_hbm, out_hbm, dst_vs, ones_v, zero_v,
               acc_sh, ssems):
    c = lax.axis_index("c")
    s = lax.axis_index("s")
    wid = s * NC + c
    pltpu.sync_copy(ones_hbm, ones_v)
    pltpu.sync_copy(zeros_hbm, zero_v)
    zoff = 0
    for step in ZSTEPSD:
        pltpu.sync_copy(zero_v.at[pl.ds(0, step)],
                        acc_sh.at[pl.ds(s * RPT + zoff, step)])
        zoff += step
    plsc.subcore_barrier()
    base = wid * CPWD * KD

    def chunk(j, carry):
        for b in range(2):
            i = 2 * j + b

            @pl.when(j > 0)
            def _():
                pltpu.make_async_copy(zeros_hbm, zero_v, ssems[b]).wait()

            pltpu.sync_copy(dst_hbm.at[pl.ds(base + i * KD, KD)], dst_vs[b])
            pltpu.async_copy(ones_v, acc_sh.at[dst_vs[b]], ssems[b], add=True)
        return carry

    lax.fori_loop(0, CPWD // 2, chunk, 0)
    for b in range(2):
        pltpu.make_async_copy(zeros_hbm, zero_v, ssems[b]).wait()
    plsc.subcore_barrier()
    pltpu.sync_copy(acc_sh.at[pl.ds(s * RPT, RPT)],
                    out_hbm.at[pl.ds(c * NACC + s * RPT, RPT)])


@functools.partial(
    pl.kernel,
    out_type=jax.ShapeDtypeStruct((NC * NACC, D), jnp.float32),
    mesh=_mesh,
    scratch_types=[
        [pltpu.VMEM((2, K), jnp.int32)] * NBUF,
        [pltpu.VMEM((K, D), jnp.float32)] * NBUF,
        pltpu.VMEM_SHARED((NACC, D), jnp.float32),
        [pltpu.SemaphoreType.DMA] * NBUF,
        [pltpu.SemaphoreType.DMA] * NBUF,
    ],
)
def _sc_scatter_rows(g_hbm, idx2_hbm, zeros_hbm, out_hbm,
                     idxs, rows, acc_sh, sems, ssems):
    c = lax.axis_index("c")
    s = lax.axis_index("s")
    wid = s * NC + c
    pltpu.sync_copy(zeros_hbm, rows[0])
    zoff = 0
    for step in ZSTEPS:
        pltpu.sync_copy(rows[0].at[pl.ds(0, step)],
                        acc_sh.at[pl.ds(s * RPT + zoff, step)])
        zoff += step
    plsc.subcore_barrier()
    base = wid * CPW

    def body(j, carry):
        descs = []
        for b in range(NBUF):
            i = base + NBUF * j + b

            @pl.when(j > 0)
            def _():
                pltpu.make_async_copy(zeros_hbm, rows[b], ssems[b]).wait()

            pltpu.sync_copy(idx2_hbm.at[i], idxs[b])
            descs.append(
                pltpu.async_copy(g_hbm.at[idxs[b].at[0]], rows[b], sems[b]))
        for b in range(NBUF):
            descs[b].wait()
            pltpu.async_copy(rows[b], acc_sh.at[idxs[b].at[1]], ssems[b],
                             add=True)
        return carry

    lax.fori_loop(0, CPW // NBUF, body, 0)
    for b in range(NBUF):
        pltpu.make_async_copy(zeros_hbm, rows[b], ssems[b]).wait()

    plsc.subcore_barrier()
    pltpu.sync_copy(acc_sh.at[pl.ds(s * RPT, RPT)],
                    out_hbm.at[pl.ds(c * NACC + s * RPT, RPT)])



def _tc0_body(x_ref, w_ref, degp_ref, g_ref, dinv_ref):
    deg = degp_ref[0, :, 0:1] + degp_ref[1, :, 0:1] + 1.0
    dinv = lax.rsqrt(deg)
    g_ref[...] = jnp.dot(x_ref[...], w_ref[...],
                         preferred_element_type=jnp.float32) * dinv
    dinv_ref[...] = jnp.broadcast_to(dinv, (BN, 16))


_tc0 = pl.pallas_call(
    _tc0_body,
    grid=(NB,),
    in_specs=[
        pl.BlockSpec((BN, D), lambda i: (i, 0)),
        pl.BlockSpec((D, D), lambda i: (0, 0)),
        pl.BlockSpec((NC, BN, D), lambda i: (0, i, 0)),
    ],
    out_specs=[
        pl.BlockSpec((BN, D), lambda i: (i, 0)),
        pl.BlockSpec((BN, 16), lambda i: (i, 0)),
    ],
    out_shape=[
        jax.ShapeDtypeStruct((N, D), jnp.float32),
        jax.ShapeDtypeStruct((N, 16), jnp.float32),
    ],
)


def _tc_layer_body(acc_ref, g_ref, dinv_ref, w_ref, b_ref, out_ref):
    dinv = dinv_ref[:, 0:1]
    h = jnp.maximum(dinv * (acc_ref[0] + acc_ref[1] + g_ref[...]) + b_ref[...], 0.0)
    out_ref[...] = jnp.dot(h, w_ref[...],
                           preferred_element_type=jnp.float32) * dinv


_tc_layer = pl.pallas_call(
    _tc_layer_body,
    grid=(NB,),
    in_specs=[
        pl.BlockSpec((NC, BN, D), lambda i: (0, i, 0)),
        pl.BlockSpec((BN, D), lambda i: (i, 0)),
        pl.BlockSpec((BN, 16), lambda i: (i, 0)),
        pl.BlockSpec((D, D), lambda i: (0, 0)),
        pl.BlockSpec((1, D), lambda i: (0, 0)),
    ],
    out_specs=pl.BlockSpec((BN, D), lambda i: (i, 0)),
    out_shape=jax.ShapeDtypeStruct((N, D), jnp.float32),
)


def _tc_final_body(acc_ref, g_ref, dinv_ref, b_ref, nw_ref, nb_ref, batch_ref,
                   f1w_ref, f1b_ref, f2w_ref, f2b_ref,
                   np_ref, sums_ref, cnt_ref, fea_ref):
    i = pl.program_id(0)
    dinv = dinv_ref[:, 0:1]
    h = jnp.maximum(dinv * (acc_ref[0] + acc_ref[1] + g_ref[...]) + b_ref[...], 0.0)
    np_ref[...] = jax.nn.sigmoid(
        jnp.dot(h, nw_ref[...], preferred_element_type=jnp.float32) + nb_ref[...])
    gid = lax.broadcasted_iota(jnp.int32, (BN, G), 1)
    mask = (batch_ref[...] == gid).astype(jnp.float32)
    psum = lax.dot_general(mask, h, (((0,), (0,)), ((), ())),
                           preferred_element_type=jnp.float32)
    pcnt = lax.dot_general(mask, jnp.ones((BN, 1), jnp.float32),
                           (((0,), (0,)), ((), ())),
                           preferred_element_type=jnp.float32)

    @pl.when(i == 0)
    def _():
        sums_ref[...] = psum
        cnt_ref[...] = pcnt

    @pl.when(i > 0)
    def _():
        sums_ref[...] += psum
        cnt_ref[...] += pcnt

    @pl.when(i == NB - 1)
    def _():
        fea = sums_ref[...] / jnp.maximum(cnt_ref[...], 1.0)
        fea = jnp.maximum(
            jnp.dot(fea, f1w_ref[...], preferred_element_type=jnp.float32)
            + f1b_ref[...], 0.0)
        fea_ref[...] = jax.nn.sigmoid(
            jnp.dot(fea, f2w_ref[...], preferred_element_type=jnp.float32)
            + f2b_ref[...])


_tc_final = pl.pallas_call(
    _tc_final_body,
    grid=(NB,),
    in_specs=[
        pl.BlockSpec((NC, BN, D), lambda i: (0, i, 0)),
        pl.BlockSpec((BN, D), lambda i: (i, 0)),
        pl.BlockSpec((BN, 16), lambda i: (i, 0)),
        pl.BlockSpec((1, D), lambda i: (0, 0)),
        pl.BlockSpec((D, 1), lambda i: (0, 0)),
        pl.BlockSpec((1, 1), lambda i: (0, 0)),
        pl.BlockSpec((BN, 1), lambda i: (i, 0)),
        pl.BlockSpec((D, H), lambda i: (0, 0)),
        pl.BlockSpec((1, H), lambda i: (0, 0)),
        pl.BlockSpec((H, D), lambda i: (0, 0)),
        pl.BlockSpec((1, D), lambda i: (0, 0)),
    ],
    out_specs=[
        pl.BlockSpec((BN, 1), lambda i: (i, 0)),
        pl.BlockSpec((G, D), lambda i: (0, 0)),
        pl.BlockSpec((G, 1), lambda i: (0, 0)),
        pl.BlockSpec((G, D), lambda i: (0, 0)),
    ],
    out_shape=[
        jax.ShapeDtypeStruct((N, 1), jnp.float32),
        jax.ShapeDtypeStruct((G, D), jnp.float32),
        jax.ShapeDtypeStruct((G, 1), jnp.float32),
        jax.ShapeDtypeStruct((G, D), jnp.float32),
    ],
)



def kernel(x, edge_index, batch, W0, b0, W1, b1, W2, b2,
           fea1_W, fea1_b, fea2_W, fea2_b, node_W, node_b):
    pad = E_PAD - E
    src_pad = jnp.arange(pad, dtype=jnp.int32) % N
    src_p = jnp.concatenate([edge_index[0], src_pad])
    dst_pad = N + jnp.arange(pad, dtype=jnp.int32) % (NACC - N)
    dst_p = jnp.concatenate([edge_index[1], dst_pad])
    idx2 = jnp.stack([src_p.reshape(E_PAD // K, K),
                      dst_p.reshape(E_PAD // K, K)], axis=1)
    onesKD = jnp.ones((KD, D), jnp.float32)
    zerosKD = jnp.zeros((KD, D), jnp.float32)
    zerosD = jnp.zeros((K, D), jnp.float32)

    degp = _sc_degree(dst_p, onesKD, zerosKD).reshape(NC, NACC, D)
    g, dinv = _tc0(x, W0, degp)

    acc = _sc_scatter_rows(g, idx2, zerosD).reshape(NC, NACC, D)
    g = _tc_layer(acc, g, dinv, W1, b0.reshape(1, D))

    acc = _sc_scatter_rows(g, idx2, zerosD).reshape(NC, NACC, D)
    g = _tc_layer(acc, g, dinv, W2, b1.reshape(1, D))

    acc = _sc_scatter_rows(g, idx2, zerosD).reshape(NC, NACC, D)
    node_prob, _, _, fea = _tc_final(
        acc, g, dinv, b2.reshape(1, D), node_W, node_b.reshape(1, 1),
        batch.reshape(N, 1), fea1_W, fea1_b.reshape(1, H),
        fea2_W, fea2_b.reshape(1, D))

    return (node_prob.reshape(N), fea)

# --- scband reference (transcript-rebuilt; emitter-appended) ---
"""Pipeline reference for scband-invase-gnn-59777354826139 (READ-ONLY COPY).

The authoritative reference and input builder live on the scoring server;
editing this copy changes nothing except your own understanding.
"""

import jax, jax.numpy as jnp
import numpy as np

N = 10000
E = 320000
D = 128
H = 256
G = 128


def setup_inputs(seed: int = 0) -> dict:
    key = jax.random.key(seed)
    ks = jax.random.split(key, 16)
    x = jax.random.normal(ks[0], (N, D), dtype=jnp.float32)
    edge_index = jax.random.randint(ks[1], (2, E), 0, N, dtype=jnp.int32)
    batch = jnp.sort(jax.random.randint(ks[2], (N,), 0, G, dtype=jnp.int32))
    def lin(k, fin, fout):
        return jax.random.normal(k, (fin, fout), dtype=jnp.float32) * (1.0 / np.sqrt(fin))
    inp = {
        'x': x,
        'edge_index': edge_index,
        'batch': batch,
        'W0': lin(ks[3], D, D), 'b0': jnp.zeros((D,), jnp.float32),
        'W1': lin(ks[4], D, D), 'b1': jnp.zeros((D,), jnp.float32),
        'W2': lin(ks[5], D, D), 'b2': jnp.zeros((D,), jnp.float32),
        'fea1_W': lin(ks[6], D, H), 'fea1_b': jnp.zeros((H,), jnp.float32),
        'fea2_W': lin(ks[7], H, D), 'fea2_b': jnp.zeros((D,), jnp.float32),
        'node_W': lin(ks[8], D, 1), 'node_b': jnp.zeros((1,), jnp.float32),
    }
    return inp


def _gcn_conv(x, edge_index, W, b):
    # PyG GCNConv: add self-loops, symmetric deg^{-1/2} (A+I) deg^{-1/2} X W + b
    n = x.shape[0]
    loop = jnp.arange(n, dtype=edge_index.dtype)
    src = jnp.concatenate([edge_index[0], loop])
    dst = jnp.concatenate([edge_index[1], loop])
    h = x @ W
    deg = jnp.zeros((n,), x.dtype).at[dst].add(1.0)
    dinv = jnp.where(deg > 0, 1.0 / jnp.sqrt(deg), 0.0)
    norm = dinv[src] * dinv[dst]
    msg = h[src] * norm[:, None]
    out = jnp.zeros_like(h).at[dst].add(msg)
    return out + b


def reference(x, edge_index, batch, W0, b0, W1, b1, W2, b2, fea1_W, fea1_b, fea2_W, fea2_b, node_W, node_b):
    # InvaseGNN.forward with component='actor' (default): Actor forward.
    # dropout p applied in eval-mode semantics (identity) for determinism.
    h = x
    for W, b in ((W0, b0), (W1, b1), (W2, b2)):
        h = jax.nn.relu(_gcn_conv(h, edge_index, W, b))
    node_prob = jnp.squeeze(h @ node_W + node_b)
    sums = jax.ops.segment_sum(h, batch, num_segments=G)
    counts = jax.ops.segment_sum(jnp.ones((h.shape[0], 1), h.dtype), batch, num_segments=G)
    fea = sums / jnp.maximum(counts, 1.0)
    fea = jax.nn.relu(fea @ fea1_W + fea1_b)
    fea = fea @ fea2_W + fea2_b
    return (jax.nn.sigmoid(node_prob), jax.nn.sigmoid(fea))

if __name__ == "__main__":
    import jax
    _d = setup_inputs()
    print(jax.jit(kernel)(*tuple(_d.values())))

</pallas_src>

<mosaic_0001>
#map = affine_map<(d0, d1) -> (0, 0)>
#map1 = affine_map<(d0, d1) -> (0, 0, 0)>
module attributes {stable_mosaic.version = 14 : i64} {
  func.func @_sc_scatter_rows(%arg0: i32, %arg1: i32, %arg2: memref<10000x128xf32, #tpu.memory_space<hbm>>, %arg3: memref<3456x2x96xi32, #tpu.memory_space<hbm>>, %arg4: memref<96x128xf32, #tpu.memory_space<hbm>>, %arg5: memref<20224x128xf32, #tpu.memory_space<hbm>>, %arg6: memref<2x96xi32, #tpu.memory_space<vmem>>, %arg7: memref<2x96xi32, #tpu.memory_space<vmem>>, %arg8: memref<2x96xi32, #tpu.memory_space<vmem>>, %arg9: memref<2x96xi32, #tpu.memory_space<vmem>>, %arg10: memref<96x128xf32, #tpu.memory_space<vmem>>, %arg11: memref<96x128xf32, #tpu.memory_space<vmem>>, %arg12: memref<96x128xf32, #tpu.memory_space<vmem>>, %arg13: memref<96x128xf32, #tpu.memory_space<vmem>>, %arg14: memref<10112x128xf32, #tpu.memory_space<vmem_shared>>, %arg15: memref<!tpu.dma_semaphore, #tpu.memory_space<semaphore_mem>>, %arg16: memref<!tpu.dma_semaphore, #tpu.memory_space<semaphore_mem>>, %arg17: memref<!tpu.dma_semaphore, #tpu.memory_space<semaphore_mem>>, %arg18: memref<!tpu.dma_semaphore, #tpu.memory_space<semaphore_mem>>, %arg19: memref<!tpu.dma_semaphore, #tpu.memory_space<semaphore_mem>>, %arg20: memref<!tpu.dma_semaphore, #tpu.memory_space<semaphore_mem>>, %arg21: memref<!tpu.dma_semaphore, #tpu.memory_space<semaphore_mem>>, %arg22: memref<!tpu.dma_semaphore, #tpu.memory_space<semaphore_mem>>) attributes {dimension_semantics = [#tpu.dimension_semantics<core_parallel>, #tpu.dimension_semantics<subcore_parallel>], iteration_bounds = array<i64: 2, 16>, scalar_prefetch = 0 : i64, scratch_operands = 17 : i64, tpu.core_type = #tpu.core_type<sc_vector_subcore>, window_params = [{transform_indices = #map}, {transform_indices = #map1}, {transform_indices = #map}, {transform_indices = #map}]} {
    %mul3A = arith.constant 2 : i32
    %mul3A_0 = arith.muli %arg1, %mul3A : i32
    %add3A = arith.addi %mul3A_0, %arg0 : i32
    "tpu.region"() ({
      %run_scoped3A = tpu.sem_alloc : memref<!tpu.dma_semaphore, #tpu.memory_space<semaphore_mem>>
      tpu.enqueue_dma source(%arg4 : memref<96x128xf32, #tpu.memory_space<hbm>>) target(%arg10 : memref<96x128xf32, #tpu.memory_space<vmem>>) target_semaphore(%run_scoped3A : memref<!tpu.dma_semaphore, #tpu.memory_space<semaphore_mem>>)
      tpu.wait_dma2 semaphore(%run_scoped3A : memref<!tpu.dma_semaphore, #tpu.memory_space<semaphore_mem>>) src(%arg4 : memref<96x128xf32, #tpu.memory_space<hbm>>) dst(%arg10 : memref<96x128xf32, #tpu.memory_space<vmem>>)
      tpu.yield
    }) : () -> ()
    %mul3A_1 = arith.constant 632 : i32
    %mul3A_2 = arith.muli %arg1, %mul3A_1 : i32
    %add3A_3 = arith.constant 0 : i32
    %add3A_4 = arith.addi %mul3A_2, %add3A_3 : i32
    "tpu.region"() ({
      %run_scoped3A = tpu.sem_alloc : memref<!tpu.dma_semaphore, #tpu.memory_space<semaphore_mem>>
      %dma_start3A = arith.constant 0 : i32
      %dma_start3A_44 = arith.constant 0 : i32
      %dma_start3A_45 = tpu.memref_slice %arg10[%dma_start3A, %dma_start3A_44] : memref<96x128xf32, #tpu.memory_space<vmem>> -> memref<96x128xf32, #tpu.memory_space<vmem>>
      %dma_start3A_46 = arith.constant 0 : i32
      %dma_start3A_47 = tpu.memref_slice %arg14[%add3A_4, %dma_start3A_46] : memref<10112x128xf32, #tpu.memory_space<vmem_shared>> -> memref<96x128xf32, #tpu.memory_space<vmem_shared>>
      %dma_start3A_48 = arith.constant 0 : i32
      %dma_start3A_49 = tpu.memref_slice %arg14[%add3A_4, %dma_start3A_48] : memref<10112x128xf32, #tpu.memory_space<vmem_shared>> -> memref<96x128xf32, #tpu.memory_space<vmem_shared>>
      %dma_start3A_50 = arith.constant 0 : i32
      %dma_start3A_51 = arith.constant 0 : i32
      %dma_start3A_52 = tpu.memref_slice %arg10[%dma_start3A_50, %dma_start3A_51] : memref<96x128xf32, #tpu.memory_space<vmem>> -> memref<96x128xf32, #tpu.memory_space<vmem>>
      tpu.enqueue_dma source(%dma_start3A_52 : memref<96x128xf32, #tpu.memory_space<vmem>>) target(%dma_start3A_49 : memref<96x128xf32, #tpu.memory_space<vmem_shared>>) target_semaphore(%run_scoped3A : memref<!tpu.dma_semaphore, #tpu.memory_space<semaphore_mem>>)
      %dma_wait3A = arith.constant 0 : i32
      %dma_wait3A_53 = arith.constant 0 : i32
      %dma_wait3A_54 = tpu.memref_slice %arg10[%dma_wait3A, %dma_wait3A_53] : memref<96x128xf32, #tpu.memory_space<vmem>> -> memref<96x128xf32, #tpu.memory_space<vmem>>
      %dma_wait3A_55 = arith.constant 0 : i32
      %dma_wait3A_56 = tpu.memref_slice %arg14[%add3A_4, %dma_wait3A_55] : memref<10112x128xf32, #tpu.memory_space<vmem_shared>> -> memref<96x128xf32, #tpu.memory_space<vmem_shared>>
      %dma_wait3A_57 = arith.constant 0 : i32
      %dma_wait3A_58 = tpu.memref_slice %arg14[%add3A_4, %dma_wait3A_57] : memref<10112x128xf32, #tpu.memory_space<vmem_shared>> -> memref<96x128xf32, #tpu.memory_space<vmem_shared>>
      %dma_wait3A_59 = arith.constant 0 : i32
      %dma_wait3A_60 = arith.constant 0 : i32
      %dma_wait3A_61 = tpu.memref_slice %arg10[%dma_wait3A_59, %dma_wait3A_60] : memref<96x128xf32, #tpu.memory_space<vmem>> -> memref<96x128xf32, #tpu.memory_space<vmem>>
      tpu.wait_dma2 semaphore(%run_scoped3A : memref<!tpu.dma_semaphore, #tpu.memory_space<semaphore_mem>>) src(%dma_wait3A_61 : memref<96x128xf32, #tpu.memory_space<vmem>>) dst(%dma_wait3A_58 : memref<96x128xf32, #tpu.memory_space<vmem_shared>>)
      tpu.yield
    }) : () -> ()
    %mul3A_5 = arith.constant 632 : i32
    %mul3A_6 = arith.muli %arg1, %mul3A_5 : i32
    %add3A_7 = arith.constant 96 : i32
    %add3A_8 = arith.addi %mul3A_6, %add3A_7 : i32
    "tpu.region"() ({
      %run_scoped3A = tpu.sem_alloc : memref<!tpu.dma_semaphore, #tpu.memory_space<semaphore_mem>>
      %dma_start3A = arith.constant 0 : i32
      %dma_start3A_44 = arith.constant 0 : i32
      %dma_start3A_45 = tpu.memref_slice %arg10[%dma_start3A, %dma_start3A_44] : memref<96x128xf32, #tpu.memory_space<vmem>> -> memref<96x128xf32, #tpu.memory_space<vmem>>
      %dma_start3A_46 = arith.constant 0 : i32
      %dma_start3A_47 = tpu.memref_slice %arg14[%add3A_8, %dma_start3A_46] : memref<10112x128xf32, #tpu.memory_space<vmem_shared>> -> memref<96x128xf32, #tpu.memory_space<vmem_shared>>
      %dma_start3A_48 = arith.constant 0 : i32
      %dma_start3A_49 = tpu.memref_slice %arg14[%add3A_8, %dma_start3A_48] : memref<10112x128xf32, #tpu.memory_space<vmem_shared>> -> memref<96x128xf32, #tpu.memory_space<vmem_shared>>
      %dma_start3A_50 = arith.constant 0 : i32
      %dma_start3A_51 = arith.constant 0 : i32
      %dma_start3A_52 = tpu.memref_slice %arg10[%dma_start3A_50, %dma_start3A_51] : memref<96x128xf32, #tpu.memory_space<vmem>> -> memref<96x128xf32, #tpu.memory_space<vmem>>
      tpu.enqueue_dma source(%dma_start3A_52 : memref<96x128xf32, #tpu.memory_space<vmem>>) target(%dma_start3A_49 : memref<96x128xf32, #tpu.memory_space<vmem_shared>>) target_semaphore(%run_scoped3A : memref<!tpu.dma_semaphore, #tpu.memory_space<semaphore_mem>>)
      %dma_wait3A = arith.constant 0 : i32
      %dma_wait3A_53 = arith.constant 0 : i32
      %dma_wait3A_54 = tpu.memref_slice %arg10[%dma_wait3A, %dma_wait3A_53] : memref<96x128xf32, #tpu.memory_space<vmem>> -> memref<96x128xf32, #tpu.memory_space<vmem>>
      %dma_wait3A_55 = arith.constant 0 : i32
      %dma_wait3A_56 = tpu.memref_slice %arg14[%add3A_8, %dma_wait3A_55] : memref<10112x128xf32, #tpu.memory_space<vmem_shared>> -> memref<96x128xf32, #tpu.memory_space<vmem_shared>>
      %dma_wait3A_57 = arith.constant 0 : i32
      %dma_wait3A_58 = tpu.memref_slice %arg14[%add3A_8, %dma_wait3A_57] : memref<10112x128xf32, #tpu.memory_space<vmem_shared>> -> memref<96x128xf32, #tpu.memory_space<vmem_shared>>
      %dma_wait3A_59 = arith.constant 0 : i32
      %dma_wait3A_60 = arith.constant 0 : i32
      %dma_wait3A_61 = tpu.memref_slice %arg10[%dma_wait3A_59, %dma_wait3A_60] : memref<96x128xf32, #tpu.memory_space<vmem>> -> memref<96x128xf32, #tpu.memory_space<vmem>>
      tpu.wait_dma2 semaphore(%run_scoped3A : memref<!tpu.dma_semaphore, #tpu.memory_space<semaphore_mem>>) src(%dma_wait3A_61 : memref<96x128xf32, #tpu.memory_space<vmem>>) dst(%dma_wait3A_58 : memref<96x128xf32, #tpu.memory_space<vmem_shared>>)
      tpu.yield
    }) : () -> ()
    %mul3A_9 = arith.constant 632 : i32
    %mul3A_10 = arith.muli %arg1, %mul3A_9 : i32
    %add3A_11 = arith.constant 192 : i32
    %add3A_12 = arith.addi %mul3A_10, %add3A_11 : i32
    "tpu.region"() ({
      %run_scoped3A = tpu.sem_alloc : memref<!tpu.dma_semaphore, #tpu.memory_space<semaphore_mem>>
      %dma_start3A = arith.constant 0 : i32
      %dma_start3A_44 = arith.constant 0 : i32
      %dma_start3A_45 = tpu.memref_slice %arg10[%dma_start3A, %dma_start3A_44] : memref<96x128xf32, #tpu.memory_space<vmem>> -> memref<96x128xf32, #tpu.memory_space<vmem>>
      %dma_start3A_46 = arith.constant 0 : i32
      %dma_start3A_47 = tpu.memref_slice %arg14[%add3A_12, %dma_start3A_46] : memref<10112x128xf32, #tpu.memory_space<vmem_shared>> -> memref<96x128xf32, #tpu.memory_space<vmem_shared>>
      %dma_start3A_48 = arith.constant 0 : i32
      %dma_start3A_49 = tpu.memref_slice %arg14[%add3A_12, %dma_start3A_48] : memref<10112x128xf32, #tpu.memory_space<vmem_shared>> -> memref<96x128xf32, #tpu.memory_space<vmem_shared>>
      %dma_start3A_50 = arith.constant 0 : i32
      %dma_start3A_51 = arith.constant 0 : i32
      %dma_start3A_52 = tpu.memref_slice %arg10[%dma_start3A_50, %dma_start3A_51] : memref<96x128xf32, #tpu.memory_space<vmem>> -> memref<96x128xf32, #tpu.memory_space<vmem>>
      tpu.enqueue_dma source(%dma_start3A_52 : memref<96x128xf32, #tpu.memory_space<vmem>>) target(%dma_start3A_49 : memref<96x128xf32, #tpu.memory_space<vmem_shared>>) target_semaphore(%run_scoped3A : memref<!tpu.dma_semaphore, #tpu.memory_space<semaphore_mem>>)
      %dma_wait3A = arith.constant 0 : i32
      %dma_wait3A_53 = arith.constant 0 : i32
      %dma_wait3A_54 = tpu.memref_slice %arg10[%dma_wait3A, %dma_wait3A_53] : memref<96x128xf32, #tpu.memory_space<vmem>> -> memref<96x128xf32, #tpu.memory_space<vmem>>
      %dma_wait3A_55 = arith.constant 0 : i32
      %dma_wait3A_56 = tpu.memref_slice %arg14[%add3A_12, %dma_wait3A_55] : memref<10112x128xf32, #tpu.memory_space<vmem_shared>> -> memref<96x128xf32, #tpu.memory_space<vmem_shared>>
      %dma_wait3A_57 = arith.constant 0 : i32
      %dma_wait3A_58 = tpu.memref_slice %arg14[%add3A_12, %dma_wait3A_57] : memref<10112x128xf32, #tpu.memory_space<vmem_shared>> -> memref<96x128xf32, #tpu.memory_space<vmem_shared>>
      %dma_wait3A_59 = arith.constant 0 : i32
      %dma_wait3A_60 = arith.constant 0 : i32
      %dma_wait3A_61 = tpu.memref_slice %arg10[%dma_wait3A_59, %dma_wait3A_60] : memref<96x128xf32, #tpu.memory_space<vmem>> -> memref<96x128xf32, #tpu.memory_space<vmem>>
      tpu.wait_dma2 semaphore(%run_scoped3A : memref<!tpu.dma_semaphore, #tpu.memory_space<semaphore_mem>>) src(%dma_wait3A_61 : memref<96x128xf32, #tpu.memory_space<vmem>>) dst(%dma_wait3A_58 : memref<96x128xf32, #tpu.memory_space<vmem_shared>>)
      tpu.yield
    }) : () -> ()
    %mul3A_13 = arith.constant 632 : i32
    %mul3A_14 = arith.muli %arg1, %mul3A_13 : i32
    %add3A_15 = arith.constant 288 : i32
    %add3A_16 = arith.addi %mul3A_14, %add3A_15 : i32
    "tpu.region"() ({
      %run_scoped3A = tpu.sem_alloc : memref<!tpu.dma_semaphore, #tpu.memory_space<semaphore_mem>>
      %dma_start3A = arith.constant 0 : i32
      %dma_start3A_44 = arith.constant 0 : i32
      %dma_start3A_45 = tpu.memref_slice %arg10[%dma_start3A, %dma_start3A_44] : memref<96x128xf32, #tpu.memory_space<vmem>> -> memref<96x128xf32, #tpu.memory_space<vmem>>
      %dma_start3A_46 = arith.constant 0 : i32
      %dma_start3A_47 = tpu.memref_slice %arg14[%add3A_16, %dma_start3A_46] : memref<10112x128xf32, #tpu.memory_space<vmem_shared>> -> memref<96x128xf32, #tpu.memory_space<vmem_shared>>
      %dma_start3A_48 = arith.constant 0 : i32
      %dma_start3A_49 = tpu.memref_slice %arg14[%add3A_16, %dma_start3A_48] : memref<10112x128xf32, #tpu.memory_space<vmem_shared>> -> memref<96x128xf32, #tpu.memory_space<vmem_shared>>
      %dma_start3A_50 = arith.constant 0 : i32
      %dma_start3A_51 = arith.constant 0 : i32
      %dma_start3A_52 = tpu.memref_slice %arg10[%dma_start3A_50, %dma_start3A_51] : memref<96x128xf32, #tpu.memory_space<vmem>> -> memref<96x128xf32, #tpu.memory_space<vmem>>
      tpu.enqueue_dma source(%dma_start3A_52 : memref<96x128xf32, #tpu.memory_space<vmem>>) target(%dma_start3A_49 : memref<96x128xf32, #tpu.memory_space<vmem_shared>>) target_semaphore(%run_scoped3A : memref<!tpu.dma_semaphore, #tpu.memory_space<semaphore_mem>>)
      %dma_wait3A = arith.constant 0 : i32
      %dma_wait3A_53 = arith.constant 0 : i32
      %dma_wait3A_54 = tpu.memref_slice %arg10[%dma_wait3A, %dma_wait3A_53] : memref<96x128xf32, #tpu.memory_space<vmem>> -> memref<96x128xf32, #tpu.memory_space<vmem>>
      %dma_wait3A_55 = arith.constant 0 : i32
      %dma_wait3A_56 = tpu.memref_slice %arg14[%add3A_16, %dma_wait3A_55] : memref<10112x128xf32, #tpu.memory_space<vmem_shared>> -> memref<96x128xf32, #tpu.memory_space<vmem_shared>>
      %dma_wait3A_57 = arith.constant 0 : i32
      %dma_wait3A_58 = tpu.memref_slice %arg14[%add3A_16, %dma_wait3A_57] : memref<10112x128xf32, #tpu.memory_space<vmem_shared>> -> memref<96x128xf32, #tpu.memory_space<vmem_shared>>
      %dma_wait3A_59 = arith.constant 0 : i32
      %dma_wait3A_60 = arith.constant 0 : i32
      %dma_wait3A_61 = tpu.memref_slice %arg10[%dma_wait3A_59, %dma_wait3A_60] : memref<96x128xf32, #tpu.memory_space<vmem>> -> memref<96x128xf32, #tpu.memory_space<vmem>>
      tpu.wait_dma2 semaphore(%run_scoped3A : memref<!tpu.dma_semaphore, #tpu.memory_space<semaphore_mem>>) src(%dma_wait3A_61 : memref<96x128xf32, #tpu.memory_space<vmem>>) dst(%dma_wait3A_58 : memref<96x128xf32, #tpu.memory_space<vmem_shared>>)
      tpu.yield
    }) : () -> ()
    %mul3A_17 = arith.constant 632 : i32
    %mul3A_18 = arith.muli %arg1, %mul3A_17 : i32
    %add3A_19 = arith.constant 384 : i32
    %add3A_20 = arith.addi %mul3A_18, %add3A_19 : i32
    "tpu.region"() ({
      %run_scoped3A = tpu.sem_alloc : memref<!tpu.dma_semaphore, #tpu.memory_space<semaphore_mem>>
      %dma_start3A = arith.constant 0 : i32
      %dma_start3A_44 = arith.constant 0 : i32
      %dma_start3A_45 = tpu.memref_slice %arg10[%dma_start3A, %dma_start3A_44] : memref<96x128xf32, #tpu.memory_space<vmem>> -> memref<96x128xf32, #tpu.memory_space<vmem>>
      %dma_start3A_46 = arith.constant 0 : i32
      %dma_start3A_47 = tpu.memref_slice %arg14[%add3A_20, %dma_start3A_46] : memref<10112x128xf32, #tpu.memory_space<vmem_shared>> -> memref<96x128xf32, #tpu.memory_space<vmem_shared>>
      %dma_start3A_48 = arith.constant 0 : i32
      %dma_start3A_49 = tpu.memref_slice %arg14[%add3A_20, %dma_start3A_48] : memref<10112x128xf32, #tpu.memory_space<vmem_shared>> -> memref<96x128xf32, #tpu.memory_space<vmem_shared>>
      %dma_start3A_50 = arith.constant 0 : i32
      %dma_start3A_51 = arith.constant 0 : i32
      %dma_start3A_52 = tpu.memref_slice %arg10[%dma_start3A_50, %dma_start3A_51] : memref<96x128xf32, #tpu.memory_space<vmem>> -> memref<96x128xf32, #tpu.memory_space<vmem>>
      tpu.enqueue_dma source(%dma_start3A_52 : memref<96x128xf32, #tpu.memory_space<vmem>>) target(%dma_start3A_49 : memref<96x128xf32, #tpu.memory_space<vmem_shared>>) target_semaphore(%run_scoped3A : memref<!tpu.dma_semaphore, #tpu.memory_space<semaphore_mem>>)
      %dma_wait3A = arith.constant 0 : i32
      %dma_wait3A_53 = arith.constant 0 : i32
      %dma_wait3A_54 = tpu.memref_slice %arg10[%dma_wait3A, %dma_wait3A_53] : memref<96x128xf32, #tpu.memory_space<vmem>> -> memref<96x128xf32, #tpu.memory_space<vmem>>
      %dma_wait3A_55 = arith.constant 0 : i32
      %dma_wait3A_56 = tpu.memref_slice %arg14[%add3A_20, %dma_wait3A_55] : memref<10112x128xf32, #tpu.memory_space<vmem_shared>> -> memref<96x128xf32, #tpu.memory_space<vmem_shared>>
      %dma_wait3A_57 = arith.constant 0 : i32
      %dma_wait3A_58 = tpu.memref_slice %arg14[%add3A_20, %dma_wait3A_57] : memref<10112x128xf32, #tpu.memory_space<vmem_shared>> -> memref<96x128xf32, #tpu.memory_space<vmem_shared>>
      %dma_wait3A_59 = arith.constant 0 : i32
      %dma_wait3A_60 = arith.constant 0 : i32
      %dma_wait3A_61 = tpu.memref_slice %arg10[%dma_wait3A_59, %dma_wait3A_60] : memref<96x128xf32, #tpu.memory_space<vmem>> -> memref<96x128xf32, #tpu.memory_space<vmem>>
      tpu.wait_dma2 semaphore(%run_scoped3A : memref<!tpu.dma_semaphore, #tpu.memory_space<semaphore_mem>>) src(%dma_wait3A_61 : memref<96x128xf32, #tpu.memory_space<vmem>>) dst(%dma_wait3A_58 : memref<96x128xf32, #tpu.memory_space<vmem_shared>>)
      tpu.yield
    }) : () -> ()
    %mul3A_21 = arith.constant 632 : i32
    %mul3A_22 = arith.muli %arg1, %mul3A_21 : i32
    %add3A_23 = arith.constant 480 : i32
    %add3A_24 = arith.addi %mul3A_22, %add3A_23 : i32
    "tpu.region"() ({
      %run_scoped3A = tpu.sem_alloc : memref<!tpu.dma_semaphore, #tpu.memory_space<semaphore_mem>>
      %dma_start3A = arith.constant 0 : i32
      %dma_start3A_44 = arith.constant 0 : i32
      %dma_start3A_45 = tpu.memref_slice %arg10[%dma_start3A, %dma_start3A_44] : memref<96x128xf32, #tpu.memory_space<vmem>> -> memref<96x128xf32, #tpu.memory_space<vmem>>
      %dma_start3A_46 = arith.constant 0 : i32
      %dma_start3A_47 = tpu.memref_slice %arg14[%add3A_24, %dma_start3A_46] : memref<10112x128xf32, #tpu.memory_space<vmem_shared>> -> memref<96x128xf32, #tpu.memory_space<vmem_shared>>
      %dma_start3A_48 = arith.constant 0 : i32
      %dma_start3A_49 = tpu.memref_slice %arg14[%add3A_24, %dma_start3A_48] : memref<10112x128xf32, #tpu.memory_space<vmem_shared>> -> memref<96x128xf32, #tpu.memory_space<vmem_shared>>
      %dma_start3A_50 = arith.constant 0 : i32
      %dma_start3A_51 = arith.constant 0 : i32
      %dma_start3A_52 = tpu.memref_slice %arg10[%dma_start3A_50, %dma_start3A_51] : memref<96x128xf32, #tpu.memory_space<vmem>> -> memref<96x128xf32, #tpu.memory_space<vmem>>
      tpu.enqueue_dma source(%dma_start3A_52 : memref<96x128xf32, #tpu.memory_space<vmem>>) target(%dma_start3A_49 : memref<96x128xf32, #tpu.memory_space<vmem_shared>>) target_semaphore(%run_scoped3A : memref<!tpu.dma_semaphore, #tpu.memory_space<semaphore_mem>>)
      %dma_wait3A = arith.constant 0 : i32
      %dma_wait3A_53 = arith.constant 0 : i32
      %dma_wait3A_54 = tpu.memref_slice %arg10[%dma_wait3A, %dma_wait3A_53] : memref<96x128xf32, #tpu.memory_space<vmem>> -> memref<96x128xf32, #tpu.memory_space<vmem>>
      %dma_wait3A_55 = arith.constant 0 : i32
      %dma_wait3A_56 = tpu.memref_slice %arg14[%add3A_24, %dma_wait3A_55] : memref<10112x128xf32, #tpu.memory_space<vmem_shared>> -> memref<96x128xf32, #tpu.memory_space<vmem_shared>>
      %dma_wait3A_57 = arith.constant 0 : i32
      %dma_wait3A_58 = tpu.memref_slice %arg14[%add3A_24, %dma_wait3A_57] : memref<10112x128xf32, #tpu.memory_space<vmem_shared>> -> memref<96x128xf32, #tpu.memory_space<vmem_shared>>
      %dma_wait3A_59 = arith.constant 0 : i32
      %dma_wait3A_60 = arith.constant 0 : i32
      %dma_wait3A_61 = tpu.memref_slice %arg10[%dma_wait3A_59, %dma_wait3A_60] : memref<96x128xf32, #tpu.memory_space<vmem>> -> memref<96x128xf32, #tpu.memory_space<vmem>>
      tpu.wait_dma2 semaphore(%run_scoped3A : memref<!tpu.dma_semaphore, #tpu.memory_space<semaphore_mem>>) src(%dma_wait3A_61 : memref<96x128xf32, #tpu.memory_space<vmem>>) dst(%dma_wait3A_58 : memref<96x128xf32, #tpu.memory_space<vmem_shared>>)
      tpu.yield
    }) : () -> ()
    %mul3A_25 = arith.constant 632 : i32
    %mul3A_26 = arith.muli %arg1, %mul3A_25 : i32
    %add3A_27 = arith.constant 576 : i32
    %add3A_28 = arith.addi %mul3A_26, %add3A_27 : i32
    "tpu.region"() ({
      %run_scoped3A = tpu.sem_alloc : memref<!tpu.dma_semaphore, #tpu.memory_space<semaphore_mem>>
      %dma_start3A = arith.constant 0 : i32
      %dma_start3A_44 = arith.constant 0 : i32
      %dma_start3A_45 = tpu.memref_slice %arg10[%dma_start3A, %dma_start3A_44] : memref<96x128xf32, #tpu.memory_space<vmem>> -> memref<56x128xf32, #tpu.memory_space<vmem>>
      %dma_start3A_46 = arith.constant 0 : i32
      %dma_start3A_47 = tpu.memref_slice %arg14[%add3A_28, %dma_start3A_46] : memref<10112x128xf32, #tpu.memory_space<vmem_shared>> -> memref<56x128xf32, #tpu.memory_space<vmem_shared>>
      %dma_start3A_48 = arith.constant 0 : i32
      %dma_start3A_49 = tpu.memref_slice %arg14[%add3A_28, %dma_start3A_48] : memref<10112x128xf32, #tpu.memory_space<vmem_shared>> -> memref<56x128xf32, #tpu.memory_space<vmem_shared>>
      %dma_start3A_50 = arith.constant 0 : i32
      %dma_start3A_51 = arith.constant 0 : i32
      %dma_start3A_52 = tpu.memref_slice %arg10[%dma_start3A_50, %dma_start3A_51] : memref<96x128xf32, #tpu.memory_space<vmem>> -> memref<56x128xf32, #tpu.memory_space<vmem>>
      tpu.enqueue_dma source(%dma_start3A_52 : memref<56x128xf32, #tpu.memory_space<vmem>>) target(%dma_start3A_49 : memref<56x128xf32, #tpu.memory_space<vmem_shared>>) target_semaphore(%run_scoped3A : memref<!tpu.dma_semaphore, #tpu.memory_space<semaphore_mem>>)
      %dma_wait3A = arith.constant 0 : i32
      %dma_wait3A_53 = arith.constant 0 : i32
      %dma_wait3A_54 = tpu.memref_slice %arg10[%dma_wait3A, %dma_wait3A_53] : memref<96x128xf32, #tpu.memory_space<vmem>> -> memref<56x128xf32, #tpu.memory_space<vmem>>
      %dma_wait3A_55 = arith.constant 0 : i32
      %dma_wait3A_56 = tpu.memref_slice %arg14[%add3A_28, %dma_wait3A_55] : memref<10112x128xf32, #tpu.memory_space<vmem_shared>> -> memref<56x128xf32, #tpu.memory_space<vmem_shared>>
      %dma_wait3A_57 = arith.constant 0 : i32
      %dma_wait3A_58 = tpu.memref_slice %arg14[%add3A_28, %dma_wait3A_57] : memref<10112x128xf32, #tpu.memory_space<vmem_shared>> -> memref<56x128xf32, #tpu.memory_space<vmem_shared>>
      %dma_wait3A_59 = arith.constant 0 : i32
      %dma_wait3A_60 = arith.constant 0 : i32
      %dma_wait3A_61 = tpu.memref_slice %arg10[%dma_wait3A_59, %dma_wait3A_60] : memref<96x128xf32, #tpu.memory_space<vmem>> -> memref<56x128xf32, #tpu.memory_space<vmem>>
      tpu.wait_dma2 semaphore(%run_scoped3A : memref<!tpu.dma_semaphore, #tpu.memory_space<semaphore_mem>>) src(%dma_wait3A_61 : memref<56x128xf32, #tpu.memory_space<vmem>>) dst(%dma_wait3A_58 : memref<56x128xf32, #tpu.memory_space<vmem_shared>>)
      tpu.yield
    }) : () -> ()
    %barrier3A = arith.constant 0 : index
    tpu.barrier barrier_id(%barrier3A)
    %mul3A_29 = arith.constant 108 : i32
    %mul3A_30 = arith.muli %add3A, %mul3A_29 : i32
    %scan3A = arith.constant 0 : i32
    %scan3A_31 = arith.constant 0 : i32
    %scan3A_32 = arith.constant 27 : i32
    %scan3A_33 = arith.addi %scan3A_31, %scan3A_32 : i32
    %scan3A_34 = arith.constant 1 : i32
    scf.for %scan3A_44 = %scan3A_31 to %scan3A_33 step %scan3A_34  : i32 {
      %mul3A_45 = arith.constant 4 : i32
      %mul3A_46 = arith.muli %mul3A_45, %scan3A_44 : i32
      %add3A_47 = arith.addi %mul3A_30, %mul3A_46 : i32
      %add3A_48 = arith.constant 0 : i32
      %add3A_49 = arith.addi %add3A_47, %add3A_48 : i32
      %gt3A = arith.constant 0 : i32
      %gt3A_50 = arith.cmpi sgt, %scan3A_44, %gt3A : i32
      %convert_element_type3A = arith.extui %gt3A_50 : i1 to i32
      %cond3A = arith.constant 0 : i32
      %cond3A_51 = arith.cmpi ne, %convert_element_type3A, %cond3A : i32
      scf.if %cond3A_51 {
        tpu.wait_dma2 semaphore(%arg19 : memref<!tpu.dma_semaphore, #tpu.memory_space<semaphore_mem>>) src(%arg4 : memref<96x128xf32, #tpu.memory_space<hbm>>) dst(%arg10 : memref<96x128xf32, #tpu.memory_space<vmem>>)
      } else {
      }
      "tpu.region"() ({
        %run_scoped3A = tpu.sem_alloc : memref<!tpu.dma_semaphore, #tpu.memory_space<semaphore_mem>>
        %dma_start3A_164 = arith.constant 0 : i32
        %dma_start3A_165 = arith.constant 0 : i32
        %dma_start3A_166 = tpu.memref_slice %arg3[%add3A_49, %dma_start3A_164, %dma_start3A_165] : memref<3456x2x96xi32, #tpu.memory_space<hbm>> -> memref<1x2x96xi32, #tpu.memory_space<hbm>>
        %dma_start3A_167 = tpu.memref_squeeze %dma_start3A_166 : memref<1x2x96xi32, #tpu.memory_space<hbm>> -> memref<2x96xi32, #tpu.memory_space<hbm>>
        %dma_start3A_168 = arith.constant 0 : i32
        %dma_start3A_169 = arith.constant 0 : i32
        %dma_start3A_170 = tpu.memref_slice %arg3[%add3A_49, %dma_start3A_168, %dma_start3A_169] : memref<3456x2x96xi32, #tpu.memory_space<hbm>> -> memref<1x2x96xi32, #tpu.memory_space<hbm>>
        %dma_start3A_171 = tpu.memref_squeeze %dma_start3A_170 : memref<1x2x96xi32, #tpu.memory_space<hbm>> -> memref<2x96xi32, #tpu.memory_space<hbm>>
        tpu.enqueue_dma source(%dma_start3A_171 : memref<2x96xi32, #tpu.memory_space<hbm>>) target(%arg6 : memref<2x96xi32, #tpu.memory_space<vmem>>) target_semaphore(%run_scoped3A : memref<!tpu.dma_semaphore, #tpu.memory_space<semaphore_mem>>)
        %dma_wait3A_172 = arith.constant 0 : i32
        %dma_wait3A_173 = arith.constant 0 : i32
        %dma_wait3A_174 = tpu.memref_slice %arg3[%add3A_49, %dma_wait3A_172, %dma_wait3A_173] : memref<3456x2x96xi32, #tpu.memory_space<hbm>> -> memref<1x2x96xi32, #tpu.memory_space<hbm>>
        %dma_wait3A_175 = tpu.memref_squeeze %dma_wait3A_174 : memref<1x2x96xi32, #tpu.memory_space<hbm>> -> memref<2x96xi32, #tpu.memory_space<hbm>>
        %dma_wait3A_176 = arith.constant 0 : i32
        %dma_wait3A_177 = arith.constant 0 : i32
        %dma_wait3A_178 = tpu.memref_slice %arg3[%add3A_49, %dma_wait3A_176, %dma_wait3A_177] : memref<3456x2x96xi32, #tpu.memory_space<hbm>> -> memref<1x2x96xi32, #tpu.memory_space<hbm>>
        %dma_wait3A_179 = tpu.memref_squeeze %dma_wait3A_178 : memref<1x2x96xi32, #tpu.memory_space<hbm>> -> memref<2x96xi32, #tpu.memory_space<hbm>>
        tpu.wait_dma2 semaphore(%run_scoped3A : memref<!tpu.dma_semaphore, #tpu.memory_space<semaphore_mem>>) src(%dma_wait3A_179 : memref<2x96xi32, #tpu.memory_space<hbm>>) dst(%arg6 : memref<2x96xi32, #tpu.memory_space<vmem>>)
        tpu.yield
      }) : () -> ()
      %dma_start3A = arith.constant 0 : i32
      %dma_start3A_52 = arith.constant 0 : i32
      %dma_start3A_53 = tpu.memref_slice %arg6[%dma_start3A, %dma_start3A_52] : memref<2x96xi32, #tpu.memory_space<vmem>> -> memref<1x96xi32, #tpu.memory_space<vmem>>
      %dma_start3A_54 = tpu.memref_squeeze %dma_start3A_53 : memref<1x96xi32, #tpu.memory_space<vmem>> -> memref<96xi32, #tpu.memory_space<vmem>>
      %dma_start3A_55 = arith.constant 0 : i32
      %dma_start3A_56 = arith.constant 0 : i32
      %dma_start3A_57 = tpu.memref_slice %arg2[%dma_start3A_55, %dma_start3A_56] : memref<10000x128xf32, #tpu.memory_space<hbm>> -> memref<10000x128xf32, #tpu.memory_space<hbm>>
      tpu.enqueue_indirect_dma source(%dma_start3A_57 : memref<10000x128xf32, #tpu.memory_space<hbm>>) target(%arg10 : memref<96x128xf32, #tpu.memory_space<vmem>>) offsets(%dma_start3A_54 : memref<96xi32, #tpu.memory_space<vmem>>) semaphore(%arg15 : memref<!tpu.dma_semaphore, #tpu.memory_space<semaphore_mem>>)
      %mul3A_58 = arith.constant 4 : i32
      %mul3A_59 = arith.muli %mul3A_58, %scan3A_44 : i32
      %add3A_60 = arith.addi %mul3A_30, %mul3A_59 : i32
      %add3A_61 = arith.constant 1 : i32
      %add3A_62 = arith.addi %add3A_60, %add3A_61 : i32
      %gt3A_63 = arith.constant 0 : i32
      %gt3A_64 = arith.cmpi sgt, %scan3A_44, %gt3A_63 : i32
      %convert_element_type3A_65 = arith.extui %gt3A_64 : i1 to i32
      %cond3A_66 = arith.constant 0 : i32
      %cond3A_67 = arith.cmpi ne, %convert_element_type3A_65, %cond3A_66 : i32
      scf.if %cond3A_67 {
        tpu.wait_dma2 semaphore(%arg20 : memref<!tpu.dma_semaphore, #tpu.memory_space<semaphore_mem>>) src(%arg4 : memref<96x128xf32, #tpu.memory_space<hbm>>) dst(%arg11 : memref<96x128xf32, #tpu.memory_space<vmem>>)
      } else {
      }
      "tpu.region"() ({
        %run_scoped3A = tpu.sem_alloc : memref<!tpu.dma_semaphore, #tpu.memory_space<semaphore_mem>>
        %dma_start3A_164 = arith.constant 0 : i32
        %dma_start3A_165 = arith.constant 0 : i32
        %dma_start3A_166 = tpu.memref_slice %arg3[%add3A_62, %dma_start3A_164, %dma_start3A_165] : memref<3456x2x96xi32, #tpu.memory_space<hbm>> -> memref<1x2x96xi32, #tpu.memory_space<hbm>>
        %dma_start3A_167 = tpu.memref_squeeze %dma_start3A_166 : memref<1x2x96xi32, #tpu.memory_space<hbm>> -> memref<2x96xi32, #tpu.memory_space<hbm>>
        %dma_start3A_168 = arith.constant 0 : i32
        %dma_start3A_169 = arith.constant 0 : i32
        %dma_start3A_170 = tpu.memref_slice %arg3[%add3A_62, %dma_start3A_168, %dma_start3A_169] : memref<3456x2x96xi32, #tpu.memory_space<hbm>> -> memref<1x2x96xi32, #tpu.memory_space<hbm>>
        %dma_start3A_171 = tpu.memref_squeeze %dma_start3A_170 : memref<1x2x96xi32, #tpu.memory_space<hbm>> -> memref<2x96xi32, #tpu.memory_space<hbm>>
        tpu.enqueue_dma source(%dma_start3A_171 : memref<2x96xi32, #tpu.memory_space<hbm>>) target(%arg7 : memref<2x96xi32, #tpu.memory_space<vmem>>) target_semaphore(%run_scoped3A : memref<!tpu.dma_semaphore, #tpu.memory_space<semaphore_mem>>)
        %dma_wait3A_172 = arith.constant 0 : i32
        %dma_wait3A_173 = arith.constant 0 : i32
        %dma_wait3A_174 = tpu.memref_slice %arg3[%add3A_62, %dma_wait3A_172, %dma_wait3A_173] : memref<3456x2x96xi32, #tpu.memory_space<hbm>> -> memref<1x2x96xi32, #tpu.memory_space<hbm>>
        %dma_wait3A_175 = tpu.memref_squeeze %dma_wait3A_174 : memref<1x2x96xi32, #tpu.memory_space<hbm>> -> memref<2x96xi32, #tpu.memory_space<hbm>>
        %dma_wait3A_176 = arith.constant 0 : i32
        %dma_wait3A_177 = arith.constant 0 : i32
        %dma_wait3A_178 = tpu.memref_slice %arg3[%add3A_62, %dma_wait3A_176, %dma_wait3A_177] : memref<3456x2x96xi32, #tpu.memory_space<hbm>> -> memref<1x2x96xi32, #tpu.memory_space<hbm>>
        %dma_wait3A_179 = tpu.memref_squeeze %dma_wait3A_178 : memref<1x2x96xi32, #tpu.memory_space<hbm>> -> memref<2x96xi32, #tpu.memory_space<hbm>>
        tpu.wait_dma2 semaphore(%run_scoped3A : memref<!tpu.dma_semaphore, #tpu.memory_space<semaphore_mem>>) src(%dma_wait3A_179 : memref<2x96xi32, #tpu.memory_space<hbm>>) dst(%arg7 : memref<2x96xi32, #tpu.memory_space<vmem>>)
        tpu.yield
      }) : () -> ()
      %dma_start3A_68 = arith.constant 0 : i32
      %dma_start3A_69 = arith.constant 0 : i32
      %dma_start3A_70 = tpu.memref_slice %arg7[%dma_start3A_68, %dma_start3A_69] : memref<2x96xi32, #tpu.memory_space<vmem>> -> memref<1x96xi32, #tpu.memory_space<vmem>>
      %dma_start3A_71 = tpu.memref_squeeze %dma_start3A_70 : memref<1x96xi32, #tpu.memory_space<vmem>> -> memref<96xi32, #tpu.memory_space<vmem>>
      %dma_start3A_72 = arith.constant 0 : i32
      %dma_start3A_73 = arith.constant 0 : i32
      %dma_start3A_74 = tpu.memref_slice %arg2[%dma_start3A_72, %dma_start3A_73] : memref<10000x128xf32, #tpu.memory_space<hbm>> -> memref<10000x128xf32, #tpu.memory_space<hbm>>
      tpu.enqueue_indirect_dma source(%dma_start3A_74 : memref<10000x128xf32, #tpu.memory_space<hbm>>) target(%arg11 : memref<96x128xf32, #tpu.memory_space<vmem>>) offsets(%dma_start3A_71 : memref<96xi32, #tpu.memory_space<vmem>>) semaphore(%arg16 : memref<!tpu.dma_semaphore, #tpu.memory_space<semaphore_mem>>)
      %mul3A_75 = arith.constant 4 : i32
      %mul3A_76 = arith.muli %mul3A_75, %scan3A_44 : i32
      %add3A_77 = arith.addi %mul3A_30, %mul3A_76 : i32
      %add3A_78 = arith.constant 2 : i32
      %add3A_79 = arith.addi %add3A_77, %add3A_78 : i32
      %gt3A_80 = arith.constant 0 : i32
      %gt3A_81 = arith.cmpi sgt, %scan3A_44, %gt3A_80 : i32
      %convert_element_type3A_82 = arith.extui %gt3A_81 : i1 to i32
      %cond3A_83 = arith.constant 0 : i32
      %cond3A_84 = arith.cmpi ne, %convert_element_type3A_82, %cond3A_83 : i32
      scf.if %cond3A_84 {
        tpu.wait_dma2 semaphore(%arg21 : memref<!tpu.dma_semaphore, #tpu.memory_space<semaphore_mem>>) src(%arg4 : memref<96x128xf32, #tpu.memory_space<hbm>>) dst(%arg12 : memref<96x128xf32, #tpu.memory_space<vmem>>)
      } else {
      }
      "tpu.region"() ({
        %run_scoped3A = tpu.sem_alloc : memref<!tpu.dma_semaphore, #tpu.memory_space<semaphore_mem>>
        %dma_start3A_164 = arith.constant 0 : i32
        %dma_start3A_165 = arith.constant 0 : i32
        %dma_start3A_166 = tpu.memref_slice %arg3[%add3A_79, %dma_start3A_164, %dma_start3A_165] : memref<3456x2x96xi32, #tpu.memory_space<hbm>> -> memref<1x2x96xi32, #tpu.memory_space<hbm>>
        %dma_start3A_167 = tpu.memref_squeeze %dma_start3A_166 : memref<1x2x96xi32, #tpu.memory_space<hbm>> -> memref<2x96xi32, #tpu.memory_space<hbm>>
        %dma_start3A_168 = arith.constant 0 : i32
        %dma_start3A_169 = arith.constant 0 : i32
        %dma_start3A_170 = tpu.memref_slice %arg3[%add3A_79, %dma_start3A_168, %dma_start3A_169] : memref<3456x2x96xi32, #tpu.memory_space<hbm>> -> memref<1x2x96xi32, #tpu.memory_space<hbm>>
        %dma_start3A_171 = tpu.memref_squeeze %dma_start3A_170 : memref<1x2x96xi32, #tpu.memory_space<hbm>> -> memref<2x96xi32, #tpu.memory_space<hbm>>
        tpu.enqueue_dma source(%dma_start3A_171 : memref<2x96xi32, #tpu.memory_space<hbm>>) target(%arg8 : memref<2x96xi32, #tpu.memory_space<vmem>>) target_semaphore(%run_scoped3A : memref<!tpu.dma_semaphore, #tpu.memory_space<semaphore_mem>>)
        %dma_wait3A_172 = arith.constant 0 : i32
        %dma_wait3A_173 = arith.constant 0 : i32
        %dma_wait3A_174 = tpu.memref_slice %arg3[%add3A_79, %dma_wait3A_172, %dma_wait3A_173] : memref<3456x2x96xi32, #tpu.memory_space<hbm>> -> memref<1x2x96xi32, #tpu.memory_space<hbm>>
        %dma_wait3A_175 = tpu.memref_squeeze %dma_wait3A_174 : memref<1x2x96xi32, #tpu.memory_space<hbm>> -> memref<2x96xi32, #tpu.memory_space<hbm>>
        %dma_wait3A_176 = arith.constant 0 : i32
        %dma_wait3A_177 = arith.constant 0 : i32
        %dma_wait3A_178 = tpu.memref_slice %arg3[%add3A_79, %dma_wait3A_176, %dma_wait3A_177] : memref<3456x2x96xi32, #tpu.memory_space<hbm>> -> memref<1x2x96xi32, #tpu.memory_space<hbm>>
        %dma_wait3A_179 = tpu.memref_squeeze %dma_wait3A_178 : memref<1x2x96xi32, #tpu.memory_space<hbm>> -> memref<2x96xi32, #tpu.memory_space<hbm>>
        tpu.wait_dma2 semaphore(%run_scoped3A : memref<!tpu.dma_semaphore, #tpu.memory_space<semaphore_mem>>) src(%dma_wait3A_179 : memref<2x96xi32, #tpu.memory_space<hbm>>) dst(%arg8 : memref<2x96xi32, #tpu.memory_space<vmem>>)
        tpu.yield
      }) : () -> ()
      %dma_start3A_85 = arith.constant 0 : i32
      %dma_start3A_86 = arith.constant 0 : i32
      %dma_start3A_87 = tpu.memref_slice %arg8[%dma_start3A_85, %dma_start3A_86] : memref<2x96xi32, #tpu.memory_space<vmem>> -> memref<1x96xi32, #tpu.memory_space<vmem>>
      %dma_start3A_88 = tpu.memref_squeeze %dma_start3A_87 : memref<1x96xi32, #tpu.memory_space<vmem>> -> memref<96xi32, #tpu.memory_space<vmem>>
      %dma_start3A_89 = arith.constant 0 : i32
      %dma_start3A_90 = arith.constant 0 : i32
      %dma_start3A_91 = tpu.memref_slice %arg2[%dma_start3A_89, %dma_start3A_90] : memref<10000x128xf32, #tpu.memory_space<hbm>> -> memref<10000x128xf32, #tpu.memory_space<hbm>>
      tpu.enqueue_indirect_dma source(%dma_start3A_91 : memref<10000x128xf32, #tpu.memory_space<hbm>>) target(%arg12 : memref<96x128xf32, #tpu.memory_space<vmem>>) offsets(%dma_start3A_88 : memref<96xi32, #tpu.memory_space<vmem>>) semaphore(%arg17 : memref<!tpu.dma_semaphore, #tpu.memory_space<semaphore_mem>>)
      %mul3A_92 = arith.constant 4 : i32
      %mul3A_93 = arith.muli %mul3A_92, %scan3A_44 : i32
      %add3A_94 = arith.addi %mul3A_30, %mul3A_93 : i32
      %add3A_95 = arith.constant 3 : i32
      %add3A_96 = arith.addi %add3A_94, %add3A_95 : i32
      %gt3A_97 = arith.constant 0 : i32
      %gt3A_98 = arith.cmpi sgt, %scan3A_44, %gt3A_97 : i32
      %convert_element_type3A_99 = arith.extui %gt3A_98 : i1 to i32
      %cond3A_100 = arith.constant 0 : i32
      %cond3A_101 = arith.cmpi ne, %convert_element_type3A_99, %cond3A_100 : i32
      scf.if %cond3A_101 {
        tpu.wait_dma2 semaphore(%arg22 : memref<!tpu.dma_semaphore, #tpu.memory_space<semaphore_mem>>) src(%arg4 : memref<96x128xf32, #tpu.memory_space<hbm>>) dst(%arg13 : memref<96x128xf32, #tpu.memory_space<vmem>>)
      } else {
      }
      "tpu.region"() ({
        %run_scoped3A = tpu.sem_alloc : memref<!tpu.dma_semaphore, #tpu.memory_space<semaphore_mem>>
        %dma_start3A_164 = arith.constant 0 : i32
        %dma_start3A_165 = arith.constant 0 : i32
        %dma_start3A_166 = tpu.memref_slice %arg3[%add3A_96, %dma_start3A_164, %dma_start3A_165] : memref<3456x2x96xi32, #tpu.memory_space<hbm>> -> memref<1x2x96xi32, #tpu.memory_space<hbm>>
        %dma_start3A_167 = tpu.memref_squeeze %dma_start3A_166 : memref<1x2x96xi32, #tpu.memory_space<hbm>> -> memref<2x96xi32, #tpu.memory_space<hbm>>
        %dma_start3A_168 = arith.constant 0 : i32
        %dma_start3A_169 = arith.constant 0 : i32
        %dma_start3A_170 = tpu.memref_slice %arg3[%add3A_96, %dma_start3A_168, %dma_start3A_169] : memref<3456x2x96xi32, #tpu.memory_space<hbm>> -> memref<1x2x96xi32, #tpu.memory_space<hbm>>
        %dma_start3A_171 = tpu.memref_squeeze %dma_start3A_170 : memref<1x2x96xi32, #tpu.memory_space<hbm>> -> memref<2x96xi32, #tpu.memory_space<hbm>>
        tpu.enqueue_dma source(%dma_start3A_171 : memref<2x96xi32, #tpu.memory_space<hbm>>) target(%arg9 : memref<2x96xi32, #tpu.memory_space<vmem>>) target_semaphore(%run_scoped3A : memref<!tpu.dma_semaphore, #tpu.memory_space<semaphore_mem>>)
        %dma_wait3A_172 = arith.constant 0 : i32
        %dma_wait3A_173 = arith.constant 0 : i32
        %dma_wait3A_174 = tpu.memref_slice %arg3[%add3A_96, %dma_wait3A_172, %dma_wait3A_173] : memref<3456x2x96xi32, #tpu.memory_space<hbm>> -> memref<1x2x96xi32, #tpu.memory_space<hbm>>
        %dma_wait3A_175 = tpu.memref_squeeze %dma_wait3A_174 : memref<1x2x96xi32, #tpu.memory_space<hbm>> -> memref<2x96xi32, #tpu.memory_space<hbm>>
        %dma_wait3A_176 = arith.constant 0 : i32
        %dma_wait3A_177 = arith.constant 0 : i32
        %dma_wait3A_178 = tpu.memref_slice %arg3[%add3A_96, %dma_wait3A_176, %dma_wait3A_177] : memref<3456x2x96xi32, #tpu.memory_space<hbm>> -> memref<1x2x96xi32, #tpu.memory_space<hbm>>
        %dma_wait3A_179 = tpu.memref_squeeze %dma_wait3A_178 : memref<1x2x96xi32, #tpu.memory_space<hbm>> -> memref<2x96xi32, #tpu.memory_space<hbm>>
        tpu.wait_dma2 semaphore(%run_scoped3A : memref<!tpu.dma_semaphore, #tpu.memory_space<semaphore_mem>>) src(%dma_wait3A_179 : memref<2x96xi32, #tpu.memory_space<hbm>>) dst(%arg9 : memref<2x96xi32, #tpu.memory_space<vmem>>)
        tpu.yield
      }) : () -> ()
      %dma_start3A_102 = arith.constant 0 : i32
      %dma_start3A_103 = arith.constant 0 : i32
      %dma_start3A_104 = tpu.memref_slice %arg9[%dma_start3A_102, %dma_start3A_103] : memref<2x96xi32, #tpu.memory_space<vmem>> -> memref<1x96xi32, #tpu.memory_space<vmem>>
      %dma_start3A_105 = tpu.memref_squeeze %dma_start3A_104 : memref<1x96xi32, #tpu.memory_space<vmem>> -> memref<96xi32, #tpu.memory_space<vmem>>
      %dma_start3A_106 = arith.constant 0 : i32
      %dma_start3A_107 = arith.constant 0 : i32
      %dma_start3A_108 = tpu.memref_slice %arg2[%dma_start3A_106, %dma_start3A_107] : memref<10000x128xf32, #tpu.memory_space<hbm>> -> memref<10000x128xf32, #tpu.memory_space<hbm>>
      tpu.enqueue_indirect_dma source(%dma_start3A_108 : memref<10000x128xf32, #tpu.memory_space<hbm>>) target(%arg13 : memref<96x128xf32, #tpu.memory_space<vmem>>) offsets(%dma_start3A_105 : memref<96xi32, #tpu.memory_space<vmem>>) semaphore(%arg18 : memref<!tpu.dma_semaphore, #tpu.memory_space<semaphore_mem>>)
      %dma_wait3A = arith.constant 0 : i32
      %dma_wait3A_109 = arith.constant 0 : i32
      %dma_wait3A_110 = tpu.memref_slice %arg6[%dma_wait3A, %dma_wait3A_109] : memref<2x96xi32, #tpu.memory_space<vmem>> -> memref<1x96xi32, #tpu.memory_space<vmem>>
      %dma_wait3A_111 = tpu.memref_squeeze %dma_wait3A_110 : memref<1x96xi32, #tpu.memory_space<vmem>> -> memref<96xi32, #tpu.memory_space<vmem>>
      %dma_wait3A_112 = arith.constant 0 : i32
      %dma_wait3A_113 = arith.constant 0 : i32
      %dma_wait3A_114 = tpu.memref_slice %arg2[%dma_wait3A_112, %dma_wait3A_113] : memref<10000x128xf32, #tpu.memory_space<hbm>> -> memref<10000x128xf32, #tpu.memory_space<hbm>>
      tpu.wait_indirect_dma semaphore(%arg15 : memref<!tpu.dma_semaphore, #tpu.memory_space<semaphore_mem>>) src(%dma_wait3A_114 : memref<10000x128xf32, #tpu.memory_space<hbm>>) dst(%arg10 : memref<96x128xf32, #tpu.memory_space<vmem>>)
      %dma_start3A_115 = arith.constant 1 : i32
      %dma_start3A_116 = arith.constant 0 : i32
      %dma_start3A_117 = tpu.memref_slice %arg6[%dma_start3A_115, %dma_start3A_116] : memref<2x96xi32, #tpu.memory_space<vmem>> -> memref<1x96xi32, #tpu.memory_space<vmem>>
      %dma_start3A_118 = tpu.memref_squeeze %dma_start3A_117 : memref<1x96xi32, #tpu.memory_space<vmem>> -> memref<96xi32, #tpu.memory_space<vmem>>
      %dma_start3A_119 = arith.constant 0 : i32
      %dma_start3A_120 = arith.constant 0 : i32
      %dma_start3A_121 = tpu.memref_slice %arg14[%dma_start3A_119, %dma_start3A_120] : memref<10112x128xf32, #tpu.memory_space<vmem_shared>> -> memref<10112x128xf32, #tpu.memory_space<vmem_shared>>
      tpu.enqueue_indirect_dma source(%arg10 : memref<96x128xf32, #tpu.memory_space<vmem>>) target(%dma_start3A_121 : memref<10112x128xf32, #tpu.memory_space<vmem_shared>>) offsets(%dma_start3A_118 : memref<96xi32, #tpu.memory_space<vmem>>) semaphore(%arg19 : memref<!tpu.dma_semaphore, #tpu.memory_space<semaphore_mem>>) {add = true}
      %dma_wait3A_122 = arith.constant 0 : i32
      %dma_wait3A_123 = arith.constant 0 : i32
      %dma_wait3A_124 = tpu.memref_slice %arg7[%dma_wait3A_122, %dma_wait3A_123] : memref<2x96xi32, #tpu.memory_space<vmem>> -> memref<1x96xi32, #tpu.memory_space<vmem>>
      %dma_wait3A_125 = tpu.memref_squeeze %dma_wait3A_124 : memref<1x96xi32, #tpu.memory_space<vmem>> -> memref<96xi32, #tpu.memory_space<vmem>>
      %dma_wait3A_126 = arith.constant 0 : i32
      %dma_wait3A_127 = arith.constant 0 : i32
      %dma_wait3A_128 = tpu.memref_slice %arg2[%dma_wait3A_126, %dma_wait3A_127] : memref<10000x128xf32, #tpu.memory_space<hbm>> -> memref<10000x128xf32, #tpu.memory_space<hbm>>
      tpu.wait_indirect_dma semaphore(%arg16 : memref<!tpu.dma_semaphore, #tpu.memory_space<semaphore_mem>>) src(%dma_wait3A_128 : memref<10000x128xf32, #tpu.memory_space<hbm>>) dst(%arg11 : memref<96x128xf32, #tpu.memory_space<vmem>>)
      %dma_start3A_129 = arith.constant 1 : i32
      %dma_start3A_130 = arith.constant 0 : i32
      %dma_start3A_131 = tpu.memref_slice %arg7[%dma_start3A_129, %dma_start3A_130] : memref<2x96xi32, #tpu.memory_space<vmem>> -> memref<1x96xi32, #tpu.memory_space<vmem>>
      %dma_start3A_132 = tpu.memref_squeeze %dma_start3A_131 : memref<1x96xi32, #tpu.memory_space<vmem>> -> memref<96xi32, #tpu.memory_space<vmem>>
      %dma_start3A_133 = arith.constant 0 : i32
      %dma_start3A_134 = arith.constant 0 : i32
      %dma_start3A_135 = tpu.memref_slice %arg14[%dma_start3A_133, %dma_start3A_134] : memref<10112x128xf32, #tpu.memory_space<vmem_shared>> -> memref<10112x128xf32, #tpu.memory_space<vmem_shared>>
      tpu.enqueue_indirect_dma source(%arg11 : memref<96x128xf32, #tpu.memory_space<vmem>>) target(%dma_start3A_135 : memref<10112x128xf32, #tpu.memory_space<vmem_shared>>) offsets(%dma_start3A_132 : memref<96xi32, #tpu.memory_space<vmem>>) semaphore(%arg20 : memref<!tpu.dma_semaphore, #tpu.memory_space<semaphore_mem>>) {add = true}
      %dma_wait3A_136 = arith.constant 0 : i32
      %dma_wait3A_137 = arith.constant 0 : i32
      %dma_wait3A_138 = tpu.memref_slice %arg8[%dma_wait3A_136, %dma_wait3A_137] : memref<2x96xi32, #tpu.memory_space<vmem>> -> memref<1x96xi32, #tpu.memory_space<vmem>>
      %dma_wait3A_139 = tpu.memref_squeeze %dma_wait3A_138 : memref<1x96xi32, #tpu.memory_space<vmem>> -> memref<96xi32, #tpu.memory_space<vmem>>
      %dma_wait3A_140 = arith.constant 0 : i32
      %dma_wait3A_141 = arith.constant 0 : i32
      %dma_wait3A_142 = tpu.memref_slice %arg2[%dma_wait3A_140, %dma_wait3A_141] : memref<10000x128xf32, #tpu.memory_space<hbm>> -> memref<10000x128xf32, #tpu.memory_space<hbm>>
      tpu.wait_indirect_dma semaphore(%arg17 : memref<!tpu.dma_semaphore, #tpu.memory_space<semaphore_mem>>) src(%dma_wait3A_142 : memref<10000x128xf32, #tpu.memory_space<hbm>>) dst(%arg12 : memref<96x128xf32, #tpu.memory_space<vmem>>)
      %dma_start3A_143 = arith.constant 1 : i32
      %dma_start3A_144 = arith.constant 0 : i32
      %dma_start3A_145 = tpu.memref_slice %arg8[%dma_start3A_143, %dma_start3A_144] : memref<2x96xi32, #tpu.memory_space<vmem>> -> memref<1x96xi32, #tpu.memory_space<vmem>>
      %dma_start3A_146 = tpu.memref_squeeze %dma_start3A_145 : memref<1x96xi32, #tpu.memory_space<vmem>> -> memref<96xi32, #tpu.memory_space<vmem>>
      %dma_start3A_147 = arith.constant 0 : i32
      %dma_start3A_148 = arith.constant 0 : i32
      %dma_start3A_149 = tpu.memref_slice %arg14[%dma_start3A_147, %dma_start3A_148] : memref<10112x128xf32, #tpu.memory_space<vmem_shared>> -> memref<10112x128xf32, #tpu.memory_space<vmem_shared>>
      tpu.enqueue_indirect_dma source(%arg12 : memref<96x128xf32, #tpu.memory_space<vmem>>) target(%dma_start3A_149 : memref<10112x128xf32, #tpu.memory_space<vmem_shared>>) offsets(%dma_start3A_146 : memref<96xi32, #tpu.memory_space<vmem>>) semaphore(%arg21 : memref<!tpu.dma_semaphore, #tpu.memory_space<semaphore_mem>>) {add = true}
      %dma_wait3A_150 = arith.constant 0 : i32
      %dma_wait3A_151 = arith.constant 0 : i32
      %dma_wait3A_152 = tpu.memref_slice %arg9[%dma_wait3A_150, %dma_wait3A_151] : memref<2x96xi32, #tpu.memory_space<vmem>> -> memref<1x96xi32, #tpu.memory_space<vmem>>
      %dma_wait3A_153 = tpu.memref_squeeze %dma_wait3A_152 : memref<1x96xi32, #tpu.memory_space<vmem>> -> memref<96xi32, #tpu.memory_space<vmem>>
      %dma_wait3A_154 = arith.constant 0 : i32
      %dma_wait3A_155 = arith.constant 0 : i32
      %dma_wait3A_156 = tpu.memref_slice %arg2[%dma_wait3A_154, %dma_wait3A_155] : memref<10000x128xf32, #tpu.memory_space<hbm>> -> memref<10000x128xf32, #tpu.memory_space<hbm>>
      tpu.wait_indirect_dma semaphore(%arg18 : memref<!tpu.dma_semaphore, #tpu.memory_space<semaphore_mem>>) src(%dma_wait3A_156 : memref<10000x128xf32, #tpu.memory_space<hbm>>) dst(%arg13 : memref<96x128xf32, #tpu.memory_space<vmem>>)
      %dma_start3A_157 = arith.constant 1 : i32
      %dma_start3A_158 = arith.constant 0 : i32
      %dma_start3A_159 = tpu.memref_slice %arg9[%dma_start3A_157, %dma_start3A_158] : memref<2x96xi32, #tpu.memory_space<vmem>> -> memref<1x96xi32, #tpu.memory_space<vmem>>
      %dma_start3A_160 = tpu.memref_squeeze %dma_start3A_159 : memref<1x96xi32, #tpu.memory_space<vmem>> -> memref<96xi32, #tpu.memory_space<vmem>>
      %dma_start3A_161 = arith.constant 0 : i32
      %dma_start3A_162 = arith.constant 0 : i32
      %dma_start3A_163 = tpu.memref_slice %arg14[%dma_start3A_161, %dma_start3A_162] : memref<10112x128xf32, #tpu.memory_space<vmem_shared>> -> memref<10112x128xf32, #tpu.memory_space<vmem_shared>>
      tpu.enqueue_indirect_dma source(%arg13 : memref<96x128xf32, #tpu.memory_space<vmem>>) target(%dma_start3A_163 : memref<10112x128xf32, #tpu.memory_space<vmem_shared>>) offsets(%dma_start3A_160 : memref<96xi32, #tpu.memory_space<vmem>>) semaphore(%arg22 : memref<!tpu.dma_semaphore, #tpu.memory_space<semaphore_mem>>) {add = true}
    }
    %scan3A_35 = arith.constant 27 : i32
    tpu.wait_dma2 semaphore(%arg19 : memref<!tpu.dma_semaphore, #tpu.memory_space<semaphore_mem>>) src(%arg4 : memref<96x128xf32, #tpu.memory_space<hbm>>) dst(%arg10 : memref<96x128xf32, #tpu.memory_space<vmem>>)
    tpu.wait_dma2 semaphore(%arg20 : memref<!tpu.dma_semaphore, #tpu.memory_space<semaphore_mem>>) src(%arg4 : memref<96x128xf32, #tpu.memory_space<hbm>>) dst(%arg11 : memref<96x128xf32, #tpu.memory_space<vmem>>)
    tpu.wait_dma2 semaphore(%arg21 : memref<!tpu.dma_semaphore, #tpu.memory_space<semaphore_mem>>) src(%arg4 : memref<96x128xf32, #tpu.memory_space<hbm>>) dst(%arg12 : memref<96x128xf32, #tpu.memory_space<vmem>>)
    tpu.wait_dma2 semaphore(%arg22 : memref<!tpu.dma_semaphore, #tpu.memory_space<semaphore_mem>>) src(%arg4 : memref<96x128xf32, #tpu.memory_space<hbm>>) dst(%arg13 : memref<96x128xf32, #tpu.memory_space<vmem>>)
    %barrier3A_36 = arith.constant 0 : index
    tpu.barrier barrier_id(%barrier3A_36)
    %mul3A_37 = arith.constant 632 : i32
    %mul3A_38 = arith.muli %arg1, %mul3A_37 : i32
    %mul3A_39 = arith.constant 10112 : i32
    %mul3A_40 = arith.muli %arg0, %mul3A_39 : i32
    %mul3A_41 = arith.constant 632 : i32
    %mul3A_42 = arith.muli %arg1, %mul3A_41 : i32
    %add3A_43 = arith.addi %mul3A_40, %mul3A_42 : i32
    "tpu.region"() ({
      %run_scoped3A = tpu.sem_alloc : memref<!tpu.dma_semaphore, #tpu.memory_space<semaphore_mem>>
      %dma_start3A = arith.constant 0 : i32
      %dma_start3A_44 = tpu.memref_slice %arg5[%add3A_43, %dma_start3A] : memref<20224x128xf32, #tpu.memory_space<hbm>> -> memref<632x128xf32, #tpu.memory_space<hbm>>
      %dma_start3A_45 = arith.constant 0 : i32
      %dma_start3A_46 = tpu.memref_slice %arg14[%mul3A_38, %dma_start3A_45] : memref<10112x128xf32, #tpu.memory_space<vmem_shared>> -> memref<632x128xf32, #tpu.memory_space<vmem_shared>>
      tpu.enqueue_dma source(%dma_start3A_46 : memref<632x128xf32, #tpu.memory_space<vmem_shared>>) target(%dma_start3A_44 : memref<632x128xf32, #tpu.memory_space<hbm>>) target_semaphore(%run_scoped3A : memref<!tpu.dma_semaphore, #tpu.memory_space<semaphore_mem>>)
      %dma_wait3A = arith.constant 0 : i32
      %dma_wait3A_47 = tpu.memref_slice %arg5[%add3A_43, %dma_wait3A] : memref<20224x128xf32, #tpu.memory_space<hbm>> -> memref<632x128xf32, #tpu.memory_space<hbm>>
      %dma_wait3A_48 = arith.constant 0 : i32
      %dma_wait3A_49 = tpu.memref_slice %arg14[%mul3A_38, %dma_wait3A_48] : memref<10112x128xf32, #tpu.memory_space<vmem_shared>> -> memref<632x128xf32, #tpu.memory_space<vmem_shared>>
      tpu.wait_dma2 semaphore(%run_scoped3A : memref<!tpu.dma_semaphore, #tpu.memory_space<semaphore_mem>>) src(%dma_wait3A_49 : memref<632x128xf32, #tpu.memory_space<vmem_shared>>) dst(%dma_wait3A_47 : memref<632x128xf32, #tpu.memory_space<hbm>>)
      tpu.yield
    }) : () -> ()
    return
  }
}

#map = affine_map<(d0, d1) -> (0)>
#map1 = affine_map<(d0, d1) -> (0, 0)>
module attributes {stable_mosaic.version = 14 : i64} {
  func.func @_sc_degree(%arg0: i32, %arg1: i32, %arg2: memref<331776xi32, #tpu.memory_space<hbm>>, %arg3: memref<96x128xf32, #tpu.memory_space<hbm>>, %arg4: memref<96x128xf32, #tpu.memory_space<hbm>>, %arg5: memref<20224x128xf32, #tpu.memory_space<hbm>>, %arg6: memref<96xi32, #tpu.memory_space<vmem>>, %arg7: memref<96xi32, #tpu.memory_space<vmem>>, %arg8: memref<96x128xf32, #tpu.memory_space<vmem>>, %arg9: memref<96x128xf32, #tpu.memory_space<vmem>>, %arg10: memref<10112x128xf32, #tpu.memory_space<vmem_shared>>, %arg11: memref<!tpu.dma_semaphore, #tpu.memory_space<semaphore_mem>>, %arg12: memref<!tpu.dma_semaphore, #tpu.memory_space<semaphore_mem>>) attributes {dimension_semantics = [#tpu.dimension_semantics<core_parallel>, #tpu.dimension_semantics<subcore_parallel>], iteration_bounds = array<i64: 2, 16>, scalar_prefetch = 0 : i64, scratch_operands = 7 : i64, tpu.core_type = #tpu.core_type<sc_vector_subcore>, window_params = [{transform_indices = #map}, {transform_indices = #map1}, {transform_indices = #map1}, {transform_indices = #map1}]} {
    %mul3A = arith.constant 2 : i32
    %mul3A_0 = arith.muli %arg1, %mul3A : i32
    %add3A = arith.addi %mul3A_0, %arg0 : i32
    "tpu.region"() ({
      %run_scoped3A = tpu.sem_alloc : memref<!tpu.dma_semaphore, #tpu.memory_space<semaphore_mem>>
      tpu.enqueue_dma source(%arg3 : memref<96x128xf32, #tpu.memory_space<hbm>>) target(%arg8 : memref<96x128xf32, #tpu.memory_space<vmem>>) target_semaphore(%run_scoped3A : memref<!tpu.dma_semaphore, #tpu.memory_space<semaphore_mem>>)
      tpu.wait_dma2 semaphore(%run_scoped3A : memref<!tpu.dma_semaphore, #tpu.memory_space<semaphore_mem>>) src(%arg3 : memref<96x128xf32, #tpu.memory_space<hbm>>) dst(%arg8 : memref<96x128xf32, #tpu.memory_space<vmem>>)
      tpu.yield
    }) : () -> ()
    "tpu.region"() ({
      %run_scoped3A = tpu.sem_alloc : memref<!tpu.dma_semaphore, #tpu.memory_space<semaphore_mem>>
      tpu.enqueue_dma source(%arg4 : memref<96x128xf32, #tpu.memory_space<hbm>>) target(%arg9 : memref<96x128xf32, #tpu.memory_space<vmem>>) target_semaphore(%run_scoped3A : memref<!tpu.dma_semaphore, #tpu.memory_space<semaphore_mem>>)
      tpu.wait_dma2 semaphore(%run_scoped3A : memref<!tpu.dma_semaphore, #tpu.memory_space<semaphore_mem>>) src(%arg4 : memref<96x128xf32, #tpu.memory_space<hbm>>) dst(%arg9 : memref<96x128xf32, #tpu.memory_space<vmem>>)
      tpu.yield
    }) : () -> ()
    %mul3A_1 = arith.constant 632 : i32
    %mul3A_2 = arith.muli %arg1, %mul3A_1 : i32
    %add3A_3 = arith.constant 0 : i32
    %add3A_4 = arith.addi %mul3A_2, %add3A_3 : i32
    "tpu.region"() ({
      %run_scoped3A = tpu.sem_alloc : memref<!tpu.dma_semaphore, #tpu.memory_space<semaphore_mem>>
      %dma_start3A = arith.constant 0 : i32
      %dma_start3A_46 = arith.constant 0 : i32
      %dma_start3A_47 = tpu.memref_slice %arg9[%dma_start3A, %dma_start3A_46] : memref<96x128xf32, #tpu.memory_space<vmem>> -> memref<96x128xf32, #tpu.memory_space<vmem>>
      %dma_start3A_48 = arith.constant 0 : i32
      %dma_start3A_49 = tpu.memref_slice %arg10[%add3A_4, %dma_start3A_48] : memref<10112x128xf32, #tpu.memory_space<vmem_shared>> -> memref<96x128xf32, #tpu.memory_space<vmem_shared>>
      %dma_start3A_50 = arith.constant 0 : i32
      %dma_start3A_51 = tpu.memref_slice %arg10[%add3A_4, %dma_start3A_50] : memref<10112x128xf32, #tpu.memory_space<vmem_shared>> -> memref<96x128xf32, #tpu.memory_space<vmem_shared>>
      %dma_start3A_52 = arith.constant 0 : i32
      %dma_start3A_53 = arith.constant 0 : i32
      %dma_start3A_54 = tpu.memref_slice %arg9[%dma_start3A_52, %dma_start3A_53] : memref<96x128xf32, #tpu.memory_space<vmem>> -> memref<96x128xf32, #tpu.memory_space<vmem>>
      tpu.enqueue_dma source(%dma_start3A_54 : memref<96x128xf32, #tpu.memory_space<vmem>>) target(%dma_start3A_51 : memref<96x128xf32, #tpu.memory_space<vmem_shared>>) target_semaphore(%run_scoped3A : memref<!tpu.dma_semaphore, #tpu.memory_space<semaphore_mem>>)
      %dma_wait3A = arith.constant 0 : i32
      %dma_wait3A_55 = arith.constant 0 : i32
      %dma_wait3A_56 = tpu.memref_slice %arg9[%dma_wait3A, %dma_wait3A_55] : memref<96x128xf32, #tpu.memory_space<vmem>> -> memref<96x128xf32, #tpu.memory_space<vmem>>
      %dma_wait3A_57 = arith.constant 0 : i32
      %dma_wait3A_58 = tpu.memref_slice %arg10[%add3A_4, %dma_wait3A_57] : memref<10112x128xf32, #tpu.memory_space<vmem_shared>> -> memref<96x128xf32, #tpu.memory_space<vmem_shared>>
      %dma_wait3A_59 = arith.constant 0 : i32
      %dma_wait3A_60 = tpu.memref_slice %arg10[%add3A_4, %dma_wait3A_59] : memref<10112x128xf32, #tpu.memory_space<vmem_shared>> -> memref<96x128xf32, #tpu.memory_space<vmem_shared>>
      %dma_wait3A_61 = arith.constant 0 : i32
      %dma_wait3A_62 = arith.constant 0 : i32
      %dma_wait3A_63 = tpu.memref_slice %arg9[%dma_wait3A_61, %dma_wait3A_62] : memref<96x128xf32, #tpu.memory_space<vmem>> -> memref<96x128xf32, #tpu.memory_space<vmem>>
      tpu.wait_dma2 semaphore(%run_scoped3A : memref<!tpu.dma_semaphore, #tpu.memory_space<semaphore_mem>>) src(%dma_wait3A_63 : memref<96x128xf32, #tpu.memory_space<vmem>>) dst(%dma_wait3A_60 : memref<96x128xf32, #tpu.memory_space<vmem_shared>>)
      tpu.yield
    }) : () -> ()
    %mul3A_5 = arith.constant 632 : i32
    %mul3A_6 = arith.muli %arg1, %mul3A_5 : i32
    %add3A_7 = arith.constant 96 : i32
    %add3A_8 = arith.addi %mul3A_6, %add3A_7 : i32
    "tpu.region"() ({
      %run_scoped3A = tpu.sem_alloc : memref<!tpu.dma_semaphore, #tpu.memory_space<semaphore_mem>>
      %dma_start3A = arith.constant 0 : i32
      %dma_start3A_46 = arith.constant 0 : i32
      %dma_start3A_47 = tpu.memref_slice %arg9[%dma_start3A, %dma_start3A_46] : memref<96x128xf32, #tpu.memory_space<vmem>> -> memref<96x128xf32, #tpu.memory_space<vmem>>
      %dma_start3A_48 = arith.constant 0 : i32
      %dma_start3A_49 = tpu.memref_slice %arg10[%add3A_8, %dma_start3A_48] : memref<10112x128xf32, #tpu.memory_space<vmem_shared>> -> memref<96x128xf32, #tpu.memory_space<vmem_shared>>
      %dma_start3A_50 = arith.constant 0 : i32
      %dma_start3A_51 = tpu.memref_slice %arg10[%add3A_8, %dma_start3A_50] : memref<10112x128xf32, #tpu.memory_space<vmem_shared>> -> memref<96x128xf32, #tpu.memory_space<vmem_shared>>
      %dma_start3A_52 = arith.constant 0 : i32
      %dma_start3A_53 = arith.constant 0 : i32
      %dma_start3A_54 = tpu.memref_slice %arg9[%dma_start3A_52, %dma_start3A_53] : memref<96x128xf32, #tpu.memory_space<vmem>> -> memref<96x128xf32, #tpu.memory_space<vmem>>
      tpu.enqueue_dma source(%dma_start3A_54 : memref<96x128xf32, #tpu.memory_space<vmem>>) target(%dma_start3A_51 : memref<96x128xf32, #tpu.memory_space<vmem_shared>>) target_semaphore(%run_scoped3A : memref<!tpu.dma_semaphore, #tpu.memory_space<semaphore_mem>>)
      %dma_wait3A = arith.constant 0 : i32
      %dma_wait3A_55 = arith.constant 0 : i32
      %dma_wait3A_56 = tpu.memref_slice %arg9[%dma_wait3A, %dma_wait3A_55] : memref<96x128xf32, #tpu.memory_space<vmem>> -> memref<96x128xf32, #tpu.memory_space<vmem>>
      %dma_wait3A_57 = arith.constant 0 : i32
      %dma_wait3A_58 = tpu.memref_slice %arg10[%add3A_8, %dma_wait3A_57] : memref<10112x128xf32, #tpu.memory_space<vmem_shared>> -> memref<96x128xf32, #tpu.memory_space<vmem_shared>>
      %dma_wait3A_59 = arith.constant 0 : i32
      %dma_wait3A_60 = tpu.memref_slice %arg10[%add3A_8, %dma_wait3A_59] : memref<10112x128xf32, #tpu.memory_space<vmem_shared>> -> memref<96x128xf32, #tpu.memory_space<vmem_shared>>
      %dma_wait3A_61 = arith.constant 0 : i32
      %dma_wait3A_62 = arith.constant 0 : i32
      %dma_wait3A_63 = tpu.memref_slice %arg9[%dma_wait3A_61, %dma_wait3A_62] : memref<96x128xf32, #tpu.memory_space<vmem>> -> memref<96x128xf32, #tpu.memory_space<vmem>>
      tpu.wait_dma2 semaphore(%run_scoped3A : memref<!tpu.dma_semaphore, #tpu.memory_space<semaphore_mem>>) src(%dma_wait3A_63 : memref<96x128xf32, #tpu.memory_space<vmem>>) dst(%dma_wait3A_60 : memref<96x128xf32, #tpu.memory_space<vmem_shared>>)
      tpu.yield
    }) : () -> ()
    %mul3A_9 = arith.constant 632 : i32
    %mul3A_10 = arith.muli %arg1, %mul3A_9 : i32
    %add3A_11 = arith.constant 192 : i32
    %add3A_12 = arith.addi %mul3A_10, %add3A_11 : i32
    "tpu.region"() ({
      %run_scoped3A = tpu.sem_alloc : memref<!tpu.dma_semaphore, #tpu.memory_space<semaphore_mem>>
      %dma_start3A = arith.constant 0 : i32
      %dma_start3A_46 = arith.constant 0 : i32
      %dma_start3A_47 = tpu.memref_slice %arg9[%dma_start3A, %dma_start3A_46] : memref<96x128xf32, #tpu.memory_space<vmem>> -> memref<96x128xf32, #tpu.memory_space<vmem>>
      %dma_start3A_48 = arith.constant 0 : i32
      %dma_start3A_49 = tpu.memref_slice %arg10[%add3A_12, %dma_start3A_48] : memref<10112x128xf32, #tpu.memory_space<vmem_shared>> -> memref<96x128xf32, #tpu.memory_space<vmem_shared>>
      %dma_start3A_50 = arith.constant 0 : i32
      %dma_start3A_51 = tpu.memref_slice %arg10[%add3A_12, %dma_start3A_50] : memref<10112x128xf32, #tpu.memory_space<vmem_shared>> -> memref<96x128xf32, #tpu.memory_space<vmem_shared>>
      %dma_start3A_52 = arith.constant 0 : i32
      %dma_start3A_53 = arith.constant 0 : i32
      %dma_start3A_54 = tpu.memref_slice %arg9[%dma_start3A_52, %dma_start3A_53] : memref<96x128xf32, #tpu.memory_space<vmem>> -> memref<96x128xf32, #tpu.memory_space<vmem>>
      tpu.enqueue_dma source(%dma_start3A_54 : memref<96x128xf32, #tpu.memory_space<vmem>>) target(%dma_start3A_51 : memref<96x128xf32, #tpu.memory_space<vmem_shared>>) target_semaphore(%run_scoped3A : memref<!tpu.dma_semaphore, #tpu.memory_space<semaphore_mem>>)
      %dma_wait3A = arith.constant 0 : i32
      %dma_wait3A_55 = arith.constant 0 : i32
      %dma_wait3A_56 = tpu.memref_slice %arg9[%dma_wait3A, %dma_wait3A_55] : memref<96x128xf32, #tpu.memory_space<vmem>> -> memref<96x128xf32, #tpu.memory_space<vmem>>
      %dma_wait3A_57 = arith.constant 0 : i32
      %dma_wait3A_58 = tpu.memref_slice %arg10[%add3A_12, %dma_wait3A_57] : memref<10112x128xf32, #tpu.memory_space<vmem_shared>> -> memref<96x128xf32, #tpu.memory_space<vmem_shared>>
      %dma_wait3A_59 = arith.constant 0 : i32
      %dma_wait3A_60 = tpu.memref_slice %arg10[%add3A_12, %dma_wait3A_59] : memref<10112x128xf32, #tpu.memory_space<vmem_shared>> -> memref<96x128xf32, #tpu.memory_space<vmem_shared>>
      %dma_wait3A_61 = arith.constant 0 : i32
      %dma_wait3A_62 = arith.constant 0 : i32
      %dma_wait3A_63 = tpu.memref_slice %arg9[%dma_wait3A_61, %dma_wait3A_62] : memref<96x128xf32, #tpu.memory_space<vmem>> -> memref<96x128xf32, #tpu.memory_space<vmem>>
      tpu.wait_dma2 semaphore(%run_scoped3A : memref<!tpu.dma_semaphore, #tpu.memory_space<semaphore_mem>>) src(%dma_wait3A_63 : memref<96x128xf32, #tpu.memory_space<vmem>>) dst(%dma_wait3A_60 : memref<96x128xf32, #tpu.memory_space<vmem_shared>>)
      tpu.yield
    }) : () -> ()
    %mul3A_13 = arith.constant 632 : i32
    %mul3A_14 = arith.muli %arg1, %mul3A_13 : i32
    %add3A_15 = arith.constant 288 : i32
    %add3A_16 = arith.addi %mul3A_14, %add3A_15 : i32
    "tpu.region"() ({
      %run_scoped3A = tpu.sem_alloc : memref<!tpu.dma_semaphore, #tpu.memory_space<semaphore_mem>>
      %dma_start3A = arith.constant 0 : i32
      %dma_start3A_46 = arith.constant 0 : i32
      %dma_start3A_47 = tpu.memref_slice %arg9[%dma_start3A, %dma_start3A_46] : memref<96x128xf32, #tpu.memory_space<vmem>> -> memref<96x128xf32, #tpu.memory_space<vmem>>
      %dma_start3A_48 = arith.constant 0 : i32
      %dma_start3A_49 = tpu.memref_slice %arg10[%add3A_16, %dma_start3A_48] : memref<10112x128xf32, #tpu.memory_space<vmem_shared>> -> memref<96x128xf32, #tpu.memory_space<vmem_shared>>
      %dma_start3A_50 = arith.constant 0 : i32
      %dma_start3A_51 = tpu.memref_slice %arg10[%add3A_16, %dma_start3A_50] : memref<10112x128xf32, #tpu.memory_space<vmem_shared>> -> memref<96x128xf32, #tpu.memory_space<vmem_shared>>
      %dma_start3A_52 = arith.constant 0 : i32
      %dma_start3A_53 = arith.constant 0 : i32
      %dma_start3A_54 = tpu.memref_slice %arg9[%dma_start3A_52, %dma_start3A_53] : memref<96x128xf32, #tpu.memory_space<vmem>> -> memref<96x128xf32, #tpu.memory_space<vmem>>
      tpu.enqueue_dma source(%dma_start3A_54 : memref<96x128xf32, #tpu.memory_space<vmem>>) target(%dma_start3A_51 : memref<96x128xf32, #tpu.memory_space<vmem_shared>>) target_semaphore(%run_scoped3A : memref<!tpu.dma_semaphore, #tpu.memory_space<semaphore_mem>>)
      %dma_wait3A = arith.constant 0 : i32
      %dma_wait3A_55 = arith.constant 0 : i32
      %dma_wait3A_56 = tpu.memref_slice %arg9[%dma_wait3A, %dma_wait3A_55] : memref<96x128xf32, #tpu.memory_space<vmem>> -> memref<96x128xf32, #tpu.memory_space<vmem>>
      %dma_wait3A_57 = arith.constant 0 : i32
      %dma_wait3A_58 = tpu.memref_slice %arg10[%add3A_16, %dma_wait3A_57] : memref<10112x128xf32, #tpu.memory_space<vmem_shared>> -> memref<96x128xf32, #tpu.memory_space<vmem_shared>>
      %dma_wait3A_59 = arith.constant 0 : i32
      %dma_wait3A_60 = tpu.memref_slice %arg10[%add3A_16, %dma_wait3A_59] : memref<10112x128xf32, #tpu.memory_space<vmem_shared>> -> memref<96x128xf32, #tpu.memory_space<vmem_shared>>
      %dma_wait3A_61 = arith.constant 0 : i32
      %dma_wait3A_62 = arith.constant 0 : i32
      %dma_wait3A_63 = tpu.memref_slice %arg9[%dma_wait3A_61, %dma_wait3A_62] : memref<96x128xf32, #tpu.memory_space<vmem>> -> memref<96x128xf32, #tpu.memory_space<vmem>>
      tpu.wait_dma2 semaphore(%run_scoped3A : memref<!tpu.dma_semaphore, #tpu.memory_space<semaphore_mem>>) src(%dma_wait3A_63 : memref<96x128xf32, #tpu.memory_space<vmem>>) dst(%dma_wait3A_60 : memref<96x128xf32, #tpu.memory_space<vmem_shared>>)
      tpu.yield
    }) : () -> ()
    %mul3A_17 = arith.constant 632 : i32
    %mul3A_18 = arith.muli %arg1, %mul3A_17 : i32
    %add3A_19 = arith.constant 384 : i32
    %add3A_20 = arith.addi %mul3A_18, %add3A_19 : i32
    "tpu.region"() ({
      %run_scoped3A = tpu.sem_alloc : memref<!tpu.dma_semaphore, #tpu.memory_space<semaphore_mem>>
      %dma_start3A = arith.constant 0 : i32
      %dma_start3A_46 = arith.constant 0 : i32
      %dma_start3A_47 = tpu.memref_slice %arg9[%dma_start3A, %dma_start3A_46] : memref<96x128xf32, #tpu.memory_space<vmem>> -> memref<96x128xf32, #tpu.memory_space<vmem>>
      %dma_start3A_48 = arith.constant 0 : i32
      %dma_start3A_49 = tpu.memref_slice %arg10[%add3A_20, %dma_start3A_48] : memref<10112x128xf32, #tpu.memory_space<vmem_shared>> -> memref<96x128xf32, #tpu.memory_space<vmem_shared>>
      %dma_start3A_50 = arith.constant 0 : i32
      %dma_start3A_51 = tpu.memref_slice %arg10[%add3A_20, %dma_start3A_50] : memref<10112x128xf32, #tpu.memory_space<vmem_shared>> -> memref<96x128xf32, #tpu.memory_space<vmem_shared>>
      %dma_start3A_52 = arith.constant 0 : i32
      %dma_start3A_53 = arith.constant 0 : i32
      %dma_start3A_54 = tpu.memref_slice %arg9[%dma_start3A_52, %dma_start3A_53] : memref<96x128xf32, #tpu.memory_space<vmem>> -> memref<96x128xf32, #tpu.memory_space<vmem>>
      tpu.enqueue_dma source(%dma_start3A_54 : memref<96x128xf32, #tpu.memory_space<vmem>>) target(%dma_start3A_51 : memref<96x128xf32, #tpu.memory_space<vmem_shared>>) target_semaphore(%run_scoped3A : memref<!tpu.dma_semaphore, #tpu.memory_space<semaphore_mem>>)
      %dma_wait3A = arith.constant 0 : i32
      %dma_wait3A_55 = arith.constant 0 : i32
      %dma_wait3A_56 = tpu.memref_slice %arg9[%dma_wait3A, %dma_wait3A_55] : memref<96x128xf32, #tpu.memory_space<vmem>> -> memref<96x128xf32, #tpu.memory_space<vmem>>
      %dma_wait3A_57 = arith.constant 0 : i32
      %dma_wait3A_58 = tpu.memref_slice %arg10[%add3A_20, %dma_wait3A_57] : memref<10112x128xf32, #tpu.memory_space<vmem_shared>> -> memref<96x128xf32, #tpu.memory_space<vmem_shared>>
      %dma_wait3A_59 = arith.constant 0 : i32
      %dma_wait3A_60 = tpu.memref_slice %arg10[%add3A_20, %dma_wait3A_59] : memref<10112x128xf32, #tpu.memory_space<vmem_shared>> -> memref<96x128xf32, #tpu.memory_space<vmem_shared>>
      %dma_wait3A_61 = arith.constant 0 : i32
      %dma_wait3A_62 = arith.constant 0 : i32
      %dma_wait3A_63 = tpu.memref_slice %arg9[%dma_wait3A_61, %dma_wait3A_62] : memref<96x128xf32, #tpu.memory_space<vmem>> -> memref<96x128xf32, #tpu.memory_space<vmem>>
      tpu.wait_dma2 semaphore(%run_scoped3A : memref<!tpu.dma_semaphore, #tpu.memory_space<semaphore_mem>>) src(%dma_wait3A_63 : memref<96x128xf32, #tpu.memory_space<vmem>>) dst(%dma_wait3A_60 : memref<96x128xf32, #tpu.memory_space<vmem_shared>>)
      tpu.yield
    }) : () -> ()
    %mul3A_21 = arith.constant 632 : i32
    %mul3A_22 = arith.muli %arg1, %mul3A_21 : i32
    %add3A_23 = arith.constant 480 : i32
    %add3A_24 = arith.addi %mul3A_22, %add3A_23 : i32
    "tpu.region"() ({
      %run_scoped3A = tpu.sem_alloc : memref<!tpu.dma_semaphore, #tpu.memory_space<semaphore_mem>>
      %dma_start3A = arith.constant 0 : i32
      %dma_start3A_46 = arith.constant 0 : i32
      %dma_start3A_47 = tpu.memref_slice %arg9[%dma_start3A, %dma_start3A_46] : memref<96x128xf32, #tpu.memory_space<vmem>> -> memref<96x128xf32, #tpu.memory_space<vmem>>
      %dma_start3A_48 = arith.constant 0 : i32
      %dma_start3A_49 = tpu.memref_slice %arg10[%add3A_24, %dma_start3A_48] : memref<10112x128xf32, #tpu.memory_space<vmem_shared>> -> memref<96x128xf32, #tpu.memory_space<vmem_shared>>
      %dma_start3A_50 = arith.constant 0 : i32
      %dma_start3A_51 = tpu.memref_slice %arg10[%add3A_24, %dma_start3A_50] : memref<10112x128xf32, #tpu.memory_space<vmem_shared>> -> memref<96x128xf32, #tpu.memory_space<vmem_shared>>
      %dma_start3A_52 = arith.constant 0 : i32
      %dma_start3A_53 = arith.constant 0 : i32
      %dma_start3A_54 = tpu.memref_slice %arg9[%dma_start3A_52, %dma_start3A_53] : memref<96x128xf32, #tpu.memory_space<vmem>> -> memref<96x128xf32, #tpu.memory_space<vmem>>
      tpu.enqueue_dma source(%dma_start3A_54 : memref<96x128xf32, #tpu.memory_space<vmem>>) target(%dma_start3A_51 : memref<96x128xf32, #tpu.memory_space<vmem_shared>>) target_semaphore(%run_scoped3A : memref<!tpu.dma_semaphore, #tpu.memory_space<semaphore_mem>>)
      %dma_wait3A = arith.constant 0 : i32
      %dma_wait3A_55 = arith.constant 0 : i32
      %dma_wait3A_56 = tpu.memref_slice %arg9[%dma_wait3A, %dma_wait3A_55] : memref<96x128xf32, #tpu.memory_space<vmem>> -> memref<96x128xf32, #tpu.memory_space<vmem>>
      %dma_wait3A_57 = arith.constant 0 : i32
      %dma_wait3A_58 = tpu.memref_slice %arg10[%add3A_24, %dma_wait3A_57] : memref<10112x128xf32, #tpu.memory_space<vmem_shared>> -> memref<96x128xf32, #tpu.memory_space<vmem_shared>>
      %dma_wait3A_59 = arith.constant 0 : i32
      %dma_wait3A_60 = tpu.memref_slice %arg10[%add3A_24, %dma_wait3A_59] : memref<10112x128xf32, #tpu.memory_space<vmem_shared>> -> memref<96x128xf32, #tpu.memory_space<vmem_shared>>
      %dma_wait3A_61 = arith.constant 0 : i32
      %dma_wait3A_62 = arith.constant 0 : i32
      %dma_wait3A_63 = tpu.memref_slice %arg9[%dma_wait3A_61, %dma_wait3A_62] : memref<96x128xf32, #tpu.memory_space<vmem>> -> memref<96x128xf32, #tpu.memory_space<vmem>>
      tpu.wait_dma2 semaphore(%run_scoped3A : memref<!tpu.dma_semaphore, #tpu.memory_space<semaphore_mem>>) src(%dma_wait3A_63 : memref<96x128xf32, #tpu.memory_space<vmem>>) dst(%dma_wait3A_60 : memref<96x128xf32, #tpu.memory_space<vmem_shared>>)
      tpu.yield
    }) : () -> ()
    %mul3A_25 = arith.constant 632 : i32
    %mul3A_26 = arith.muli %arg1, %mul3A_25 : i32
    %add3A_27 = arith.constant 576 : i32
    %add3A_28 = arith.addi %mul3A_26, %add3A_27 : i32
    "tpu.region"() ({
      %run_scoped3A = tpu.sem_alloc : memref<!tpu.dma_semaphore, #tpu.memory_space<semaphore_mem>>
      %dma_start3A = arith.constant 0 : i32
      %dma_start3A_46 = arith.constant 0 : i32
      %dma_start3A_47 = tpu.memref_slice %arg9[%dma_start3A, %dma_start3A_46] : memref<96x128xf32, #tpu.memory_space<vmem>> -> memref<56x128xf32, #tpu.memory_space<vmem>>
      %dma_start3A_48 = arith.constant 0 : i32
      %dma_start3A_49 = tpu.memref_slice %arg10[%add3A_28, %dma_start3A_48] : memref<10112x128xf32, #tpu.memory_space<vmem_shared>> -> memref<56x128xf32, #tpu.memory_space<vmem_shared>>
      %dma_start3A_50 = arith.constant 0 : i32
      %dma_start3A_51 = tpu.memref_slice %arg10[%add3A_28, %dma_start3A_50] : memref<10112x128xf32, #tpu.memory_space<vmem_shared>> -> memref<56x128xf32, #tpu.memory_space<vmem_shared>>
      %dma_start3A_52 = arith.constant 0 : i32
      %dma_start3A_53 = arith.constant 0 : i32
      %dma_start3A_54 = tpu.memref_slice %arg9[%dma_start3A_52, %dma_start3A_53] : memref<96x128xf32, #tpu.memory_space<vmem>> -> memref<56x128xf32, #tpu.memory_space<vmem>>
      tpu.enqueue_dma source(%dma_start3A_54 : memref<56x128xf32, #tpu.memory_space<vmem>>) target(%dma_start3A_51 : memref<56x128xf32, #tpu.memory_space<vmem_shared>>) target_semaphore(%run_scoped3A : memref<!tpu.dma_semaphore, #tpu.memory_space<semaphore_mem>>)
      %dma_wait3A = arith.constant 0 : i32
      %dma_wait3A_55 = arith.constant 0 : i32
      %dma_wait3A_56 = tpu.memref_slice %arg9[%dma_wait3A, %dma_wait3A_55] : memref<96x128xf32, #tpu.memory_space<vmem>> -> memref<56x128xf32, #tpu.memory_space<vmem>>
      %dma_wait3A_57 = arith.constant 0 : i32
      %dma_wait3A_58 = tpu.memref_slice %arg10[%add3A_28, %dma_wait3A_57] : memref<10112x128xf32, #tpu.memory_space<vmem_shared>> -> memref<56x128xf32, #tpu.memory_space<vmem_shared>>
      %dma_wait3A_59 = arith.constant 0 : i32
      %dma_wait3A_60 = tpu.memref_slice %arg10[%add3A_28, %dma_wait3A_59] : memref<10112x128xf32, #tpu.memory_space<vmem_shared>> -> memref<56x128xf32, #tpu.memory_space<vmem_shared>>
      %dma_wait3A_61 = arith.constant 0 : i32
      %dma_wait3A_62 = arith.constant 0 : i32
      %dma_wait3A_63 = tpu.memref_slice %arg9[%dma_wait3A_61, %dma_wait3A_62] : memref<96x128xf32, #tpu.memory_space<vmem>> -> memref<56x128xf32, #tpu.memory_space<vmem>>
      tpu.wait_dma2 semaphore(%run_scoped3A : memref<!tpu.dma_semaphore, #tpu.memory_space<semaphore_mem>>) src(%dma_wait3A_63 : memref<56x128xf32, #tpu.memory_space<vmem>>) dst(%dma_wait3A_60 : memref<56x128xf32, #tpu.memory_space<vmem_shared>>)
      tpu.yield
    }) : () -> ()
    %barrier3A = arith.constant 0 : index
    tpu.barrier barrier_id(%barrier3A)
    %mul3A_29 = arith.constant 108 : i32
    %mul3A_30 = arith.muli %add3A, %mul3A_29 : i32
    %mul3A_31 = arith.constant 96 : i32
    %mul3A_32 = arith.muli %mul3A_30, %mul3A_31 : i32
    %scan3A = arith.constant 0 : i32
    %scan3A_33 = arith.constant 0 : i32
    %scan3A_34 = arith.constant 54 : i32
    %scan3A_35 = arith.addi %scan3A_33, %scan3A_34 : i32
    %scan3A_36 = arith.constant 1 : i32
    scf.for %scan3A_46 = %scan3A_33 to %scan3A_35 step %scan3A_36  : i32 {
      %mul3A_47 = arith.constant 2 : i32
      %mul3A_48 = arith.muli %mul3A_47, %scan3A_46 : i32
      %add3A_49 = arith.constant 0 : i32
      %add3A_50 = arith.addi %mul3A_48, %add3A_49 : i32
      %gt3A = arith.constant 0 : i32
      %gt3A_51 = arith.cmpi sgt, %scan3A_46, %gt3A : i32
      %convert_element_type3A = arith.extui %gt3A_51 : i1 to i32
      %cond3A = arith.constant 0 : i32
      %cond3A_52 = arith.cmpi ne, %convert_element_type3A, %cond3A : i32
      scf.if %cond3A_52 {
        tpu.wait_dma2 semaphore(%arg11 : memref<!tpu.dma_semaphore, #tpu.memory_space<semaphore_mem>>) src(%arg4 : memref<96x128xf32, #tpu.memory_space<hbm>>) dst(%arg9 : memref<96x128xf32, #tpu.memory_space<vmem>>)
      } else {
      }
      %mul3A_53 = arith.constant 96 : i32
      %mul3A_54 = arith.muli %add3A_50, %mul3A_53 : i32
      %add3A_55 = arith.addi %mul3A_32, %mul3A_54 : i32
      "tpu.region"() ({
        %run_scoped3A = tpu.sem_alloc : memref<!tpu.dma_semaphore, #tpu.memory_space<semaphore_mem>>
        %dma_start3A_73 = tpu.memref_slice %arg2[%add3A_55] : memref<331776xi32, #tpu.memory_space<hbm>> -> memref<96xi32, #tpu.memory_space<hbm>>
        %dma_start3A_74 = tpu.memref_slice %arg2[%add3A_55] : memref<331776xi32, #tpu.memory_space<hbm>> -> memref<96xi32, #tpu.memory_space<hbm>>
        tpu.enqueue_dma source(%dma_start3A_74 : memref<96xi32, #tpu.memory_space<hbm>>) target(%arg6 : memref<96xi32, #tpu.memory_space<vmem>>) target_semaphore(%run_scoped3A : memref<!tpu.dma_semaphore, #tpu.memory_space<semaphore_mem>>)
        %dma_wait3A = tpu.memref_slice %arg2[%add3A_55] : memref<331776xi32, #tpu.memory_space<hbm>> -> memref<96xi32, #tpu.memory_space<hbm>>
        %dma_wait3A_75 = tpu.memref_slice %arg2[%add3A_55] : memref<331776xi32, #tpu.memory_space<hbm>> -> memref<96xi32, #tpu.memory_space<hbm>>
        tpu.wait_dma2 semaphore(%run_scoped3A : memref<!tpu.dma_semaphore, #tpu.memory_space<semaphore_mem>>) src(%dma_wait3A_75 : memref<96xi32, #tpu.memory_space<hbm>>) dst(%arg6 : memref<96xi32, #tpu.memory_space<vmem>>)
        tpu.yield
      }) : () -> ()
      %dma_start3A = arith.constant 0 : i32
      %dma_start3A_56 = arith.constant 0 : i32
      %dma_start3A_57 = tpu.memref_slice %arg10[%dma_start3A, %dma_start3A_56] : memref<10112x128xf32, #tpu.memory_space<vmem_shared>> -> memref<10112x128xf32, #tpu.memory_space<vmem_shared>>
      tpu.enqueue_indirect_dma source(%arg8 : memref<96x128xf32, #tpu.memory_space<vmem>>) target(%dma_start3A_57 : memref<10112x128xf32, #tpu.memory_space<vmem_shared>>) offsets(%arg6 : memref<96xi32, #tpu.memory_space<vmem>>) semaphore(%arg11 : memref<!tpu.dma_semaphore, #tpu.memory_space<semaphore_mem>>) {add = true}
      %mul3A_58 = arith.constant 2 : i32
      %mul3A_59 = arith.muli %mul3A_58, %scan3A_46 : i32
      %add3A_60 = arith.constant 1 : i32
      %add3A_61 = arith.addi %mul3A_59, %add3A_60 : i32
      %gt3A_62 = arith.constant 0 : i32
      %gt3A_63 = arith.cmpi sgt, %scan3A_46, %gt3A_62 : i32
      %convert_element_type3A_64 = arith.extui %gt3A_63 : i1 to i32
      %cond3A_65 = arith.constant 0 : i32
      %cond3A_66 = arith.cmpi ne, %convert_element_type3A_64, %cond3A_65 : i32
      scf.if %cond3A_66 {
        tpu.wait_dma2 semaphore(%arg12 : memref<!tpu.dma_semaphore, #tpu.memory_space<semaphore_mem>>) src(%arg4 : memref<96x128xf32, #tpu.memory_space<hbm>>) dst(%arg9 : memref<96x128xf32, #tpu.memory_space<vmem>>)
      } else {
      }
      %mul3A_67 = arith.constant 96 : i32
      %mul3A_68 = arith.muli %add3A_61, %mul3A_67 : i32
      %add3A_69 = arith.addi %mul3A_32, %mul3A_68 : i32
      "tpu.region"() ({
        %run_scoped3A = tpu.sem_alloc : memref<!tpu.dma_semaphore, #tpu.memory_space<semaphore_mem>>
        %dma_start3A_73 = tpu.memref_slice %arg2[%add3A_69] : memref<331776xi32, #tpu.memory_space<hbm>> -> memref<96xi32, #tpu.memory_space<hbm>>
        %dma_start3A_74 = tpu.memref_slice %arg2[%add3A_69] : memref<331776xi32, #tpu.memory_space<hbm>> -> memref<96xi32, #tpu.memory_space<hbm>>
        tpu.enqueue_dma source(%dma_start3A_74 : memref<96xi32, #tpu.memory_space<hbm>>) target(%arg7 : memref<96xi32, #tpu.memory_space<vmem>>) target_semaphore(%run_scoped3A : memref<!tpu.dma_semaphore, #tpu.memory_space<semaphore_mem>>)
        %dma_wait3A = tpu.memref_slice %arg2[%add3A_69] : memref<331776xi32, #tpu.memory_space<hbm>> -> memref<96xi32, #tpu.memory_space<hbm>>
        %dma_wait3A_75 = tpu.memref_slice %arg2[%add3A_69] : memref<331776xi32, #tpu.memory_space<hbm>> -> memref<96xi32, #tpu.memory_space<hbm>>
        tpu.wait_dma2 semaphore(%run_scoped3A : memref<!tpu.dma_semaphore, #tpu.memory_space<semaphore_mem>>) src(%dma_wait3A_75 : memref<96xi32, #tpu.memory_space<hbm>>) dst(%arg7 : memref<96xi32, #tpu.memory_space<vmem>>)
        tpu.yield
      }) : () -> ()
      %dma_start3A_70 = arith.constant 0 : i32
      %dma_start3A_71 = arith.constant 0 : i32
      %dma_start3A_72 = tpu.memref_slice %arg10[%dma_start3A_70, %dma_start3A_71] : memref<10112x128xf32, #tpu.memory_space<vmem_shared>> -> memref<10112x128xf32, #tpu.memory_space<vmem_shared>>
      tpu.enqueue_indirect_dma source(%arg8 : memref<96x128xf32, #tpu.memory_space<vmem>>) target(%dma_start3A_72 : memref<10112x128xf32, #tpu.memory_space<vmem_shared>>) offsets(%arg7 : memref<96xi32, #tpu.memory_space<vmem>>) semaphore(%arg12 : memref<!tpu.dma_semaphore, #tpu.memory_space<semaphore_mem>>) {add = true}
    }
    %scan3A_37 = arith.constant 54 : i32
    tpu.wait_dma2 semaphore(%arg11 : memref<!tpu.dma_semaphore, #tpu.memory_space<semaphore_mem>>) src(%arg4 : memref<96x128xf32, #tpu.memory_space<hbm>>) dst(%arg9 : memref<96x128xf32, #tpu.memory_space<vmem>>)
    tpu.wait_dma2 semaphore(%arg12 : memref<!tpu.dma_semaphore, #tpu.memory_space<semaphore_mem>>) src(%arg4 : memref<96x128xf32, #tpu.memory_space<hbm>>) dst(%arg9 : memref<96x128xf32, #tpu.memory_space<vmem>>)
    %barrier3A_38 = arith.constant 0 : index
    tpu.barrier barrier_id(%barrier3A_38)
    %mul3A_39 = arith.constant 632 : i32
    %mul3A_40 = arith.muli %arg1, %mul3A_39 : i32
    %mul3A_41 = arith.constant 10112 : i32
    %mul3A_42 = arith.muli %arg0, %mul3A_41 : i32
    %mul3A_43 = arith.constant 632 : i32
    %mul3A_44 = arith.muli %arg1, %mul3A_43 : i32
    %add3A_45 = arith.addi %mul3A_42, %mul3A_44 : i32
    "tpu.region"() ({
      %run_scoped3A = tpu.sem_alloc : memref<!tpu.dma_semaphore, #tpu.memory_space<semaphore_mem>>
      %dma_start3A = arith.constant 0 : i32
      %dma_start3A_46 = tpu.memref_slice %arg5[%add3A_45, %dma_start3A] : memref<20224x128xf32, #tpu.memory_space<hbm>> -> memref<632x128xf32, #tpu.memory_space<hbm>>
      %dma_start3A_47 = arith.constant 0 : i32
      %dma_start3A_48 = tpu.memref_slice %arg10[%mul3A_40, %dma_start3A_47] : memref<10112x128xf32, #tpu.memory_space<vmem_shared>> -> memref<632x128xf32, #tpu.memory_space<vmem_shared>>
      tpu.enqueue_dma source(%dma_start3A_48 : memref<632x128xf32, #tpu.memory_space<vmem_shared>>) target(%dma_start3A_46 : memref<632x128xf32, #tpu.memory_space<hbm>>) target_semaphore(%run_scoped3A : memref<!tpu.dma_semaphore, #tpu.memory_space<semaphore_mem>>)
      %dma_wait3A = arith.constant 0 : i32
      %dma_wait3A_49 = tpu.memref_slice %arg5[%add3A_45, %dma_wait3A] : memref<20224x128xf32, #tpu.memory_space<hbm>> -> memref<632x128xf32, #tpu.memory_space<hbm>>
      %dma_wait3A_50 = arith.constant 0 : i32
      %dma_wait3A_51 = tpu.memref_slice %arg10[%mul3A_40, %dma_wait3A_50] : memref<10112x128xf32, #tpu.memory_space<vmem_shared>> -> memref<632x128xf32, #tpu.memory_space<vmem_shared>>
      tpu.wait_dma2 semaphore(%run_scoped3A : memref<!tpu.dma_semaphore, #tpu.memory_space<semaphore_mem>>) src(%dma_wait3A_51 : memref<632x128xf32, #tpu.memory_space<vmem_shared>>) dst(%dma_wait3A_49 : memref<632x128xf32, #tpu.memory_space<hbm>>)
      tpu.yield
    }) : () -> ()
    return
  }
}

#map = affine_map<(d0, d1) -> (0, 0)>
#map1 = affine_map<(d0, d1) -> (0, 0, 0)>
module attributes {stable_mosaic.version = 14 : i64} {
  func.func @_sc_scatter_rows(%arg0: i32, %arg1: i32, %arg2: memref<10000x128xf32, #tpu.memory_space<hbm>>, %arg3: memref<3456x2x96xi32, #tpu.memory_space<hbm>>, %arg4: memref<96x128xf32, #tpu.memory_space<hbm>>, %arg5: memref<20224x128xf32, #tpu.memory_space<hbm>>, %arg6: memref<2x96xi32, #tpu.memory_space<vmem>>, %arg7: memref<2x96xi32, #tpu.memory_space<vmem>>, %arg8: memref<2x96xi32, #tpu.memory_space<vmem>>, %arg9: memref<2x96xi32, #tpu.memory_space<vmem>>, %arg10: memref<96x128xf32, #tpu.memory_space<vmem>>, %arg11: memref<96x128xf32, #tpu.memory_space<vmem>>, %arg12: memref<96x128xf32, #tpu.memory_space<vmem>>, %arg13: memref<96x128xf32, #tpu.memory_space<vmem>>, %arg14: memref<10112x128xf32, #tpu.memory_space<vmem_shared>>, %arg15: memref<!tpu.dma_semaphore, #tpu.memory_space<semaphore_mem>>, %arg16: memref<!tpu.dma_semaphore, #tpu.memory_space<semaphore_mem>>, %arg17: memref<!tpu.dma_semaphore, #tpu.memory_space<semaphore_mem>>, %arg18: memref<!tpu.dma_semaphore, #tpu.memory_space<semaphore_mem>>, %arg19: memref<!tpu.dma_semaphore, #tpu.memory_space<semaphore_mem>>, %arg20: memref<!tpu.dma_semaphore, #tpu.memory_space<semaphore_mem>>, %arg21: memref<!tpu.dma_semaphore, #tpu.memory_space<semaphore_mem>>, %arg22: memref<!tpu.dma_semaphore, #tpu.memory_space<semaphore_mem>>) attributes {dimension_semantics = [#tpu.dimension_semantics<core_parallel>, #tpu.dimension_semantics<subcore_parallel>], iteration_bounds = array<i64: 2, 16>, scalar_prefetch = 0 : i64, scratch_operands = 17 : i64, tpu.core_type = #tpu.core_type<sc_vector_subcore>, window_params = [{transform_indices = #map}, {transform_indices = #map1}, {transform_indices = #map}, {transform_indices = #map}]} {
    %mul3A = arith.constant 2 : i32
    %mul3A_0 = arith.muli %arg1, %mul3A : i32
    %add3A = arith.addi %mul3A_0, %arg0 : i32
    "tpu.region"() ({
      %run_scoped3A = tpu.sem_alloc : memref<!tpu.dma_semaphore, #tpu.memory_space<semaphore_mem>>
      tpu.enqueue_dma source(%arg4 : memref<96x128xf32, #tpu.memory_space<hbm>>) target(%arg10 : memref<96x128xf32, #tpu.memory_space<vmem>>) target_semaphore(%run_scoped3A : memref<!tpu.dma_semaphore, #tpu.memory_space<semaphore_mem>>)
      tpu.wait_dma2 semaphore(%run_scoped3A : memref<!tpu.dma_semaphore, #tpu.memory_space<semaphore_mem>>) src(%arg4 : memref<96x128xf32, #tpu.memory_space<hbm>>) dst(%arg10 : memref<96x128xf32, #tpu.memory_space<vmem>>)
      tpu.yield
    }) : () -> ()
    %mul3A_1 = arith.constant 632 : i32
    %mul3A_2 = arith.muli %arg1, %mul3A_1 : i32
    %add3A_3 = arith.constant 0 : i32
    %add3A_4 = arith.addi %mul3A_2, %add3A_3 : i32
    "tpu.region"() ({
      %run_scoped3A = tpu.sem_alloc : memref<!tpu.dma_semaphore, #tpu.memory_space<semaphore_mem>>
      %dma_start3A = arith.constant 0 : i32
      %dma_start3A_44 = arith.constant 0 : i32
      %dma_start3A_45 = tpu.memref_slice %arg10[%dma_start3A, %dma_start3A_44] : memref<96x128xf32, #tpu.memory_space<vmem>> -> memref<96x128xf32, #tpu.memory_space<vmem>>
      %dma_start3A_46 = arith.constant 0 : i32
      %dma_start3A_47 = tpu.memref_slice %arg14[%add3A_4, %dma_start3A_46] : memref<10112x128xf32, #tpu.memory_space<vmem_shared>> -> memref<96x128xf32, #tpu.memory_space<vmem_shared>>
      %dma_start3A_48 = arith.constant 0 : i32
      %dma_start3A_49 = tpu.memref_slice %arg14[%add3A_4, %dma_start3A_48] : memref<10112x128xf32, #tpu.memory_space<vmem_shared>> -> memref<96x128xf32, #tpu.memory_space<vmem_shared>>
      %dma_start3A_50 = arith.constant 0 : i32
      %dma_start3A_51 = arith.constant 0 : i32
      %dma_start3A_52 = tpu.memref_slice %arg10[%dma_start3A_50, %dma_start3A_51] : memref<96x128xf32, #tpu.memory_space<vmem>> -> memref<96x128xf32, #tpu.memory_space<vmem>>
      tpu.enqueue_dma source(%dma_start3A_52 : memref<96x128xf32, #tpu.memory_space<vmem>>) target(%dma_start3A_49 : memref<96x128xf32, #tpu.memory_space<vmem_shared>>) target_semaphore(%run_scoped3A : memref<!tpu.dma_semaphore, #tpu.memory_space<semaphore_mem>>)
      %dma_wait3A = arith.constant 0 : i32
      %dma_wait3A_53 = arith.constant 0 : i32
      %dma_wait3A_54 = tpu.memref_slice %arg10[%dma_wait3A, %dma_wait3A_53] : memref<96x128xf32, #tpu.memory_space<vmem>> -> memref<96x128xf32, #tpu.memory_space<vmem>>
      %dma_wait3A_55 = arith.constant 0 : i32
      %dma_wait3A_56 = tpu.memref_slice %arg14[%add3A_4, %dma_wait3A_55] : memref<10112x128xf32, #tpu.memory_space<vmem_shared>> -> memref<96x128xf32, #tpu.memory_space<vmem_shared>>
      %dma_wait3A_57 = arith.constant 0 : i32
      %dma_wait3A_58 = tpu.memref_slice %arg14[%add3A_4, %dma_wait3A_57] : memref<10112x128xf32, #tpu.memory_space<vmem_shared>> -> memref<96x128xf32, #tpu.memory_space<vmem_shared>>
      %dma_wait3A_59 = arith.constant 0 : i32
      %dma_wait3A_60 = arith.constant 0 : i32
      %dma_wait3A_61 = tpu.memref_slice %arg10[%dma_wait3A_59, %dma_wait3A_60] : memref<96x128xf32, #tpu.memory_space<vmem>> -> memref<96x128xf32, #tpu.memory_space<vmem>>
      tpu.wait_dma2 semaphore(%run_scoped3A : memref<!tpu.dma_semaphore, #tpu.memory_space<semaphore_mem>>) src(%dma_wait3A_61 : memref<96x128xf32, #tpu.memory_space<vmem>>) dst(%dma_wait3A_58 : memref<96x128xf32, #tpu.memory_space<vmem_shared>>)
      tpu.yield
    }) : () -> ()
    %mul3A_5 = arith.constant 632 : i32
    %mul3A_6 = arith.muli %arg1, %mul3A_5 : i32
    %add3A_7 = arith.constant 96 : i32
    %add3A_8 = arith.addi %mul3A_6, %add3A_7 : i32
    "tpu.region"() ({
      %run_scoped3A = tpu.sem_alloc : memref<!tpu.dma_semaphore, #tpu.memory_space<semaphore_mem>>
      %dma_start3A = arith.constant 0 : i32
      %dma_start3A_44 = arith.constant 0 : i32
      %dma_start3A_45 = tpu.memref_slice %arg10[%dma_start3A, %dma_start3A_44] : memref<96x128xf32, #tpu.memory_space<vmem>> -> memref<96x128xf32, #tpu.memory_space<vmem>>
      %dma_start3A_46 = arith.constant 0 : i32
      %dma_start3A_47 = tpu.memref_slice %arg14[%add3A_8, %dma_start3A_46] : memref<10112x128xf32, #tpu.memory_space<vmem_shared>> -> memref<96x128xf32, #tpu.memory_space<vmem_shared>>
      %dma_start3A_48 = arith.constant 0 : i32
      %dma_start3A_49 = tpu.memref_slice %arg14[%add3A_8, %dma_start3A_48] : memref<10112x128xf32, #tpu.memory_space<vmem_shared>> -> memref<96x128xf32, #tpu.memory_space<vmem_shared>>
      %dma_start3A_50 = arith.constant 0 : i32
      %dma_start3A_51 = arith.constant 0 : i32
      %dma_start3A_52 = tpu.memref_slice %arg10[%dma_start3A_50, %dma_start3A_51] : memref<96x128xf32, #tpu.memory_space<vmem>> -> memref<96x128xf32, #tpu.memory_space<vmem>>
      tpu.enqueue_dma source(%dma_start3A_52 : memref<96x128xf32, #tpu.memory_space<vmem>>) target(%dma_start3A_49 : memref<96x128xf32, #tpu.memory_space<vmem_shared>>) target_semaphore(%run_scoped3A : memref<!tpu.dma_semaphore, #tpu.memory_space<semaphore_mem>>)
      %dma_wait3A = arith.constant 0 : i32
      %dma_wait3A_53 = arith.constant 0 : i32
      %dma_wait3A_54 = tpu.memref_slice %arg10[%dma_wait3A, %dma_wait3A_53] : memref<96x128xf32, #tpu.memory_space<vmem>> -> memref<96x128xf32, #tpu.memory_space<vmem>>
      %dma_wait3A_55 = arith.constant 0 : i32
      %dma_wait3A_56 = tpu.memref_slice %arg14[%add3A_8, %dma_wait3A_55] : memref<10112x128xf32, #tpu.memory_space<vmem_shared>> -> memref<96x128xf32, #tpu.memory_space<vmem_shared>>
      %dma_wait3A_57 = arith.constant 0 : i32
      %dma_wait3A_58 = tpu.memref_slice %arg14[%add3A_8, %dma_wait3A_57] : memref<10112x128xf32, #tpu.memory_space<vmem_shared>> -> memref<96x128xf32, #tpu.memory_space<vmem_shared>>
      %dma_wait3A_59 = arith.constant 0 : i32
      %dma_wait3A_60 = arith.constant 0 : i32
      %dma_wait3A_61 = tpu.memref_slice %arg10[%dma_wait3A_59, %dma_wait3A_60] : memref<96x128xf32, #tpu.memory_space<vmem>> -> memref<96x128xf32, #tpu.memory_space<vmem>>
      tpu.wait_dma2 semaphore(%run_scoped3A : memref<!tpu.dma_semaphore, #tpu.memory_space<semaphore_mem>>) src(%dma_wait3A_61 : memref<96x128xf32, #tpu.memory_space<vmem>>) dst(%dma_wait3A_58 : memref<96x128xf32, #tpu.memory_space<vmem_shared>>)
      tpu.yield
    }) : () -> ()
    %mul3A_9 = arith.constant 632 : i32
    %mul3A_10 = arith.muli %arg1, %mul3A_9 : i32
    %add3A_11 = arith.constant 192 : i32
    %add3A_12 = arith.addi %mul3A_10, %add3A_11 : i32
    "tpu.region"() ({
      %run_scoped3A = tpu.sem_alloc : memref<!tpu.dma_semaphore, #tpu.memory_space<semaphore_mem>>
      %dma_start3A = arith.constant 0 : i32
      %dma_start3A_44 = arith.constant 0 : i32
      %dma_start3A_45 = tpu.memref_slice %arg10[%dma_start3A, %dma_start3A_44] : memref<96x128xf32, #tpu.memory_space<vmem>> -> memref<96x128xf32, #tpu.memory_space<vmem>>
      %dma_start3A_46 = arith.constant 0 : i32
      %dma_start3A_47 = tpu.memref_slice %arg14[%add3A_12, %dma_start3A_46] : memref<10112x128xf32, #tpu.memory_space<vmem_shared>> -> memref<96x128xf32, #tpu.memory_space<vmem_shared>>
      %dma_start3A_48 = arith.constant 0 : i32
      %dma_start3A_49 = tpu.memref_slice %arg14[%add3A_12, %dma_start3A_48] : memref<10112x128xf32, #tpu.memory_space<vmem_shared>> -> memref<96x128xf32, #tpu.memory_space<vmem_shared>>
      %dma_start3A_50 = arith.constant 0 : i32
      %dma_start3A_51 = arith.constant 0 : i32
      %dma_start3A_52 = tpu.memref_slice %arg10[%dma_start3A_50, %dma_start3A_51] : memref<96x128xf32, #tpu.memory_space<vmem>> -> memref<96x128xf32, #tpu.memory_space<vmem>>
      tpu.enqueue_dma source(%dma_start3A_52 : memref<96x128xf32, #tpu.memory_space<vmem>>) target(%dma_start3A_49 : memref<96x128xf32, #tpu.memory_space<vmem_shared>>) target_semaphore(%run_scoped3A : memref<!tpu.dma_semaphore, #tpu.memory_space<semaphore_mem>>)
      %dma_wait3A = arith.constant 0 : i32
      %dma_wait3A_53 = arith.constant 0 : i32
      %dma_wait3A_54 = tpu.memref_slice %arg10[%dma_wait3A, %dma_wait3A_53] : memref<96x128xf32, #tpu.memory_space<vmem>> -> memref<96x128xf32, #tpu.memory_space<vmem>>
      %dma_wait3A_55 = arith.constant 0 : i32
      %dma_wait3A_56 = tpu.memref_slice %arg14[%add3A_12, %dma_wait3A_55] : memref<10112x128xf32, #tpu.memory_space<vmem_shared>> -> memref<96x128xf32, #tpu.memory_space<vmem_shared>>
      %dma_wait3A_57 = arith.constant 0 : i32
      %dma_wait3A_58 = tpu.memref_slice %arg14[%add3A_12, %dma_wait3A_57] : memref<10112x128xf32, #tpu.memory_space<vmem_shared>> -> memref<96x128xf32, #tpu.memory_space<vmem_shared>>
      %dma_wait3A_59 = arith.constant 0 : i32
      %dma_wait3A_60 = arith.constant 0 : i32
      %dma_wait3A_61 = tpu.memref_slice %arg10[%dma_wait3A_59, %dma_wait3A_60] : memref<96x128xf32, #tpu.memory_space<vmem>> -> memref<96x128xf32, #tpu.memory_space<vmem>>
      tpu.wait_dma2 semaphore(%run_scoped3A : memref<!tpu.dma_semaphore, #tpu.memory_space<semaphore_mem>>) src(%dma_wait3A_61 : memref<96x128xf32, #tpu.memory_space<vmem>>) dst(%dma_wait3A_58 : memref<96x128xf32, #tpu.memory_space<vmem_shared>>)
      tpu.yield
    }) : () -> ()
    %mul3A_13 = arith.constant 632 : i32
    %mul3A_14 = arith.muli %arg1, %mul3A_13 : i32
    %add3A_15 = arith.constant 288 : i32
    %add3A_16 = arith.addi %mul3A_14, %add3A_15 : i32
    "tpu.region"() ({
      %run_scoped3A = tpu.sem_alloc : memref<!tpu.dma_semaphore, #tpu.memory_space<semaphore_mem>>
      %dma_start3A = arith.constant 0 : i32
      %dma_start3A_44 = arith.constant 0 : i32
      %dma_start3A_45 = tpu.memref_slice %arg10[%dma_start3A, %dma_start3A_44] : memref<96x128xf32, #tpu.memory_space<vmem>> -> memref<96x128xf32, #tpu.memory_space<vmem>>
      %dma_start3A_46 = arith.constant 0 : i32
      %dma_start3A_47 = tpu.memref_slice %arg14[%add3A_16, %dma_start3A_46] : memref<10112x128xf32, #tpu.memory_space<vmem_shared>> -> memref<96x128xf32, #tpu.memory_space<vmem_shared>>
      %dma_start3A_48 = arith.constant 0 : i32
      %dma_start3A_49 = tpu.memref_slice %arg14[%add3A_16, %dma_start3A_48] : memref<10112x128xf32, #tpu.memory_space<vmem_shared>> -> memref<96x128xf32, #tpu.memory_space<vmem_shared>>
      %dma_start3A_50 = arith.constant 0 : i32
      %dma_start3A_51 = arith.constant 0 : i32
      %dma_start3A_52 = tpu.memref_slice %arg10[%dma_start3A_50, %dma_start3A_51] : memref<96x128xf32, #tpu.memory_space<vmem>> -> memref<96x128xf32, #tpu.memory_space<vmem>>
      tpu.enqueue_dma source(%dma_start3A_52 : memref<96x128xf32, #tpu.memory_space<vmem>>) target(%dma_start3A_49 : memref<96x128xf32, #tpu.memory_space<vmem_shared>>) target_semaphore(%run_scoped3A : memref<!tpu.dma_semaphore, #tpu.memory_space<semaphore_mem>>)
      %dma_wait3A = arith.constant 0 : i32
      %dma_wait3A_53 = arith.constant 0 : i32
      %dma_wait3A_54 = tpu.memref_slice %arg10[%dma_wait3A, %dma_wait3A_53] : memref<96x128xf32, #tpu.memory_space<vmem>> -> memref<96x128xf32, #tpu.memory_space<vmem>>
      %dma_wait3A_55 = arith.constant 0 : i32
      %dma_wait3A_56 = tpu.memref_slice %arg14[%add3A_16, %dma_wait3A_55] : memref<10112x128xf32, #tpu.memory_space<vmem_shared>> -> memref<96x128xf32, #tpu.memory_space<vmem_shared>>
      %dma_wait3A_57 = arith.constant 0 : i32
      %dma_wait3A_58 = tpu.memref_slice %arg14[%add3A_16, %dma_wait3A_57] : memref<10112x128xf32, #tpu.memory_space<vmem_shared>> -> memref<96x128xf32, #tpu.memory_space<vmem_shared>>
      %dma_wait3A_59 = arith.constant 0 : i32
      %dma_wait3A_60 = arith.constant 0 : i32
      %dma_wait3A_61 = tpu.memref_slice %arg10[%dma_wait3A_59, %dma_wait3A_60] : memref<96x128xf32, #tpu.memory_space<vmem>> -> memref<96x128xf32, #tpu.memory_space<vmem>>
      tpu.wait_dma2 semaphore(%run_scoped3A : memref<!tpu.dma_semaphore, #tpu.memory_space<semaphore_mem>>) src(%dma_wait3A_61 : memref<96x128xf32, #tpu.memory_space<vmem>>) dst(%dma_wait3A_58 : memref<96x128xf32, #tpu.memory_space<vmem_shared>>)
      tpu.yield
    }) : () -> ()
    %mul3A_17 = arith.constant 632 : i32
    %mul3A_18 = arith.muli %arg1, %mul3A_17 : i32
    %add3A_19 = arith.constant 384 : i32
    %add3A_20 = arith.addi %mul3A_18, %add3A_19 : i32
    "tpu.region"() ({
      %run_scoped3A = tpu.sem_alloc : memref<!tpu.dma_semaphore, #tpu.memory_space<semaphore_mem>>
      %dma_start3A = arith.constant 0 : i32
      %dma_start3A_44 = arith.constant 0 : i32
      %dma_start3A_45 = tpu.memref_slice %arg10[%dma_start3A, %dma_start3A_44] : memref<96x128xf32, #tpu.memory_space<vmem>> -> memref<96x128xf32, #tpu.memory_space<vmem>>
      %dma_start3A_46 = arith.constant 0 : i32
      %dma_start3A_47 = tpu.memref_slice %arg14[%add3A_20, %dma_start3A_46] : memref<10112x128xf32, #tpu.memory_space<vmem_shared>> -> memref<96x128xf32, #tpu.memory_space<vmem_shared>>
      %dma_start3A_48 = arith.constant 0 : i32
      %dma_start3A_49 = tpu.memref_slice %arg14[%add3A_20, %dma_start3A_48] : memref<10112x128xf32, #tpu.memory_space<vmem_shared>> -> memref<96x128xf32, #tpu.memory_space<vmem_shared>>
      %dma_start3A_50 = arith.constant 0 : i32
      %dma_start3A_51 = arith.constant 0 : i32
      %dma_start3A_52 = tpu.memref_slice %arg10[%dma_start3A_50, %dma_start3A_51] : memref<96x128xf32, #tpu.memory_space<vmem>> -> memref<96x128xf32, #tpu.memory_space<vmem>>
      tpu.enqueue_dma source(%dma_start3A_52 : memref<96x128xf32, #tpu.memory_space<vmem>>) target(%dma_start3A_49 : memref<96x128xf32, #tpu.memory_space<vmem_shared>>) target_semaphore(%run_scoped3A : memref<!tpu.dma_semaphore, #tpu.memory_space<semaphore_mem>>)
      %dma_wait3A = arith.constant 0 : i32
      %dma_wait3A_53 = arith.constant 0 : i32
      %dma_wait3A_54 = tpu.memref_slice %arg10[%dma_wait3A, %dma_wait3A_53] : memref<96x128xf32, #tpu.memory_space<vmem>> -> memref<96x128xf32, #tpu.memory_space<vmem>>
      %dma_wait3A_55 = arith.constant 0 : i32
      %dma_wait3A_56 = tpu.memref_slice %arg14[%add3A_20, %dma_wait3A_55] : memref<10112x128xf32, #tpu.memory_space<vmem_shared>> -> memref<96x128xf32, #tpu.memory_space<vmem_shared>>
      %dma_wait3A_57 = arith.constant 0 : i32
      %dma_wait3A_58 = tpu.memref_slice %arg14[%add3A_20, %dma_wait3A_57] : memref<10112x128xf32, #tpu.memory_space<vmem_shared>> -> memref<96x128xf32, #tpu.memory_space<vmem_shared>>
      %dma_wait3A_59 = arith.constant 0 : i32
      %dma_wait3A_60 = arith.constant 0 : i32
      %dma_wait3A_61 = tpu.memref_slice %arg10[%dma_wait3A_59, %dma_wait3A_60] : memref<96x128xf32, #tpu.memory_space<vmem>> -> memref<96x128xf32, #tpu.memory_space<vmem>>
      tpu.wait_dma2 semaphore(%run_scoped3A : memref<!tpu.dma_semaphore, #tpu.memory_space<semaphore_mem>>) src(%dma_wait3A_61 : memref<96x128xf32, #tpu.memory_space<vmem>>) dst(%dma_wait3A_58 : memref<96x128xf32, #tpu.memory_space<vmem_shared>>)
      tpu.yield
    }) : () -> ()
    %mul3A_21 = arith.constant 632 : i32
    %mul3A_22 = arith.muli %arg1, %mul3A_21 : i32
    %add3A_23 = arith.constant 480 : i32
    %add3A_24 = arith.addi %mul3A_22, %add3A_23 : i32
    "tpu.region"() ({
      %run_scoped3A = tpu.sem_alloc : memref<!tpu.dma_semaphore, #tpu.memory_space<semaphore_mem>>
      %dma_start3A = arith.constant 0 : i32
      %dma_start3A_44 = arith.constant 0 : i32
      %dma_start3A_45 = tpu.memref_slice %arg10[%dma_start3A, %dma_start3A_44] : memref<96x128xf32, #tpu.memory_space<vmem>> -> memref<96x128xf32, #tpu.memory_space<vmem>>
      %dma_start3A_46 = arith.constant 0 : i32
      %dma_start3A_47 = tpu.memref_slice %arg14[%add3A_24, %dma_start3A_46] : memref<10112x128xf32, #tpu.memory_space<vmem_shared>> -> memref<96x128xf32, #tpu.memory_space<vmem_shared>>
      %dma_start3A_48 = arith.constant 0 : i32
      %dma_start3A_49 = tpu.memref_slice %arg14[%add3A_24, %dma_start3A_48] : memref<10112x128xf32, #tpu.memory_space<vmem_shared>> -> memref<96x128xf32, #tpu.memory_space<vmem_shared>>
      %dma_start3A_50 = arith.constant 0 : i32
      %dma_start3A_51 = arith.constant 0 : i32
      %dma_start3A_52 = tpu.memref_slice %arg10[%dma_start3A_50, %dma_start3A_51] : memref<96x128xf32, #tpu.memory_space<vmem>> -> memref<96x128xf32, #tpu.memory_space<vmem>>
      tpu.enqueue_dma source(%dma_start3A_52 : memref<96x128xf32, #tpu.memory_space<vmem>>) target(%dma_start3A_49 : memref<96x128xf32, #tpu.memory_space<vmem_shared>>) target_semaphore(%run_scoped3A : memref<!tpu.dma_semaphore, #tpu.memory_space<semaphore_mem>>)
      %dma_wait3A = arith.constant 0 : i32
      %dma_wait3A_53 = arith.constant 0 : i32
      %dma_wait3A_54 = tpu.memref_slice %arg10[%dma_wait3A, %dma_wait3A_53] : memref<96x128xf32, #tpu.memory_space<vmem>> -> memref<96x128xf32, #tpu.memory_space<vmem>>
      %dma_wait3A_55 = arith.constant 0 : i32
      %dma_wait3A_56 = tpu.memref_slice %arg14[%add3A_24, %dma_wait3A_55] : memref<10112x128xf32, #tpu.memory_space<vmem_shared>> -> memref<96x128xf32, #tpu.memory_space<vmem_shared>>
      %dma_wait3A_57 = arith.constant 0 : i32
      %dma_wait3A_58 = tpu.memref_slice %arg14[%add3A_24, %dma_wait3A_57] : memref<10112x128xf32, #tpu.memory_space<vmem_shared>> -> memref<96x128xf32, #tpu.memory_space<vmem_shared>>
      %dma_wait3A_59 = arith.constant 0 : i32
      %dma_wait3A_60 = arith.constant 0 : i32
      %dma_wait3A_61 = tpu.memref_slice %arg10[%dma_wait3A_59, %dma_wait3A_60] : memref<96x128xf32, #tpu.memory_space<vmem>> -> memref<96x128xf32, #tpu.memory_space<vmem>>
      tpu.wait_dma2 semaphore(%run_scoped3A : memref<!tpu.dma_semaphore, #tpu.memory_space<semaphore_mem>>) src(%dma_wait3A_61 : memref<96x128xf32, #tpu.memory_space<vmem>>) dst(%dma_wait3A_58 : memref<96x128xf32, #tpu.memory_space<vmem_shared>>)
      tpu.yield
    }) : () -> ()
    %mul3A_25 = arith.constant 632 : i32
    %mul3A_26 = arith.muli %arg1, %mul3A_25 : i32
    %add3A_27 = arith.constant 576 : i32
    %add3A_28 = arith.addi %mul3A_26, %add3A_27 : i32
    "tpu.region"() ({
      %run_scoped3A = tpu.sem_alloc : memref<!tpu.dma_semaphore, #tpu.memory_space<semaphore_mem>>
      %dma_start3A = arith.constant 0 : i32
      %dma_start3A_44 = arith.constant 0 : i32
      %dma_start3A_45 = tpu.memref_slice %arg10[%dma_start3A, %dma_start3A_44] : memref<96x128xf32, #tpu.memory_space<vmem>> -> memref<56x128xf32, #tpu.memory_space<vmem>>
      %dma_start3A_46 = arith.constant 0 : i32
      %dma_start3A_47 = tpu.memref_slice %arg14[%add3A_28, %dma_start3A_46] : memref<10112x128xf32, #tpu.memory_space<vmem_shared>> -> memref<56x128xf32, #tpu.memory_space<vmem_shared>>
      %dma_start3A_48 = arith.constant 0 : i32
      %dma_start3A_49 = tpu.memref_slice %arg14[%add3A_28, %dma_start3A_48] : memref<10112x128xf32, #tpu.memory_space<vmem_shared>> -> memref<56x128xf32, #tpu.memory_space<vmem_shared>>
      %dma_start3A_50 = arith.constant 0 : i32
      %dma_start3A_51 = arith.constant 0 : i32
      %dma_start3A_52 = tpu.memref_slice %arg10[%dma_start3A_50, %dma_start3A_51] : memref<96x128xf32, #tpu.memory_space<vmem>> -> memref<56x128xf32, #tpu.memory_space<vmem>>
      tpu.enqueue_dma source(%dma_start3A_52 : memref<56x128xf32, #tpu.memory_space<vmem>>) target(%dma_start3A_49 : memref<56x128xf32, #tpu.memory_space<vmem_shared>>) target_semaphore(%run_scoped3A : memref<!tpu.dma_semaphore, #tpu.memory_space<semaphore_mem>>)
      %dma_wait3A = arith.constant 0 : i32
      %dma_wait3A_53 = arith.constant 0 : i32
      %dma_wait3A_54 = tpu.memref_slice %arg10[%dma_wait3A, %dma_wait3A_53] : memref<96x128xf32, #tpu.memory_space<vmem>> -> memref<56x128xf32, #tpu.memory_space<vmem>>
      %dma_wait3A_55 = arith.constant 0 : i32
      %dma_wait3A_56 = tpu.memref_slice %arg14[%add3A_28, %dma_wait3A_55] : memref<10112x128xf32, #tpu.memory_space<vmem_shared>> -> memref<56x128xf32, #tpu.memory_space<vmem_shared>>
      %dma_wait3A_57 = arith.constant 0 : i32
      %dma_wait3A_58 = tpu.memref_slice %arg14[%add3A_28, %dma_wait3A_57] : memref<10112x128xf32, #tpu.memory_space<vmem_shared>> -> memref<56x128xf32, #tpu.memory_space<vmem_shared>>
      %dma_wait3A_59 = arith.constant 0 : i32
      %dma_wait3A_60 = arith.constant 0 : i32
      %dma_wait3A_61 = tpu.memref_slice %arg10[%dma_wait3A_59, %dma_wait3A_60] : memref<96x128xf32, #tpu.memory_space<vmem>> -> memref<56x128xf32, #tpu.memory_space<vmem>>
      tpu.wait_dma2 semaphore(%run_scoped3A : memref<!tpu.dma_semaphore, #tpu.memory_space<semaphore_mem>>) src(%dma_wait3A_61 : memref<56x128xf32, #tpu.memory_space<vmem>>) dst(%dma_wait3A_58 : memref<56x128xf32, #tpu.memory_space<vmem_shared>>)
      tpu.yield
    }) : () -> ()
    %barrier3A = arith.constant 0 : index
    tpu.barrier barrier_id(%barrier3A)
    %mul3A_29 = arith.constant 108 : i32
    %mul3A_30 = arith.muli %add3A, %mul3A_29 : i32
    %scan3A = arith.constant 0 : i32
    %scan3A_31 = arith.constant 0 : i32
    %scan3A_32 = arith.constant 27 : i32
    %scan3A_33 = arith.addi %scan3A_31, %scan3A_32 : i32
    %scan3A_34 = arith.constant 1 : i32
    scf.for %scan3A_44 = %scan3A_31 to %scan3A_33 step %scan3A_34  : i32 {
      %mul3A_45 = arith.constant 4 : i32
      %mul3A_46 = arith.muli %mul3A_45, %scan3A_44 : i32
      %add3A_47 = arith.addi %mul3A_30, %mul3A_46 : i32
      %add3A_48 = arith.constant 0 : i32
      %add3A_49 = arith.addi %add3A_47, %add3A_48 : i32
      %gt3A = arith.constant 0 : i32
      %gt3A_50 = arith.cmpi sgt, %scan3A_44, %gt3A : i32
      %convert_element_type3A = arith.extui %gt3A_50 : i1 to i32
      %cond3A = arith.constant 0 : i32
      %cond3A_51 = arith.cmpi ne, %convert_element_type3A, %cond3A : i32
      scf.if %cond3A_51 {
        tpu.wait_dma2 semaphore(%arg19 : memref<!tpu.dma_semaphore, #tpu.memory_space<semaphore_mem>>) src(%arg4 : memref<96x128xf32, #tpu.memory_space<hbm>>) dst(%arg10 : memref<96x128xf32, #tpu.memory_space<vmem>>)
      } else {
      }
      "tpu.region"() ({
        %run_scoped3A = tpu.sem_alloc : memref<!tpu.dma_semaphore, #tpu.memory_space<semaphore_mem>>
        %dma_start3A_164 = arith.constant 0 : i32
        %dma_start3A_165 = arith.constant 0 : i32
        %dma_start3A_166 = tpu.memref_slice %arg3[%add3A_49, %dma_start3A_164, %dma_start3A_165] : memref<3456x2x96xi32, #tpu.memory_space<hbm>> -> memref<1x2x96xi32, #tpu.memory_space<hbm>>
        %dma_start3A_167 = tpu.memref_squeeze %dma_start3A_166 : memref<1x2x96xi32, #tpu.memory_space<hbm>> -> memref<2x96xi32, #tpu.memory_space<hbm>>
        %dma_start3A_168 = arith.constant 0 : i32
        %dma_start3A_169 = arith.constant 0 : i32
        %dma_start3A_170 = tpu.memref_slice %arg3[%add3A_49, %dma_start3A_168, %dma_start3A_169] : memref<3456x2x96xi32, #tpu.memory_space<hbm>> -> memref<1x2x96xi32, #tpu.memory_space<hbm>>
        %dma_start3A_171 = tpu.memref_squeeze %dma_start3A_170 : memref<1x2x96xi32, #tpu.memory_space<hbm>> -> memref<2x96xi32, #tpu.memory_space<hbm>>
        tpu.enqueue_dma source(%dma_start3A_171 : memref<2x96xi32, #tpu.memory_space<hbm>>) target(%arg6 : memref<2x96xi32, #tpu.memory_space<vmem>>) target_semaphore(%run_scoped3A : memref<!tpu.dma_semaphore, #tpu.memory_space<semaphore_mem>>)
        %dma_wait3A_172 = arith.constant 0 : i32
        %dma_wait3A_173 = arith.constant 0 : i32
        %dma_wait3A_174 = tpu.memref_slice %arg3[%add3A_49, %dma_wait3A_172, %dma_wait3A_173] : memref<3456x2x96xi32, #tpu.memory_space<hbm>> -> memref<1x2x96xi32, #tpu.memory_space<hbm>>
        %dma_wait3A_175 = tpu.memref_squeeze %dma_wait3A_174 : memref<1x2x96xi32, #tpu.memory_space<hbm>> -> memref<2x96xi32, #tpu.memory_space<hbm>>
        %dma_wait3A_176 = arith.constant 0 : i32
        %dma_wait3A_177 = arith.constant 0 : i32
        %dma_wait3A_178 = tpu.memref_slice %arg3[%add3A_49, %dma_wait3A_176, %dma_wait3A_177] : memref<3456x2x96xi32, #tpu.memory_space<hbm>> -> memref<1x2x96xi32, #tpu.memory_space<hbm>>
        %dma_wait3A_179 = tpu.memref_squeeze %dma_wait3A_178 : memref<1x2x96xi32, #tpu.memory_space<hbm>> -> memref<2x96xi32, #tpu.memory_space<hbm>>
        tpu.wait_dma2 semaphore(%run_scoped3A : memref<!tpu.dma_semaphore, #tpu.memory_space<semaphore_mem>>) src(%dma_wait3A_179 : memref<2x96xi32, #tpu.memory_space<hbm>>) dst(%arg6 : memref<2x96xi32, #tpu.memory_space<vmem>>)
        tpu.yield
      }) : () -> ()
      %dma_start3A = arith.constant 0 : i32
      %dma_start3A_52 = arith.constant 0 : i32
      %dma_start3A_53 = tpu.memref_slice %arg6[%dma_start3A, %dma_start3A_52] : memref<2x96xi32, #tpu.memory_space<vmem>> -> memref<1x96xi32, #tpu.memory_space<vmem>>
      %dma_start3A_54 = tpu.memref_squeeze %dma_start3A_53 : memref<1x96xi32, #tpu.memory_space<vmem>> -> memref<96xi32, #tpu.memory_space<vmem>>
      %dma_start3A_55 = arith.constant 0 : i32
      %dma_start3A_56 = arith.constant 0 : i32
      %dma_start3A_57 = tpu.memref_slice %arg2[%dma_start3A_55, %dma_start3A_56] : memref<10000x128xf32, #tpu.memory_space<hbm>> -> memref<10000x128xf32, #tpu.memory_space<hbm>>
      tpu.enqueue_indirect_dma source(%dma_start3A_57 : memref<10000x128xf32, #tpu.memory_space<hbm>>) target(%arg10 : memref<96x128xf32, #tpu.memory_space<vmem>>) offsets(%dma_start3A_54 : memref<96xi32, #tpu.memory_space<vmem>>) semaphore(%arg15 : memref<!tpu.dma_semaphore, #tpu.memory_space<semaphore_mem>>)
      %mul3A_58 = arith.constant 4 : i32
      %mul3A_59 = arith.muli %mul3A_58, %scan3A_44 : i32
      %add3A_60 = arith.addi %mul3A_30, %mul3A_59 : i32
      %add3A_61 = arith.constant 1 : i32
      %add3A_62 = arith.addi %add3A_60, %add3A_61 : i32
      %gt3A_63 = arith.constant 0 : i32
      %gt3A_64 = arith.cmpi sgt, %scan3A_44, %gt3A_63 : i32
      %convert_element_type3A_65 = arith.extui %gt3A_64 : i1 to i32
      %cond3A_66 = arith.constant 0 : i32
      %cond3A_67 = arith.cmpi ne, %convert_element_type3A_65, %cond3A_66 : i32
      scf.if %cond3A_67 {
        tpu.wait_dma2 semaphore(%arg20 : memref<!tpu.dma_semaphore, #tpu.memory_space<semaphore_mem>>) src(%arg4 : memref<96x128xf32, #tpu.memory_space<hbm>>) dst(%arg11 : memref<96x128xf32, #tpu.memory_space<vmem>>)
      } else {
      }
      "tpu.region"() ({
        %run_scoped3A = tpu.sem_alloc : memref<!tpu.dma_semaphore, #tpu.memory_space<semaphore_mem>>
        %dma_start3A_164 = arith.constant 0 : i32
        %dma_start3A_165 = arith.constant 0 : i32
        %dma_start3A_166 = tpu.memref_slice %arg3[%add3A_62, %dma_start3A_164, %dma_start3A_165] : memref<3456x2x96xi32, #tpu.memory_space<hbm>> -> memref<1x2x96xi32, #tpu.memory_space<hbm>>
        %dma_start3A_167 = tpu.memref_squeeze %dma_start3A_166 : memref<1x2x96xi32, #tpu.memory_space<hbm>> -> memref<2x96xi32, #tpu.memory_space<hbm>>
        %dma_start3A_168 = arith.constant 0 : i32
        %dma_start3A_169 = arith.constant 0 : i32
        %dma_start3A_170 = tpu.memref_slice %arg3[%add3A_62, %dma_start3A_168, %dma_start3A_169] : memref<3456x2x96xi32, #tpu.memory_space<hbm>> -> memref<1x2x96xi32, #tpu.memory_space<hbm>>
        %dma_start3A_171 = tpu.memref_squeeze %dma_start3A_170 : memref<1x2x96xi32, #tpu.memory_space<hbm>> -> memref<2x96xi32, #tpu.memory_space<hbm>>
        tpu.enqueue_dma source(%dma_start3A_171 : memref<2x96xi32, #tpu.memory_space<hbm>>) target(%arg7 : memref<2x96xi32, #tpu.memory_space<vmem>>) target_semaphore(%run_scoped3A : memref<!tpu.dma_semaphore, #tpu.memory_space<semaphore_mem>>)
        %dma_wait3A_172 = arith.constant 0 : i32
        %dma_wait3A_173 = arith.constant 0 : i32
        %dma_wait3A_174 = tpu.memref_slice %arg3[%add3A_62, %dma_wait3A_172, %dma_wait3A_173] : memref<3456x2x96xi32, #tpu.memory_space<hbm>> -> memref<1x2x96xi32, #tpu.memory_space<hbm>>
        %dma_wait3A_175 = tpu.memref_squeeze %dma_wait3A_174 : memref<1x2x96xi32, #tpu.memory_space<hbm>> -> memref<2x96xi32, #tpu.memory_space<hbm>>
        %dma_wait3A_176 = arith.constant 0 : i32
        %dma_wait3A_177 = arith.constant 0 : i32
        %dma_wait3A_178 = tpu.memref_slice %arg3[%add3A_62, %dma_wait3A_176, %dma_wait3A_177] : memref<3456x2x96xi32, #tpu.memory_space<hbm>> -> memref<1x2x96xi32, #tpu.memory_space<hbm>>
        %dma_wait3A_179 = tpu.memref_squeeze %dma_wait3A_178 : memref<1x2x96xi32, #tpu.memory_space<hbm>> -> memref<2x96xi32, #tpu.memory_space<hbm>>
        tpu.wait_dma2 semaphore(%run_scoped3A : memref<!tpu.dma_semaphore, #tpu.memory_space<semaphore_mem>>) src(%dma_wait3A_179 : memref<2x96xi32, #tpu.memory_space<hbm>>) dst(%arg7 : memref<2x96xi32, #tpu.memory_space<vmem>>)
        tpu.yield
      }) : () -> ()
      %dma_start3A_68 = arith.constant 0 : i32
      %dma_start3A_69 = arith.constant 0 : i32
      %dma_start3A_70 = tpu.memref_slice %arg7[%dma_start3A_68, %dma_start3A_69] : memref<2x96xi32, #tpu.memory_space<vmem>> -> memref<1x96xi32, #tpu.memory_space<vmem>>
      %dma_start3A_71 = tpu.memref_squeeze %dma_start3A_70 : memref<1x96xi32, #tpu.memory_space<vmem>> -> memref<96xi32, #tpu.memory_space<vmem>>
      %dma_start3A_72 = arith.constant 0 : i32
      %dma_start3A_73 = arith.constant 0 : i32
      %dma_start3A_74 = tpu.memref_slice %arg2[%dma_start3A_72, %dma_start3A_73] : memref<10000x128xf32, #tpu.memory_space<hbm>> -> memref<10000x128xf32, #tpu.memory_space<hbm>>
      tpu.enqueue_indirect_dma source(%dma_start3A_74 : memref<10000x128xf32, #tpu.memory_space<hbm>>) target(%arg11 : memref<96x128xf32, #tpu.memory_space<vmem>>) offsets(%dma_start3A_71 : memref<96xi32, #tpu.memory_space<vmem>>) semaphore(%arg16 : memref<!tpu.dma_semaphore, #tpu.memory_space<semaphore_mem>>)
      %mul3A_75 = arith.constant 4 : i32
      %mul3A_76 = arith.muli %mul3A_75, %scan3A_44 : i32
      %add3A_77 = arith.addi %mul3A_30, %mul3A_76 : i32
      %add3A_78 = arith.constant 2 : i32
      %add3A_79 = arith.addi %add3A_77, %add3A_78 : i32
      %gt3A_80 = arith.constant 0 : i32
      %gt3A_81 = arith.cmpi sgt, %scan3A_44, %gt3A_80 : i32
      %convert_element_type3A_82 = arith.extui %gt3A_81 : i1 to i32
      %cond3A_83 = arith.constant 0 : i32
      %cond3A_84 = arith.cmpi ne, %convert_element_type3A_82, %cond3A_83 : i32
      scf.if %cond3A_84 {
        tpu.wait_dma2 semaphore(%arg21 : memref<!tpu.dma_semaphore, #tpu.memory_space<semaphore_mem>>) src(%arg4 : memref<96x128xf32, #tpu.memory_space<hbm>>) dst(%arg12 : memref<96x128xf32, #tpu.memory_space<vmem>>)
      } else {
      }
      "tpu.region"() ({
        %run_scoped3A = tpu.sem_alloc : memref<!tpu.dma_semaphore, #tpu.memory_space<semaphore_mem>>
        %dma_start3A_164 = arith.constant 0 : i32
        %dma_start3A_165 = arith.constant 0 : i32
        %dma_start3A_166 = tpu.memref_slice %arg3[%add3A_79, %dma_start3A_164, %dma_start3A_165] : memref<3456x2x96xi32, #tpu.memory_space<hbm>> -> memref<1x2x96xi32, #tpu.memory_space<hbm>>
        %dma_start3A_167 = tpu.memref_squeeze %dma_start3A_166 : memref<1x2x96xi32, #tpu.memory_space<hbm>> -> memref<2x96xi32, #tpu.memory_space<hbm>>
        %dma_start3A_168 = arith.constant 0 : i32
        %dma_start3A_169 = arith.constant 0 : i32
        %dma_start3A_170 = tpu.memref_slice %arg3[%add3A_79, %dma_start3A_168, %dma_start3A_169] : memref<3456x2x96xi32, #tpu.memory_space<hbm>> -> memref<1x2x96xi32, #tpu.memory_space<hbm>>
        %dma_start3A_171 = tpu.memref_squeeze %dma_start3A_170 : memref<1x2x96xi32, #tpu.memory_space<hbm>> -> memref<2x96xi32, #tpu.memory_space<hbm>>
        tpu.enqueue_dma source(%dma_start3A_171 : memref<2x96xi32, #tpu.memory_space<hbm>>) target(%arg8 : memref<2x96xi32, #tpu.memory_space<vmem>>) target_semaphore(%run_scoped3A : memref<!tpu.dma_semaphore, #tpu.memory_space<semaphore_mem>>)
        %dma_wait3A_172 = arith.constant 0 : i32
        %dma_wait3A_173 = arith.constant 0 : i32
        %dma_wait3A_174 = tpu.memref_slice %arg3[%add3A_79, %dma_wait3A_172, %dma_wait3A_173] : memref<3456x2x96xi32, #tpu.memory_space<hbm>> -> memref<1x2x96xi32, #tpu.memory_space<hbm>>
        %dma_wait3A_175 = tpu.memref_squeeze %dma_wait3A_174 : memref<1x2x96xi32, #tpu.memory_space<hbm>> -> memref<2x96xi32, #tpu.memory_space<hbm>>
        %dma_wait3A_176 = arith.constant 0 : i32
        %dma_wait3A_177 = arith.constant 0 : i32
        %dma_wait3A_178 = tpu.memref_slice %arg3[%add3A_79, %dma_wait3A_176, %dma_wait3A_177] : memref<3456x2x96xi32, #tpu.memory_space<hbm>> -> memref<1x2x96xi32, #tpu.memory_space<hbm>>
        %dma_wait3A_179 = tpu.memref_squeeze %dma_wait3A_178 : memref<1x2x96xi32, #tpu.memory_space<hbm>> -> memref<2x96xi32, #tpu.memory_space<hbm>>
        tpu.wait_dma2 semaphore(%run_scoped3A : memref<!tpu.dma_semaphore, #tpu.memory_space<semaphore_mem>>) src(%dma_wait3A_179 : memref<2x96xi32, #tpu.memory_space<hbm>>) dst(%arg8 : memref<2x96xi32, #tpu.memory_space<vmem>>)
        tpu.yield
      }) : () -> ()
      %dma_start3A_85 = arith.constant 0 : i32
      %dma_start3A_86 = arith.constant 0 : i32
      %dma_start3A_87 = tpu.memref_slice %arg8[%dma_start3A_85, %dma_start3A_86] : memref<2x96xi32, #tpu.memory_space<vmem>> -> memref<1x96xi32, #tpu.memory_space<vmem>>
      %dma_start3A_88 = tpu.memref_squeeze %dma_start3A_87 : memref<1x96xi32, #tpu.memory_space<vmem>> -> memref<96xi32, #tpu.memory_space<vmem>>
      %dma_start3A_89 = arith.constant 0 : i32
      %dma_start3A_90 = arith.constant 0 : i32
      %dma_start3A_91 = tpu.memref_slice %arg2[%dma_start3A_89, %dma_start3A_90] : memref<10000x128xf32, #tpu.memory_space<hbm>> -> memref<10000x128xf32, #tpu.memory_space<hbm>>
      tpu.enqueue_indirect_dma source(%dma_start3A_91 : memref<10000x128xf32, #tpu.memory_space<hbm>>) target(%arg12 : memref<96x128xf32, #tpu.memory_space<vmem>>) offsets(%dma_start3A_88 : memref<96xi32, #tpu.memory_space<vmem>>) semaphore(%arg17 : memref<!tpu.dma_semaphore, #tpu.memory_space<semaphore_mem>>)
      %mul3A_92 = arith.constant 4 : i32
      %mul3A_93 = arith.muli %mul3A_92, %scan3A_44 : i32
      %add3A_94 = arith.addi %mul3A_30, %mul3A_93 : i32
      %add3A_95 = arith.constant 3 : i32
      %add3A_96 = arith.addi %add3A_94, %add3A_95 : i32
      %gt3A_97 = arith.constant 0 : i32
      %gt3A_98 = arith.cmpi sgt, %scan3A_44, %gt3A_97 : i32
      %convert_element_type3A_99 = arith.extui %gt3A_98 : i1 to i32
      %cond3A_100 = arith.constant 0 : i32
      %cond3A_101 = arith.cmpi ne, %convert_element_type3A_99, %cond3A_100 : i32
      scf.if %cond3A_101 {
        tpu.wait_dma2 semaphore(%arg22 : memref<!tpu.dma_semaphore, #tpu.memory_space<semaphore_mem>>) src(%arg4 : memref<96x128xf32, #tpu.memory_space<hbm>>) dst(%arg13 : memref<96x128xf32, #tpu.memory_space<vmem>>)
      } else {
      }
      "tpu.region"() ({
        %run_scoped3A = tpu.sem_alloc : memref<!tpu.dma_semaphore, #tpu.memory_space<semaphore_mem>>
        %dma_start3A_164 = arith.constant 0 : i32
        %dma_start3A_165 = arith.constant 0 : i32
        %dma_start3A_166 = tpu.memref_slice %arg3[%add3A_96, %dma_start3A_164, %dma_start3A_165] : memref<3456x2x96xi32, #tpu.memory_space<hbm>> -> memref<1x2x96xi32, #tpu.memory_space<hbm>>
        %dma_start3A_167 = tpu.memref_squeeze %dma_start3A_166 : memref<1x2x96xi32, #tpu.memory_space<hbm>> -> memref<2x96xi32, #tpu.memory_space<hbm>>
        %dma_start3A_168 = arith.constant 0 : i32
        %dma_start3A_169 = arith.constant 0 : i32
        %dma_start3A_170 = tpu.memref_slice %arg3[%add3A_96, %dma_start3A_168, %dma_start3A_169] : memref<3456x2x96xi32, #tpu.memory_space<hbm>> -> memref<1x2x96xi32, #tpu.memory_space<hbm>>
        %dma_start3A_171 = tpu.memref_squeeze %dma_start3A_170 : memref<1x2x96xi32, #tpu.memory_space<hbm>> -> memref<2x96xi32, #tpu.memory_space<hbm>>
        tpu.enqueue_dma source(%dma_start3A_171 : memref<2x96xi32, #tpu.memory_space<hbm>>) target(%arg9 : memref<2x96xi32, #tpu.memory_space<vmem>>) target_semaphore(%run_scoped3A : memref<!tpu.dma_semaphore, #tpu.memory_space<semaphore_mem>>)
        %dma_wait3A_172 = arith.constant 0 : i32
        %dma_wait3A_173 = arith.constant 0 : i32
        %dma_wait3A_174 = tpu.memref_slice %arg3[%add3A_96, %dma_wait3A_172, %dma_wait3A_173] : memref<3456x2x96xi32, #tpu.memory_space<hbm>> -> memref<1x2x96xi32, #tpu.memory_space<hbm>>
        %dma_wait3A_175 = tpu.memref_squeeze %dma_wait3A_174 : memref<1x2x96xi32, #tpu.memory_space<hbm>> -> memref<2x96xi32, #tpu.memory_space<hbm>>
        %dma_wait3A_176 = arith.constant 0 : i32
        %dma_wait3A_177 = arith.constant 0 : i32
        %dma_wait3A_178 = tpu.memref_slice %arg3[%add3A_96, %dma_wait3A_176, %dma_wait3A_177] : memref<3456x2x96xi32, #tpu.memory_space<hbm>> -> memref<1x2x96xi32, #tpu.memory_space<hbm>>
        %dma_wait3A_179 = tpu.memref_squeeze %dma_wait3A_178 : memref<1x2x96xi32, #tpu.memory_space<hbm>> -> memref<2x96xi32, #tpu.memory_space<hbm>>
        tpu.wait_dma2 semaphore(%run_scoped3A : memref<!tpu.dma_semaphore, #tpu.memory_space<semaphore_mem>>) src(%dma_wait3A_179 : memref<2x96xi32, #tpu.memory_space<hbm>>) dst(%arg9 : memref<2x96xi32, #tpu.memory_space<vmem>>)
        tpu.yield
      }) : () -> ()
      %dma_start3A_102 = arith.constant 0 : i32
      %dma_start3A_103 = arith.constant 0 : i32
      %dma_start3A_104 = tpu.memref_slice %arg9[%dma_start3A_102, %dma_start3A_103] : memref<2x96xi32, #tpu.memory_space<vmem>> -> memref<1x96xi32, #tpu.memory_space<vmem>>
      %dma_start3A_105 = tpu.memref_squeeze %dma_start3A_104 : memref<1x96xi32, #tpu.memory_space<vmem>> -> memref<96xi32, #tpu.memory_space<vmem>>
      %dma_start3A_106 = arith.constant 0 : i32
      %dma_start3A_107 = arith.constant 0 : i32
      %dma_start3A_108 = tpu.memref_slice %arg2[%dma_start3A_106, %dma_start3A_107] : memref<10000x128xf32, #tpu.memory_space<hbm>> -> memref<10000x128xf32, #tpu.memory_space<hbm>>
      tpu.enqueue_indirect_dma source(%dma_start3A_108 : memref<10000x128xf32, #tpu.memory_space<hbm>>) target(%arg13 : memref<96x128xf32, #tpu.memory_space<vmem>>) offsets(%dma_start3A_105 : memref<96xi32, #tpu.memory_space<vmem>>) semaphore(%arg18 : memref<!tpu.dma_semaphore, #tpu.memory_space<semaphore_mem>>)
      %dma_wait3A = arith.constant 0 : i32
      %dma_wait3A_109 = arith.constant 0 : i32
      %dma_wait3A_110 = tpu.memref_slice %arg6[%dma_wait3A, %dma_wait3A_109] : memref<2x96xi32, #tpu.memory_space<vmem>> -> memref<1x96xi32, #tpu.memory_space<vmem>>
      %dma_wait3A_111 = tpu.memref_squeeze %dma_wait3A_110 : memref<1x96xi32, #tpu.memory_space<vmem>> -> memref<96xi32, #tpu.memory_space<vmem>>
      %dma_wait3A_112 = arith.constant 0 : i32
      %dma_wait3A_113 = arith.constant 0 : i32
      %dma_wait3A_114 = tpu.memref_slice %arg2[%dma_wait3A_112, %dma_wait3A_113] : memref<10000x128xf32, #tpu.memory_space<hbm>> -> memref<10000x128xf32, #tpu.memory_space<hbm>>
      tpu.wait_indirect_dma semaphore(%arg15 : memref<!tpu.dma_semaphore, #tpu.memory_space<semaphore_mem>>) src(%dma_wait3A_114 : memref<10000x128xf32, #tpu.memory_space<hbm>>) dst(%arg10 : memref<96x128xf32, #tpu.memory_space<vmem>>)
      %dma_start3A_115 = arith.constant 1 : i32
      %dma_start3A_116 = arith.constant 0 : i32
      %dma_start3A_117 = tpu.memref_slice %arg6[%dma_start3A_115, %dma_start3A_116] : memref<2x96xi32, #tpu.memory_space<vmem>> -> memref<1x96xi32, #tpu.memory_space<vmem>>
      %dma_start3A_118 = tpu.memref_squeeze %dma_start3A_117 : memref<1x96xi32, #tpu.memory_space<vmem>> -> memref<96xi32, #tpu.memory_space<vmem>>
      %dma_start3A_119 = arith.constant 0 : i32
      %dma_start3A_120 = arith.constant 0 : i32
      %dma_start3A_121 = tpu.memref_slice %arg14[%dma_start3A_119, %dma_start3A_120] : memref<10112x128xf32, #tpu.memory_space<vmem_shared>> -> memref<10112x128xf32, #tpu.memory_space<vmem_shared>>
      tpu.enqueue_indirect_dma source(%arg10 : memref<96x128xf32, #tpu.memory_space<vmem>>) target(%dma_start3A_121 : memref<10112x128xf32, #tpu.memory_space<vmem_shared>>) offsets(%dma_start3A_118 : memref<96xi32, #tpu.memory_space<vmem>>) semaphore(%arg19 : memref<!tpu.dma_semaphore, #tpu.memory_space<semaphore_mem>>) {add = true}
      %dma_wait3A_122 = arith.constant 0 : i32
      %dma_wait3A_123 = arith.constant 0 : i32
      %dma_wait3A_124 = tpu.memref_slice %arg7[%dma_wait3A_122, %dma_wait3A_123] : memref<2x96xi32, #tpu.memory_space<vmem>> -> memref<1x96xi32, #tpu.memory_space<vmem>>
      %dma_wait3A_125 = tpu.memref_squeeze %dma_wait3A_124 : memref<1x96xi32, #tpu.memory_space<vmem>> -> memref<96xi32, #tpu.memory_space<vmem>>
      %dma_wait3A_126 = arith.constant 0 : i32
      %dma_wait3A_127 = arith.constant 0 : i32
      %dma_wait3A_128 = tpu.memref_slice %arg2[%dma_wait3A_126, %dma_wait3A_127] : memref<10000x128xf32, #tpu.memory_space<hbm>> -> memref<10000x128xf32, #tpu.memory_space<hbm>>
      tpu.wait_indirect_dma semaphore(%arg16 : memref<!tpu.dma_semaphore, #tpu.memory_space<semaphore_mem>>) src(%dma_wait3A_128 : memref<10000x128xf32, #tpu.memory_space<hbm>>) dst(%arg11 : memref<96x128xf32, #tpu.memory_space<vmem>>)
      %dma_start3A_129 = arith.constant 1 : i32
      %dma_start3A_130 = arith.constant 0 : i32
      %dma_start3A_131 = tpu.memref_slice %arg7[%dma_start3A_129, %dma_start3A_130] : memref<2x96xi32, #tpu.memory_space<vmem>> -> memref<1x96xi32, #tpu.memory_space<vmem>>
      %dma_start3A_132 = tpu.memref_squeeze %dma_start3A_131 : memref<1x96xi32, #tpu.memory_space<vmem>> -> memref<96xi32, #tpu.memory_space<vmem>>
      %dma_start3A_133 = arith.constant 0 : i32
      %dma_start3A_134 = arith.constant 0 : i32
      %dma_start3A_135 = tpu.memref_slice %arg14[%dma_start3A_133, %dma_start3A_134] : memref<10112x128xf32, #tpu.memory_space<vmem_shared>> -> memref<10112x128xf32, #tpu.memory_space<vmem_shared>>
      tpu.enqueue_indirect_dma source(%arg11 : memref<96x128xf32, #tpu.memory_space<vmem>>) target(%dma_start3A_135 : memref<10112x128xf32, #tpu.memory_space<vmem_shared>>) offsets(%dma_start3A_132 : memref<96xi32, #tpu.memory_space<vmem>>) semaphore(%arg20 : memref<!tpu.dma_semaphore, #tpu.memory_space<semaphore_mem>>) {add = true}
      %dma_wait3A_136 = arith.constant 0 : i32
      %dma_wait3A_137 = arith.constant 0 : i32
      %dma_wait3A_138 = tpu.memref_slice %arg8[%dma_wait3A_136, %dma_wait3A_137] : memref<2x96xi32, #tpu.memory_space<vmem>> -> memref<1x96xi32, #tpu.memory_space<vmem>>
      %dma_wait3A_139 = tpu.memref_squeeze %dma_wait3A_138 : memref<1x96xi32, #tpu.memory_space<vmem>> -> memref<96xi32, #tpu.memory_space<vmem>>
      %dma_wait3A_140 = arith.constant 0 : i32
      %dma_wait3A_141 = arith.constant 0 : i32
      %dma_wait3A_142 = tpu.memref_slice %arg2[%dma_wait3A_140, %dma_wait3A_141] : memref<10000x128xf32, #tpu.memory_space<hbm>> -> memref<10000x128xf32, #tpu.memory_space<hbm>>
      tpu.wait_indirect_dma semaphore(%arg17 : memref<!tpu.dma_semaphore, #tpu.memory_space<semaphore_mem>>) src(%dma_wait3A_142 : memref<10000x128xf32, #tpu.memory_space<hbm>>) dst(%arg12 : memref<96x128xf32, #tpu.memory_space<vmem>>)
      %dma_start3A_143 = arith.constant 1 : i32
      %dma_start3A_144 = arith.constant 0 : i32
      %dma_start3A_145 = tpu.memref_slice %arg8[%dma_start3A_143, %dma_start3A_144] : memref<2x96xi32, #tpu.memory_space<vmem>> -> memref<1x96xi32, #tpu.memory_space<vmem>>
      %dma_start3A_146 = tpu.memref_squeeze %dma_start3A_145 : memref<1x96xi32, #tpu.memory_space<vmem>> -> memref<96xi32, #tpu.memory_space<vmem>>
      %dma_start3A_147 = arith.constant 0 : i32
      %dma_start3A_148 = arith.constant 0 : i32
      %dma_start3A_149 = tpu.memref_slice %arg14[%dma_start3A_147, %dma_start3A_148] : memref<10112x128xf32, #tpu.memory_space<vmem_shared>> -> memref<10112x128xf32, #tpu.memory_space<vmem_shared>>
      tpu.enqueue_indirect_dma source(%arg12 : memref<96x128xf32, #tpu.memory_space<vmem>>) target(%dma_start3A_149 : memref<10112x128xf32, #tpu.memory_space<vmem_shared>>) offsets(%dma_start3A_146 : memref<96xi32, #tpu.memory_space<vmem>>) semaphore(%arg21 : memref<!tpu.dma_semaphore, #tpu.memory_space<semaphore_mem>>) {add = true}
      %dma_wait3A_150 = arith.constant 0 : i32
      %dma_wait3A_151 = arith.constant 0 : i32
      %dma_wait3A_152 = tpu.memref_slice %arg9[%dma_wait3A_150, %dma_wait3A_151] : memref<2x96xi32, #tpu.memory_space<vmem>> -> memref<1x96xi32, #tpu.memory_space<vmem>>
      %dma_wait3A_153 = tpu.memref_squeeze %dma_wait3A_152 : memref<1x96xi32, #tpu.memory_space<vmem>> -> memref<96xi32, #tpu.memory_space<vmem>>
      %dma_wait3A_154 = arith.constant 0 : i32
      %dma_wait3A_155 = arith.constant 0 : i32
      %dma_wait3A_156 = tpu.memref_slice %arg2[%dma_wait3A_154, %dma_wait3A_155] : memref<10000x128xf32, #tpu.memory_space<hbm>> -> memref<10000x128xf32, #tpu.memory_space<hbm>>
      tpu.wait_indirect_dma semaphore(%arg18 : memref<!tpu.dma_semaphore, #tpu.memory_space<semaphore_mem>>) src(%dma_wait3A_156 : memref<10000x128xf32, #tpu.memory_space<hbm>>) dst(%arg13 : memref<96x128xf32, #tpu.memory_space<vmem>>)
      %dma_start3A_157 = arith.constant 1 : i32
      %dma_start3A_158 = arith.constant 0 : i32
      %dma_start3A_159 = tpu.memref_slice %arg9[%dma_start3A_157, %dma_start3A_158] : memref<2x96xi32, #tpu.memory_space<vmem>> -> memref<1x96xi32, #tpu.memory_space<vmem>>
      %dma_start3A_160 = tpu.memref_squeeze %dma_start3A_159 : memref<1x96xi32, #tpu.memory_space<vmem>> -> memref<96xi32, #tpu.memory_space<vmem>>
      %dma_start3A_161 = arith.constant 0 : i32
      %dma_start3A_162 = arith.constant 0 : i32
      %dma_start3A_163 = tpu.memref_slice %arg14[%dma_start3A_161, %dma_start3A_162] : memref<10112x128xf32, #tpu.memory_space<vmem_shared>> -> memref<10112x128xf32, #tpu.memory_space<vmem_shared>>
      tpu.enqueue_indirect_dma source(%arg13 : memref<96x128xf32, #tpu.memory_space<vmem>>) target(%dma_start3A_163 : memref<10112x128xf32, #tpu.memory_space<vmem_shared>>) offsets(%dma_start3A_160 : memref<96xi32, #tpu.memory_space<vmem>>) semaphore(%arg22 : memref<!tpu.dma_semaphore, #tpu.memory_space<semaphore_mem>>) {add = true}
    }
    %scan3A_35 = arith.constant 27 : i32
    tpu.wait_dma2 semaphore(%arg19 : memref<!tpu.dma_semaphore, #tpu.memory_space<semaphore_mem>>) src(%arg4 : memref<96x128xf32, #tpu.memory_space<hbm>>) dst(%arg10 : memref<96x128xf32, #tpu.memory_space<vmem>>)
    tpu.wait_dma2 semaphore(%arg20 : memref<!tpu.dma_semaphore, #tpu.memory_space<semaphore_mem>>) src(%arg4 : memref<96x128xf32, #tpu.memory_space<hbm>>) dst(%arg11 : memref<96x128xf32, #tpu.memory_space<vmem>>)
    tpu.wait_dma2 semaphore(%arg21 : memref<!tpu.dma_semaphore, #tpu.memory_space<semaphore_mem>>) src(%arg4 : memref<96x128xf32, #tpu.memory_space<hbm>>) dst(%arg12 : memref<96x128xf32, #tpu.memory_space<vmem>>)
    tpu.wait_dma2 semaphore(%arg22 : memref<!tpu.dma_semaphore, #tpu.memory_space<semaphore_mem>>) src(%arg4 : memref<96x128xf32, #tpu.memory_space<hbm>>) dst(%arg13 : memref<96x128xf32, #tpu.memory_space<vmem>>)
    %barrier3A_36 = arith.constant 0 : index
    tpu.barrier barrier_id(%barrier3A_36)
    %mul3A_37 = arith.constant 632 : i32
    %mul3A_38 = arith.muli %arg1, %mul3A_37 : i32
    %mul3A_39 = arith.constant 10112 : i32
    %mul3A_40 = arith.muli %arg0, %mul3A_39 : i32
    %mul3A_41 = arith.constant 632 : i32
    %mul3A_42 = arith.muli %arg1, %mul3A_41 : i32
    %add3A_43 = arith.addi %mul3A_40, %mul3A_42 : i32
    "tpu.region"() ({
      %run_scoped3A = tpu.sem_alloc : memref<!tpu.dma_semaphore, #tpu.memory_space<semaphore_mem>>
      %dma_start3A = arith.constant 0 : i32
      %dma_start3A_44 = tpu.memref_slice %arg5[%add3A_43, %dma_start3A] : memref<20224x128xf32, #tpu.memory_space<hbm>> -> memref<632x128xf32, #tpu.memory_space<hbm>>
      %dma_start3A_45 = arith.constant 0 : i32
      %dma_start3A_46 = tpu.memref_slice %arg14[%mul3A_38, %dma_start3A_45] : memref<10112x128xf32, #tpu.memory_space<vmem_shared>> -> memref<632x128xf32, #tpu.memory_space<vmem_shared>>
      tpu.enqueue_dma source(%dma_start3A_46 : memref<632x128xf32, #tpu.memory_space<vmem_shared>>) target(%dma_start3A_44 : memref<632x128xf32, #tpu.memory_space<hbm>>) target_semaphore(%run_scoped3A : memref<!tpu.dma_semaphore, #tpu.memory_space<semaphore_mem>>)
      %dma_wait3A = arith.constant 0 : i32
      %dma_wait3A_47 = tpu.memref_slice %arg5[%add3A_43, %dma_wait3A] : memref<20224x128xf32, #tpu.memory_space<hbm>> -> memref<632x128xf32, #tpu.memory_space<hbm>>
      %dma_wait3A_48 = arith.constant 0 : i32
      %dma_wait3A_49 = tpu.memref_slice %arg14[%mul3A_38, %dma_wait3A_48] : memref<10112x128xf32, #tpu.memory_space<vmem_shared>> -> memref<632x128xf32, #tpu.memory_space<vmem_shared>>
      tpu.wait_dma2 semaphore(%run_scoped3A : memref<!tpu.dma_semaphore, #tpu.memory_space<semaphore_mem>>) src(%dma_wait3A_49 : memref<632x128xf32, #tpu.memory_space<vmem_shared>>) dst(%dma_wait3A_47 : memref<632x128xf32, #tpu.memory_space<hbm>>)
      tpu.yield
    }) : () -> ()
    return
  }
}

#map = affine_map<(d0, d1) -> (0, 0)>
#map1 = affine_map<(d0, d1) -> (0, 0, 0)>
module attributes {stable_mosaic.version = 14 : i64} {
  func.func @_sc_scatter_rows(%arg0: i32, %arg1: i32, %arg2: memref<10000x128xf32, #tpu.memory_space<hbm>>, %arg3: memref<3456x2x96xi32, #tpu.memory_space<hbm>>, %arg4: memref<96x128xf32, #tpu.memory_space<hbm>>, %arg5: memref<20224x128xf32, #tpu.memory_space<hbm>>, %arg6: memref<2x96xi32, #tpu.memory_space<vmem>>, %arg7: memref<2x96xi32, #tpu.memory_space<vmem>>, %arg8: memref<2x96xi32, #tpu.memory_space<vmem>>, %arg9: memref<2x96xi32, #tpu.memory_space<vmem>>, %arg10: memref<96x128xf32, #tpu.memory_space<vmem>>, %arg11: memref<96x128xf32, #tpu.memory_space<vmem>>, %arg12: memref<96x128xf32, #tpu.memory_space<vmem>>, %arg13: memref<96x128xf32, #tpu.memory_space<vmem>>, %arg14: memref<10112x128xf32, #tpu.memory_space<vmem_shared>>, %arg15: memref<!tpu.dma_semaphore, #tpu.memory_space<semaphore_mem>>, %arg16: memref<!tpu.dma_semaphore, #tpu.memory_space<semaphore_mem>>, %arg17: memref<!tpu.dma_semaphore, #tpu.memory_space<semaphore_mem>>, %arg18: memref<!tpu.dma_semaphore, #tpu.memory_space<semaphore_mem>>, %arg19: memref<!tpu.dma_semaphore, #tpu.memory_space<semaphore_mem>>, %arg20: memref<!tpu.dma_semaphore, #tpu.memory_space<semaphore_mem>>, %arg21: memref<!tpu.dma_semaphore, #tpu.memory_space<semaphore_mem>>, %arg22: memref<!tpu.dma_semaphore, #tpu.memory_space<semaphore_mem>>) attributes {dimension_semantics = [#tpu.dimension_semantics<core_parallel>, #tpu.dimension_semantics<subcore_parallel>], iteration_bounds = array<i64: 2, 16>, scalar_prefetch = 0 : i64, scratch_operands = 17 : i64, tpu.core_type = #tpu.core_type<sc_vector_subcore>, window_params = [{transform_indices = #map}, {transform_indices = #map1}, {transform_indices = #map}, {transform_indices = #map}]} {
    %mul3A = arith.constant 2 : i32
    %mul3A_0 = arith.muli %arg1, %mul3A : i32
    %add3A = arith.addi %mul3A_0, %arg0 : i32
    "tpu.region"() ({
      %run_scoped3A = tpu.sem_alloc : memref<!tpu.dma_semaphore, #tpu.memory_space<semaphore_mem>>
      tpu.enqueue_dma source(%arg4 : memref<96x128xf32, #tpu.memory_space<hbm>>) target(%arg10 : memref<96x128xf32, #tpu.memory_space<vmem>>) target_semaphore(%run_scoped3A : memref<!tpu.dma_semaphore, #tpu.memory_space<semaphore_mem>>)
      tpu.wait_dma2 semaphore(%run_scoped3A : memref<!tpu.dma_semaphore, #tpu.memory_space<semaphore_mem>>) src(%arg4 : memref<96x128xf32, #tpu.memory_space<hbm>>) dst(%arg10 : memref<96x128xf32, #tpu.memory_space<vmem>>)
      tpu.yield
    }) : () -> ()
    %mul3A_1 = arith.constant 632 : i32
    %mul3A_2 = arith.muli %arg1, %mul3A_1 : i32
    %add3A_3 = arith.constant 0 : i32
    %add3A_4 = arith.addi %mul3A_2, %add3A_3 : i32
    "tpu.region"() ({
      %run_scoped3A = tpu.sem_alloc : memref<!tpu.dma_semaphore, #tpu.memory_space<semaphore_mem>>
      %dma_start3A = arith.constant 0 : i32
      %dma_start3A_44 = arith.constant 0 : i32
      %dma_start3A_45 = tpu.memref_slice %arg10[%dma_start3A, %dma_start3A_44] : memref<96x128xf32, #tpu.memory_space<vmem>> -> memref<96x128xf32, #tpu.memory_space<vmem>>
      %dma_start3A_46 = arith.constant 0 : i32
      %dma_start3A_47 = tpu.memref_slice %arg14[%add3A_4, %dma_start3A_46] : memref<10112x128xf32, #tpu.memory_space<vmem_shared>> -> memref<96x128xf32, #tpu.memory_space<vmem_shared>>
      %dma_start3A_48 = arith.constant 0 : i32
      %dma_start3A_49 = tpu.memref_slice %arg14[%add3A_4, %dma_start3A_48] : memref<10112x128xf32, #tpu.memory_space<vmem_shared>> -> memref<96x128xf32, #tpu.memory_space<vmem_shared>>
      %dma_start3A_50 = arith.constant 0 : i32
      %dma_start3A_51 = arith.constant 0 : i32
      %dma_start3A_52 = tpu.memref_slice %arg10[%dma_start3A_50, %dma_start3A_51] : memref<96x128xf32, #tpu.memory_space<vmem>> -> memref<96x128xf32, #tpu.memory_space<vmem>>
      tpu.enqueue_dma source(%dma_start3A_52 : memref<96x128xf32, #tpu.memory_space<vmem>>) target(%dma_start3A_49 : memref<96x128xf32, #tpu.memory_space<vmem_shared>>) target_semaphore(%run_scoped3A : memref<!tpu.dma_semaphore, #tpu.memory_space<semaphore_mem>>)
      %dma_wait3A = arith.constant 0 : i32
      %dma_wait3A_53 = arith.constant 0 : i32
      %dma_wait3A_54 = tpu.memref_slice %arg10[%dma_wait3A, %dma_wait3A_53] : memref<96x128xf32, #tpu.memory_space<vmem>> -> memref<96x128xf32, #tpu.memory_space<vmem>>
      %dma_wait3A_55 = arith.constant 0 : i32
      %dma_wait3A_56 = tpu.memref_slice %arg14[%add3A_4, %dma_wait3A_55] : memref<10112x128xf32, #tpu.memory_space<vmem_shared>> -> memref<96x128xf32, #tpu.memory_space<vmem_shared>>
      %dma_wait3A_57 = arith.constant 0 : i32
      %dma_wait3A_58 = tpu.memref_slice %arg14[%add3A_4, %dma_wait3A_57] : memref<10112x128xf32, #tpu.memory_space<vmem_shared>> -> memref<96x128xf32, #tpu.memory_space<vmem_shared>>
      %dma_wait3A_59 = arith.constant 0 : i32
      %dma_wait3A_60 = arith.constant 0 : i32
      %dma_wait3A_61 = tpu.memref_slice %arg10[%dma_wait3A_59, %dma_wait3A_60] : memref<96x128xf32, #tpu.memory_space<vmem>> -> memref<96x128xf32, #tpu.memory_space<vmem>>
      tpu.wait_dma2 semaphore(%run_scoped3A : memref<!tpu.dma_semaphore, #tpu.memory_space<semaphore_mem>>) src(%dma_wait3A_61 : memref<96x128xf32, #tpu.memory_space<vmem>>) dst(%dma_wait3A_58 : memref<96x128xf32, #tpu.memory_space<vmem_shared>>)
      tpu.yield
    }) : () -> ()
    %mul3A_5 = arith.constant 632 : i32
    %mul3A_6 = arith.muli %arg1, %mul3A_5 : i32
    %add3A_7 = arith.constant 96 : i32
    %add3A_8 = arith.addi %mul3A_6, %add3A_7 : i32
    "tpu.region"() ({
      %run_scoped3A = tpu.sem_alloc : memref<!tpu.dma_semaphore, #tpu.memory_space<semaphore_mem>>
      %dma_start3A = arith.constant 0 : i32
      %dma_start3A_44 = arith.constant 0 : i32
      %dma_start3A_45 = tpu.memref_slice %arg10[%dma_start3A, %dma_start3A_44] : memref<96x128xf32, #tpu.memory_space<vmem>> -> memref<96x128xf32, #tpu.memory_space<vmem>>
      %dma_start3A_46 = arith.constant 0 : i32
      %dma_start3A_47 = tpu.memref_slice %arg14[%add3A_8, %dma_start3A_46] : memref<10112x128xf32, #tpu.memory_space<vmem_shared>> -> memref<96x128xf32, #tpu.memory_space<vmem_shared>>
      %dma_start3A_48 = arith.constant 0 : i32
      %dma_start3A_49 = tpu.memref_slice %arg14[%add3A_8, %dma_start3A_48] : memref<10112x128xf32, #tpu.memory_space<vmem_shared>> -> memref<96x128xf32, #tpu.memory_space<vmem_shared>>
      %dma_start3A_50 = arith.constant 0 : i32
      %dma_start3A_51 = arith.constant 0 : i32
      %dma_start3A_52 = tpu.memref_slice %arg10[%dma_start3A_50, %dma_start3A_51] : memref<96x128xf32, #tpu.memory_space<vmem>> -> memref<96x128xf32, #tpu.memory_space<vmem>>
      tpu.enqueue_dma source(%dma_start3A_52 : memref<96x128xf32, #tpu.memory_space<vmem>>) target(%dma_start3A_49 : memref<96x128xf32, #tpu.memory_space<vmem_shared>>) target_semaphore(%run_scoped3A : memref<!tpu.dma_semaphore, #tpu.memory_space<semaphore_mem>>)
      %dma_wait3A = arith.constant 0 : i32
      %dma_wait3A_53 = arith.constant 0 : i32
      %dma_wait3A_54 = tpu.memref_slice %arg10[%dma_wait3A, %dma_wait3A_53] : memref<96x128xf32, #tpu.memory_space<vmem>> -> memref<96x128xf32, #tpu.memory_space<vmem>>
      %dma_wait3A_55 = arith.constant 0 : i32
      %dma_wait3A_56 = tpu.memref_slice %arg14[%add3A_8, %dma_wait3A_55] : memref<10112x128xf32, #tpu.memory_space<vmem_shared>> -> memref<96x128xf32, #tpu.memory_space<vmem_shared>>
      %dma_wait3A_57 = arith.constant 0 : i32
      %dma_wait3A_58 = tpu.memref_slice %arg14[%add3A_8, %dma_wait3A_57] : memref<10112x128xf32, #tpu.memory_space<vmem_shared>> -> memref<96x128xf32, #tpu.memory_space<vmem_shared>>
      %dma_wait3A_59 = arith.constant 0 : i32
      %dma_wait3A_60 = arith.constant 0 : i32
      %dma_wait3A_61 = tpu.memref_slice %arg10[%dma_wait3A_59, %dma_wait3A_60] : memref<96x128xf32, #tpu.memory_space<vmem>> -> memref<96x128xf32, #tpu.memory_space<vmem>>
      tpu.wait_dma2 semaphore(%run_scoped3A : memref<!tpu.dma_semaphore, #tpu.memory_space<semaphore_mem>>) src(%dma_wait3A_61 : memref<96x128xf32, #tpu.memory_space<vmem>>) dst(%dma_wait3A_58 : memref<96x128xf32, #tpu.memory_space<vmem_shared>>)
      tpu.yield
    }) : () -> ()
    %mul3A_9 = arith.constant 632 : i32
    %mul3A_10 = arith.muli %arg1, %mul3A_9 : i32
    %add3A_11 = arith.constant 192 : i32
    %add3A_12 = arith.addi %mul3A_10, %add3A_11 : i32
    "tpu.region"() ({
      %run_scoped3A = tpu.sem_alloc : memref<!tpu.dma_semaphore, #tpu.memory_space<semaphore_mem>>
      %dma_start3A = arith.constant 0 : i32
      %dma_start3A_44 = arith.constant 0 : i32
      %dma_start3A_45 = tpu.memref_slice %arg10[%dma_start3A, %dma_start3A_44] : memref<96x128xf32, #tpu.memory_space<vmem>> -> memref<96x128xf32, #tpu.memory_space<vmem>>
      %dma_start3A_46 = arith.constant 0 : i32
      %dma_start3A_47 = tpu.memref_slice %arg14[%add3A_12, %dma_start3A_46] : memref<10112x128xf32, #tpu.memory_space<vmem_shared>> -> memref<96x128xf32, #tpu.memory_space<vmem_shared>>
      %dma_start3A_48 = arith.constant 0 : i32
      %dma_start3A_49 = tpu.memref_slice %arg14[%add3A_12, %dma_start3A_48] : memref<10112x128xf32, #tpu.memory_space<vmem_shared>> -> memref<96x128xf32, #tpu.memory_space<vmem_shared>>
      %dma_start3A_50 = arith.constant 0 : i32
      %dma_start3A_51 = arith.constant 0 : i32
      %dma_start3A_52 = tpu.memref_slice %arg10[%dma_start3A_50, %dma_start3A_51] : memref<96x128xf32, #tpu.memory_space<vmem>> -> memref<96x128xf32, #tpu.memory_space<vmem>>
      tpu.enqueue_dma source(%dma_start3A_52 : memref<96x128xf32, #tpu.memory_space<vmem>>) target(%dma_start3A_49 : memref<96x128xf32, #tpu.memory_space<vmem_shared>>) target_semaphore(%run_scoped3A : memref<!tpu.dma_semaphore, #tpu.memory_space<semaphore_mem>>)
      %dma_wait3A = arith.constant 0 : i32
      %dma_wait3A_53 = arith.constant 0 : i32
      %dma_wait3A_54 = tpu.memref_slice %arg10[%dma_wait3A, %dma_wait3A_53] : memref<96x128xf32, #tpu.memory_space<vmem>> -> memref<96x128xf32, #tpu.memory_space<vmem>>
      %dma_wait3A_55 = arith.constant 0 : i32
      %dma_wait3A_56 = tpu.memref_slice %arg14[%add3A_12, %dma_wait3A_55] : memref<10112x128xf32, #tpu.memory_space<vmem_shared>> -> memref<96x128xf32, #tpu.memory_space<vmem_shared>>
      %dma_wait3A_57 = arith.constant 0 : i32
      %dma_wait3A_58 = tpu.memref_slice %arg14[%add3A_12, %dma_wait3A_57] : memref<10112x128xf32, #tpu.memory_space<vmem_shared>> -> memref<96x128xf32, #tpu.memory_space<vmem_shared>>
      %dma_wait3A_59 = arith.constant 0 : i32
      %dma_wait3A_60 = arith.constant 0 : i32
      %dma_wait3A_61 = tpu.memref_slice %arg10[%dma_wait3A_59, %dma_wait3A_60] : memref<96x128xf32, #tpu.memory_space<vmem>> -> memref<96x128xf32, #tpu.memory_space<vmem>>
      tpu.wait_dma2 semaphore(%run_scoped3A : memref<!tpu.dma_semaphore, #tpu.memory_space<semaphore_mem>>) src(%dma_wait3A_61 : memref<96x128xf32, #tpu.memory_space<vmem>>) dst(%dma_wait3A_58 : memref<96x128xf32, #tpu.memory_space<vmem_shared>>)
      tpu.yield
    }) : () -> ()
    %mul3A_13 = arith.constant 632 : i32
    %mul3A_14 = arith.muli %arg1, %mul3A_13 : i32
    %add3A_15 = arith.constant 288 : i32
    %add3A_16 = arith.addi %mul3A_14, %add3A_15 : i32
    "tpu.region"() ({
      %run_scoped3A = tpu.sem_alloc : memref<!tpu.dma_semaphore, #tpu.memory_space<semaphore_mem>>
      %dma_start3A = arith.constant 0 : i32
      %dma_start3A_44 = arith.constant 0 : i32
      %dma_start3A_45 = tpu.memref_slice %arg10[%dma_start3A, %dma_start3A_44] : memref<96x128xf32, #tpu.memory_space<vmem>> -> memref<96x128xf32, #tpu.memory_space<vmem>>
      %dma_start3A_46 = arith.constant 0 : i32
      %dma_start3A_47 = tpu.memref_slice %arg14[%add3A_16, %dma_start3A_46] : memref<10112x128xf32, #tpu.memory_space<vmem_shared>> -> memref<96x128xf32, #tpu.memory_space<vmem_shared>>
      %dma_start3A_48 = arith.constant 0 : i32
      %dma_start3A_49 = tpu.memref_slice %arg14[%add3A_16, %dma_start3A_48] : memref<10112x128xf32, #tpu.memory_space<vmem_shared>> -> memref<96x128xf32, #tpu.memory_space<vmem_shared>>
      %dma_start3A_50 = arith.constant 0 : i32
      %dma_start3A_51 = arith.constant 0 : i32
      %dma_start3A_52 = tpu.memref_slice %arg10[%dma_start3A_50, %dma_start3A_51] : memref<96x128xf32, #tpu.memory_space<vmem>> -> memref<96x128xf32, #tpu.memory_space<vmem>>
      tpu.enqueue_dma source(%dma_start3A_52 : memref<96x128xf32, #tpu.memory_space<vmem>>) target(%dma_start3A_49 : memref<96x128xf32, #tpu.memory_space<vmem_shared>>) target_semaphore(%run_scoped3A : memref<!tpu.dma_semaphore, #tpu.memory_space<semaphore_mem>>)
      %dma_wait3A = arith.constant 0 : i32
      %dma_wait3A_53 = arith.constant 0 : i32
      %dma_wait3A_54 = tpu.memref_slice %arg10[%dma_wait3A, %dma_wait3A_53] : memref<96x128xf32, #tpu.memory_space<vmem>> -> memref<96x128xf32, #tpu.memory_space<vmem>>
      %dma_wait3A_55 = arith.constant 0 : i32
      %dma_wait3A_56 = tpu.memref_slice %arg14[%add3A_16, %dma_wait3A_55] : memref<10112x128xf32, #tpu.memory_space<vmem_shared>> -> memref<96x128xf32, #tpu.memory_space<vmem_shared>>
      %dma_wait3A_57 = arith.constant 0 : i32
      %dma_wait3A_58 = tpu.memref_slice %arg14[%add3A_16, %dma_wait3A_57] : memref<10112x128xf32, #tpu.memory_space<vmem_shared>> -> memref<96x128xf32, #tpu.memory_space<vmem_shared>>
      %dma_wait3A_59 = arith.constant 0 : i32
      %dma_wait3A_60 = arith.constant 0 : i32
      %dma_wait3A_61 = tpu.memref_slice %arg10[%dma_wait3A_59, %dma_wait3A_60] : memref<96x128xf32, #tpu.memory_space<vmem>> -> memref<96x128xf32, #tpu.memory_space<vmem>>
      tpu.wait_dma2 semaphore(%run_scoped3A : memref<!tpu.dma_semaphore, #tpu.memory_space<semaphore_mem>>) src(%dma_wait3A_61 : memref<96x128xf32, #tpu.memory_space<vmem>>) dst(%dma_wait3A_58 : memref<96x128xf32, #tpu.memory_space<vmem_shared>>)
      tpu.yield
    }) : () -> ()
    %mul3A_17 = arith.constant 632 : i32
    %mul3A_18 = arith.muli %arg1, %mul3A_17 : i32
    %add3A_19 = arith.constant 384 : i32
    %add3A_20 = arith.addi %mul3A_18, %add3A_19 : i32
    "tpu.region"() ({
      %run_scoped3A = tpu.sem_alloc : memref<!tpu.dma_semaphore, #tpu.memory_space<semaphore_mem>>
      %dma_start3A = arith.constant 0 : i32
      %dma_start3A_44 = arith.constant 0 : i32
      %dma_start3A_45 = tpu.memref_slice %arg10[%dma_start3A, %dma_start3A_44] : memref<96x128xf32, #tpu.memory_space<vmem>> -> memref<96x128xf32, #tpu.memory_space<vmem>>
      %dma_start3A_46 = arith.constant 0 : i32
      %dma_start3A_47 = tpu.memref_slice %arg14[%add3A_20, %dma_start3A_46] : memref<10112x128xf32, #tpu.memory_space<vmem_shared>> -> memref<96x128xf32, #tpu.memory_space<vmem_shared>>
      %dma_start3A_48 = arith.constant 0 : i32
      %dma_start3A_49 = tpu.memref_slice %arg14[%add3A_20, %dma_start3A_48] : memref<10112x128xf32, #tpu.memory_space<vmem_shared>> -> memref<96x128xf32, #tpu.memory_space<vmem_shared>>
      %dma_start3A_50 = arith.constant 0 : i32
      %dma_start3A_51 = arith.constant 0 : i32
      %dma_start3A_52 = tpu.memref_slice %arg10[%dma_start3A_50, %dma_start3A_51] : memref<96x128xf32, #tpu.memory_space<vmem>> -> memref<96x128xf32, #tpu.memory_space<vmem>>
      tpu.enqueue_dma source(%dma_start3A_52 : memref<96x128xf32, #tpu.memory_space<vmem>>) target(%dma_start3A_49 : memref<96x128xf32, #tpu.memory_space<vmem_shared>>) target_semaphore(%run_scoped3A : memref<!tpu.dma_semaphore, #tpu.memory_space<semaphore_mem>>)
      %dma_wait3A = arith.constant 0 : i32
      %dma_wait3A_53 = arith.constant 0 : i32
      %dma_wait3A_54 = tpu.memref_slice %arg10[%dma_wait3A, %dma_wait3A_53] : memref<96x128xf32, #tpu.memory_space<vmem>> -> memref<96x128xf32, #tpu.memory_space<vmem>>
      %dma_wait3A_55 = arith.constant 0 : i32
      %dma_wait3A_56 = tpu.memref_slice %arg14[%add3A_20, %dma_wait3A_55] : memref<10112x128xf32, #tpu.memory_space<vmem_shared>> -> memref<96x128xf32, #tpu.memory_space<vmem_shared>>
      %dma_wait3A_57 = arith.constant 0 : i32
      %dma_wait3A_58 = tpu.memref_slice %arg14[%add3A_20, %dma_wait3A_57] : memref<10112x128xf32, #tpu.memory_space<vmem_shared>> -> memref<96x128xf32, #tpu.memory_space<vmem_shared>>
      %dma_wait3A_59 = arith.constant 0 : i32
      %dma_wait3A_60 = arith.constant 0 : i32
      %dma_wait3A_61 = tpu.memref_slice %arg10[%dma_wait3A_59, %dma_wait3A_60] : memref<96x128xf32, #tpu.memory_space<vmem>> -> memref<96x128xf32, #tpu.memory_space<vmem>>
      tpu.wait_dma2 semaphore(%run_scoped3A : memref<!tpu.dma_semaphore, #tpu.memory_space<semaphore_mem>>) src(%dma_wait3A_61 : memref<96x128xf32, #tpu.memory_space<vmem>>) dst(%dma_wait3A_58 : memref<96x128xf32, #tpu.memory_space<vmem_shared>>)
      tpu.yield
    }) : () -> ()
    %mul3A_21 = arith.constant 632 : i32
    %mul3A_22 = arith.muli %arg1, %mul3A_21 : i32
    %add3A_23 = arith.constant 480 : i32
    %add3A_24 = arith.addi %mul3A_22, %add3A_23 : i32
    "tpu.region"() ({
      %run_scoped3A = tpu.sem_alloc : memref<!tpu.dma_semaphore, #tpu.memory_space<semaphore_mem>>
      %dma_start3A = arith.constant 0 : i32
      %dma_start3A_44 = arith.constant 0 : i32
      %dma_start3A_45 = tpu.memref_slice %arg10[%dma_start3A, %dma_start3A_44] : memref<96x128xf32, #tpu.memory_space<vmem>> -> memref<96x128xf32, #tpu.memory_space<vmem>>
      %dma_start3A_46 = arith.constant 0 : i32
      %dma_start3A_47 = tpu.memref_slice %arg14[%add3A_24, %dma_start3A_46] : memref<10112x128xf32, #tpu.memory_space<vmem_shared>> -> memref<96x128xf32, #tpu.memory_space<vmem_shared>>
      %dma_start3A_48 = arith.constant 0 : i32
      %dma_start3A_49 = tpu.memref_slice %arg14[%add3A_24, %dma_start3A_48] : memref<10112x128xf32, #tpu.memory_space<vmem_shared>> -> memref<96x128xf32, #tpu.memory_space<vmem_shared>>
      %dma_start3A_50 = arith.constant 0 : i32
      %dma_start3A_51 = arith.constant 0 : i32
      %dma_start3A_52 = tpu.memref_slice %arg10[%dma_start3A_50, %dma_start3A_51] : memref<96x128xf32, #tpu.memory_space<vmem>> -> memref<96x128xf32, #tpu.memory_space<vmem>>
      tpu.enqueue_dma source(%dma_start3A_52 : memref<96x128xf32, #tpu.memory_space<vmem>>) target(%dma_start3A_49 : memref<96x128xf32, #tpu.memory_space<vmem_shared>>) target_semaphore(%run_scoped3A : memref<!tpu.dma_semaphore, #tpu.memory_space<semaphore_mem>>)
      %dma_wait3A = arith.constant 0 : i32
      %dma_wait3A_53 = arith.constant 0 : i32
      %dma_wait3A_54 = tpu.memref_slice %arg10[%dma_wait3A, %dma_wait3A_53] : memref<96x128xf32, #tpu.memory_space<vmem>> -> memref<96x128xf32, #tpu.memory_space<vmem>>
      %dma_wait3A_55 = arith.constant 0 : i32
      %dma_wait3A_56 = tpu.memref_slice %arg14[%add3A_24, %dma_wait3A_55] : memref<10112x128xf32, #tpu.memory_space<vmem_shared>> -> memref<96x128xf32, #tpu.memory_space<vmem_shared>>
      %dma_wait3A_57 = arith.constant 0 : i32
      %dma_wait3A_58 = tpu.memref_slice %arg14[%add3A_24, %dma_wait3A_57] : memref<10112x128xf32, #tpu.memory_space<vmem_shared>> -> memref<96x128xf32, #tpu.memory_space<vmem_shared>>
      %dma_wait3A_59 = arith.constant 0 : i32
      %dma_wait3A_60 = arith.constant 0 : i32
      %dma_wait3A_61 = tpu.memref_slice %arg10[%dma_wait3A_59, %dma_wait3A_60] : memref<96x128xf32, #tpu.memory_space<vmem>> -> memref<96x128xf32, #tpu.memory_space<vmem>>
      tpu.wait_dma2 semaphore(%run_scoped3A : memref<!tpu.dma_semaphore, #tpu.memory_space<semaphore_mem>>) src(%dma_wait3A_61 : memref<96x128xf32, #tpu.memory_space<vmem>>) dst(%dma_wait3A_58 : memref<96x128xf32, #tpu.memory_space<vmem_shared>>)
      tpu.yield
    }) : () -> ()
    %mul3A_25 = arith.constant 632 : i32
    %mul3A_26 = arith.muli %arg1, %mul3A_25 : i32
    %add3A_27 = arith.constant 576 : i32
    %add3A_28 = arith.addi %mul3A_26, %add3A_27 : i32
    "tpu.region"() ({
      %run_scoped3A = tpu.sem_alloc : memref<!tpu.dma_semaphore, #tpu.memory_space<semaphore_mem>>
      %dma_start3A = arith.constant 0 : i32
      %dma_start3A_44 = arith.constant 0 : i32
      %dma_start3A_45 = tpu.memref_slice %arg10[%dma_start3A, %dma_start3A_44] : memref<96x128xf32, #tpu.memory_space<vmem>> -> memref<56x128xf32, #tpu.memory_space<vmem>>
      %dma_start3A_46 = arith.constant 0 : i32
      %dma_start3A_47 = tpu.memref_slice %arg14[%add3A_28, %dma_start3A_46] : memref<10112x128xf32, #tpu.memory_space<vmem_shared>> -> memref<56x128xf32, #tpu.memory_space<vmem_shared>>
      %dma_start3A_48 = arith.constant 0 : i32
      %dma_start3A_49 = tpu.memref_slice %arg14[%add3A_28, %dma_start3A_48] : memref<10112x128xf32, #tpu.memory_space<vmem_shared>> -> memref<56x128xf32, #tpu.memory_space<vmem_shared>>
      %dma_start3A_50 = arith.constant 0 : i32
      %dma_start3A_51 = arith.constant 0 : i32
      %dma_start3A_52 = tpu.memref_slice %arg10[%dma_start3A_50, %dma_start3A_51] : memref<96x128xf32, #tpu.memory_space<vmem>> -> memref<56x128xf32, #tpu.memory_space<vmem>>
      tpu.enqueue_dma source(%dma_start3A_52 : memref<56x128xf32, #tpu.memory_space<vmem>>) target(%dma_start3A_49 : memref<56x128xf32, #tpu.memory_space<vmem_shared>>) target_semaphore(%run_scoped3A : memref<!tpu.dma_semaphore, #tpu.memory_space<semaphore_mem>>)
      %dma_wait3A = arith.constant 0 : i32
      %dma_wait3A_53 = arith.constant 0 : i32
      %dma_wait3A_54 = tpu.memref_slice %arg10[%dma_wait3A, %dma_wait3A_53] : memref<96x128xf32, #tpu.memory_space<vmem>> -> memref<56x128xf32, #tpu.memory_space<vmem>>
      %dma_wait3A_55 = arith.constant 0 : i32
      %dma_wait3A_56 = tpu.memref_slice %arg14[%add3A_28, %dma_wait3A_55] : memref<10112x128xf32, #tpu.memory_space<vmem_shared>> -> memref<56x128xf32, #tpu.memory_space<vmem_shared>>
      %dma_wait3A_57 = arith.constant 0 : i32
      %dma_wait3A_58 = tpu.memref_slice %arg14[%add3A_28, %dma_wait3A_57] : memref<10112x128xf32, #tpu.memory_space<vmem_shared>> -> memref<56x128xf32, #tpu.memory_space<vmem_shared>>
      %dma_wait3A_59 = arith.constant 0 : i32
      %dma_wait3A_60 = arith.constant 0 : i32
      %dma_wait3A_61 = tpu.memref_slice %arg10[%dma_wait3A_59, %dma_wait3A_60] : memref<96x128xf32, #tpu.memory_space<vmem>> -> memref<56x128xf32, #tpu.memory_space<vmem>>
      tpu.wait_dma2 semaphore(%run_scoped3A : memref<!tpu.dma_semaphore, #tpu.memory_space<semaphore_mem>>) src(%dma_wait3A_61 : memref<56x128xf32, #tpu.memory_space<vmem>>) dst(%dma_wait3A_58 : memref<56x128xf32, #tpu.memory_space<vmem_shared>>)
      tpu.yield
    }) : () -> ()
    %barrier3A = arith.constant 0 : index
    tpu.barrier barrier_id(%barrier3A)
    %mul3A_29 = arith.constant 108 : i32
    %mul3A_30 = arith.muli %add3A, %mul3A_29 : i32
    %scan3A = arith.constant 0 : i32
    %scan3A_31 = arith.constant 0 : i32
    %scan3A_32 = arith.constant 27 : i32
    %scan3A_33 = arith.addi %scan3A_31, %scan3A_32 : i32
    %scan3A_34 = arith.constant 1 : i32
    scf.for %scan3A_44 = %scan3A_31 to %scan3A_33 step %scan3A_34  : i32 {
      %mul3A_45 = arith.constant 4 : i32
      %mul3A_46 = arith.muli %mul3A_45, %scan3A_44 : i32
      %add3A_47 = arith.addi %mul3A_30, %mul3A_46 : i32
      %add3A_48 = arith.constant 0 : i32
      %add3A_49 = arith.addi %add3A_47, %add3A_48 : i32
      %gt3A = arith.constant 0 : i32
      %gt3A_50 = arith.cmpi sgt, %scan3A_44, %gt3A : i32
      %convert_element_type3A = arith.extui %gt3A_50 : i1 to i32
      %cond3A = arith.constant 0 : i32
      %cond3A_51 = arith.cmpi ne, %convert_element_type3A, %cond3A : i32
      scf.if %cond3A_51 {
        tpu.wait_dma2 semaphore(%arg19 : memref<!tpu.dma_semaphore, #tpu.memory_space<semaphore_mem>>) src(%arg4 : memref<96x128xf32, #tpu.memory_space<hbm>>) dst(%arg10 : memref<96x128xf32, #tpu.memory_space<vmem>>)
      } else {
      }
      "tpu.region"() ({
        %run_scoped3A = tpu.sem_alloc : memref<!tpu.dma_semaphore, #tpu.memory_space<semaphore_mem>>
        %dma_start3A_164 = arith.constant 0 : i32
        %dma_start3A_165 = arith.constant 0 : i32
        %dma_start3A_166 = tpu.memref_slice %arg3[%add3A_49, %dma_start3A_164, %dma_start3A_165] : memref<3456x2x96xi32, #tpu.memory_space<hbm>> -> memref<1x2x96xi32, #tpu.memory_space<hbm>>
        %dma_start3A_167 = tpu.memref_squeeze %dma_start3A_166 : memref<1x2x96xi32, #tpu.memory_space<hbm>> -> memref<2x96xi32, #tpu.memory_space<hbm>>
        %dma_start3A_168 = arith.constant 0 : i32
        %dma_start3A_169 = arith.constant 0 : i32
        %dma_start3A_170 = tpu.memref_slice %arg3[%add3A_49, %dma_start3A_168, %dma_start3A_169] : memref<3456x2x96xi32, #tpu.memory_space<hbm>> -> memref<1x2x96xi32, #tpu.memory_space<hbm>>
        %dma_start3A_171 = tpu.memref_squeeze %dma_start3A_170 : memref<1x2x96xi32, #tpu.memory_space<hbm>> -> memref<2x96xi32, #tpu.memory_space<hbm>>
        tpu.enqueue_dma source(%dma_start3A_171 : memref<2x96xi32, #tpu.memory_space<hbm>>) target(%arg6 : memref<2x96xi32, #tpu.memory_space<vmem>>) target_semaphore(%run_scoped3A : memref<!tpu.dma_semaphore, #tpu.memory_space<semaphore_mem>>)
        %dma_wait3A_172 = arith.constant 0 : i32
        %dma_wait3A_173 = arith.constant 0 : i32
        %dma_wait3A_174 = tpu.memref_slice %arg3[%add3A_49, %dma_wait3A_172, %dma_wait3A_173] : memref<3456x2x96xi32, #tpu.memory_space<hbm>> -> memref<1x2x96xi32, #tpu.memory_space<hbm>>
        %dma_wait3A_175 = tpu.memref_squeeze %dma_wait3A_174 : memref<1x2x96xi32, #tpu.memory_space<hbm>> -> memref<2x96xi32, #tpu.memory_space<hbm>>
        %dma_wait3A_176 = arith.constant 0 : i32
        %dma_wait3A_177 = arith.constant 0 : i32
        %dma_wait3A_178 = tpu.memref_slice %arg3[%add3A_49, %dma_wait3A_176, %dma_wait3A_177] : memref<3456x2x96xi32, #tpu.memory_space<hbm>> -> memref<1x2x96xi32, #tpu.memory_space<hbm>>
        %dma_wait3A_179 = tpu.memref_squeeze %dma_wait3A_178 : memref<1x2x96xi32, #tpu.memory_space<hbm>> -> memref<2x96xi32, #tpu.memory_space<hbm>>
        tpu.wait_dma2 semaphore(%run_scoped3A : memref<!tpu.dma_semaphore, #tpu.memory_space<semaphore_mem>>) src(%dma_wait3A_179 : memref<2x96xi32, #tpu.memory_space<hbm>>) dst(%arg6 : memref<2x96xi32, #tpu.memory_space<vmem>>)
        tpu.yield
      }) : () -> ()
      %dma_start3A = arith.constant 0 : i32
      %dma_start3A_52 = arith.constant 0 : i32
      %dma_start3A_53 = tpu.memref_slice %arg6[%dma_start3A, %dma_start3A_52] : memref<2x96xi32, #tpu.memory_space<vmem>> -> memref<1x96xi32, #tpu.memory_space<vmem>>
      %dma_start3A_54 = tpu.memref_squeeze %dma_start3A_53 : memref<1x96xi32, #tpu.memory_space<vmem>> -> memref<96xi32, #tpu.memory_space<vmem>>
      %dma_start3A_55 = arith.constant 0 : i32
      %dma_start3A_56 = arith.constant 0 : i32
      %dma_start3A_57 = tpu.memref_slice %arg2[%dma_start3A_55, %dma_start3A_56] : memref<10000x128xf32, #tpu.memory_space<hbm>> -> memref<10000x128xf32, #tpu.memory_space<hbm>>
      tpu.enqueue_indirect_dma source(%dma_start3A_57 : memref<10000x128xf32, #tpu.memory_space<hbm>>) target(%arg10 : memref<96x128xf32, #tpu.memory_space<vmem>>) offsets(%dma_start3A_54 : memref<96xi32, #tpu.memory_space<vmem>>) semaphore(%arg15 : memref<!tpu.dma_semaphore, #tpu.memory_space<semaphore_mem>>)
      %mul3A_58 = arith.constant 4 : i32
      %mul3A_59 = arith.muli %mul3A_58, %scan3A_44 : i32
      %add3A_60 = arith.addi %mul3A_30, %mul3A_59 : i32
      %add3A_61 = arith.constant 1 : i32
      %add3A_62 = arith.addi %add3A_60, %add3A_61 : i32
      %gt3A_63 = arith.constant 0 : i32
      %gt3A_64 = arith.cmpi sgt, %scan3A_44, %gt3A_63 : i32
      %convert_element_type3A_65 = arith.extui %gt3A_64 : i1 to i32
      %cond3A_66 = arith.constant 0 : i32
      %cond3A_67 = arith.cmpi ne, %convert_element_type3A_65, %cond3A_66 : i32
      scf.if %cond3A_67 {
        tpu.wait_dma2 semaphore(%arg20 : memref<!tpu.dma_semaphore, #tpu.memory_space<semaphore_mem>>) src(%arg4 : memref<96x128xf32, #tpu.memory_space<hbm>>) dst(%arg11 : memref<96x128xf32, #tpu.memory_space<vmem>>)
      } else {
      }
      "tpu.region"() ({
        %run_scoped3A = tpu.sem_alloc : memref<!tpu.dma_semaphore, #tpu.memory_space<semaphore_mem>>
        %dma_start3A_164 = arith.constant 0 : i32
        %dma_start3A_165 = arith.constant 0 : i32
        %dma_start3A_166 = tpu.memref_slice %arg3[%add3A_62, %dma_start3A_164, %dma_start3A_165] : memref<3456x2x96xi32, #tpu.memory_space<hbm>> -> memref<1x2x96xi32, #tpu.memory_space<hbm>>
        %dma_start3A_167 = tpu.memref_squeeze %dma_start3A_166 : memref<1x2x96xi32, #tpu.memory_space<hbm>> -> memref<2x96xi32, #tpu.memory_space<hbm>>
        %dma_start3A_168 = arith.constant 0 : i32
        %dma_start3A_169 = arith.constant 0 : i32
        %dma_start3A_170 = tpu.memref_slice %arg3[%add3A_62, %dma_start3A_168, %dma_start3A_169] : memref<3456x2x96xi32, #tpu.memory_space<hbm>> -> memref<1x2x96xi32, #tpu.memory_space<hbm>>
        %dma_start3A_171 = tpu.memref_squeeze %dma_start3A_170 : memref<1x2x96xi32, #tpu.memory_space<hbm>> -> memref<2x96xi32, #tpu.memory_space<hbm>>
        tpu.enqueue_dma source(%dma_start3A_171 : memref<2x96xi32, #tpu.memory_space<hbm>>) target(%arg7 : memref<2x96xi32, #tpu.memory_space<vmem>>) target_semaphore(%run_scoped3A : memref<!tpu.dma_semaphore, #tpu.memory_space<semaphore_mem>>)
        %dma_wait3A_172 = arith.constant 0 : i32
        %dma_wait3A_173 = arith.constant 0 : i32
        %dma_wait3A_174 = tpu.memref_slice %arg3[%add3A_62, %dma_wait3A_172, %dma_wait3A_173] : memref<3456x2x96xi32, #tpu.memory_space<hbm>> -> memref<1x2x96xi32, #tpu.memory_space<hbm>>
        %dma_wait3A_175 = tpu.memref_squeeze %dma_wait3A_174 : memref<1x2x96xi32, #tpu.memory_space<hbm>> -> memref<2x96xi32, #tpu.memory_space<hbm>>
        %dma_wait3A_176 = arith.constant 0 : i32
        %dma_wait3A_177 = arith.constant 0 : i32
        %dma_wait3A_178 = tpu.memref_slice %arg3[%add3A_62, %dma_wait3A_176, %dma_wait3A_177] : memref<3456x2x96xi32, #tpu.memory_space<hbm>> -> memref<1x2x96xi32, #tpu.memory_space<hbm>>
        %dma_wait3A_179 = tpu.memref_squeeze %dma_wait3A_178 : memref<1x2x96xi32, #tpu.memory_space<hbm>> -> memref<2x96xi32, #tpu.memory_space<hbm>>
        tpu.wait_dma2 semaphore(%run_scoped3A : memref<!tpu.dma_semaphore, #tpu.memory_space<semaphore_mem>>) src(%dma_wait3A_179 : memref<2x96xi32, #tpu.memory_space<hbm>>) dst(%arg7 : memref<2x96xi32, #tpu.memory_space<vmem>>)
        tpu.yield
      }) : () -> ()
      %dma_start3A_68 = arith.constant 0 : i32
      %dma_start3A_69 = arith.constant 0 : i32
      %dma_start3A_70 = tpu.memref_slice %arg7[%dma_start3A_68, %dma_start3A_69] : memref<2x96xi32, #tpu.memory_space<vmem>> -> memref<1x96xi32, #tpu.memory_space<vmem>>
      %dma_start3A_71 = tpu.memref_squeeze %dma_start3A_70 : memref<1x96xi32, #tpu.memory_space<vmem>> -> memref<96xi32, #tpu.memory_space<vmem>>
      %dma_start3A_72 = arith.constant 0 : i32
      %dma_start3A_73 = arith.constant 0 : i32
      %dma_start3A_74 = tpu.memref_slice %arg2[%dma_start3A_72, %dma_start3A_73] : memref<10000x128xf32, #tpu.memory_space<hbm>> -> memref<10000x128xf32, #tpu.memory_space<hbm>>
      tpu.enqueue_indirect_dma source(%dma_start3A_74 : memref<10000x128xf32, #tpu.memory_space<hbm>>) target(%arg11 : memref<96x128xf32, #tpu.memory_space<vmem>>) offsets(%dma_start3A_71 : memref<96xi32, #tpu.memory_space<vmem>>) semaphore(%arg16 : memref<!tpu.dma_semaphore, #tpu.memory_space<semaphore_mem>>)
      %mul3A_75 = arith.constant 4 : i32
      %mul3A_76 = arith.muli %mul3A_75, %scan3A_44 : i32
      %add3A_77 = arith.addi %mul3A_30, %mul3A_76 : i32
      %add3A_78 = arith.constant 2 : i32
      %add3A_79 = arith.addi %add3A_77, %add3A_78 : i32
      %gt3A_80 = arith.constant 0 : i32
      %gt3A_81 = arith.cmpi sgt, %scan3A_44, %gt3A_80 : i32
      %convert_element_type3A_82 = arith.extui %gt3A_81 : i1 to i32
      %cond3A_83 = arith.constant 0 : i32
      %cond3A_84 = arith.cmpi ne, %convert_element_type3A_82, %cond3A_83 : i32
      scf.if %cond3A_84 {
        tpu.wait_dma2 semaphore(%arg21 : memref<!tpu.dma_semaphore, #tpu.memory_space<semaphore_mem>>) src(%arg4 : memref<96x128xf32, #tpu.memory_space<hbm>>) dst(%arg12 : memref<96x128xf32, #tpu.memory_space<vmem>>)
      } else {
      }
      "tpu.region"() ({
        %run_scoped3A = tpu.sem_alloc : memref<!tpu.dma_semaphore, #tpu.memory_space<semaphore_mem>>
        %dma_start3A_164 = arith.constant 0 : i32
        %dma_start3A_165 = arith.constant 0 : i32
        %dma_start3A_166 = tpu.memref_slice %arg3[%add3A_79, %dma_start3A_164, %dma_start3A_165] : memref<3456x2x96xi32, #tpu.memory_space<hbm>> -> memref<1x2x96xi32, #tpu.memory_space<hbm>>
        %dma_start3A_167 = tpu.memref_squeeze %dma_start3A_166 : memref<1x2x96xi32, #tpu.memory_space<hbm>> -> memref<2x96xi32, #tpu.memory_space<hbm>>
        %dma_start3A_168 = arith.constant 0 : i32
        %dma_start3A_169 = arith.constant 0 : i32
        %dma_start3A_170 = tpu.memref_slice %arg3[%add3A_79, %dma_start3A_168, %dma_start3A_169] : memref<3456x2x96xi32, #tpu.memory_space<hbm>> -> memref<1x2x96xi32, #tpu.memory_space<hbm>>
        %dma_start3A_171 = tpu.memref_squeeze %dma_start3A_170 : memref<1x2x96xi32, #tpu.memory_space<hbm>> -> memref<2x96xi32, #tpu.memory_space<hbm>>
        tpu.enqueue_dma source(%dma_start3A_171 : memref<2x96xi32, #tpu.memory_space<hbm>>) target(%arg8 : memref<2x96xi32, #tpu.memory_space<vmem>>) target_semaphore(%run_scoped3A : memref<!tpu.dma_semaphore, #tpu.memory_space<semaphore_mem>>)
        %dma_wait3A_172 = arith.constant 0 : i32
        %dma_wait3A_173 = arith.constant 0 : i32
        %dma_wait3A_174 = tpu.memref_slice %arg3[%add3A_79, %dma_wait3A_172, %dma_wait3A_173] : memref<3456x2x96xi32, #tpu.memory_space<hbm>> -> memref<1x2x96xi32, #tpu.memory_space<hbm>>
        %dma_wait3A_175 = tpu.memref_squeeze %dma_wait3A_174 : memref<1x2x96xi32, #tpu.memory_space<hbm>> -> memref<2x96xi32, #tpu.memory_space<hbm>>
        %dma_wait3A_176 = arith.constant 0 : i32
        %dma_wait3A_177 = arith.constant 0 : i32
        %dma_wait3A_178 = tpu.memref_slice %arg3[%add3A_79, %dma_wait3A_176, %dma_wait3A_177] : memref<3456x2x96xi32, #tpu.memory_space<hbm>> -> memref<1x2x96xi32, #tpu.memory_space<hbm>>
        %dma_wait3A_179 = tpu.memref_squeeze %dma_wait3A_178 : memref<1x2x96xi32, #tpu.memory_space<hbm>> -> memref<2x96xi32, #tpu.memory_space<hbm>>
        tpu.wait_dma2 semaphore(%run_scoped3A : memref<!tpu.dma_semaphore, #tpu.memory_space<semaphore_mem>>) src(%dma_wait3A_179 : memref<2x96xi32, #tpu.memory_space<hbm>>) dst(%arg8 : memref<2x96xi32, #tpu.memory_space<vmem>>)
        tpu.yield
      }) : () -> ()
      %dma_start3A_85 = arith.constant 0 : i32
      %dma_start3A_86 = arith.constant 0 : i32
      %dma_start3A_87 = tpu.memref_slice %arg8[%dma_start3A_85, %dma_start3A_86] : memref<2x96xi32, #tpu.memory_space<vmem>> -> memref<1x96xi32, #tpu.memory_space<vmem>>
      %dma_start3A_88 = tpu.memref_squeeze %dma_start3A_87 : memref<1x96xi32, #tpu.memory_space<vmem>> -> memref<96xi32, #tpu.memory_space<vmem>>
      %dma_start3A_89 = arith.constant 0 : i32
      %dma_start3A_90 = arith.constant 0 : i32
      %dma_start3A_91 = tpu.memref_slice %arg2[%dma_start3A_89, %dma_start3A_90] : memref<10000x128xf32, #tpu.memory_space<hbm>> -> memref<10000x128xf32, #tpu.memory_space<hbm>>
      tpu.enqueue_indirect_dma source(%dma_start3A_91 : memref<10000x128xf32, #tpu.memory_space<hbm>>) target(%arg12 : memref<96x128xf32, #tpu.memory_space<vmem>>) offsets(%dma_start3A_88 : memref<96xi32, #tpu.memory_space<vmem>>) semaphore(%arg17 : memref<!tpu.dma_semaphore, #tpu.memory_space<semaphore_mem>>)
      %mul3A_92 = arith.constant 4 : i32
      %mul3A_93 = arith.muli %mul3A_92, %scan3A_44 : i32
      %add3A_94 = arith.addi %mul3A_30, %mul3A_93 : i32
      %add3A_95 = arith.constant 3 : i32
      %add3A_96 = arith.addi %add3A_94, %add3A_95 : i32
      %gt3A_97 = arith.constant 0 : i32
      %gt3A_98 = arith.cmpi sgt, %scan3A_44, %gt3A_97 : i32
      %convert_element_type3A_99 = arith.extui %gt3A_98 : i1 to i32
      %cond3A_100 = arith.constant 0 : i32
      %cond3A_101 = arith.cmpi ne, %convert_element_type3A_99, %cond3A_100 : i32
      scf.if %cond3A_101 {
        tpu.wait_dma2 semaphore(%arg22 : memref<!tpu.dma_semaphore, #tpu.memory_space<semaphore_mem>>) src(%arg4 : memref<96x128xf32, #tpu.memory_space<hbm>>) dst(%arg13 : memref<96x128xf32, #tpu.memory_space<vmem>>)
      } else {
      }
      "tpu.region"() ({
        %run_scoped3A = tpu.sem_alloc : memref<!tpu.dma_semaphore, #tpu.memory_space<semaphore_mem>>
        %dma_start3A_164 = arith.constant 0 : i32
        %dma_start3A_165 = arith.constant 0 : i32
        %dma_start3A_166 = tpu.memref_slice %arg3[%add3A_96, %dma_start3A_164, %dma_start3A_165] : memref<3456x2x96xi32, #tpu.memory_space<hbm>> -> memref<1x2x96xi32, #tpu.memory_space<hbm>>
        %dma_start3A_167 = tpu.memref_squeeze %dma_start3A_166 : memref<1x2x96xi32, #tpu.memory_space<hbm>> -> memref<2x96xi32, #tpu.memory_space<hbm>>
        %dma_start3A_168 = arith.constant 0 : i32
        %dma_start3A_169 = arith.constant 0 : i32
        %dma_start3A_170 = tpu.memref_slice %arg3[%add3A_96, %dma_start3A_168, %dma_start3A_169] : memref<3456x2x96xi32, #tpu.memory_space<hbm>> -> memref<1x2x96xi32, #tpu.memory_space<hbm>>
        %dma_start3A_171 = tpu.memref_squeeze %dma_start3A_170 : memref<1x2x96xi32, #tpu.memory_space<hbm>> -> memref<2x96xi32, #tpu.memory_space<hbm>>
        tpu.enqueue_dma source(%dma_start3A_171 : memref<2x96xi32, #tpu.memory_space<hbm>>) target(%arg9 : memref<2x96xi32, #tpu.memory_space<vmem>>) target_semaphore(%run_scoped3A : memref<!tpu.dma_semaphore, #tpu.memory_space<semaphore_mem>>)
        %dma_wait3A_172 = arith.constant 0 : i32
        %dma_wait3A_173 = arith.constant 0 : i32
        %dma_wait3A_174 = tpu.memref_slice %arg3[%add3A_96, %dma_wait3A_172, %dma_wait3A_173] : memref<3456x2x96xi32, #tpu.memory_space<hbm>> -> memref<1x2x96xi32, #tpu.memory_space<hbm>>
        %dma_wait3A_175 = tpu.memref_squeeze %dma_wait3A_174 : memref<1x2x96xi32, #tpu.memory_space<hbm>> -> memref<2x96xi32, #tpu.memory_space<hbm>>
        %dma_wait3A_176 = arith.constant 0 : i32
        %dma_wait3A_177 = arith.constant 0 : i32
        %dma_wait3A_178 = tpu.memref_slice %arg3[%add3A_96, %dma_wait3A_176, %dma_wait3A_177] : memref<3456x2x96xi32, #tpu.memory_space<hbm>> -> memref<1x2x96xi32, #tpu.memory_space<hbm>>
        %dma_wait3A_179 = tpu.memref_squeeze %dma_wait3A_178 : memref<1x2x96xi32, #tpu.memory_space<hbm>> -> memref<2x96xi32, #tpu.memory_space<hbm>>
        tpu.wait_dma2 semaphore(%run_scoped3A : memref<!tpu.dma_semaphore, #tpu.memory_space<semaphore_mem>>) src(%dma_wait3A_179 : memref<2x96xi32, #tpu.memory_space<hbm>>) dst(%arg9 : memref<2x96xi32, #tpu.memory_space<vmem>>)
        tpu.yield
      }) : () -> ()
      %dma_start3A_102 = arith.constant 0 : i32
      %dma_start3A_103 = arith.constant 0 : i32
      %dma_start3A_104 = tpu.memref_slice %arg9[%dma_start3A_102, %dma_start3A_103] : memref<2x96xi32, #tpu.memory_space<vmem>> -> memref<1x96xi32, #tpu.memory_space<vmem>>
      %dma_start3A_105 = tpu.memref_squeeze %dma_start3A_104 : memref<1x96xi32, #tpu.memory_space<vmem>> -> memref<96xi32, #tpu.memory_space<vmem>>
      %dma_start3A_106 = arith.constant 0 : i32
      %dma_start3A_107 = arith.constant 0 : i32
      %dma_start3A_108 = tpu.memref_slice %arg2[%dma_start3A_106, %dma_start3A_107] : memref<10000x128xf32, #tpu.memory_space<hbm>> -> memref<10000x128xf32, #tpu.memory_space<hbm>>
      tpu.enqueue_indirect_dma source(%dma_start3A_108 : memref<10000x128xf32, #tpu.memory_space<hbm>>) target(%arg13 : memref<96x128xf32, #tpu.memory_space<vmem>>) offsets(%dma_start3A_105 : memref<96xi32, #tpu.memory_space<vmem>>) semaphore(%arg18 : memref<!tpu.dma_semaphore, #tpu.memory_space<semaphore_mem>>)
      %dma_wait3A = arith.constant 0 : i32
      %dma_wait3A_109 = arith.constant 0 : i32
      %dma_wait3A_110 = tpu.memref_slice %arg6[%dma_wait3A, %dma_wait3A_109] : memref<2x96xi32, #tpu.memory_space<vmem>> -> memref<1x96xi32, #tpu.memory_space<vmem>>
      %dma_wait3A_111 = tpu.memref_squeeze %dma_wait3A_110 : memref<1x96xi32, #tpu.memory_space<vmem>> -> memref<96xi32, #tpu.memory_space<vmem>>
      %dma_wait3A_112 = arith.constant 0 : i32
      %dma_wait3A_113 = arith.constant 0 : i32
      %dma_wait3A_114 = tpu.memref_slice %arg2[%dma_wait3A_112, %dma_wait3A_113] : memref<10000x128xf32, #tpu.memory_space<hbm>> -> memref<10000x128xf32, #tpu.memory_space<hbm>>
      tpu.wait_indirect_dma semaphore(%arg15 : memref<!tpu.dma_semaphore, #tpu.memory_space<semaphore_mem>>) src(%dma_wait3A_114 : memref<10000x128xf32, #tpu.memory_space<hbm>>) dst(%arg10 : memref<96x128xf32, #tpu.memory_space<vmem>>)
      %dma_start3A_115 = arith.constant 1 : i32
      %dma_start3A_116 = arith.constant 0 : i32
      %dma_start3A_117 = tpu.memref_slice %arg6[%dma_start3A_115, %dma_start3A_116] : memref<2x96xi32, #tpu.memory_space<vmem>> -> memref<1x96xi32, #tpu.memory_space<vmem>>
      %dma_start3A_118 = tpu.memref_squeeze %dma_start3A_117 : memref<1x96xi32, #tpu.memory_space<vmem>> -> memref<96xi32, #tpu.memory_space<vmem>>
      %dma_start3A_119 = arith.constant 0 : i32
      %dma_start3A_120 = arith.constant 0 : i32
      %dma_start3A_121 = tpu.memref_slice %arg14[%dma_start3A_119, %dma_start3A_120] : memref<10112x128xf32, #tpu.memory_space<vmem_shared>> -> memref<10112x128xf32, #tpu.memory_space<vmem_shared>>
      tpu.enqueue_indirect_dma source(%arg10 : memref<96x128xf32, #tpu.memory_space<vmem>>) target(%dma_start3A_121 : memref<10112x128xf32, #tpu.memory_space<vmem_shared>>) offsets(%dma_start3A_118 : memref<96xi32, #tpu.memory_space<vmem>>) semaphore(%arg19 : memref<!tpu.dma_semaphore, #tpu.memory_space<semaphore_mem>>) {add = true}
      %dma_wait3A_122 = arith.constant 0 : i32
      %dma_wait3A_123 = arith.constant 0 : i32
      %dma_wait3A_124 = tpu.memref_slice %arg7[%dma_wait3A_122, %dma_wait3A_123] : memref<2x96xi32, #tpu.memory_space<vmem>> -> memref<1x96xi32, #tpu.memory_space<vmem>>
      %dma_wait3A_125 = tpu.memref_squeeze %dma_wait3A_124 : memref<1x96xi32, #tpu.memory_space<vmem>> -> memref<96xi32, #tpu.memory_space<vmem>>
      %dma_wait3A_126 = arith.constant 0 : i32
      %dma_wait3A_127 = arith.constant 0 : i32
      %dma_wait3A_128 = tpu.memref_slice %arg2[%dma_wait3A_126, %dma_wait3A_127] : memref<10000x128xf32, #tpu.memory_space<hbm>> -> memref<10000x128xf32, #tpu.memory_space<hbm>>
      tpu.wait_indirect_dma semaphore(%arg16 : memref<!tpu.dma_semaphore, #tpu.memory_space<semaphore_mem>>) src(%dma_wait3A_128 : memref<10000x128xf32, #tpu.memory_space<hbm>>) dst(%arg11 : memref<96x128xf32, #tpu.memory_space<vmem>>)
      %dma_start3A_129 = arith.constant 1 : i32
      %dma_start3A_130 = arith.constant 0 : i32
      %dma_start3A_131 = tpu.memref_slice %arg7[%dma_start3A_129, %dma_start3A_130] : memref<2x96xi32, #tpu.memory_space<vmem>> -> memref<1x96xi32, #tpu.memory_space<vmem>>
      %dma_start3A_132 = tpu.memref_squeeze %dma_start3A_131 : memref<1x96xi32, #tpu.memory_space<vmem>> -> memref<96xi32, #tpu.memory_space<vmem>>
      %dma_start3A_133 = arith.constant 0 : i32
      %dma_start3A_134 = arith.constant 0 : i32
      %dma_start3A_135 = tpu.memref_slice %arg14[%dma_start3A_133, %dma_start3A_134] : memref<10112x128xf32, #tpu.memory_space<vmem_shared>> -> memref<10112x128xf32, #tpu.memory_space<vmem_shared>>
      tpu.enqueue_indirect_dma source(%arg11 : memref<96x128xf32, #tpu.memory_space<vmem>>) target(%dma_start3A_135 : memref<10112x128xf32, #tpu.memory_space<vmem_shared>>) offsets(%dma_start3A_132 : memref<96xi32, #tpu.memory_space<vmem>>) semaphore(%arg20 : memref<!tpu.dma_semaphore, #tpu.memory_space<semaphore_mem>>) {add = true}
      %dma_wait3A_136 = arith.constant 0 : i32
      %dma_wait3A_137 = arith.constant 0 : i32
      %dma_wait3A_138 = tpu.memref_slice %arg8[%dma_wait3A_136, %dma_wait3A_137] : memref<2x96xi32, #tpu.memory_space<vmem>> -> memref<1x96xi32, #tpu.memory_space<vmem>>
      %dma_wait3A_139 = tpu.memref_squeeze %dma_wait3A_138 : memref<1x96xi32, #tpu.memory_space<vmem>> -> memref<96xi32, #tpu.memory_space<vmem>>
      %dma_wait3A_140 = arith.constant 0 : i32
      %dma_wait3A_141 = arith.constant 0 : i32
      %dma_wait3A_142 = tpu.memref_slice %arg2[%dma_wait3A_140, %dma_wait3A_141] : memref<10000x128xf32, #tpu.memory_space<hbm>> -> memref<10000x128xf32, #tpu.memory_space<hbm>>
      tpu.wait_indirect_dma semaphore(%arg17 : memref<!tpu.dma_semaphore, #tpu.memory_space<semaphore_mem>>) src(%dma_wait3A_142 : memref<10000x128xf32, #tpu.memory_space<hbm>>) dst(%arg12 : memref<96x128xf32, #tpu.memory_space<vmem>>)
      %dma_start3A_143 = arith.constant 1 : i32
      %dma_start3A_144 = arith.constant 0 : i32
      %dma_start3A_145 = tpu.memref_slice %arg8[%dma_start3A_143, %dma_start3A_144] : memref<2x96xi32, #tpu.memory_space<vmem>> -> memref<1x96xi32, #tpu.memory_space<vmem>>
      %dma_start3A_146 = tpu.memref_squeeze %dma_start3A_145 : memref<1x96xi32, #tpu.memory_space<vmem>> -> memref<96xi32, #tpu.memory_space<vmem>>
      %dma_start3A_147 = arith.constant 0 : i32
      %dma_start3A_148 = arith.constant 0 : i32
      %dma_start3A_149 = tpu.memref_slice %arg14[%dma_start3A_147, %dma_start3A_148] : memref<10112x128xf32, #tpu.memory_space<vmem_shared>> -> memref<10112x128xf32, #tpu.memory_space<vmem_shared>>
      tpu.enqueue_indirect_dma source(%arg12 : memref<96x128xf32, #tpu.memory_space<vmem>>) target(%dma_start3A_149 : memref<10112x128xf32, #tpu.memory_space<vmem_shared>>) offsets(%dma_start3A_146 : memref<96xi32, #tpu.memory_space<vmem>>) semaphore(%arg21 : memref<!tpu.dma_semaphore, #tpu.memory_space<semaphore_mem>>) {add = true}
      %dma_wait3A_150 = arith.constant 0 : i32
      %dma_wait3A_151 = arith.constant 0 : i32
      %dma_wait3A_152 = tpu.memref_slice %arg9[%dma_wait3A_150, %dma_wait3A_151] : memref<2x96xi32, #tpu.memory_space<vmem>> -> memref<1x96xi32, #tpu.memory_space<vmem>>
      %dma_wait3A_153 = tpu.memref_squeeze %dma_wait3A_152 : memref<1x96xi32, #tpu.memory_space<vmem>> -> memref<96xi32, #tpu.memory_space<vmem>>
      %dma_wait3A_154 = arith.constant 0 : i32
      %dma_wait3A_155 = arith.constant 0 : i32
      %dma_wait3A_156 = tpu.memref_slice %arg2[%dma_wait3A_154, %dma_wait3A_155] : memref<10000x128xf32, #tpu.memory_space<hbm>> -> memref<10000x128xf32, #tpu.memory_space<hbm>>
      tpu.wait_indirect_dma semaphore(%arg18 : memref<!tpu.dma_semaphore, #tpu.memory_space<semaphore_mem>>) src(%dma_wait3A_156 : memref<10000x128xf32, #tpu.memory_space<hbm>>) dst(%arg13 : memref<96x128xf32, #tpu.memory_space<vmem>>)
      %dma_start3A_157 = arith.constant 1 : i32
      %dma_start3A_158 = arith.constant 0 : i32
      %dma_start3A_159 = tpu.memref_slice %arg9[%dma_start3A_157, %dma_start3A_158] : memref<2x96xi32, #tpu.memory_space<vmem>> -> memref<1x96xi32, #tpu.memory_space<vmem>>
      %dma_start3A_160 = tpu.memref_squeeze %dma_start3A_159 : memref<1x96xi32, #tpu.memory_space<vmem>> -> memref<96xi32, #tpu.memory_space<vmem>>
      %dma_start3A_161 = arith.constant 0 : i32
      %dma_start3A_162 = arith.constant 0 : i32
      %dma_start3A_163 = tpu.memref_slice %arg14[%dma_start3A_161, %dma_start3A_162] : memref<10112x128xf32, #tpu.memory_space<vmem_shared>> -> memref<10112x128xf32, #tpu.memory_space<vmem_shared>>
      tpu.enqueue_indirect_dma source(%arg13 : memref<96x128xf32, #tpu.memory_space<vmem>>) target(%dma_start3A_163 : memref<10112x128xf32, #tpu.memory_space<vmem_shared>>) offsets(%dma_start3A_160 : memref<96xi32, #tpu.memory_space<vmem>>) semaphore(%arg22 : memref<!tpu.dma_semaphore, #tpu.memory_space<semaphore_mem>>) {add = true}
    }
    %scan3A_35 = arith.constant 27 : i32
    tpu.wait_dma2 semaphore(%arg19 : memref<!tpu.dma_semaphore, #tpu.memory_space<semaphore_mem>>) src(%arg4 : memref<96x128xf32, #tpu.memory_space<hbm>>) dst(%arg10 : memref<96x128xf32, #tpu.memory_space<vmem>>)
    tpu.wait_dma2 semaphore(%arg20 : memref<!tpu.dma_semaphore, #tpu.memory_space<semaphore_mem>>) src(%arg4 : memref<96x128xf32, #tpu.memory_space<hbm>>) dst(%arg11 : memref<96x128xf32, #tpu.memory_space<vmem>>)
    tpu.wait_dma2 semaphore(%arg21 : memref<!tpu.dma_semaphore, #tpu.memory_space<semaphore_mem>>) src(%arg4 : memref<96x128xf32, #tpu.memory_space<hbm>>) dst(%arg12 : memref<96x128xf32, #tpu.memory_space<vmem>>)
    tpu.wait_dma2 semaphore(%arg22 : memref<!tpu.dma_semaphore, #tpu.memory_space<semaphore_mem>>) src(%arg4 : memref<96x128xf32, #tpu.memory_space<hbm>>) dst(%arg13 : memref<96x128xf32, #tpu.memory_space<vmem>>)
    %barrier3A_36 = arith.constant 0 : index
    tpu.barrier barrier_id(%barrier3A_36)
    %mul3A_37 = arith.constant 632 : i32
    %mul3A_38 = arith.muli %arg1, %mul3A_37 : i32
    %mul3A_39 = arith.constant 10112 : i32
    %mul3A_40 = arith.muli %arg0, %mul3A_39 : i32
    %mul3A_41 = arith.constant 632 : i32
    %mul3A_42 = arith.muli %arg1, %mul3A_41 : i32
    %add3A_43 = arith.addi %mul3A_40, %mul3A_42 : i32
    "tpu.region"() ({
      %run_scoped3A = tpu.sem_alloc : memref<!tpu.dma_semaphore, #tpu.memory_space<semaphore_mem>>
      %dma_start3A = arith.constant 0 : i32
      %dma_start3A_44 = tpu.memref_slice %arg5[%add3A_43, %dma_start3A] : memref<20224x128xf32, #tpu.memory_space<hbm>> -> memref<632x128xf32, #tpu.memory_space<hbm>>
      %dma_start3A_45 = arith.constant 0 : i32
      %dma_start3A_46 = tpu.memref_slice %arg14[%mul3A_38, %dma_start3A_45] : memref<10112x128xf32, #tpu.memory_space<vmem_shared>> -> memref<632x128xf32, #tpu.memory_space<vmem_shared>>
      tpu.enqueue_dma source(%dma_start3A_46 : memref<632x128xf32, #tpu.memory_space<vmem_shared>>) target(%dma_start3A_44 : memref<632x128xf32, #tpu.memory_space<hbm>>) target_semaphore(%run_scoped3A : memref<!tpu.dma_semaphore, #tpu.memory_space<semaphore_mem>>)
      %dma_wait3A = arith.constant 0 : i32
      %dma_wait3A_47 = tpu.memref_slice %arg5[%add3A_43, %dma_wait3A] : memref<20224x128xf32, #tpu.memory_space<hbm>> -> memref<632x128xf32, #tpu.memory_space<hbm>>
      %dma_wait3A_48 = arith.constant 0 : i32
      %dma_wait3A_49 = tpu.memref_slice %arg14[%mul3A_38, %dma_wait3A_48] : memref<10112x128xf32, #tpu.memory_space<vmem_shared>> -> memref<632x128xf32, #tpu.memory_space<vmem_shared>>
      tpu.wait_dma2 semaphore(%run_scoped3A : memref<!tpu.dma_semaphore, #tpu.memory_space<semaphore_mem>>) src(%dma_wait3A_49 : memref<632x128xf32, #tpu.memory_space<vmem_shared>>) dst(%dma_wait3A_47 : memref<632x128xf32, #tpu.memory_space<hbm>>)
      tpu.yield
    }) : () -> ()
    return
  }
}

module attributes {stable_mosaic.version = 14 : i64} {
  func.func @_tc0_body(%arg0: i32, %arg1: memref<2000x128xf32, #tpu.memory_space<vmem>>, %arg2: memref<128x128xf32, #tpu.memory_space<vmem>>, %arg3: memref<2x2000x128xf32, #tpu.memory_space<vmem>>, %arg4: memref<2000x128xf32, #tpu.memory_space<vmem>>, %arg5: memref<2000x16xf32, #tpu.memory_space<vmem>>) attributes {dimension_semantics = [#tpu.dimension_semantics<arbitrary>], iteration_bounds = array<i64: 5>, scalar_prefetch = 0 : i64, scratch_operands = 0 : i64, tpu.core_type = #tpu.core_type<tc>, window_params = [{transform_indices = @transform_0, window_bounds = array<i64: 2000, 128>}, {pipeline_mode = #tpu.pipeline_mode<synchronous>, transform_indices = @transform_1, window_bounds = array<i64: 128, 128>}, {transform_indices = @transform_2, window_bounds = array<i64: 2, 2000, 128>}, {transform_indices = @transform_3, window_bounds = array<i64: 2000, 128>}, {transform_indices = @transform_4, window_bounds = array<i64: 2000, 16>}]} {
    %get3A = arith.constant 0 : index
    %get3A_0 = arith.constant 0 : index
    %get3A_1 = arith.constant 0 : index
    %get3A_2 = vector.load %arg3[%get3A, %get3A_0, %get3A_1] : memref<2x2000x128xf32, #tpu.memory_space<vmem>>, vector<1x2000x1xf32>
    %get3A_3 = vector.shape_cast %get3A_2 : vector<1x2000x1xf32> to vector<2000x1xf32>
    %get3A_4 = arith.constant 1 : index
    %get3A_5 = arith.constant 0 : index
    %get3A_6 = arith.constant 0 : index
    %get3A_7 = vector.load %arg3[%get3A_4, %get3A_5, %get3A_6] : memref<2x2000x128xf32, #tpu.memory_space<vmem>>, vector<1x2000x1xf32>
    %get3A_8 = vector.shape_cast %get3A_7 : vector<1x2000x1xf32> to vector<2000x1xf32>
    %add3A = arith.addf %get3A_3, %get3A_8 : vector<2000x1xf32>
    %add3A_9 = arith.constant 1.000000e+00 : f32
    %add3A_10 = vector.broadcast %add3A_9 : f32 to vector<2000x1xf32>
    %add3A_11 = arith.addf %add3A, %add3A_10 : vector<2000x1xf32>
    %rsqrt3A = math.rsqrt %add3A_11 : vector<2000x1xf32>
    %get3A_12 = arith.constant 0 : index
    %get3A_13 = arith.constant 0 : index
    %get3A_14 = vector.load %arg1[%get3A_12, %get3A_13] : memref<2000x128xf32, #tpu.memory_space<vmem>>, vector<2000x128xf32>
    %get3A_15 = arith.constant 0 : index
    %get3A_16 = arith.constant 0 : index
    %get3A_17 = vector.load %arg2[%get3A_15, %get3A_16] : memref<128x128xf32, #tpu.memory_space<vmem>>, vector<128x128xf32>
    %dot_general3A = arith.constant dense<0.000000e+00> : vector<2000x128xf32>
    %dot_general3A_18 = tpu.matmul %get3A_14, %get3A_17, %dot_general3A {dimension_numbers = #tpu.dot_dimension_numbers<[1], [0], [0], [1], [0, 0, 1, 1], [], []>, transpose_lhs_hint = false} : vector<2000x128xf32>, vector<128x128xf32>, vector<2000x128xf32> -> vector<2000x128xf32>
    %mul3A = vector.broadcast %rsqrt3A : vector<2000x1xf32> to vector<2000x128xf32>
    %mul3A_19 = arith.mulf %dot_general3A_18, %mul3A : vector<2000x128xf32>
    %swap3A = arith.constant 0 : index
    %swap3A_20 = arith.constant 0 : index
    %swap3A_21 = vector.load %arg4[%swap3A, %swap3A_20] : memref<2000x128xf32, #tpu.memory_space<vmem>>, vector<2000x128xf32>
    tpu.vector_store %arg4[%swap3A, %swap3A_20], %mul3A_19 {strides = array<i32>} : memref<2000x128xf32, #tpu.memory_space<vmem>>, vector<2000x128xf32>,
    %broadcast_in_dim3A = vector.shape_cast %rsqrt3A : vector<2000x1xf32> to vector<2000x1xf32>
    %broadcast_in_dim3A_22 = vector.broadcast %broadcast_in_dim3A : vector<2000x1xf32> to vector<2000x16xf32>
    %swap3A_23 = arith.constant 0 : index
    %swap3A_24 = arith.constant 0 : index
    %swap3A_25 = vector.load %arg5[%swap3A_23, %swap3A_24] : memref<2000x16xf32, #tpu.memory_space<vmem>>, vector<2000x16xf32>
    tpu.vector_store %arg5[%swap3A_23, %swap3A_24], %broadcast_in_dim3A_22 {strides = array<i32>} : memref<2000x16xf32, #tpu.memory_space<vmem>>, vector<2000x16xf32>,
    return
  }
  func.func @transform_0(%arg0: i32) -> (i32, i32) {
    %c0_i32 = arith.constant 0 : i32
    %c0_i32_0 = arith.constant 0 : i32
    return %arg0, %c0_i32 : i32, i32
  }
  func.func @transform_1(%arg0: i32) -> (i32, i32) {
    %c0_i32 = arith.constant 0 : i32
    %c0_i32_0 = arith.constant 0 : i32
    %c0_i32_1 = arith.constant 0 : i32
    return %c0_i32, %c0_i32_0 : i32, i32
  }
  func.func @transform_2(%arg0: i32) -> (i32, i32, i32) {
    %c0_i32 = arith.constant 0 : i32
    %c0_i32_0 = arith.constant 0 : i32
    %c0_i32_1 = arith.constant 0 : i32
    return %c0_i32, %arg0, %c0_i32_0 : i32, i32, i32
  }
  func.func @transform_3(%arg0: i32) -> (i32, i32) {
    %c0_i32 = arith.constant 0 : i32
    %c0_i32_0 = arith.constant 0 : i32
    return %arg0, %c0_i32 : i32, i32
  }
  func.func @transform_4(%arg0: i32) -> (i32, i32) {
    %c0_i32 = arith.constant 0 : i32
    %c0_i32_0 = arith.constant 0 : i32
    return %arg0, %c0_i32 : i32, i32
  }
}

module attributes {stable_mosaic.version = 14 : i64} {
  func.func @_tc_layer_body(%arg0: i32, %arg1: memref<2x2000x128xf32, #tpu.memory_space<vmem>>, %arg2: memref<2000x128xf32, #tpu.memory_space<vmem>>, %arg3: memref<2000x16xf32, #tpu.memory_space<vmem>>, %arg4: memref<128x128xf32, #tpu.memory_space<vmem>>, %arg5: memref<1x128xf32, #tpu.memory_space<vmem>>, %arg6: memref<2000x128xf32, #tpu.memory_space<vmem>>) attributes {dimension_semantics = [#tpu.dimension_semantics<arbitrary>], iteration_bounds = array<i64: 5>, scalar_prefetch = 0 : i64, scratch_operands = 0 : i64, tpu.core_type = #tpu.core_type<tc>, window_params = [{transform_indices = @transform_0, window_bounds = array<i64: 2, 2000, 128>}, {transform_indices = @transform_1, window_bounds = array<i64: 2000, 128>}, {transform_indices = @transform_2, window_bounds = array<i64: 2000, 16>}, {pipeline_mode = #tpu.pipeline_mode<synchronous>, transform_indices = @transform_3, window_bounds = array<i64: 128, 128>}, {pipeline_mode = #tpu.pipeline_mode<synchronous>, transform_indices = @transform_4, window_bounds = array<i64: 1, 128>}, {transform_indices = @transform_5, window_bounds = array<i64: 2000, 128>}]} {
    %get3A = arith.constant 0 : index
    %get3A_0 = arith.constant 0 : index
    %get3A_1 = vector.load %arg3[%get3A, %get3A_0] : memref<2000x16xf32, #tpu.memory_space<vmem>>, vector<2000x1xf32>
    %get3A_2 = arith.constant 0 : index
    %get3A_3 = arith.constant 0 : index
    %get3A_4 = arith.constant 0 : index
    %get3A_5 = vector.load %arg1[%get3A_2, %get3A_3, %get3A_4] : memref<2x2000x128xf32, #tpu.memory_space<vmem>>, vector<1x2000x128xf32>
    %get3A_6 = vector.shape_cast %get3A_5 : vector<1x2000x128xf32> to vector<2000x128xf32>
    %get3A_7 = arith.constant 1 : index
    %get3A_8 = arith.constant 0 : index
    %get3A_9 = arith.constant 0 : index
    %get3A_10 = vector.load %arg1[%get3A_7, %get3A_8, %get3A_9] : memref<2x2000x128xf32, #tpu.memory_space<vmem>>, vector<1x2000x128xf32>
    %get3A_11 = vector.shape_cast %get3A_10 : vector<1x2000x128xf32> to vector<2000x128xf32>
    %add3A = arith.addf %get3A_6, %get3A_11 : vector<2000x128xf32>
    %get3A_12 = arith.constant 0 : index
    %get3A_13 = arith.constant 0 : index
    %get3A_14 = vector.load %arg2[%get3A_12, %get3A_13] : memref<2000x128xf32, #tpu.memory_space<vmem>>, vector<2000x128xf32>
    %add3A_15 = arith.addf %add3A, %get3A_14 : vector<2000x128xf32>
    %mul3A = vector.broadcast %get3A_1 : vector<2000x1xf32> to vector<2000x128xf32>
    %mul3A_16 = arith.mulf %mul3A, %add3A_15 : vector<2000x128xf32>
    %get3A_17 = arith.constant 0 : index
    %get3A_18 = arith.constant 0 : index
    %get3A_19 = vector.load %arg5[%get3A_17, %get3A_18] : memref<1x128xf32, #tpu.memory_space<vmem>>, vector<1x128xf32>
    %add3A_20 = vector.broadcast %get3A_19 : vector<1x128xf32> to vector<2000x128xf32>
    %add3A_21 = arith.addf %mul3A_16, %add3A_20 : vector<2000x128xf32>
    %max3A = arith.constant 0.000000e+00 : f32
    %max3A_22 = vector.broadcast %max3A : f32 to vector<2000x128xf32>
    %max3A_23 = arith.maximumf %add3A_21, %max3A_22 : vector<2000x128xf32>
    %get3A_24 = arith.constant 0 : index
    %get3A_25 = arith.constant 0 : index
    %get3A_26 = vector.load %arg4[%get3A_24, %get3A_25] : memref<128x128xf32, #tpu.memory_space<vmem>>, vector<128x128xf32>
    %dot_general3A = arith.constant dense<0.000000e+00> : vector<2000x128xf32>
    %dot_general3A_27 = tpu.matmul %max3A_23, %get3A_26, %dot_general3A {dimension_numbers = #tpu.dot_dimension_numbers<[1], [0], [0], [1], [0, 0, 1, 1], [], []>, transpose_lhs_hint = false} : vector<2000x128xf32>, vector<128x128xf32>, vector<2000x128xf32> -> vector<2000x128xf32>
    %mul3A_28 = vector.broadcast %get3A_1 : vector<2000x1xf32> to vector<2000x128xf32>
    %mul3A_29 = arith.mulf %dot_general3A_27, %mul3A_28 : vector<2000x128xf32>
    %swap3A = arith.constant 0 : index
    %swap3A_30 = arith.constant 0 : index
    %swap3A_31 = vector.load %arg6[%swap3A, %swap3A_30] : memref<2000x128xf32, #tpu.memory_space<vmem>>, vector<2000x128xf32>
    tpu.vector_store %arg6[%swap3A, %swap3A_30], %mul3A_29 {strides = array<i32>} : memref<2000x128xf32, #tpu.memory_space<vmem>>, vector<2000x128xf32>,
    return
  }
  func.func @transform_0(%arg0: i32) -> (i32, i32, i32) {
    %c0_i32 = arith.constant 0 : i32
    %c0_i32_0 = arith.constant 0 : i32
    %c0_i32_1 = arith.constant 0 : i32
    return %c0_i32, %arg0, %c0_i32_0 : i32, i32, i32
  }
  func.func @transform_1(%arg0: i32) -> (i32, i32) {
    %c0_i32 = arith.constant 0 : i32
    %c0_i32_0 = arith.constant 0 : i32
    return %arg0, %c0_i32 : i32, i32
  }
  func.func @transform_2(%arg0: i32) -> (i32, i32) {
    %c0_i32 = arith.constant 0 : i32
    %c0_i32_0 = arith.constant 0 : i32
    return %arg0, %c0_i32 : i32, i32
  }
  func.func @transform_3(%arg0: i32) -> (i32, i32) {
    %c0_i32 = arith.constant 0 : i32
    %c0_i32_0 = arith.constant 0 : i32
    %c0_i32_1 = arith.constant 0 : i32
    return %c0_i32, %c0_i32_0 : i32, i32
  }
  func.func @transform_4(%arg0: i32) -> (i32, i32) {
    %c0_i32 = arith.constant 0 : i32
    %c0_i32_0 = arith.constant 0 : i32
    %c0_i32_1 = arith.constant 0 : i32
    return %c0_i32, %c0_i32_0 : i32, i32
  }
  func.func @transform_5(%arg0: i32) -> (i32, i32) {
    %c0_i32 = arith.constant 0 : i32
    %c0_i32_0 = arith.constant 0 : i32
    return %arg0, %c0_i32 : i32, i32
  }
}

module attributes {stable_mosaic.version = 14 : i64} {
  func.func @_tc_final_body(%arg0: i32, %arg1: memref<2x2000x128xf32, #tpu.memory_space<vmem>>, %arg2: memref<2000x128xf32, #tpu.memory_space<vmem>>, %arg3: memref<2000x16xf32, #tpu.memory_space<vmem>>, %arg4: memref<1x128xf32, #tpu.memory_space<vmem>>, %arg5: memref<128x1xf32, #tpu.memory_space<vmem>>, %arg6: memref<1x1xf32, #tpu.memory_space<vmem>>, %arg7: memref<2000x1xi32, #tpu.memory_space<vmem>>, %arg8: memref<128x256xf32, #tpu.memory_space<vmem>>, %arg9: memref<1x256xf32, #tpu.memory_space<vmem>>, %arg10: memref<256x128xf32, #tpu.memory_space<vmem>>, %arg11: memref<1x128xf32, #tpu.memory_space<vmem>>, %arg12: memref<2000x1xf32, #tpu.memory_space<vmem>>, %arg13: memref<128x128xf32, #tpu.memory_space<vmem>>, %arg14: memref<128x1xf32, #tpu.memory_space<vmem>>, %arg15: memref<128x128xf32, #tpu.memory_space<vmem>>) attributes {dimension_semantics = [#tpu.dimension_semantics<arbitrary>], iteration_bounds = array<i64: 5>, scalar_prefetch = 0 : i64, scratch_operands = 0 : i64, tpu.core_type = #tpu.core_type<tc>, window_params = [{transform_indices = @transform_0, window_bounds = array<i64: 2, 2000, 128>}, {transform_indices = @transform_1, window_bounds = array<i64: 2000, 128>}, {transform_indices = @transform_2, window_bounds = array<i64: 2000, 16>}, {pipeline_mode = #tpu.pipeline_mode<synchronous>, transform_indices = @transform_3, window_bounds = array<i64: 1, 128>}, {pipeline_mode = #tpu.pipeline_mode<synchronous>, transform_indices = @transform_4, window_bounds = array<i64: 128, 1>}, {pipeline_mode = #tpu.pipeline_mode<synchronous>, transform_indices = @transform_5, window_bounds = array<i64: 1, 1>}, {transform_indices = @transform_6, window_bounds = array<i64: 2000, 1>}, {pipeline_mode = #tpu.pipeline_mode<synchronous>, transform_indices = @transform_7, window_bounds = array<i64: 128, 256>}, {pipeline_mode = #tpu.pipeline_mode<synchronous>, transform_indices = @transform_8, window_bounds = array<i64: 1, 256>}, {pipeline_mode = #tpu.pipeline_mode<synchronous>, transform_indices = @transform_9, window_bounds = array<i64: 256, 128>}, {pipeline_mode = #tpu.pipeline_mode<synchronous>, transform_indices = @transform_10, window_bounds = array<i64: 1, 128>}, {transform_indices = @transform_11, window_bounds = array<i64: 2000, 1>}, {pipeline_mode = #tpu.pipeline_mode<synchronous>, transform_indices = @transform_12, window_bounds = array<i64: 128, 128>}, {pipeline_mode = #tpu.pipeline_mode<synchronous>, transform_indices = @transform_13, window_bounds = array<i64: 128, 1>}, {pipeline_mode = #tpu.pipeline_mode<synchronous>, transform_indices = @transform_14, window_bounds = array<i64: 128, 128>}]} {
    %get3A = arith.constant 0 : index
    %get3A_0 = arith.constant 0 : index
    %get3A_1 = vector.load %arg3[%get3A, %get3A_0] : memref<2000x16xf32, #tpu.memory_space<vmem>>, vector<2000x1xf32>
    %get3A_2 = arith.constant 0 : index
    %get3A_3 = arith.constant 0 : index
    %get3A_4 = arith.constant 0 : index
    %get3A_5 = vector.load %arg1[%get3A_2, %get3A_3, %get3A_4] : memref<2x2000x128xf32, #tpu.memory_space<vmem>>, vector<1x2000x128xf32>
    %get3A_6 = vector.shape_cast %get3A_5 : vector<1x2000x128xf32> to vector<2000x128xf32>
    %get3A_7 = arith.constant 1 : index
    %get3A_8 = arith.constant 0 : index
    %get3A_9 = arith.constant 0 : index
    %get3A_10 = vector.load %arg1[%get3A_7, %get3A_8, %get3A_9] : memref<2x2000x128xf32, #tpu.memory_space<vmem>>, vector<1x2000x128xf32>
    %get3A_11 = vector.shape_cast %get3A_10 : vector<1x2000x128xf32> to vector<2000x128xf32>
    %add3A = arith.addf %get3A_6, %get3A_11 : vector<2000x128xf32>
    %get3A_12 = arith.constant 0 : index
    %get3A_13 = arith.constant 0 : index
    %get3A_14 = vector.load %arg2[%get3A_12, %get3A_13] : memref<2000x128xf32, #tpu.memory_space<vmem>>, vector<2000x128xf32>
    %add3A_15 = arith.addf %add3A, %get3A_14 : vector<2000x128xf32>
    %mul3A = vector.broadcast %get3A_1 : vector<2000x1xf32> to vector<2000x128xf32>
    %mul3A_16 = arith.mulf %mul3A, %add3A_15 : vector<2000x128xf32>
    %get3A_17 = arith.constant 0 : index
    %get3A_18 = arith.constant 0 : index
    %get3A_19 = vector.load %arg4[%get3A_17, %get3A_18] : memref<1x128xf32, #tpu.memory_space<vmem>>, vector<1x128xf32>
    %add3A_20 = vector.broadcast %get3A_19 : vector<1x128xf32> to vector<2000x128xf32>
    %add3A_21 = arith.addf %mul3A_16, %add3A_20 : vector<2000x128xf32>
    %max3A = arith.constant 0.000000e+00 : f32
    %max3A_22 = vector.broadcast %max3A : f32 to vector<2000x128xf32>
    %max3A_23 = arith.maximumf %add3A_21, %max3A_22 : vector<2000x128xf32>
    %get3A_24 = arith.constant 0 : index
    %get3A_25 = arith.constant 0 : index
    %get3A_26 = vector.load %arg5[%get3A_24, %get3A_25] : memref<128x1xf32, #tpu.memory_space<vmem>>, vector<128x1xf32>
    %dot_general3A = arith.constant dense<0.000000e+00> : vector<2000x1xf32>
    %dot_general3A_27 = tpu.matmul %max3A_23, %get3A_26, %dot_general3A {dimension_numbers = #tpu.dot_dimension_numbers<[1], [0], [0], [1], [0, 0, 1, 1], [], []>, transpose_lhs_hint = false} : vector<2000x128xf32>, vector<128x1xf32>, vector<2000x1xf32> -> vector<2000x1xf32>
    %get3A_28 = arith.constant 0 : index
    %get3A_29 = arith.constant 0 : index
    %get3A_30 = vector.load %arg6[%get3A_28, %get3A_29] : memref<1x1xf32, #tpu.memory_space<vmem>>, vector<1x1xf32>
    %add3A_31 = vector.broadcast %get3A_30 : vector<1x1xf32> to vector<2000x1xf32>
    %add3A_32 = arith.addf %dot_general3A_27, %add3A_31 : vector<2000x1xf32>
    %logistic3A = arith.negf %add3A_32 : vector<2000x1xf32>
    %logistic3A_33 = math.exp %logistic3A : vector<2000x1xf32>
    %logistic3A_34 = arith.constant 1.000000e+00 : f32
    %logistic3A_35 = vector.broadcast %logistic3A_34 : f32 to vector<2000x1xf32>
    %logistic3A_36 = arith.addf %logistic3A_35, %logistic3A_33 : vector<2000x1xf32>
    %logistic3A_37 = arith.divf %logistic3A_35, %logistic3A_36 : vector<2000x1xf32>
    %swap3A = arith.constant 0 : index
    %swap3A_38 = arith.constant 0 : index
    %swap3A_39 = vector.load %arg12[%swap3A, %swap3A_38] : memref<2000x1xf32, #tpu.memory_space<vmem>>, vector<2000x1xf32>
    tpu.vector_store %arg12[%swap3A, %swap3A_38], %logistic3A_37 {strides = array<i32>} : memref<2000x1xf32, #tpu.memory_space<vmem>>, vector<2000x1xf32>,
    %iota3A = tpu.iota {dimensions = array<i32: 1>} : vector<2000x128xi32>
    %get3A_40 = arith.constant 0 : index
    %get3A_41 = arith.constant 0 : index
    %get3A_42 = vector.load %arg7[%get3A_40, %get3A_41] : memref<2000x1xi32, #tpu.memory_space<vmem>>, vector<2000x1xi32>
    %eq3A = vector.broadcast %get3A_42 : vector<2000x1xi32> to vector<2000x128xi32>
    %eq3A_43 = arith.cmpi eq, %eq3A, %iota3A : vector<2000x128xi32>
    %convert_element_type3A = arith.extui %eq3A_43 : vector<2000x128xi1> to vector<2000x128xi32>
    %convert_element_type3A_44 = arith.sitofp %convert_element_type3A : vector<2000x128xi32> to vector<2000x128xf32>
    %dot_general3A_45 = arith.constant dense<0.000000e+00> : vector<128x128xf32>
    %dot_general3A_46 = tpu.matmul %convert_element_type3A_44, %max3A_23, %dot_general3A_45 {dimension_numbers = #tpu.dot_dimension_numbers<[0], [0], [1], [1], [0, 1, 1, 1], [], []>, transpose_lhs_hint = false} : vector<2000x128xf32>, vector<2000x128xf32>, vector<128x128xf32> -> vector<128x128xf32>
    %broadcast_in_dim3A = arith.constant 1.000000e+00 : f32
    %broadcast_in_dim3A_47 = vector.broadcast %broadcast_in_dim3A : f32 to vector<2000x1xf32>
    %dot_general3A_48 = arith.constant dense<0.000000e+00> : vector<128x1xf32>
    %dot_general3A_49 = tpu.matmul %convert_element_type3A_44, %broadcast_in_dim3A_47, %dot_general3A_48 {dimension_numbers = #tpu.dot_dimension_numbers<[0], [0], [1], [1], [0, 1, 1, 1], [], []>, transpose_lhs_hint = false} : vector<2000x128xf32>, vector<2000x1xf32>, vector<128x1xf32> -> vector<128x1xf32>
    %eq3A_50 = arith.constant 0 : i32
    %eq3A_51 = arith.cmpi eq, %arg0, %eq3A_50 : i32
    %convert_element_type3A_52 = arith.extui %eq3A_51 : i1 to i32
    %cond3A = arith.constant 0 : i32
    %cond3A_53 = arith.cmpi ne, %convert_element_type3A_52, %cond3A : i32
    scf.if %cond3A_53 {
      %swap3A_63 = arith.constant 0 : index
      %swap3A_64 = arith.constant 0 : index
      %swap3A_65 = vector.load %arg13[%swap3A_63, %swap3A_64] : memref<128x128xf32, #tpu.memory_space<vmem>>, vector<128x128xf32>
      tpu.vector_store %arg13[%swap3A_63, %swap3A_64], %dot_general3A_46 {strides = array<i32>} : memref<128x128xf32, #tpu.memory_space<vmem>>, vector<128x128xf32>,
      %swap3A_66 = arith.constant 0 : index
      %swap3A_67 = arith.constant 0 : index
      %swap3A_68 = vector.load %arg14[%swap3A_66, %swap3A_67] : memref<128x1xf32, #tpu.memory_space<vmem>>, vector<128x1xf32>
      tpu.vector_store %arg14[%swap3A_66, %swap3A_67], %dot_general3A_49 {strides = array<i32>} : memref<128x1xf32, #tpu.memory_space<vmem>>, vector<128x1xf32>,
    } else {
    }
    %gt3A = arith.constant 0 : i32
    %gt3A_54 = arith.cmpi sgt, %arg0, %gt3A : i32
    %convert_element_type3A_55 = arith.extui %gt3A_54 : i1 to i32
    %cond3A_56 = arith.constant 0 : i32
    %cond3A_57 = arith.cmpi ne, %convert_element_type3A_55, %cond3A_56 : i32
    scf.if %cond3A_57 {
      %get3A_63 = arith.constant 0 : index
      %get3A_64 = arith.constant 0 : index
      %get3A_65 = vector.load %arg13[%get3A_63, %get3A_64] : memref<128x128xf32, #tpu.memory_space<vmem>>, vector<128x128xf32>
      %add3A_66 = arith.addf %get3A_65, %dot_general3A_46 : vector<128x128xf32>
      %swap3A_67 = arith.constant 0 : index
      %swap3A_68 = arith.constant 0 : index
      %swap3A_69 = vector.load %arg13[%swap3A_67, %swap3A_68] : memref<128x128xf32, #tpu.memory_space<vmem>>, vector<128x128xf32>
      tpu.vector_store %arg13[%swap3A_67, %swap3A_68], %add3A_66 {strides = array<i32>} : memref<128x128xf32, #tpu.memory_space<vmem>>, vector<128x128xf32>,
      %get3A_70 = arith.constant 0 : index
      %get3A_71 = arith.constant 0 : index
      %get3A_72 = vector.load %arg14[%get3A_70, %get3A_71] : memref<128x1xf32, #tpu.memory_space<vmem>>, vector<128x1xf32>
      %add3A_73 = arith.addf %get3A_72, %dot_general3A_49 : vector<128x1xf32>
      %swap3A_74 = arith.constant 0 : index
      %swap3A_75 = arith.constant 0 : index
      %swap3A_76 = vector.load %arg14[%swap3A_74, %swap3A_75] : memref<128x1xf32, #tpu.memory_space<vmem>>, vector<128x1xf32>
      tpu.vector_store %arg14[%swap3A_74, %swap3A_75], %add3A_73 {strides = array<i32>} : memref<128x1xf32, #tpu.memory_space<vmem>>, vector<128x1xf32>,
    } else {
    }
    %eq3A_58 = arith.constant 4 : i32
    %eq3A_59 = arith.cmpi eq, %arg0, %eq3A_58 : i32
    %convert_element_type3A_60 = arith.extui %eq3A_59 : i1 to i32
    %cond3A_61 = arith.constant 0 : i32
    %cond3A_62 = arith.cmpi ne, %convert_element_type3A_60, %cond3A_61 : i32
    scf.if %cond3A_62 {
      %get3A_63 = arith.constant 0 : index
      %get3A_64 = arith.constant 0 : index
      %get3A_65 = vector.load %arg13[%get3A_63, %get3A_64] : memref<128x128xf32, #tpu.memory_space<vmem>>, vector<128x128xf32>
      %get3A_66 = arith.constant 0 : index
      %get3A_67 = arith.constant 0 : index
      %get3A_68 = vector.load %arg14[%get3A_66, %get3A_67] : memref<128x1xf32, #tpu.memory_space<vmem>>, vector<128x1xf32>
      %max3A_69 = arith.constant 1.000000e+00 : f32
      %max3A_70 = vector.broadcast %max3A_69 : f32 to vector<128x1xf32>
      %max3A_71 = arith.maximumf %get3A_68, %max3A_70 : vector<128x1xf32>
      %div3A = vector.broadcast %max3A_71 : vector<128x1xf32> to vector<128x128xf32>
      %div3A_72 = arith.divf %get3A_65, %div3A : vector<128x128xf32>
      %get3A_73 = arith.constant 0 : index
      %get3A_74 = arith.constant 0 : index
      %get3A_75 = vector.load %arg8[%get3A_73, %get3A_74] : memref<128x256xf32, #tpu.memory_space<vmem>>, vector<128x256xf32>
      %dot_general3A_76 = arith.constant dense<0.000000e+00> : vector<128x256xf32>
      %dot_general3A_77 = tpu.matmul %div3A_72, %get3A_75, %dot_general3A_76 {dimension_numbers = #tpu.dot_dimension_numbers<[1], [0], [0], [1], [0, 0, 1, 1], [], []>, transpose_lhs_hint = false} : vector<128x128xf32>, vector<128x256xf32>, vector<128x256xf32> -> vector<128x256xf32>
      %get3A_78 = arith.constant 0 : index
      %get3A_79 = arith.constant 0 : index
      %get3A_80 = vector.load %arg9[%get3A_78, %get3A_79] : memref<1x256xf32, #tpu.memory_space<vmem>>, vector<1x256xf32>
      %add3A_81 = vector.broadcast %get3A_80 : vector<1x256xf32> to vector<128x256xf32>
      %add3A_82 = arith.addf %dot_general3A_77, %add3A_81 : vector<128x256xf32>
      %max3A_83 = arith.constant 0.000000e+00 : f32
      %max3A_84 = vector.broadcast %max3A_83 : f32 to vector<128x256xf32>
      %max3A_85 = arith.maximumf %add3A_82, %max3A_84 : vector<128x256xf32>
      %get3A_86 = arith.constant 0 : index
      %get3A_87 = arith.constant 0 : index
      %get3A_88 = vector.load %arg10[%get3A_86, %get3A_87] : memref<256x128xf32, #tpu.memory_space<vmem>>, vector<256x128xf32>
      %dot_general3A_89 = arith.constant dense<0.000000e+00> : vector<128x128xf32>
      %dot_general3A_90 = tpu.matmul %max3A_85, %get3A_88, %dot_general3A_89 {dimension_numbers = #tpu.dot_dimension_numbers<[1], [0], [0], [1], [0, 0, 1, 1], [], []>, transpose_lhs_hint = false} : vector<128x256xf32>, vector<256x128xf32>, vector<128x128xf32> -> vector<128x128xf32>
      %get3A_91 = arith.constant 0 : index
      %get3A_92 = arith.constant 0 : index
      %get3A_93 = vector.load %arg11[%get3A_91, %get3A_92] : memref<1x128xf32, #tpu.memory_space<vmem>>, vector<1x128xf32>
      %add3A_94 = vector.broadcast %get3A_93 : vector<1x128xf32> to vector<128x128xf32>
      %add3A_95 = arith.addf %dot_general3A_90, %add3A_94 : vector<128x128xf32>
      %logistic3A_96 = arith.negf %add3A_95 : vector<128x128xf32>
      %logistic3A_97 = math.exp %logistic3A_96 : vector<128x128xf32>
      %logistic3A_98 = arith.constant 1.000000e+00 : f32
      %logistic3A_99 = vector.broadcast %logistic3A_98 : f32 to vector<128x128xf32>
      %logistic3A_100 = arith.addf %logistic3A_99, %logistic3A_97 : vector<128x128xf32>
      %logistic3A_101 = arith.divf %logistic3A_99, %logistic3A_100 : vector<128x128xf32>
      %swap3A_102 = arith.constant 0 : index
      %swap3A_103 = arith.constant 0 : index
      %swap3A_104 = vector.load %arg15[%swap3A_102, %swap3A_103] : memref<128x128xf32, #tpu.memory_space<vmem>>, vector<128x128xf32>
      tpu.vector_store %arg15[%swap3A_102, %swap3A_103], %logistic3A_101 {strides = array<i32>} : memref<128x128xf32, #tpu.memory_space<vmem>>, vector<128x128xf32>,
    } else {
    }
    return
  }
  func.func @transform_0(%arg0: i32) -> (i32, i32, i32) {
    %c0_i32 = arith.constant 0 : i32
    %c0_i32_0 = arith.constant 0 : i32
    %c0_i32_1 = arith.constant 0 : i32
    return %c0_i32, %arg0, %c0_i32_0 : i32, i32, i32
  }
  func.func @transform_1(%arg0: i32) -> (i32, i32) {
    %c0_i32 = arith.constant 0 : i32
    %c0_i32_0 = arith.constant 0 : i32
    return %arg0, %c0_i32 : i32, i32
  }
  func.func @transform_2(%arg0: i32) -> (i32, i32) {
    %c0_i32 = arith.constant 0 : i32
    %c0_i32_0 = arith.constant 0 : i32
    return %arg0, %c0_i32 : i32, i32
  }
  func.func @transform_3(%arg0: i32) -> (i32, i32) {
    %c0_i32 = arith.constant 0 : i32
    %c0_i32_0 = arith.constant 0 : i32
    %c0_i32_1 = arith.constant 0 : i32
    return %c0_i32, %c0_i32_0 : i32, i32
  }
  func.func @transform_4(%arg0: i32) -> (i32, i32) {
    %c0_i32 = arith.constant 0 : i32
    %c0_i32_0 = arith.constant 0 : i32
    %c0_i32_1 = arith.constant 0 : i32
    return %c0_i32, %c0_i32_0 : i32, i32
  }
  func.func @transform_5(%arg0: i32) -> (i32, i32) {
    %c0_i32 = arith.constant 0 : i32
    %c0_i32_0 = arith.constant 0 : i32
    %c0_i32_1 = arith.constant 0 : i32
    return %c0_i32, %c0_i32_0 : i32, i32
  }
  func.func @transform_6(%arg0: i32) -> (i32, i32) {
    %c0_i32 = arith.constant 0 : i32
    %c0_i32_0 = arith.constant 0 : i32
    return %arg0, %c0_i32 : i32, i32
  }
  func.func @transform_7(%arg0: i32) -> (i32, i32) {
    %c0_i32 = arith.constant 0 : i32
    %c0_i32_0 = arith.constant 0 : i32
    %c0_i32_1 = arith.constant 0 : i32
    return %c0_i32, %c0_i32_0 : i32, i32
  }
  func.func @transform_8(%arg0: i32) -> (i32, i32) {
    %c0_i32 = arith.constant 0 : i32
    %c0_i32_0 = arith.constant 0 : i32
    %c0_i32_1 = arith.constant 0 : i32
    return %c0_i32, %c0_i32_0 : i32, i32
  }
  func.func @transform_9(%arg0: i32) -> (i32, i32) {
    %c0_i32 = arith.constant 0 : i32
    %c0_i32_0 = arith.constant 0 : i32
    %c0_i32_1 = arith.constant 0 : i32
    return %c0_i32, %c0_i32_0 : i32, i32
  }
  func.func @transform_10(%arg0: i32) -> (i32, i32) {
    %c0_i32 = arith.constant 0 : i32
    %c0_i32_0 = arith.constant 0 : i32
    %c0_i32_1 = arith.constant 0 : i32
    return %c0_i32, %c0_i32_0 : i32, i32
  }
  func.func @transform_11(%arg0: i32) -> (i32, i32) {
    %c0_i32 = arith.constant 0 : i32
    %c0_i32_0 = arith.constant 0 : i32
    return %arg0, %c0_i32 : i32, i32
  }
  func.func @transform_12(%arg0: i32) -> (i32, i32) {
    %c0_i32 = arith.constant 0 : i32
    %c0_i32_0 = arith.constant 0 : i32
    %c0_i32_1 = arith.constant 0 : i32
    return %c0_i32, %c0_i32_0 : i32, i32
  }
  func.func @transform_13(%arg0: i32) -> (i32, i32) {
    %c0_i32 = arith.constant 0 : i32
    %c0_i32_0 = arith.constant 0 : i32
    %c0_i32_1 = arith.constant 0 : i32
    return %c0_i32, %c0_i32_0 : i32, i32
  }
  func.func @transform_14(%arg0: i32) -> (i32, i32) {
    %c0_i32 = arith.constant 0 : i32
    %c0_i32_0 = arith.constant 0 : i32
    %c0_i32_1 = arith.constant 0 : i32
    return %c0_i32, %c0_i32_0 : i32, i32
  }
}

</mosaic_0001>

<sc_bundles>
// kernel: kernel.10.cloned.1.call-start
scs
__scs_entry_jumppad:
0x0: {  	(pc) =	sbr.rel $0x88, $3  }
0x1: {  	(tag) =	ssettag $0x0;
	lr =	simm.s32 $0x1  }
0x2: {  	[smem:$0x3F92] =	sst lr;
	_ =	strace $0xD0000000  }
0x3: {  	_ = 	snop  }
0x4: {  	_ = 	snop  }
0x5: {  	_ = 	snop  }
0x6: {  	_ = 	snop  }
0x7: {  	_ = 	snop  }
__scs_overlays_trampoline_lowered:
0x8: {  	[smem:$0x3FA1] =	sst s0  }
0x9: {  	[smem:$0x3FA2] =	sst s1  }
0xa: {  	[smem:$0x3FA3] =	sst s2  }
0xb: {  	[smem:$0x3FA4] =	sst s3  }
0xc: {  	[smem:$0x3FA5] =	sst s4  }
0xd: {  	[smem:$0x3FA6] =	sst s5  }
0xe: {  	[smem:$0x3FA7] =	sst s6  }
0xf: {  	[smem:$0x3FA8] =	sst s7  }
0x10: {  	[smem:$0x3FA9] =	sst s8  }
0x11: {  	[smem:$0x3FAA] =	sst s9;
	s0 =	simm.s32 @!p0 $0x0  }
0x12: {  	s1 =	sld [smem:$0x3F90];
	s0 =	simm.s32 @p0 $0x1  }
0x13: {  	[smem:$0x3FAB] =	sst s0;
	s0 =	simm.s32 @!p1 $0x0  }
0x14: {  	s2 =	sld [smem:$0x3F8F];
	s0 =	simm.s32 @p1 $0x1  }
0x15: {  	[smem:$0x3FAC] =	sst s0;
	s0 =	simm.s32 @!p2 $0x0  }
0x16: {  	s3 =	sld [smem:$0x3FDB];
	s0 =	simm.s32 @p2 $0x1  }
0x17: {  	s4 =	simm.s32 $0x1BF5;
	[smem:$0x3FAE] =	sst s0  }
0x18: {  	s0 =	sld [smem:$0x3F91];
	_ =	swait.ge [sflag:s4], $0x0  }
0x19: {  	s7 =	sld [smem:$0x3F92]  }
0x1a: {  	s8 =	sadd.s32 $0xFFFFE003, lr  }
0x1b: {  	s9 =	sadd.s32 $0xFFFFFEF7, lr;
	s5 =	simm.s32 $0xFFFFFFFF;
	p2 =	slt.u32 s8, $0xFFFFF086  }
0x1c: {  	p1 =	slt.u32 s9, $0xF7A;
	s5 =	simm.s32 @!p2 $0x0  }
0x1d: {  	s5 =	simm.s32 @p1 $0x1;
	p0 =	seq.s32 s7, s2  }
0x1e: {  	s7 =	smul.u32 @!p0 $0xF7A, s2;
	p2 =	seq.s32 @!p0 s5, $0x0  }
0x1f: {  	s9 =	smul.u32 $0xF7A, s1;
	s8 =	simm.s32 @!p0 $0x1BF5;
	p2 =	por !p2, p0  }
0x20: {  	[sflag:s8] =	ssyncset.s32 @!p0 $0xFFFFF086;
	s6 =	sadd.s32 @!p0 s3, s7;
	s7 =	simm.s32 @!p0 $0x108  }
0x21: {  	s3 =	sadd.s32 s3, s9;
	s6 =	sadd.s32 @!p0 $0x88, s6;
	s7 =	simm.s32 @p2 $0x1082  }
0x22: {  	[simem:s7], [sflag:s8] =	dma.local @!p0 [hbm:s6], $0xF7A  }
0x23: {  	s9 =	sor.u32 $0xD0000000, s2;
	s6 =	simm.s32 $0x108;
	_ =	swait.ge @!p0 [sflag:s8], $0x0  }
0x24: {  	s3 =	sadd.s32 $0x88, s3;
	s6 =	simm.s32 @!p1 $0x1082;
	[sflag:s4] =	ssyncset.s32 $0xFFFFF086  }
0x25: {  	[simem:s6], [sflag:s4] =	dma.local [hbm:s3], $0xF7A  }
0x26: {  	[smem:$0x3F92] =	sst s1;
	(tag) =	ssettag s2;
	_ =	strace s9  }
0x27: {  	s1 =	sld [smem:$0x3FA2]  }
0x28: {  	s2 =	sld [smem:$0x3FA3]  }
0x29: {  	s4 =	sld [smem:$0x3FA5]  }
0x2a: {  	p0 =	seq.s32 s5, $0x0;
	s5 =	sld [smem:$0x3FA6]  }
0x2b: {  	s6 =	sld [smem:$0x3FA7]  }
0x2c: {  	s7 =	sld [smem:$0x3FA8]  }
0x2d: {  	s3 =	simm.s32 $0x108;
	s8 =	sld [smem:$0x3FA9]  }
0x2e: {  	s3 =	simm.s32 @!p0 $0x1082;
	s9 =	sld [smem:$0x3FAA]  }
0x2f: {  	lr =	sadd.s32 s0, s3;
	s0 =	sld [smem:$0x3FA1]  }
0x30: {  	s3 =	sld [smem:$0x3FA4]  }
0x31: {  	[smem:$0x3FAD] =	sst s10  }
0x32: {  	s10 =	sld [smem:$0x3FAB];
	_ =	sdelay $0x3  }
0x33: {  	p0 =	seq.s32 s10, $0x1;
	s10 =	sld [smem:$0x3FAD];
	_ =	sdelay $0x3  }
0x34: {  	[smem:$0x3FAD] =	sst s10  }
0x35: {  	s10 =	sld [smem:$0x3FAC];
	_ =	sdelay $0x3  }
0x36: {  	p1 =	seq.s32 s10, $0x1;
	s10 =	sld [smem:$0x3FAD];
	_ =	sdelay $0x3  }
0x37: {  	[smem:$0x3FAD] =	sst s10  }
0x38: {  	s10 =	sld [smem:$0x3FAE]  }
0x39: {  	_ = 	snop;
	(pc) =	sbr.ind lr, $3  }
0x3a: {  	_ = 	snop  }
0x3b: {  	_ = 	snop  }
0x3c: {  	p2 =	seq.s32 s10, $0x1;
	s10 =	sld [smem:$0x3FAD]  }
0x3d: {  	_ =	shalt  }
0x3e: {  	_ =	shalt  }
0x3f: {  	_ =	shalt  }
0x40: {  	_ =	shalt  }
0x41: {  	_ =	shalt  }
0x42: {  	_ =	shalt  }
0x43: {  	_ =	shalt  }
0x44: {  	_ =	shalt  }
0x45: {  	_ =	shalt  }
0x46: {  	_ =	shalt  }
0x47: {  	_ =	shalt  }
0x48: {  	_ =	shalt  }
0x49: {  	_ =	shalt  }
0x4a: {  	_ =	shalt  }
0x4b: {  	_ =	shalt  }
0x4c: {  	_ =	shalt  }
0x4d: {  	_ =	shalt  }
0x4e: {  	_ =	shalt  }
0x4f: {  	_ =	shalt  }
0x50: {  	_ =	shalt  }
0x51: {  	_ =	shalt  }
0x52: {  	_ =	shalt  }
0x53: {  	_ =	shalt  }
0x54: {  	_ =	shalt  }
0x55: {  	_ =	shalt  }
0x56: {  	_ =	shalt  }
0x57: {  	_ =	shalt  }
0x58: {  	_ =	shalt  }
0x59: {  	_ =	shalt  }
0x5a: {  	_ =	shalt  }
0x5b: {  	_ =	shalt  }
0x5c: {  	_ =	shalt  }
0x5d: {  	_ =	shalt  }
0x5e: {  	_ =	shalt  }
0x5f: {  	_ =	shalt  }
0x60: {  	_ =	shalt  }
0x61: {  	_ =	shalt  }
0x62: {  	_ =	shalt  }
0x63: {  	_ =	shalt  }
0x64: {  	_ =	shalt  }
0x65: {  	_ =	shalt  }
0x66: {  	_ =	shalt  }
0x67: {  	_ =	shalt  }
0x68: {  	_ =	shalt  }
0x69: {  	_ =	shalt  }
0x6a: {  	_ =	shalt  }
0x6b: {  	_ =	shalt  }
0x6c: {  	_ =	shalt  }
0x6d: {  	_ =	shalt  }
0x6e: {  	_ =	shalt  }
0x6f: {  	_ =	shalt  }
0x70: {  	_ =	shalt  }
0x71: {  	_ =	shalt  }
0x72: {  	_ =	shalt  }
0x73: {  	_ =	shalt  }
0x74: {  	_ =	shalt  }
0x75: {  	_ =	shalt  }
0x76: {  	_ =	shalt  }
0x77: {  	_ =	shalt  }
0x78: {  	_ =	shalt  }
0x79: {  	_ =	shalt  }
0x7a: {  	_ =	shalt  }
0x7b: {  	_ =	shalt  }
0x7c: {  	_ =	shalt  }
0x7d: {  	_ =	shalt  }
0x7e: {  	_ =	shalt  }
0x7f: {  	_ =	shalt  }
0x80: {  	_ =	shalt  }
0x81: {  	_ =	shalt  }
0x82: {  	_ =	shalt  }
0x83: {  	_ =	shalt  }
0x84: {  	_ =	shalt  }
0x85: {  	_ =	shalt  }
0x86: {  	_ =	shalt  }
0x87: {  	_ =	shalt  }
.Lfunc_end0:
.L_simem_size_0:
called_computation_lowered:
.L_overlay_start_0:
0x88: {  	s2 =	sld [smem:$0x3FD9]  }
0x89: {  	s3 =	sld [smem:$0x3FFE];
	_ =	sdelay $0x1  }
0x8a: {  	s1 =	srdreg.scid  }
0x8b: {  	s0 =	sand.u32 $0x1, s1  }
0x8c: {  	s14 =	sshll.u32 s0, $0xA;
	s2 =	sadd.s32 s3, s2  }
0x8d: {  	s2 =	sadd.s32 s2, s14  }
0x8e: {  	[smem:$0x3FB9] =	sst s2  }
0x8f: {  	_ = 	snop  }
0x90: {  	s2 =	sld [smem:$0x3FD0];
	_ =	sdelay $0x2  }
0x91: {  	s15 =	simm.s32 $0xA;
	s4 =	simm.s32 $0x10  }
0x92: {  	[smem:s4], [sflag:s15] =	dma.local [hbm:s2], $0x1  }
0x93: {  	_ =	swait.eq [sflag:s15], $0x1  }
0x94: {  	[sflag:s15] =	ssyncset.done $0x0  }
0x95: {  	[sflag:s15] =	ssyncadd.s32 $0xFFFFFFFF  }
0x96: {  	s16 =	sld [smem:$0x11];
	(tm) =	ssettm $0x1  }
0x97: {  	s17 =	sld [smem:$0x3FFB];
	_ =	sdelay $0x3  }
0x98: {  	_ =	strace s17  }
0x99: {  	s3 =	sld [smem:$0x3FFC];
	_ =	sdelay $0x3  }
0x9a: {  	_ =	strace s3  }
0x9b: {  	s3 =	sld [smem:$0x3FFD];
	_ =	sdelay $0x3  }
0x9c: {  	_ =	strace s3  }
0x9d: {  	_ =	strace $0x8FFFFFFF  }
0x9e: {  	s18 =	sld [smem:$0x3FDB];
	_ =	sdelay $0x1  }
0x9f: {  	s19 =	simm.s32 $_scs_section_size  }
0xa0: {  	s5 =	simm.s32 $_size__tile_overlayer_lowered;
	s6 =	simm.s32 $_tile_overlayer_lowered  }
0xa1: {  	s22 =	simm.s32 $0x1BFF;
	s21 =	sshll.u32 s6, $0x1;
	s3 =	sadd.s32 s19, s18  }
0xa2: {  	s7 =	simm.s32 $0x0;
	s20 =	sshll.u32 s5, $0x1;
	s5 =	sadd.s32 s21, s3  }
0xa3: {  	[timem:s7], [sflag:s22] =	dma.local [hbm:s5], s20  }
0xa4: {  	_ =	swait.ge [sflag:s22], s20  }
0xa5: {  	s4 =	ssub.s32 $0x0, s20;
	[sflag:s22] =	ssyncset.done $0x0  }
0xa6: {  	[sflag:s22] =	ssyncadd.s32 s4;
	_ =	sdelay $0x1  }
0xa7: {  	s23 =	simm.s32 $0x1B8B  }
0xa8: {  	_ =	swait.ge [sflag:s23], $0x1  }
0xa9: {  	[sflag:s23] =	ssyncset.done $0x0  }
0xaa: {  	s25 =	simm.s32 $0x1B8E;
	s24 =	sld [smem:$0x3FFE];
	[sflag:s23] =	ssyncadd.s32 $0xFFFFFFFF  }
0xab: {  	s26 =	simm.s32 $execute0_lowered;
	[smem:$0x3FD2] =	sst s25  }
0xac: {  	s5 =	sshll.u32 s26, $0x1;
	_ =	strace $0x80000046;
	[dreg:$0x1] =	wrdreg $0xFFFFFFFF  }
0xad: {  	s28 =	simm.s32 $_size_execute0_lowered;
	s3 =	sadd.s32 s3, s5;
	[dreg:$0x0] =	wrdreg $0x0  }
0xae: {  	s5 =	sshll.u32 s28, $0x1;
	[dreg:$0x2] =	wrdreg s3  }
0xaf: {  	[dreg:$0x3] =	wrdreg s5  }
0xb0: {  	[dreg:$0x4] =	wrdreg $0xC0  }
0xb1: {  	_ =	task [dreg:s7], $0x5FFFF  }
0xb2: {  	[dreg:$0x1] =	wrdreg $0xFFFFFFFF  }
0xb3: {  	[dreg:$0x0] =	wrdreg $0x60  }
0xb4: {  	[dreg:$0x2] =	wrdreg s24  }
0xb5: {  	[dreg:$0x3] =	wrdreg s16  }
0xb6: {  	[dreg:$0x4] =	wrdreg $0x61000  }
0xb7: {  	[dreg:$0x5] =	wrdreg $0x9  }
0xb8: {  	_ =	task.clear_ibuf [dreg:s7], $0x6FFFF;
	_ =	strace $0x90000046  }
0xb9: {  	s29 =	simm.s32 $0x9;
	_ =	strace $0x80000048  }
0xba: {  	_ =	swait.ge [sflag:s29], $0x1  }
0xbb: {  	[sflag:s29] =	ssyncadd.s32 $0xFFFFFFFF  }
0xbc: {  	_ =	strace $0x90000048  }
0xbd: {  	_ =	sfence  }
0xbe: {  	s30 =	sld [smem:$0x0];
	_ =	sdelay $0x2  }
0xbf: {  	s31 =	sshll.u32 s1, $0xD;
	s1 =	sshrl.u32 s1, $0x2  }
0xc0: {  	s3 =	sand.u32 $0x4000, s31;
	s1 =	sadd.s32 s1, s30  }
0xc1: {  	s0 =	sor.u32 s3, s0;
	s1 =	sshll.u32 s1, $0x11  }
0xc2: {  	s0 =	sor.u32 s1, s0  }
0xc3: {  	s0 =	sadd.s32 $0x8F2B, s0  }
0xc4: {  	[sflag:s0] =	ssyncadd.remote.s32 $0x1  }
0xc5: {  	_ =	sfence.sel $0xFFFF  }
0xc6: {  	[dreg:$0x0] =	wrdreg $0xFFFFFFFF;
	(pc) =	sbr.abs _section_cstart, $3  }
0xc7: {  	[dreg:$0x1] =	wrdreg $0xFFFFFFFF  }
0xc8: {  	_ =	task.clear_ibuf [dreg:s7], $0x2FFFF;
	_ =	strace $0x9FFFFFFF  }
0xc9: {  	(tm) =	ssettm $0x7FFFFFFF  }
tec
execute0_lowered:
.L_overlay_start_1:
0x0: {  	(tag) =	ssettag $0x1  }
0x1: {  	s7 =	rddreg [dreg:$0x0]  }
0x2: {  	s2 =	rddreg [dreg:$0x1]  }
0x3: {  	s3 =	rddreg [dreg:$0x2];
	s5 =	srdreg.scid  }
0x4: {  	s1 =	stileid.u32;
	s4 =	simm.s32 $0x0;
	s21 =	simm.s32 $0x3  }
0x5: {  	s22 =	simm.s32 $0x3100;
	s23 =	simm.s32 $0x60;
	s8 =	smul.u32 $0x2780, s1  }
0x6: {  	s28 =	simm.s32 $0x0;
	s10 =	sand.u32 $0x1, s5;
	s11 =	smul.u32 $0x4F000, s1  }
0x7: {  	[smem:$0x7FF] =	sst s4;
	s5 =	sadd.s32 $0x3C00, s7;
	s17 =	smul.u32 $0x5100, s1  }
0x8: {  	s6 =	sadd.s32 $0xDE00, s7;
	s24 =	sshll.u32 s1, $0x1;
	s9 =	smul.u32 $0x27800, s10  }
0x9: {  	_ =	strace $0x80000047;
	s25 =	ssub.s32 $0x2, s10;
	s26 =	sor.u32 s10, s24  }
0xa: {  	s18 =	smul.u32 $0x2880, s10;
	s24 =	simm.s32 $0x80;
	s29 =	sshrl.u32 s25, $0x1  }
0xb: {  	s11 =	sshrl.u32 s11, $0x2;
	s16 =	smul.u32 $0x2880, s26;
	s26 =	simm.s32 $0x2  }
0xc: {  	s8 =	sadd.s32 s8, s9;
	s15 =	ssub.s32 s25, s29;
	s20 =	sadd.s32 s18, s17  }
0xd: {  	s25 =	simm.s32 $0x1;
	s14 =	sadd.s32 s8, s7;
	s7 =	sadd.s32 s11, s3  }
0xe: {  	s19 =	sor.u32 $0x60, s16;
	s15 =	smax.u32 s15, $0x1;
	s17 =	sadd.s32 $0x120, s20  }
0xf: {  	s16 =	sshrl.u32 s16, $0x3;
	s8 =	sadd.s32 $0x3000, s7;
	s9 =	sadd.s32 $0x6000, s7  }
0x10: {  	s10 =	sadd.s32 $0x9000, s7;
	s11 =	sadd.s32 $0xC000, s7;
	s12 =	sadd.s32 $0xF000, s7  }
0x11: {  	s13 =	sadd.s32 $0x12000, s7;
	s14 =	sadd.s32 $0xE400, s14;
	s30 =	sshrl.u32 s19, $0x3  }
0x12: {  	s31 =	sshrl.u32 s17, $0x3;
	s16 =	sadd.s32 s5, s16;
	s19 =	sadd.s32 $0xC0, s20  }
0x13: {  	s20 =	simm.s32 $0x100;
	s17 =	sadd.s32 s5, s30;
	s18 =	sadd.s32 s31, s5  }
.LBB2_1:
0x14: {  	[tilespmem:s20], [sflag:$0x3] =	stream.linear.gather [hbm4b:s2+s4], $0x3000, $0x38;
	[tilespmem:$0x19D00] =	vst v63  }
0x15: {  	_ =	swait.ge [sflag:s21], $0x3000  }
0x16: {  	[sflag:s21] =	ssyncset.done $0x0  }
0x17: {  	[sflag:s21] =	ssyncadd.s32 $0xFFFFD000  }
0x18: {  	[tilespmem:s22], [sflag:$0x3] =	stream.linear.gather [hbm4b:s6+s4], $0x3000, $0x38;
	[tilespmem:$0x19D00] =	vst v63  }
0x19: {  	_ =	swait.ge [sflag:s21], $0x3000  }
0x1a: {  	[sflag:s21] =	ssyncset.done $0x0  }
0x1b: {  	[sflag:s21] =	ssyncadd.s32 $0xFFFFD000  }
0x1c: {  	[spmem:s7] =	stream.linear.scatter [tilespmem:s22], [sflag:$0x3], $0x3000, $0x38;
	[tilespmem:$0x19D00] =	vst v63  }
0x1d: {  	_ =	swait.ge [sflag:s21], $0x3000  }
0x1e: {  	[sflag:s21] =	ssyncset.done $0x0  }
0x1f: {  	[sflag:s21] =	ssyncadd.s32 $0xFFFFD000  }
0x20: {  	[spmem:s8] =	stream.linear.scatter [tilespmem:s22], [sflag:$0x3], $0x3000, $0x38;
	[tilespmem:$0x19D00] =	vst v63  }
0x21: {  	_ =	swait.ge [sflag:s21], $0x3000  }
0x22: {  	[sflag:s21] =	ssyncset.done $0x0  }
0x23: {  	[sflag:s21] =	ssyncadd.s32 $0xFFFFD000  }
0x24: {  	[spmem:s9] =	stream.linear.scatter [tilespmem:s22], [sflag:$0x3], $0x3000, $0x38;
	[tilespmem:$0x19D00] =	vst v63  }
0x25: {  	_ =	swait.ge [sflag:s21], $0x3000  }
0x26: {  	[sflag:s21] =	ssyncset.done $0x0  }
0x27: {  	[sflag:s21] =	ssyncadd.s32 $0xFFFFD000  }
0x28: {  	[spmem:s10] =	stream.linear.scatter [tilespmem:s22], [sflag:$0x3], $0x3000, $0x38;
	[tilespmem:$0x19D00] =	vst v63  }
0x29: {  	_ =	swait.ge [sflag:s21], $0x3000  }
0x2a: {  	[sflag:s21] =	ssyncset.done $0x0  }
0x2b: {  	[sflag:s21] =	ssyncadd.s32 $0xFFFFD000  }
0x2c: {  	[spmem:s11] =	stream.linear.scatter [tilespmem:s22], [sflag:$0x3], $0x3000, $0x38;
	[tilespmem:$0x19D00] =	vst v63  }
0x2d: {  	_ =	swait.ge [sflag:s21], $0x3000  }
0x2e: {  	[sflag:s21] =	ssyncset.done $0x0  }
0x2f: {  	[sflag:s21] =	ssyncadd.s32 $0xFFFFD000  }
0x30: {  	[spmem:s12] =	stream.linear.scatter [tilespmem:s22], [sflag:$0x3], $0x3000, $0x38;
	[tilespmem:$0x19D00] =	vst v63  }
0x31: {  	_ =	swait.ge [sflag:s21], $0x3000  }
0x32: {  	[sflag:s21] =	ssyncset.done $0x0  }
0x33: {  	[sflag:s21] =	ssyncadd.s32 $0xFFFFD000  }
0x34: {  	[spmem:s13] =	stream.linear.scatter [tilespmem:s22], [sflag:$0x3], $0x1C00, $0x38;
	[tilespmem:$0x19D00] =	vst v63  }
0x35: {  	_ =	swait.ge [sflag:s21], $0x1C00  }
0x36: {  	[sflag:s21] =	ssyncset.done $0x0  }
0x37: {  	[sflag:s21] =	ssyncadd.s32 $0xFFFFE400  }
0x38: {  	[bflag:$0x0] =	sbarrier.arrive $0xFFFF  }
0x39: {  	[tilespmem:s4], [sflag:$0x3] =	stream.linear.gather [hbm4b:s16+s4], $0x60, $0x38;
	[tilespmem:$0x19D00] =	vst v63  }
0x3a: {  	_ =	swait.ge [sflag:s21], $0x60  }
0x3b: {  	[sflag:s21] =	ssyncset.done $0x0  }
0x3c: {  	[sflag:s21] =	ssyncadd.s32 $0xFFFFFFA0  }
0x3d: {  	[spmem:s3] =	stream.indirect.scatter.add.f32 [tilespmem:s20], [sflag:$0x1], $0x80, s4, s23, $0xb8;
	[tilespmem:$0x19D00] =	vst v63  }
0x3e: {  	_ = 	snop  }
0x3f: {  	[tilespmem:s24], [sflag:$0x3] =	stream.linear.gather [hbm4b:s17+s4], $0x60, $0x38;
	[tilespmem:$0x19D00] =	vst v63  }
0x40: {  	_ =	swait.ge [sflag:s21], $0x60  }
0x41: {  	[sflag:s21] =	ssyncset.done $0x0  }
0x42: {  	[sflag:s21] =	ssyncadd.s32 $0xFFFFFFA0  }
0x43: {  	[spmem:s3] =	stream.indirect.scatter.add.f32 [tilespmem:s20], [sflag:$0x2], $0x80, s24, s23, $0xb8;
	[tilespmem:$0x19D00] =	vst v63  }
0x44: {  	_ =	swait.ge [sflag:s25], $0x3000  }
0x45: {  	s29 =	sshrl.u32 s19, $0x3;
	[sflag:s25] =	ssyncset.done $0x0  }
0x46: {  	s29 =	sadd.s32 s5, s29;
	[sflag:s25] =	ssyncadd.s32 $0xFFFFD000  }
0x47: {  	[tilespmem:s4], [sflag:$0x3] =	stream.linear.gather [hbm4b:s29+s4], $0x60, $0x38;
	[tilespmem:$0x19D00] =	vst v63  }
0x48: {  	_ =	swait.ge [sflag:s21], $0x60  }
0x49: {  	[sflag:s21] =	ssyncset.done $0x0  }
0x4a: {  	[sflag:s21] =	ssyncadd.s32 $0xFFFFFFA0  }
0x4b: {  	[spmem:s3] =	stream.indirect.scatter.add.f32 [tilespmem:s20], [sflag:$0x1], $0x80, s4, s23, $0xb8;
	[tilespmem:$0x19D00] =	vst v63  }
0x4c: {  	_ =	swait.ge [sflag:s26], $0x3000  }
0x4d: {  	[sflag:s26] =	ssyncset.done $0x0  }
0x4e: {  	s29 =	sadd.s32 $0x0, s18;
	[sflag:s26] =	ssyncadd.s32 $0xFFFFD000  }
0x4f: {  	[tilespmem:s24], [sflag:$0x3] =	stream.linear.gather [hbm4b:s29+s4], $0x60, $0x38;
	[tilespmem:$0x19D00] =	vst v63  }
0x50: {  	_ =	swait.ge [sflag:s21], $0x60  }
0x51: {  	[sflag:s21] =	ssyncset.done $0x0  }
0x52: {  	s30 =	sadd.s32 $0xC0, s19;
	s29 =	simm.s32 $0x18;
	[sflag:s21] =	ssyncadd.s32 $0xFFFFFFA0  }
.LBB2_2:
0x53: {  	[spmem:s3] =	stream.indirect.scatter.add.f32 [tilespmem:s20], [sflag:$0x2], $0x80, s24, s23, $0xb8;
	[tilespmem:$0x19D00] =	vst v63  }
0x54: {  	s31 =	smov.u32 s29  }
0x55: {  	p0 =	sne.s32 s29, $0x4E0;
	s29 =	sadd.s32 $0x18, s29;
	_ =	swait.ge [sflag:s25], $0x3000  }
0x56: {  	s0 =	sshrl.u32 s30, $0x3;
	[sflag:s25] =	ssyncset.done $0x0  }
0x57: {  	s0 =	sadd.s32 s5, s0;
	[sflag:s25] =	ssyncadd.s32 $0xFFFFD000  }
0x58: {  	[tilespmem:s4], [sflag:$0x3] =	stream.linear.gather [hbm4b:s0+s4], $0x60, $0x38;
	[tilespmem:$0x19D00] =	vst v63  }
0x59: {  	_ =	swait.ge [sflag:s21], $0x60  }
0x5a: {  	[sflag:s21] =	ssyncset.done $0x0  }
0x5b: {  	[sflag:s21] =	ssyncadd.s32 $0xFFFFFFA0  }
0x5c: {  	[spmem:s3] =	stream.indirect.scatter.add.f32 [tilespmem:s20], [sflag:$0x1], $0x80, s4, s23, $0xb8;
	[tilespmem:$0x19D00] =	vst v63  }
0x5d: {  	_ =	swait.ge [sflag:s26], $0x3000  }
0x5e: {  	[sflag:s26] =	ssyncset.done $0x0  }
.Ltmp0:
0x5f: {  	s0 =	sadd.s32 s31, s18;
	[sflag:s26] =	ssyncadd.s32 $0xFFFFD000;
	(pc) =	sbr.rel @p0 .LBB2_2-.Ltmp0, $4  }
0x60: {  	[tilespmem:s24], [sflag:$0x3] =	stream.linear.gather [hbm4b:s0+s4], $0x60, $0x38;
	[tilespmem:$0x19D00] =	vst v63  }
0x61: {  	_ =	swait.ge [sflag:s21], $0x60  }
0x62: {  	[sflag:s21] =	ssyncset.done $0x0  }
0x63: {  	s30 =	sadd.s32 $0xC0, s30;
	[sflag:s21] =	ssyncadd.s32 $0xFFFFFFA0  }
0x64: {  	[spmem:s3] =	stream.indirect.scatter.add.f32 [tilespmem:s20], [sflag:$0x2], $0x80, s24, s23, $0xb8;
	[tilespmem:$0x19D00] =	vst v63  }
0x65: {  	_ =	swait.ge [sflag:s25], $0x3000  }
0x66: {  	[sflag:s25] =	ssyncset.done $0x0  }
0x67: {  	[sflag:s25] =	ssyncadd.s32 $0xFFFFD000  }
0x68: {  	_ =	swait.ge [sflag:s26], $0x3000  }
0x69: {  	s0 =	sshll.u32 s1, $0x6;
	s28 =	sadd.s32 $0x1, s28;
	[sflag:s26] =	ssyncset.done $0x0  }
0x6a: {  	s29 =	sshrl.u32 s7, $0x3;
	p0 =	sne.s32 s28, s15;
	[sflag:s26] =	ssyncadd.s32 $0xFFFFD000  }
.Ltmp1:
0x6b: {  	s0 =	sor.u32 $0x1C03, s0;
	[bflag:$0x0] =	sbarrier.arrive $0xFFFF;
	(pc) =	sbr.rel @p0 .LBB2_1-.Ltmp1, $4  }
0x6c: {  	[hbm:s14], [sflag:s0] =	dma.local [spmem:s29], $0x2780  }
0x6d: {  	_ =	swait.ge [sflag:s21], $0x2780  }
0x6e: {  	[sflag:s21] =	ssyncset.done $0x0  }
0x6f: {  	[sflag:s21] =	ssyncadd.s32 $0xFFFFD880  }
0x70: {  	_ =	sfence.sel $0x180000  }
0x71: {  	[bflag:$0x0] =	sbarrier.arrive $0xFFFF  }
0x72: {  	_ =	strace $0x90000047  }
0x73: {  	[bflag:$0x2] =	sbarrier.arrive $0xFFFF  }
0x74: {  	p0 =	sne.s32 s1, $0x0;
	s0 =	rddreg [dreg:$0x3]  }
0x75: {  	s0 =	sadd.s32 @!p0 $0x100000, s0  }
0x76: {  	[sflag:s0] =	ssyncadd.tile.s32 @!p0 $0x1;
	_ =	shalt  }
.Lfunc_end2:
_tile_overlayer_lowered:
.L_overlay_start_2:
0x77: {  	(tag) =	ssettag $0x2  }
0x78: {  	s0 =	rddreg [dreg:$0x0];
	s2 =	stileid.u32  }
0x79: {  	s1 =	rddreg [dreg:$0x1];
	p0 =	sne.s32 s2, $0x0  }
0x7a: {  	s3 =	rddreg [dreg:$0x2];
	[bflag:$0x3] =	sbarrier.arrive $0xFFFF;
	s2 =	simm.s32 @!p0 $0x1C03  }
0x7b: {  	[timem:s3], [sflag:s2] =	dma.local @!p0 [hbm:s0], s1  }
0x7c: {  	s0 =	simm.s32 @!p0 $0x3  }
0x7d: {  	_ =	swait.ge @!p0 [sflag:s0], s1  }
0x7e: {  	s1 =	ssub.s32 @!p0 $0x0, s1;
	[sflag:s0] =	ssyncset.done @!p0 $0x0  }
0x7f: {  	[sflag:s0] =	ssyncadd.s32 @!p0 s1  }
0x80: {  	[bflag:$0x3] =	sbarrier.arrive $0xFFFF  }
0x81: {  	_ =	shalt  }

// kernel: kernel.13.cloned.1.call-start
scs
__scs_entry_jumppad:
0x0: {  	(pc) =	sbr.rel $0x88, $3  }
0x1: {  	(tag) =	ssettag $0x0;
	lr =	simm.s32 $0x1  }
0x2: {  	[smem:$0x3F92] =	sst lr;
	_ =	strace $0xD0000000  }
0x3: {  	_ = 	snop  }
0x4: {  	_ = 	snop  }
0x5: {  	_ = 	snop  }
0x6: {  	_ = 	snop  }
0x7: {  	_ = 	snop  }
__scs_overlays_trampoline_lowered:
0x8: {  	[smem:$0x3FA1] =	sst s0  }
0x9: {  	[smem:$0x3FA2] =	sst s1  }
0xa: {  	[smem:$0x3FA3] =	sst s2  }
0xb: {  	[smem:$0x3FA4] =	sst s3  }
0xc: {  	[smem:$0x3FA5] =	sst s4  }
0xd: {  	[smem:$0x3FA6] =	sst s5  }
0xe: {  	[smem:$0x3FA7] =	sst s6  }
0xf: {  	[smem:$0x3FA8] =	sst s7  }
0x10: {  	[smem:$0x3FA9] =	sst s8  }
0x11: {  	[smem:$0x3FAA] =	sst s9;
	s0 =	simm.s32 @!p0 $0x0  }
0x12: {  	s1 =	sld [smem:$0x3F90];
	s0 =	simm.s32 @p0 $0x1  }
0x13: {  	[smem:$0x3FAB] =	sst s0;
	s0 =	simm.s32 @!p1 $0x0  }
0x14: {  	s2 =	sld [smem:$0x3F8F];
	s0 =	simm.s32 @p1 $0x1  }
0x15: {  	[smem:$0x3FAC] =	sst s0;
	s0 =	simm.s32 @!p2 $0x0  }
0x16: {  	s3 =	sld [smem:$0x3FDB];
	s0 =	simm.s32 @p2 $0x1  }
0x17: {  	s4 =	simm.s32 $0x1BF5;
	[smem:$0x3FAE] =	sst s0  }
0x18: {  	s0 =	sld [smem:$0x3F91];
	_ =	swait.ge [sflag:s4], $0x0  }
0x19: {  	s7 =	sld [smem:$0x3F92]  }
0x1a: {  	s8 =	sadd.s32 $0xFFFFE003, lr  }
0x1b: {  	s9 =	sadd.s32 $0xFFFFFEF7, lr;
	s5 =	simm.s32 $0xFFFFFFFF;
	p2 =	slt.u32 s8, $0xFFFFF086  }
0x1c: {  	p1 =	slt.u32 s9, $0xF7A;
	s5 =	simm.s32 @!p2 $0x0  }
0x1d: {  	s5 =	simm.s32 @p1 $0x1;
	p0 =	seq.s32 s7, s2  }
0x1e: {  	s7 =	smul.u32 @!p0 $0xF7A, s2;
	p2 =	seq.s32 @!p0 s5, $0x0  }
0x1f: {  	s9 =	smul.u32 $0xF7A, s1;
	s8 =	simm.s32 @!p0 $0x1BF5;
	p2 =	por !p2, p0  }
0x20: {  	[sflag:s8] =	ssyncset.s32 @!p0 $0xFFFFF086;
	s6 =	sadd.s32 @!p0 s3, s7;
	s7 =	simm.s32 @!p0 $0x108  }
0x21: {  	s3 =	sadd.s32 s3, s9;
	s6 =	sadd.s32 @!p0 $0x88, s6;
	s7 =	simm.s32 @p2 $0x1082  }
0x22: {  	[simem:s7], [sflag:s8] =	dma.local @!p0 [hbm:s6], $0xF7A  }
0x23: {  	s9 =	sor.u32 $0xD0000000, s2;
	s6 =	simm.s32 $0x108;
	_ =	swait.ge @!p0 [sflag:s8], $0x0  }
0x24: {  	s3 =	sadd.s32 $0x88, s3;
	s6 =	simm.s32 @!p1 $0x1082;
	[sflag:s4] =	ssyncset.s32 $0xFFFFF086  }
0x25: {  	[simem:s6], [sflag:s4] =	dma.local [hbm:s3], $0xF7A  }
0x26: {  	[smem:$0x3F92] =	sst s1;
	(tag) =	ssettag s2;
	_ =	strace s9  }
0x27: {  	s1 =	sld [smem:$0x3FA2]  }
0x28: {  	s2 =	sld [smem:$0x3FA3]  }
0x29: {  	s4 =	sld [smem:$0x3FA5]  }
0x2a: {  	p0 =	seq.s32 s5, $0x0;
	s5 =	sld [smem:$0x3FA6]  }
0x2b: {  	s6 =	sld [smem:$0x3FA7]  }
0x2c: {  	s7 =	sld [smem:$0x3FA8]  }
0x2d: {  	s3 =	simm.s32 $0x108;
	s8 =	sld [smem:$0x3FA9]  }
0x2e: {  	s3 =	simm.s32 @!p0 $0x1082;
	s9 =	sld [smem:$0x3FAA]  }
0x2f: {  	lr =	sadd.s32 s0, s3;
	s0 =	sld [smem:$0x3FA1]  }
0x30: {  	s3 =	sld [smem:$0x3FA4]  }
0x31: {  	[smem:$0x3FAD] =	sst s10  }
0x32: {  	s10 =	sld [smem:$0x3FAB];
	_ =	sdelay $0x3  }
0x33: {  	p0 =	seq.s32 s10, $0x1;
	s10 =	sld [smem:$0x3FAD];
	_ =	sdelay $0x3  }
0x34: {  	[smem:$0x3FAD] =	sst s10  }
0x35: {  	s10 =	sld [smem:$0x3FAC];
	_ =	sdelay $0x3  }
0x36: {  	p1 =	seq.s32 s10, $0x1;
	s10 =	sld [smem:$0x3FAD];
	_ =	sdelay $0x3  }
0x37: {  	[smem:$0x3FAD] =	sst s10  }
0x38: {  	s10 =	sld [smem:$0x3FAE]  }
0x39: {  	_ = 	snop;
	(pc) =	sbr.ind lr, $3  }
0x3a: {  	_ = 	snop  }
0x3b: {  	_ = 	snop  }
0x3c: {  	p2 =	seq.s32 s10, $0x1;
	s10 =	sld [smem:$0x3FAD]  }
0x3d: {  	_ =	shalt  }
0x3e: {  	_ =	shalt  }
0x3f: {  	_ =	shalt  }
0x40: {  	_ =	shalt  }
0x41: {  	_ =	shalt  }
0x42: {  	_ =	shalt  }
0x43: {  	_ =	shalt  }
0x44: {  	_ =	shalt  }
0x45: {  	_ =	shalt  }
0x46: {  	_ =	shalt  }
0x47: {  	_ =	shalt  }
0x48: {  	_ =	shalt  }
0x49: {  	_ =	shalt  }
0x4a: {  	_ =	shalt  }
0x4b: {  	_ =	shalt  }
0x4c: {  	_ =	shalt  }
0x4d: {  	_ =	shalt  }
0x4e: {  	_ =	shalt  }
0x4f: {  	_ =	shalt  }
0x50: {  	_ =	shalt  }
0x51: {  	_ =	shalt  }
0x52: {  	_ =	shalt  }
0x53: {  	_ =	shalt  }
0x54: {  	_ =	shalt  }
0x55: {  	_ =	shalt  }
0x56: {  	_ =	shalt  }
0x57: {  	_ =	shalt  }
0x58: {  	_ =	shalt  }
0x59: {  	_ =	shalt  }
0x5a: {  	_ =	shalt  }
0x5b: {  	_ =	shalt  }
0x5c: {  	_ =	shalt  }
0x5d: {  	_ =	shalt  }
0x5e: {  	_ =	shalt  }
0x5f: {  	_ =	shalt  }
0x60: {  	_ =	shalt  }
0x61: {  	_ =	shalt  }
0x62: {  	_ =	shalt  }
0x63: {  	_ =	shalt  }
0x64: {  	_ =	shalt  }
0x65: {  	_ =	shalt  }
0x66: {  	_ =	shalt  }
0x67: {  	_ =	shalt  }
0x68: {  	_ =	shalt  }
0x69: {  	_ =	shalt  }
0x6a: {  	_ =	shalt  }
0x6b: {  	_ =	shalt  }
0x6c: {  	_ =	shalt  }
0x6d: {  	_ =	shalt  }
0x6e: {  	_ =	shalt  }
0x6f: {  	_ =	shalt  }
0x70: {  	_ =	shalt  }
0x71: {  	_ =	shalt  }
0x72: {  	_ =	shalt  }
0x73: {  	_ =	shalt  }
0x74: {  	_ =	shalt  }
0x75: {  	_ =	shalt  }
0x76: {  	_ =	shalt  }
0x77: {  	_ =	shalt  }
0x78: {  	_ =	shalt  }
0x79: {  	_ =	shalt  }
0x7a: {  	_ =	shalt  }
0x7b: {  	_ =	shalt  }
0x7c: {  	_ =	shalt  }
0x7d: {  	_ =	shalt  }
0x7e: {  	_ =	shalt  }
0x7f: {  	_ =	shalt  }
0x80: {  	_ =	shalt  }
0x81: {  	_ =	shalt  }
0x82: {  	_ =	shalt  }
0x83: {  	_ =	shalt  }
0x84: {  	_ =	shalt  }
0x85: {  	_ =	shalt  }
0x86: {  	_ =	shalt  }
0x87: {  	_ =	shalt  }
.Lfunc_end0:
.L_simem_size_0:
called_computation.1_lowered:
.L_overlay_start_0:
0x88: {  	s2 =	sld [smem:$0x3FD9]  }
0x89: {  	s3 =	sld [smem:$0x3FFE];
	_ =	sdelay $0x1  }
0x8a: {  	s1 =	srdreg.scid  }
0x8b: {  	s0 =	sand.u32 $0x1, s1  }
0x8c: {  	s16 =	sshll.u32 s0, $0xA;
	s2 =	sadd.s32 s3, s2  }
0x8d: {  	s2 =	sadd.s32 s2, s16  }
0x8e: {  	[smem:$0x3FB9] =	sst s2  }
0x8f: {  	_ = 	snop  }
0x90: {  	(tm) =	ssettm $0x1  }
0x91: {  	s17 =	sld [smem:$0x3FFB];
	_ =	sdelay $0x3  }
0x92: {  	_ =	strace s17  }
0x93: {  	s2 =	sld [smem:$0x3FFC];
	_ =	sdelay $0x3  }
0x94: {  	_ =	strace s2  }
0x95: {  	s2 =	sld [smem:$0x3FFD];
	_ =	sdelay $0x3  }
0x96: {  	_ =	strace s2  }
0x97: {  	_ =	strace $0x8FFFFFFF  }
0x98: {  	s18 =	sld [smem:$0x3FDB];
	_ =	sdelay $0x1  }
0x99: {  	s19 =	simm.s32 $_scs_section_size  }
0x9a: {  	s4 =	simm.s32 $_size__tile_overlayer_lowered;
	s5 =	simm.s32 $_tile_overlayer_lowered  }
0x9b: {  	s22 =	simm.s32 $0x1BFF;
	s21 =	sshll.u32 s5, $0x1;
	s2 =	sadd.s32 s19, s18  }
0x9c: {  	s6 =	simm.s32 $0x0;
	s20 =	sshll.u32 s4, $0x1;
	s4 =	sadd.s32 s21, s2  }
0x9d: {  	[timem:s6], [sflag:s22] =	dma.local [hbm:s4], s20  }
0x9e: {  	_ =	swait.ge [sflag:s22], s20  }
0x9f: {  	s3 =	ssub.s32 $0x0, s20;
	[sflag:s22] =	ssyncset.done $0x0  }
0xa0: {  	[sflag:s22] =	ssyncadd.s32 s3;
	_ =	sdelay $0x1  }
0xa1: {  	s23 =	simm.s32 $0x1B8B  }
0xa2: {  	_ =	swait.ge [sflag:s23], $0x1  }
0xa3: {  	[sflag:s23] =	ssyncset.done $0x0  }
0xa4: {  	s25 =	simm.s32 $0x1B8E;
	s24 =	sld [smem:$0x3FFE];
	[sflag:s23] =	ssyncadd.s32 $0xFFFFFFFF  }
0xa5: {  	s26 =	simm.s32 $execute0_lowered;
	[smem:$0x3FD2] =	sst s25  }
0xa6: {  	s4 =	sshll.u32 s26, $0x1;
	_ =	strace $0x80000049;
	[dreg:$0x1] =	wrdreg $0xFFFFFFFF  }
0xa7: {  	s28 =	simm.s32 $_size_execute0_lowered;
	s2 =	sadd.s32 s2, s4;
	[dreg:$0x0] =	wrdreg $0x0  }
0xa8: {  	s4 =	sshll.u32 s28, $0x1;
	[dreg:$0x2] =	wrdreg s2  }
0xa9: {  	[dreg:$0x3] =	wrdreg s4  }
0xaa: {  	[dreg:$0x4] =	wrdreg $0xC0  }
0xab: {  	_ =	task [dreg:s6], $0x5FFFF  }
0xac: {  	[dreg:$0x1] =	wrdreg $0xFFFFFFFF  }
0xad: {  	[dreg:$0x0] =	wrdreg $0x60  }
0xae: {  	[dreg:$0x2] =	wrdreg s24  }
0xaf: {  	[dreg:$0x3] =	wrdreg $0xC4000  }
0xb0: {  	[dreg:$0x4] =	wrdreg $0x9  }
0xb1: {  	_ =	task.clear_ibuf [dreg:s6], $0x5FFFF;
	_ =	strace $0x90000049  }
0xb2: {  	s29 =	simm.s32 $0x9;
	_ =	strace $0x8000004B  }
0xb3: {  	_ =	swait.ge [sflag:s29], $0x1  }
0xb4: {  	[sflag:s29] =	ssyncadd.s32 $0xFFFFFFFF  }
0xb5: {  	_ =	strace $0x9000004B  }
0xb6: {  	_ =	sfence  }
0xb7: {  	s30 =	sld [smem:$0x0];
	_ =	sdelay $0x2  }
0xb8: {  	s31 =	sshll.u32 s1, $0xD;
	s1 =	sshrl.u32 s1, $0x2  }
0xb9: {  	s3 =	sand.u32 $0x4000, s31;
	s1 =	sadd.s32 s1, s30  }
0xba: {  	s0 =	sor.u32 s3, s0;
	s1 =	sshll.u32 s1, $0x11  }
0xbb: {  	s0 =	sor.u32 s1, s0  }
0xbc: {  	s0 =	sadd.s32 $0x8F2B, s0  }
0xbd: {  	[sflag:s0] =	ssyncadd.remote.s32 $0x1  }
0xbe: {  	_ =	sfence.sel $0xFFFF  }
0xbf: {  	[dreg:$0x0] =	wrdreg $0xFFFFFFFF;
	(pc) =	sbr.abs _section_cstart, $3  }
0xc0: {  	[dreg:$0x1] =	wrdreg $0xFFFFFFFF  }
0xc1: {  	_ =	task.clear_ibuf [dreg:s6], $0x2FFFF;
	_ =	strace $0x9FFFFFFF  }
0xc2: {  	(tm) =	ssettm $0x7FFFFFFF  }
0xc3: {  	_ =	shalt  }
tec
execute0_lowered:
.L_overlay_start_1:
0x0: {  	(tag) =	ssettag $0x1  }
0x1: {  	s0 =	rddreg [dreg:$0x0]  }
0x2: {  	s2 =	rddreg [dreg:$0x1];
	s1 =	srdreg.scid  }
0x3: {  	s10 =	stileid.u32;
	s3 =	simm.s32 $0x0;
	s22 =	simm.s32 $0x80  }
0x4: {  	s23 =	simm.s32 $0x180;
	s24 =	simm.s32 $0x3400;
	s25 =	simm.s32 $0x280  }
0x5: {  	s26 =	simm.s32 $0x380;
	s28 =	simm.s32 $0x5;
	s29 =	simm.s32 $0x6  }
0x6: {  	s30 =	simm.s32 $0x7;
	s31 =	simm.s32 $0x8;
	s1 =	sand.u32 $0x1, s1  }
0x7: {  	s5 =	smul.u32 $0x2780, s10;
	[smem:$0x7FF] =	sst s3;
	s8 =	sadd.s32 $0xDE00, s0  }
0x8: {  	s4 =	sadd.s32 $0xE400, s0;
	_ =	strace $0x8000004A;
	[dreg:$0x9] =	wrdreg s8  }
0x9: {  	s7 =	sadd.s32 $0x5D400, s0;
	s12 =	smul.u32 $0x4F000, s10;
	[dreg:$0x4] =	wrdreg s22  }
0xa: {  	s13 =	sshll.u32 s10, $0x1;
	s6 =	smul.u32 $0x27800, s1;
	[dreg:$0x5] =	wrdreg s23  }
0xb: {  	s14 =	ssub.s32 $0x2, s1;
	s22 =	simm.s32 $0x9400;
	[dreg:$0x6] =	wrdreg s24  }
0xc: {  	s23 =	simm.s32 $0x1;
	[dreg:$0x7] =	wrdreg s25;
	s24 =	simm.s32 $0x2  }
0xd: {  	[dreg:$0x8] =	wrdreg s26;
	s25 =	simm.s32 $0x3;
	s26 =	simm.s32 $0x4  }
0xe: {  	s9 =	sshrl.u32 s14, $0x1;
	s5 =	sadd.s32 s5, s6;
	s6 =	sshrl.u32 s12, $0x2  }
0xf: {  	s14 =	ssub.s32 s14, s9;
	s0 =	sadd.s32 s5, s0;
	s6 =	sadd.s32 s6, s2  }
0x10: {  	s5 =	sor.u32 s1, s13;
	s1 =	smul.u32 $0xD80, s1;
	s15 =	sadd.s32 $0x3000, s6  }
0x11: {  	s14 =	smax.u32 s14, $0x1;
	s16 =	sadd.s32 $0x6000, s6;
	[dreg:$0xa] =	wrdreg s15  }
0x12: {  	s5 =	smul.u32 $0xD80, s5;
	s17 =	sadd.s32 $0x9000, s6;
	[dreg:$0xb] =	wrdreg s16  }
0x13: {  	s18 =	sadd.s32 $0xC000, s6;
	s19 =	sadd.s32 $0xF000, s6;
	[dreg:$0xc] =	wrdreg s17  }
0x14: {  	s20 =	sadd.s32 $0x12000, s6;
	s13 =	sadd.s32 $0x78400, s0;
	[dreg:$0xd] =	wrdreg s18  }
0x15: {  	s0 =	simm.s32 $0x0;
	[dreg:$0xe] =	wrdreg s19;
	s15 =	smul.u32 $0x1B00, s10  }
0x16: {  	[dreg:$0xf] =	wrdreg s20;
	s16 =	simm.s32 $0x400;
	s17 =	simm.s32 $0x9  }
0x17: {  	s18 =	simm.s32 $0x60;
	s19 =	simm.s32 $0x200;
	s5 =	sadd.s32 s5, s7  }
0x18: {  	s20 =	simm.s32 $0x6400;
	s5 =	sadd.s32 $0x20, s5;
	s21 =	sadd.s32 s15, s7  }
0x19: {  	[dreg:$0x3] =	wrdreg s5;
	s15 =	sadd.s32 s1, s21;
	s21 =	simm.s32 $0x300  }
.LBB2_1:
0x1a: {  	s1 =	rddreg [dreg:$0x9]  }
0x1b: {  	[tilespmem:s16], [sflag:$0x9] =	stream.linear.gather [hbm4b:s1+s3], $0x3000, $0x38;
	v63 =	vld [tilespmem:$0x0]  }
0x1c: {  	_ =	swait.ge [sflag:s17], $0x3000  }
0x1d: {  	[sflag:s17] =	ssyncset.done $0x0  }
0x1e: {  	[sflag:s17] =	ssyncadd.s32 $0xFFFFD000  }
0x1f: {  	[spmem:s6] =	stream.linear.scatter [tilespmem:s16], [sflag:$0x9], $0x3000, $0x38;
	v63 =	vld [tilespmem:$0x0]  }
0x20: {  	_ =	swait.ge [sflag:s17], $0x3000  }
0x21: {  	[sflag:s17] =	ssyncset.done $0x0  }
0x22: {  	s5 =	rddreg [dreg:$0xa];
	[sflag:s17] =	ssyncadd.s32 $0xFFFFD000  }
0x23: {  	[spmem:s5] =	stream.linear.scatter [tilespmem:s16], [sflag:$0x9], $0x3000, $0x38;
	v63 =	vld [tilespmem:$0x0]  }
0x24: {  	_ =	swait.ge [sflag:s17], $0x3000  }
0x25: {  	[sflag:s17] =	ssyncset.done $0x0  }
0x26: {  	s7 =	rddreg [dreg:$0xb];
	[sflag:s17] =	ssyncadd.s32 $0xFFFFD000  }
0x27: {  	[spmem:s7] =	stream.linear.scatter [tilespmem:s16], [sflag:$0x9], $0x3000, $0x38;
	v63 =	vld [tilespmem:$0x0]  }
0x28: {  	_ =	swait.ge [sflag:s17], $0x3000  }
0x29: {  	[sflag:s17] =	ssyncset.done $0x0  }
0x2a: {  	s8 =	rddreg [dreg:$0xc];
	[sflag:s17] =	ssyncadd.s32 $0xFFFFD000  }
0x2b: {  	[spmem:s8] =	stream.linear.scatter [tilespmem:s16], [sflag:$0x9], $0x3000, $0x38;
	v63 =	vld [tilespmem:$0x0]  }
0x2c: {  	_ =	swait.ge [sflag:s17], $0x3000  }
0x2d: {  	[sflag:s17] =	ssyncset.done $0x0  }
0x2e: {  	s9 =	rddreg [dreg:$0xd];
	[sflag:s17] =	ssyncadd.s32 $0xFFFFD000  }
0x2f: {  	[spmem:s9] =	stream.linear.scatter [tilespmem:s16], [sflag:$0x9], $0x3000, $0x38;
	v63 =	vld [tilespmem:$0x0]  }
0x30: {  	_ =	swait.ge [sflag:s17], $0x3000  }
0x31: {  	[sflag:s17] =	ssyncset.done $0x0  }
0x32: {  	s10 =	rddreg [dreg:$0xe];
	[sflag:s17] =	ssyncadd.s32 $0xFFFFD000  }
0x33: {  	[spmem:s10] =	stream.linear.scatter [tilespmem:s16], [sflag:$0x9], $0x3000, $0x38;
	v63 =	vld [tilespmem:$0x0]  }
0x34: {  	_ =	swait.ge [sflag:s17], $0x3000  }
0x35: {  	[sflag:s17] =	ssyncset.done $0x0  }
0x36: {  	s11 =	rddreg [dreg:$0xf];
	[sflag:s17] =	ssyncadd.s32 $0xFFFFD000  }
0x37: {  	[spmem:s11] =	stream.linear.scatter [tilespmem:s16], [sflag:$0x9], $0x1C00, $0x38;
	v63 =	vld [tilespmem:$0x0]  }
0x38: {  	_ =	swait.ge [sflag:s17], $0x1C00  }
0x39: {  	[sflag:s17] =	ssyncset.done $0x0  }
0x3a: {  	p0 =	por $0x1, $0x1;
	[sflag:s17] =	ssyncadd.s32 $0xFFFFE400  }
0x3b: {  	s1 =	simm.s32 @!p0 $0x5;
	[bflag:$0x0] =	sbarrier.arrive $0xFFFF  }
0x3c: {  	_ =	swait.ge @!p0 [sflag:s1], $0x3000  }
0x3d: {  	[sflag:s1] =	ssyncset.done @!p0 $0x0  }
0x3e: {  	s12 =	sadd.s32 $0x0, s15;
	[sflag:s1] =	ssyncadd.s32 @!p0 $0xFFFFD000  }
0x3f: {  	[tilespmem:s3], [sflag:$0x9] =	stream.linear.gather [hbm4b:s12+s3], $0x100, $0x38;
	v63 =	vld [tilespmem:$0x0]  }
0x40: {  	_ =	swait.ge [sflag:s17], $0x100  }
0x41: {  	[sflag:s17] =	ssyncset.done $0x0  }
0x42: {  	[sflag:s17] =	ssyncadd.s32 $0xFFFFFF00  }
0x43: {  	[tilespmem:s16], [sflag:$0x1] =	stream.indirect.gather [hbm4b:s4+s18], $0x80, s3, s18, $0xb8;
	v63 =	vld [tilespmem:$0x0]  }
0x44: {  	s7 =	simm.s32 @p0 $0x0;
	s8 =	simm.s32 @p0 $0x100;
	s5 =	rddreg [dreg:$0x3]  }
0x45: {  	[tilespmem:s8], [sflag:$0x9] =	stream.linear.gather @p0 [hbm4b:s5+s7], $0x100, $0x38;
	v63 =	vld [tilespmem:$0x0]  }
0x46: {  	s5 =	simm.s32 @p0 $0x9  }
0x47: {  	_ =	swait.ge @p0 [sflag:s5], $0x100  }
0x48: {  	[sflag:s5] =	ssyncset.done @p0 $0x0  }
0x49: {  	s7 =	simm.s32 @p0 $0x3400;
	[sflag:s5] =	ssyncadd.s32 @p0 $0xFFFFFF00;
	s5 =	simm.s32 @p0 $0x60  }
0x4a: {  	[tilespmem:s7], [sflag:$0x2] =	stream.indirect.gather @p0 [hbm4b:s4+s5], $0x80, s8, s5, $0xb8;
	v63 =	vld [tilespmem:$0x0]  }
0x4b: {  	s5 =	simm.s32 @!p0 $0x6  }
0x4c: {  	_ =	swait.ge @!p0 [sflag:s5], $0x3000  }
0x4d: {  	s7 =	sadd.s32 @!p0 $0x0, s15;
	s8 =	simm.s32 @!p0 $0x100;
	[sflag:s5] =	ssyncset.done @!p0 $0x0  }
0x4e: {  	s7 =	sadd.s32 @!p0 $0x20, s7;
	[sflag:s5] =	ssyncadd.s32 @!p0 $0xFFFFD000;
	s5 =	simm.s32 @!p0 $0x0  }
0x4f: {  	[tilespmem:s8], [sflag:$0x9] =	stream.linear.gather @!p0 [hbm4b:s7+s5], $0x100, $0x38;
	v63 =	vld [tilespmem:$0x0]  }
0x50: {  	s5 =	simm.s32 @!p0 $0x9  }
0x51: {  	_ =	swait.ge @!p0 [sflag:s5], $0x100  }
0x52: {  	[sflag:s5] =	ssyncset.done @!p0 $0x0  }
0x53: {  	s7 =	simm.s32 @!p0 $0x3400;
	[sflag:s5] =	ssyncadd.s32 @!p0 $0xFFFFFF00;
	s5 =	simm.s32 @!p0 $0x60  }
0x54: {  	[tilespmem:s7], [sflag:$0x2] =	stream.indirect.gather @!p0 [hbm4b:s4+s5], $0x80, s8, s5, $0xb8;
	v63 =	vld [tilespmem:$0x0]  }
0x55: {  	s5 =	simm.s32 @!p0 $0x7  }
0x56: {  	_ =	swait.ge @!p0 [sflag:s5], $0x3000  }
0x57: {  	[sflag:s5] =	ssyncset.done @!p0 $0x0  }
0x58: {  	s8 =	sadd.s32 $0x40, s12;
	[sflag:s5] =	ssyncadd.s32 @!p0 $0xFFFFD000  }
0x59: {  	[tilespmem:s19], [sflag:$0x9] =	stream.linear.gather [hbm4b:s8+s3], $0x100, $0x38;
	v63 =	vld [tilespmem:$0x0]  }
0x5a: {  	_ =	swait.ge [sflag:s17], $0x100  }
0x5b: {  	[sflag:s17] =	ssyncset.done $0x0  }
0x5c: {  	s5 =	simm.s32 @!p0 $0x8;
	[sflag:s17] =	ssyncadd.s32 $0xFFFFFF00  }
0x5d: {  	[tilespmem:s20], [sflag:$0x3] =	stream.indirect.gather [hbm4b:s4+s18], $0x80, s19, s18, $0xb8;
	v63 =	vld [tilespmem:$0x0]  }
0x5e: {  	_ =	swait.ge @!p0 [sflag:s5], $0x3000  }
0x5f: {  	[sflag:s5] =	ssyncset.done @!p0 $0x0  }
0x60: {  	s1 =	sadd.s32 $0x60, s12;
	[sflag:s5] =	ssyncadd.s32 @!p0 $0xFFFFD000  }
0x61: {  	[tilespmem:s21], [sflag:$0x9] =	stream.linear.gather [hbm4b:s1+s3], $0x100, $0x38;
	v63 =	vld [tilespmem:$0x0]  }
0x62: {  	_ =	swait.ge [sflag:s17], $0x100  }
0x63: {  	[sflag:s17] =	ssyncset.done $0x0  }
0x64: {  	[sflag:s17] =	ssyncadd.s32 $0xFFFFFF00  }
0x65: {  	[tilespmem:s22], [sflag:$0x4] =	stream.indirect.gather [hbm4b:s4+s18], $0x80, s21, s18, $0xb8;
	v63 =	vld [tilespmem:$0x0]  }
0x66: {  	_ =	swait.ge [sflag:s23], $0x3000  }
0x67: {  	[sflag:s23] =	ssyncset.done $0x0  }
0x68: {  	s9 =	rddreg [dreg:$0x4];
	[sflag:s23] =	ssyncadd.s32 $0xFFFFD000  }
0x69: {  	[spmem:s2] =	stream.indirect.scatter.add.f32 [tilespmem:s16], [sflag:$0x5], $0x80, s9, s18, $0xb8;
	v63 =	vld [tilespmem:$0x0]  }
0x6a: {  	_ =	swait.ge [sflag:s24], $0x3000  }
0x6b: {  	s10 =	rddreg [dreg:$0x5];
	[sflag:s24] =	ssyncset.done $0x0  }
0x6c: {  	s11 =	rddreg [dreg:$0x6];
	[sflag:s24] =	ssyncadd.s32 $0xFFFFD000  }
0x6d: {  	[spmem:s2] =	stream.indirect.scatter.add.f32 [tilespmem:s11], [sflag:$0x6], $0x80, s10, s18, $0xb8;
	v63 =	vld [tilespmem:$0x0]  }
0x6e: {  	_ =	swait.ge [sflag:s25], $0x3000  }
0x6f: {  	[sflag:s25] =	ssyncset.done $0x0  }
0x70: {  	s12 =	rddreg [dreg:$0x7];
	[sflag:s25] =	ssyncadd.s32 $0xFFFFD000  }
0x71: {  	[spmem:s2] =	stream.indirect.scatter.add.f32 [tilespmem:s20], [sflag:$0x7], $0x80, s12, s18, $0xb8;
	v63 =	vld [tilespmem:$0x0]  }
0x72: {  	s5 =	simm.s32 $0x100;
	_ =	swait.ge [sflag:s26], $0x3000  }
0x73: {  	s1 =	simm.s32 $0x80;
	[sflag:s26] =	ssyncset.done $0x0;
	s7 =	rddreg [dreg:$0x8]  }
.LBB2_2:
0x74: {  	p1 =	seq.s32 s1, $0x0  }
0x75: {  	[sflag:s26] =	ssyncadd.s32 $0xFFFFD000;
	s9 =	simm.s32 @!p1 $0x5  }
0x76: {  	[spmem:s2] =	stream.indirect.scatter.add.f32 [tilespmem:s22], [sflag:$0x8], $0x80, s7, s18, $0xb8;
	v63 =	vld [tilespmem:$0x0]  }
0x77: {  	_ =	swait.ge @!p1 [sflag:s9], $0x3000  }
0x78: {  	[sflag:s9] =	ssyncset.done @!p1 $0x0  }
0x79: {  	s7 =	sadd.s32 s1, s15;
	[sflag:s9] =	ssyncadd.s32 @!p1 $0xFFFFD000  }
0x7a: {  	[tilespmem:s3], [sflag:$0x9] =	stream.linear.gather [hbm4b:s7+s3], $0x100, $0x38;
	v63 =	vld [tilespmem:$0x0]  }
0x7b: {  	_ =	swait.ge [sflag:s17], $0x100  }
0x7c: {  	s8 =	smov.u32 s5;
	s10 =	sadd.s32 @!p1 s1, s15;
	[sflag:s17] =	ssyncset.done $0x0  }
0x7d: {  	s1 =	smov.u32 s8;
	s11 =	simm.s32 @p1 $0x100;
	[sflag:s17] =	ssyncadd.s32 $0xFFFFFF00  }
0x7e: {  	[tilespmem:s16], [sflag:$0x1] =	stream.indirect.gather [hbm4b:s4+s18], $0x80, s3, s18, $0xb8;
	v63 =	vld [tilespmem:$0x0]  }
0x7f: {  	s12 =	simm.s32 @p1 $0x9;
	s9 =	simm.s32 @p1 $0x0;
	s8 =	rddreg [dreg:$0x3]  }
0x80: {  	[tilespmem:s11], [sflag:$0x9] =	stream.linear.gather @p1 [hbm4b:s8+s9], $0x100, $0x38;
	v63 =	vld [tilespmem:$0x0]  }
0x81: {  	_ =	swait.ge @p1 [sflag:s12], $0x100  }
0x82: {  	s8 =	simm.s32 @!p1 $0x6;
	[sflag:s12] =	ssyncset.done @p1 $0x0  }
0x83: {  	s9 =	simm.s32 @p1 $0x60;
	[sflag:s12] =	ssyncadd.s32 @p1 $0xFFFFFF00;
	s12 =	simm.s32 @p1 $0x3400  }
0x84: {  	[tilespmem:s12], [sflag:$0x2] =	stream.indirect.gather @p1 [hbm4b:s4+s9], $0x80, s11, s9, $0xb8;
	v63 =	vld [tilespmem:$0x0]  }
0x85: {  	_ =	swait.ge @!p1 [sflag:s8], $0x3000  }
0x86: {  	s10 =	sadd.s32 @!p1 $0x20, s10;
	s9 =	simm.s32 @!p1 $0x9;
	[sflag:s8] =	ssyncset.done @!p1 $0x0  }
0x87: {  	s11 =	simm.s32 @!p1 $0x100;
	[sflag:s8] =	ssyncadd.s32 @!p1 $0xFFFFD000;
	s8 =	simm.s32 @!p1 $0x0  }
0x88: {  	[tilespmem:s11], [sflag:$0x9] =	stream.linear.gather @!p1 [hbm4b:s10+s8], $0x100, $0x38;
	v63 =	vld [tilespmem:$0x0]  }
0x89: {  	_ =	swait.ge @!p1 [sflag:s9], $0x100  }
0x8a: {  	s8 =	simm.s32 @!p1 $0x7;
	[sflag:s9] =	ssyncset.done @!p1 $0x0  }
0x8b: {  	s10 =	simm.s32 @!p1 $0x3400;
	[sflag:s9] =	ssyncadd.s32 @!p1 $0xFFFFFF00;
	s9 =	simm.s32 @!p1 $0x60  }
0x8c: {  	[tilespmem:s10], [sflag:$0x2] =	stream.indirect.gather @!p1 [hbm4b:s4+s9], $0x80, s11, s9, $0xb8;
	v63 =	vld [tilespmem:$0x0]  }
0x8d: {  	_ =	swait.ge @!p1 [sflag:s8], $0x3000  }
0x8e: {  	[sflag:s8] =	ssyncset.done @!p1 $0x0  }
0x8f: {  	s12 =	sadd.s32 $0x40, s7;
	[sflag:s8] =	ssyncadd.s32 @!p1 $0xFFFFD000  }
0x90: {  	[tilespmem:s19], [sflag:$0x9] =	stream.linear.gather [hbm4b:s12+s3], $0x100, $0x38;
	v63 =	vld [tilespmem:$0x0]  }
0x91: {  	_ =	swait.ge [sflag:s17], $0x100  }
0x92: {  	[sflag:s17] =	ssyncset.done $0x0  }
0x93: {  	s8 =	simm.s32 @!p1 $0x8;
	[sflag:s17] =	ssyncadd.s32 $0xFFFFFF00  }
0x94: {  	[tilespmem:s20], [sflag:$0x3] =	stream.indirect.gather [hbm4b:s4+s18], $0x80, s19, s18, $0xb8;
	v63 =	vld [tilespmem:$0x0]  }
0x95: {  	_ =	swait.ge @!p1 [sflag:s8], $0x3000  }
0x96: {  	[sflag:s8] =	ssyncset.done @!p1 $0x0  }
0x97: {  	s7 =	sadd.s32 $0x60, s7;
	[sflag:s8] =	ssyncadd.s32 @!p1 $0xFFFFD000  }
0x98: {  	[tilespmem:s21], [sflag:$0x9] =	stream.linear.gather [hbm4b:s7+s3], $0x100, $0x38;
	v63 =	vld [tilespmem:$0x0]  }
0x99: {  	_ =	swait.ge [sflag:s17], $0x100  }
0x9a: {  	[sflag:s17] =	ssyncset.done $0x0  }
0x9b: {  	[sflag:s17] =	ssyncadd.s32 $0xFFFFFF00  }
0x9c: {  	[tilespmem:s22], [sflag:$0x4] =	stream.indirect.gather [hbm4b:s4+s18], $0x80, s21, s18, $0xb8;
	v63 =	vld [tilespmem:$0x0]  }
0x9d: {  	_ =	swait.ge [sflag:s23], $0x3000  }
0x9e: {  	[sflag:s23] =	ssyncset.done $0x0  }
0x9f: {  	s9 =	rddreg [dreg:$0x4];
	[sflag:s23] =	ssyncadd.s32 $0xFFFFD000  }
0xa0: {  	[spmem:s2] =	stream.indirect.scatter.add.f32 [tilespmem:s16], [sflag:$0x5], $0x80, s9, s18, $0xb8;
	v63 =	vld [tilespmem:$0x0]  }
0xa1: {  	_ =	swait.ge [sflag:s24], $0x3000  }
0xa2: {  	[sflag:s24] =	ssyncset.done $0x0;
	s10 =	rddreg [dreg:$0x5]  }
0xa3: {  	s5 =	sadd.s32 $0x80, s5;
	s11 =	rddreg [dreg:$0x6];
	[sflag:s24] =	ssyncadd.s32 $0xFFFFD000  }
0xa4: {  	[spmem:s2] =	stream.indirect.scatter.add.f32 [tilespmem:s11], [sflag:$0x6], $0x80, s10, s18, $0xb8;
	v63 =	vld [tilespmem:$0x0]  }
0xa5: {  	p0 =	sne.s32 s5, $0xD80;
	_ =	swait.ge [sflag:s25], $0x3000  }
.Ltmp0:
0xa6: {  	[sflag:s25] =	ssyncset.done $0x0;
	(pc) =	sbr.rel @p0 .LBB2_2-.Ltmp0, $4  }
0xa7: {  	s12 =	rddreg [dreg:$0x7];
	[sflag:s25] =	ssyncadd.s32 $0xFFFFD000  }
0xa8: {  	[spmem:s2] =	stream.indirect.scatter.add.f32 [tilespmem:s20], [sflag:$0x7], $0x80, s12, s18, $0xb8;
	v63 =	vld [tilespmem:$0x0]  }
0xa9: {  	_ =	swait.ge [sflag:s26], $0x3000  }
0xaa: {  	[sflag:s26] =	ssyncset.done $0x0;
	s7 =	rddreg [dreg:$0x8]  }
0xab: {  	p0 =	seq.s32 s1, $0x0  }
0xac: {  	[sflag:s26] =	ssyncadd.s32 $0xFFFFD000;
	s5 =	simm.s32 @!p0 $0x5  }
0xad: {  	[spmem:s2] =	stream.indirect.scatter.add.f32 [tilespmem:s22], [sflag:$0x8], $0x80, s7, s18, $0xb8;
	v63 =	vld [tilespmem:$0x0]  }
0xae: {  	_ =	swait.ge @!p0 [sflag:s5], $0x3000  }
0xaf: {  	[sflag:s5] =	ssyncset.done @!p0 $0x0  }
0xb0: {  	s10 =	sadd.s32 s1, s15;
	[sflag:s5] =	ssyncadd.s32 @!p0 $0xFFFFD000  }
0xb1: {  	[tilespmem:s3], [sflag:$0x9] =	stream.linear.gather [hbm4b:s10+s3], $0x100, $0x38;
	v63 =	vld [tilespmem:$0x0]  }
0xb2: {  	_ =	swait.ge [sflag:s17], $0x100  }
0xb3: {  	[sflag:s17] =	ssyncset.done $0x0  }
0xb4: {  	[sflag:s17] =	ssyncadd.s32 $0xFFFFFF00  }
0xb5: {  	[tilespmem:s16], [sflag:$0x1] =	stream.indirect.gather [hbm4b:s4+s18], $0x80, s3, s18, $0xb8;
	v63 =	vld [tilespmem:$0x0]  }
0xb6: {  	s8 =	simm.s32 @p0 $0x0;
	s9 =	simm.s32 @p0 $0x100;
	s7 =	rddreg [dreg:$0x3]  }
0xb7: {  	[tilespmem:s9], [sflag:$0x9] =	stream.linear.gather @p0 [hbm4b:s7+s8], $0x100, $0x38;
	v63 =	vld [tilespmem:$0x0]  }
0xb8: {  	s7 =	simm.s32 @p0 $0x9  }
0xb9: {  	_ =	swait.ge @p0 [sflag:s7], $0x100  }
0xba: {  	[sflag:s7] =	ssyncset.done @p0 $0x0  }
0xbb: {  	s8 =	simm.s32 @p0 $0x3400;
	[sflag:s7] =	ssyncadd.s32 @p0 $0xFFFFFF00;
	s7 =	simm.s32 @p0 $0x60  }
0xbc: {  	[tilespmem:s8], [sflag:$0x2] =	stream.indirect.gather @p0 [hbm4b:s4+s7], $0x80, s9, s7, $0xb8;
	v63 =	vld [tilespmem:$0x0]  }
0xbd: {  	s7 =	simm.s32 @!p0 $0x6  }
0xbe: {  	s1 =	sadd.s32 @!p0 s1, s15;
	_ =	swait.ge @!p0 [sflag:s7], $0x3000  }
0xbf: {  	s1 =	sadd.s32 @!p0 $0x20, s1;
	[sflag:s7] =	ssyncset.done @!p0 $0x0  }
0xc0: {  	s8 =	simm.s32 @!p0 $0x100;
	[sflag:s7] =	ssyncadd.s32 @!p0 $0xFFFFD000;
	s7 =	simm.s32 @!p0 $0x0  }
0xc1: {  	[tilespmem:s8], [sflag:$0x9] =	stream.linear.gather @!p0 [hbm4b:s1+s7], $0x100, $0x38;
	v63 =	vld [tilespmem:$0x0]  }
0xc2: {  	s1 =	simm.s32 @!p0 $0x9  }
0xc3: {  	_ =	swait.ge @!p0 [sflag:s1], $0x100  }
0xc4: {  	[sflag:s1] =	ssyncset.done @!p0 $0x0  }
0xc5: {  	s7 =	simm.s32 @!p0 $0x3400;
	[sflag:s1] =	ssyncadd.s32 @!p0 $0xFFFFFF00;
	s1 =	simm.s32 @!p0 $0x60  }
0xc6: {  	[tilespmem:s7], [sflag:$0x2] =	stream.indirect.gather @!p0 [hbm4b:s4+s1], $0x80, s8, s1, $0xb8;
	v63 =	vld [tilespmem:$0x0]  }
0xc7: {  	s1 =	simm.s32 @!p0 $0x7  }
0xc8: {  	_ =	swait.ge @!p0 [sflag:s1], $0x3000  }
0xc9: {  	[sflag:s1] =	ssyncset.done @!p0 $0x0  }
0xca: {  	s11 =	sadd.s32 $0x40, s10;
	[sflag:s1] =	ssyncadd.s32 @!p0 $0xFFFFD000  }
0xcb: {  	[tilespmem:s19], [sflag:$0x9] =	stream.linear.gather [hbm4b:s11+s3], $0x100, $0x38;
	v63 =	vld [tilespmem:$0x0]  }
0xcc: {  	_ =	swait.ge [sflag:s17], $0x100  }
0xcd: {  	[sflag:s17] =	ssyncset.done $0x0  }
0xce: {  	s1 =	simm.s32 @!p0 $0x8;
	[sflag:s17] =	ssyncadd.s32 $0xFFFFFF00  }
0xcf: {  	[tilespmem:s20], [sflag:$0x3] =	stream.indirect.gather [hbm4b:s4+s18], $0x80, s19, s18, $0xb8;
	v63 =	vld [tilespmem:$0x0]  }
0xd0: {  	_ =	swait.ge @!p0 [sflag:s1], $0x3000  }
0xd1: {  	[sflag:s1] =	ssyncset.done @!p0 $0x0  }
0xd2: {  	s12 =	sadd.s32 $0x60, s10;
	[sflag:s1] =	ssyncadd.s32 @!p0 $0xFFFFD000  }
0xd3: {  	[tilespmem:s21], [sflag:$0x9] =	stream.linear.gather [hbm4b:s12+s3], $0x100, $0x38;
	v63 =	vld [tilespmem:$0x0]  }
0xd4: {  	_ =	swait.ge [sflag:s17], $0x100  }
0xd5: {  	[sflag:s17] =	ssyncset.done $0x0  }
0xd6: {  	[sflag:s17] =	ssyncadd.s32 $0xFFFFFF00  }
0xd7: {  	[tilespmem:s22], [sflag:$0x4] =	stream.indirect.gather [hbm4b:s4+s18], $0x80, s21, s18, $0xb8;
	v63 =	vld [tilespmem:$0x0]  }
0xd8: {  	_ =	swait.ge [sflag:s23], $0x3000  }
0xd9: {  	[sflag:s23] =	ssyncset.done $0x0  }
0xda: {  	s5 =	rddreg [dreg:$0x4];
	[sflag:s23] =	ssyncadd.s32 $0xFFFFD000  }
0xdb: {  	[spmem:s2] =	stream.indirect.scatter.add.f32 [tilespmem:s16], [sflag:$0x5], $0x80, s5, s18, $0xb8;
	v63 =	vld [tilespmem:$0x0]  }
0xdc: {  	_ =	swait.ge [sflag:s24], $0x3000  }
0xdd: {  	s7 =	rddreg [dreg:$0x5];
	[sflag:s24] =	ssyncset.done $0x0  }
0xde: {  	s8 =	rddreg [dreg:$0x6];
	[sflag:s24] =	ssyncadd.s32 $0xFFFFD000  }
0xdf: {  	[spmem:s2] =	stream.indirect.scatter.add.f32 [tilespmem:s8], [sflag:$0x6], $0x80, s7, s18, $0xb8;
	v63 =	vld [tilespmem:$0x0]  }
0xe0: {  	_ =	swait.ge [sflag:s25], $0x3000  }
0xe1: {  	[sflag:s25] =	ssyncset.done $0x0  }
0xe2: {  	s9 =	rddreg [dreg:$0x7];
	[sflag:s25] =	ssyncadd.s32 $0xFFFFD000  }
0xe3: {  	[spmem:s2] =	stream.indirect.scatter.add.f32 [tilespmem:s20], [sflag:$0x7], $0x80, s9, s18, $0xb8;
	v63 =	vld [tilespmem:$0x0]  }
0xe4: {  	_ =	swait.ge [sflag:s26], $0x3000  }
0xe5: {  	[sflag:s26] =	ssyncset.done $0x0  }
0xe6: {  	s10 =	rddreg [dreg:$0x8];
	[sflag:s26] =	ssyncadd.s32 $0xFFFFD000  }
0xe7: {  	[spmem:s2] =	stream.indirect.scatter.add.f32 [tilespmem:s22], [sflag:$0x8], $0x80, s10, s18, $0xb8;
	v63 =	vld [tilespmem:$0x0]  }
0xe8: {  	_ =	swait.ge [sflag:s28], $0x3000  }
0xe9: {  	[sflag:s28] =	ssyncset.done $0x0  }
0xea: {  	[sflag:s28] =	ssyncadd.s32 $0xFFFFD000  }
0xeb: {  	_ =	swait.ge [sflag:s29], $0x3000  }
0xec: {  	[sflag:s29] =	ssyncset.done $0x0  }
0xed: {  	[sflag:s29] =	ssyncadd.s32 $0xFFFFD000  }
0xee: {  	_ =	swait.ge [sflag:s30], $0x3000  }
0xef: {  	[sflag:s30] =	ssyncset.done $0x0  }
0xf0: {  	[sflag:s30] =	ssyncadd.s32 $0xFFFFD000  }
0xf1: {  	s11 =	stileid.u32;
	_ =	swait.ge [sflag:s31], $0x3000  }
0xf2: {  	s0 =	sadd.s32 $0x1, s0;
	s1 =	sshll.u32 s11, $0x6;
	[sflag:s31] =	ssyncset.done $0x0  }
0xf3: {  	p0 =	sne.s32 s0, s14;
	s1 =	sor.u32 $0x1C09, s1;
	[sflag:s31] =	ssyncadd.s32 $0xFFFFD000  }
.Ltmp1:
0xf4: {  	s12 =	sshrl.u32 s6, $0x3;
	[bflag:$0x0] =	sbarrier.arrive $0xFFFF;
	(pc) =	sbr.rel @p0 .LBB2_1-.Ltmp1, $4  }
0xf5: {  	[hbm:s13], [sflag:s1] =	dma.local [spmem:s12], $0x2780  }
0xf6: {  	_ =	swait.ge [sflag:s17], $0x2780  }
0xf7: {  	[sflag:s17] =	ssyncset.done $0x0  }
0xf8: {  	[sflag:s17] =	ssyncadd.s32 $0xFFFFD880  }
0xf9: {  	_ =	sfence.sel $0x180000  }
0xfa: {  	[bflag:$0x0] =	sbarrier.arrive $0xFFFF  }
0xfb: {  	_ =	strace $0x9000004A  }
0xfc: {  	s0 =	stileid.u32;
	[bflag:$0x2] =	sbarrier.arrive $0xFFFF  }
0xfd: {  	p0 =	sne.s32 s0, $0x0;
	s0 =	rddreg [dreg:$0x2]  }
0xfe: {  	s0 =	sadd.s32 @!p0 $0x100000, s0  }
0xff: {  	[sflag:s0] =	ssyncadd.tile.s32 @!p0 $0x1;
	_ =	shalt  }
.Lfunc_end2:
_tile_overlayer_lowered:
.L_overlay_start_2:
0x100: {  	(tag) =	ssettag $0x2  }
0x101: {  	s0 =	rddreg [dreg:$0x0];
	s2 =	stileid.u32  }
0x102: {  	s1 =	rddreg [dreg:$0x1];
	p0 =	sne.s32 s2, $0x0  }
0x103: {  	s3 =	rddreg [dreg:$0x2];
	[bflag:$0x3] =	sbarrier.arrive $0xFFFF;
	s2 =	simm.s32 @!p0 $0x1C09  }
0x104: {  	[timem:s3], [sflag:s2] =	dma.local @!p0 [hbm:s0], s1  }
0x105: {  	s0 =	simm.s32 @!p0 $0x9  }
0x106: {  	_ =	swait.ge @!p0 [sflag:s0], s1  }
0x107: {  	s1 =	ssub.s32 @!p0 $0x0, s1;
	[sflag:s0] =	ssyncset.done @!p0 $0x0  }
0x108: {  	[sflag:s0] =	ssyncadd.s32 @!p0 s1  }
0x109: {  	[bflag:$0x3] =	sbarrier.arrive $0xFFFF  }
0x10a: {  	_ =	shalt  }

// kernel: kernel.16.cloned.1.call-start
scs
__scs_entry_jumppad:
0x0: {  	(pc) =	sbr.rel $0x88, $3  }
0x1: {  	(tag) =	ssettag $0x0;
	lr =	simm.s32 $0x1  }
0x2: {  	[smem:$0x3F92] =	sst lr;
	_ =	strace $0xD0000000  }
0x3: {  	_ = 	snop  }
0x4: {  	_ = 	snop  }
0x5: {  	_ = 	snop  }
0x6: {  	_ = 	snop  }
0x7: {  	_ = 	snop  }
__scs_overlays_trampoline_lowered:
0x8: {  	[smem:$0x3FA1] =	sst s0  }
0x9: {  	[smem:$0x3FA2] =	sst s1  }
0xa: {  	[smem:$0x3FA3] =	sst s2  }
0xb: {  	[smem:$0x3FA4] =	sst s3  }
0xc: {  	[smem:$0x3FA5] =	sst s4  }
0xd: {  	[smem:$0x3FA6] =	sst s5  }
0xe: {  	[smem:$0x3FA7] =	sst s6  }
0xf: {  	[smem:$0x3FA8] =	sst s7  }
0x10: {  	[smem:$0x3FA9] =	sst s8  }
0x11: {  	[smem:$0x3FAA] =	sst s9;
	s0 =	simm.s32 @!p0 $0x0  }
0x12: {  	s1 =	sld [smem:$0x3F90];
	s0 =	simm.s32 @p0 $0x1  }
0x13: {  	[smem:$0x3FAB] =	sst s0;
	s0 =	simm.s32 @!p1 $0x0  }
0x14: {  	s2 =	sld [smem:$0x3F8F];
	s0 =	simm.s32 @p1 $0x1  }
0x15: {  	[smem:$0x3FAC] =	sst s0;
	s0 =	simm.s32 @!p2 $0x0  }
0x16: {  	s3 =	sld [smem:$0x3FDB];
	s0 =	simm.s32 @p2 $0x1  }
0x17: {  	s4 =	simm.s32 $0x1BF5;
	[smem:$0x3FAE] =	sst s0  }
0x18: {  	s0 =	sld [smem:$0x3F91];
	_ =	swait.ge [sflag:s4], $0x0  }
0x19: {  	s7 =	sld [smem:$0x3F92]  }
0x1a: {  	s8 =	sadd.s32 $0xFFFFE003, lr  }
0x1b: {  	s9 =	sadd.s32 $0xFFFFFEF7, lr;
	s5 =	simm.s32 $0xFFFFFFFF;
	p2 =	slt.u32 s8, $0xFFFFF086  }
0x1c: {  	p1 =	slt.u32 s9, $0xF7A;
	s5 =	simm.s32 @!p2 $0x0  }
0x1d: {  	s5 =	simm.s32 @p1 $0x1;
	p0 =	seq.s32 s7, s2  }
0x1e: {  	s7 =	smul.u32 @!p0 $0xF7A, s2;
	p2 =	seq.s32 @!p0 s5, $0x0  }
0x1f: {  	s9 =	smul.u32 $0xF7A, s1;
	s8 =	simm.s32 @!p0 $0x1BF5;
	p2 =	por !p2, p0  }
0x20: {  	[sflag:s8] =	ssyncset.s32 @!p0 $0xFFFFF086;
	s6 =	sadd.s32 @!p0 s3, s7;
	s7 =	simm.s32 @!p0 $0x108  }
0x21: {  	s3 =	sadd.s32 s3, s9;
	s6 =	sadd.s32 @!p0 $0x88, s6;
	s7 =	simm.s32 @p2 $0x1082  }
0x22: {  	[simem:s7], [sflag:s8] =	dma.local @!p0 [hbm:s6], $0xF7A  }
0x23: {  	s9 =	sor.u32 $0xD0000000, s2;
	s6 =	simm.s32 $0x108;
	_ =	swait.ge @!p0 [sflag:s8], $0x0  }
0x24: {  	s3 =	sadd.s32 $0x88, s3;
	s6 =	simm.s32 @!p1 $0x1082;
	[sflag:s4] =	ssyncset.s32 $0xFFFFF086  }
0x25: {  	[simem:s6], [sflag:s4] =	dma.local [hbm:s3], $0xF7A  }
0x26: {  	[smem:$0x3F92] =	sst s1;
	(tag) =	ssettag s2;
	_ =	strace s9  }
0x27: {  	s1 =	sld [smem:$0x3FA2]  }
0x28: {  	s2 =	sld [smem:$0x3FA3]  }
0x29: {  	s4 =	sld [smem:$0x3FA5]  }
0x2a: {  	p0 =	seq.s32 s5, $0x0;
	s5 =	sld [smem:$0x3FA6]  }
0x2b: {  	s6 =	sld [smem:$0x3FA7]  }
0x2c: {  	s7 =	sld [smem:$0x3FA8]  }
0x2d: {  	s3 =	simm.s32 $0x108;
	s8 =	sld [smem:$0x3FA9]  }
0x2e: {  	s3 =	simm.s32 @!p0 $0x1082;
	s9 =	sld [smem:$0x3FAA]  }
0x2f: {  	lr =	sadd.s32 s0, s3;
	s0 =	sld [smem:$0x3FA1]  }
0x30: {  	s3 =	sld [smem:$0x3FA4]  }
0x31: {  	[smem:$0x3FAD] =	sst s10  }
0x32: {  	s10 =	sld [smem:$0x3FAB];
	_ =	sdelay $0x3  }
0x33: {  	p0 =	seq.s32 s10, $0x1;
	s10 =	sld [smem:$0x3FAD];
	_ =	sdelay $0x3  }
0x34: {  	[smem:$0x3FAD] =	sst s10  }
0x35: {  	s10 =	sld [smem:$0x3FAC];
	_ =	sdelay $0x3  }
0x36: {  	p1 =	seq.s32 s10, $0x1;
	s10 =	sld [smem:$0x3FAD];
	_ =	sdelay $0x3  }
0x37: {  	[smem:$0x3FAD] =	sst s10  }
0x38: {  	s10 =	sld [smem:$0x3FAE]  }
0x39: {  	_ = 	snop;
	(pc) =	sbr.ind lr, $3  }
0x3a: {  	_ = 	snop  }
0x3b: {  	_ = 	snop  }
0x3c: {  	p2 =	seq.s32 s10, $0x1;
	s10 =	sld [smem:$0x3FAD]  }
0x3d: {  	_ =	shalt  }
0x3e: {  	_ =	shalt  }
0x3f: {  	_ =	shalt  }
0x40: {  	_ =	shalt  }
0x41: {  	_ =	shalt  }
0x42: {  	_ =	shalt  }
0x43: {  	_ =	shalt  }
0x44: {  	_ =	shalt  }
0x45: {  	_ =	shalt  }
0x46: {  	_ =	shalt  }
0x47: {  	_ =	shalt  }
0x48: {  	_ =	shalt  }
0x49: {  	_ =	shalt  }
0x4a: {  	_ =	shalt  }
0x4b: {  	_ =	shalt  }
0x4c: {  	_ =	shalt  }
0x4d: {  	_ =	shalt  }
0x4e: {  	_ =	shalt  }
0x4f: {  	_ =	shalt  }
0x50: {  	_ =	shalt  }
0x51: {  	_ =	shalt  }
0x52: {  	_ =	shalt  }
0x53: {  	_ =	shalt  }
0x54: {  	_ =	shalt  }
0x55: {  	_ =	shalt  }
0x56: {  	_ =	shalt  }
0x57: {  	_ =	shalt  }
0x58: {  	_ =	shalt  }
0x59: {  	_ =	shalt  }
0x5a: {  	_ =	shalt  }
0x5b: {  	_ =	shalt  }
0x5c: {  	_ =	shalt  }
0x5d: {  	_ =	shalt  }
0x5e: {  	_ =	shalt  }
0x5f: {  	_ =	shalt  }
0x60: {  	_ =	shalt  }
0x61: {  	_ =	shalt  }
0x62: {  	_ =	shalt  }
0x63: {  	_ =	shalt  }
0x64: {  	_ =	shalt  }
0x65: {  	_ =	shalt  }
0x66: {  	_ =	shalt  }
0x67: {  	_ =	shalt  }
0x68: {  	_ =	shalt  }
0x69: {  	_ =	shalt  }
0x6a: {  	_ =	shalt  }
0x6b: {  	_ =	shalt  }
0x6c: {  	_ =	shalt  }
0x6d: {  	_ =	shalt  }
0x6e: {  	_ =	shalt  }
0x6f: {  	_ =	shalt  }
0x70: {  	_ =	shalt  }
0x71: {  	_ =	shalt  }
0x72: {  	_ =	shalt  }
0x73: {  	_ =	shalt  }
0x74: {  	_ =	shalt  }
0x75: {  	_ =	shalt  }
0x76: {  	_ =	shalt  }
0x77: {  	_ =	shalt  }
0x78: {  	_ =	shalt  }
0x79: {  	_ =	shalt  }
0x7a: {  	_ =	shalt  }
0x7b: {  	_ =	shalt  }
0x7c: {  	_ =	shalt  }
0x7d: {  	_ =	shalt  }
0x7e: {  	_ =	shalt  }
0x7f: {  	_ =	shalt  }
0x80: {  	_ =	shalt  }
0x81: {  	_ =	shalt  }
0x82: {  	_ =	shalt  }
0x83: {  	_ =	shalt  }
0x84: {  	_ =	shalt  }
0x85: {  	_ =	shalt  }
0x86: {  	_ =	shalt  }
0x87: {  	_ =	shalt  }
.Lfunc_end0:
.L_simem_size_0:
called_computation.2_lowered:
.L_overlay_start_0:
0x88: {  	s2 =	sld [smem:$0x3FD9]  }
0x89: {  	s3 =	sld [smem:$0x3FFE];
	_ =	sdelay $0x1  }
0x8a: {  	s1 =	srdreg.scid  }
0x8b: {  	s0 =	sand.u32 $0x1, s1  }
0x8c: {  	s16 =	sshll.u32 s0, $0xA;
	s2 =	sadd.s32 s3, s2  }
0x8d: {  	s2 =	sadd.s32 s2, s16  }
0x8e: {  	[smem:$0x3FB9] =	sst s2  }
0x8f: {  	_ = 	snop  }
0x90: {  	(tm) =	ssettm $0x1  }
0x91: {  	s17 =	sld [smem:$0x3FFB];
	_ =	sdelay $0x3  }
0x92: {  	_ =	strace s17  }
0x93: {  	s2 =	sld [smem:$0x3FFC];
	_ =	sdelay $0x3  }
0x94: {  	_ =	strace s2  }
0x95: {  	s2 =	sld [smem:$0x3FFD];
	_ =	sdelay $0x3  }
0x96: {  	_ =	strace s2  }
0x97: {  	_ =	strace $0x8FFFFFFF  }
0x98: {  	s18 =	sld [smem:$0x3FDB];
	_ =	sdelay $0x1  }
0x99: {  	s19 =	simm.s32 $_scs_section_size  }
0x9a: {  	s4 =	simm.s32 $_size__tile_overlayer_lowered;
	s5 =	simm.s32 $_tile_overlayer_lowered  }
0x9b: {  	s22 =	simm.s32 $0x1BFF;
	s21 =	sshll.u32 s5, $0x1;
	s2 =	sadd.s32 s19, s18  }
0x9c: {  	s6 =	simm.s32 $0x0;
	s20 =	sshll.u32 s4, $0x1;
	s4 =	sadd.s32 s21, s2  }
0x9d: {  	[timem:s6], [sflag:s22] =	dma.local [hbm:s4], s20  }
0x9e: {  	_ =	swait.ge [sflag:s22], s20  }
0x9f: {  	s3 =	ssub.s32 $0x0, s20;
	[sflag:s22] =	ssyncset.done $0x0  }
0xa0: {  	[sflag:s22] =	ssyncadd.s32 s3;
	_ =	sdelay $0x1  }
0xa1: {  	s23 =	simm.s32 $0x1B8B  }
0xa2: {  	_ =	swait.ge [sflag:s23], $0x1  }
0xa3: {  	[sflag:s23] =	ssyncset.done $0x0  }
0xa4: {  	s25 =	simm.s32 $0x1B8E;
	s24 =	sld [smem:$0x3FFE];
	[sflag:s23] =	ssyncadd.s32 $0xFFFFFFFF  }
0xa5: {  	s26 =	simm.s32 $execute0_lowered;
	[smem:$0x3FD2] =	sst s25  }
0xa6: {  	s4 =	sshll.u32 s26, $0x1;
	_ =	strace $0x8000004C;
	[dreg:$0x1] =	wrdreg $0xFFFFFFFF  }
0xa7: {  	s28 =	simm.s32 $_size_execute0_lowered;
	s2 =	sadd.s32 s2, s4;
	[dreg:$0x0] =	wrdreg $0x0  }
0xa8: {  	s4 =	sshll.u32 s28, $0x1;
	[dreg:$0x2] =	wrdreg s2  }
0xa9: {  	[dreg:$0x3] =	wrdreg s4  }
0xaa: {  	[dreg:$0x4] =	wrdreg $0xC0  }
0xab: {  	_ =	task [dreg:s6], $0x5FFFF  }
0xac: {  	[dreg:$0x1] =	wrdreg $0xFFFFFFFF  }
0xad: {  	[dreg:$0x0] =	wrdreg $0x60  }
0xae: {  	[dreg:$0x2] =	wrdreg s24  }
0xaf: {  	[dreg:$0x3] =	wrdreg $0xC4000  }
0xb0: {  	[dreg:$0x4] =	wrdreg $0x9  }
0xb1: {  	_ =	task.clear_ibuf [dreg:s6], $0x5FFFF;
	_ =	strace $0x9000004C  }
0xb2: {  	s29 =	simm.s32 $0x9;
	_ =	strace $0x8000004E  }
0xb3: {  	_ =	swait.ge [sflag:s29], $0x1  }
0xb4: {  	[sflag:s29] =	ssyncadd.s32 $0xFFFFFFFF  }
0xb5: {  	_ =	strace $0x9000004E  }
0xb6: {  	_ =	sfence  }
0xb7: {  	s30 =	sld [smem:$0x0];
	_ =	sdelay $0x2  }
0xb8: {  	s31 =	sshll.u32 s1, $0xD;
	s1 =	sshrl.u32 s1, $0x2  }
0xb9: {  	s3 =	sand.u32 $0x4000, s31;
	s1 =	sadd.s32 s1, s30  }
0xba: {  	s0 =	sor.u32 s3, s0;
	s1 =	sshll.u32 s1, $0x11  }
0xbb: {  	s0 =	sor.u32 s1, s0  }
0xbc: {  	s0 =	sadd.s32 $0x8F2B, s0  }
0xbd: {  	[sflag:s0] =	ssyncadd.remote.s32 $0x1  }
0xbe: {  	_ =	sfence.sel $0xFFFF  }
0xbf: {  	[dreg:$0x0] =	wrdreg $0xFFFFFFFF;
	(pc) =	sbr.abs _section_cstart, $3  }
0xc0: {  	[dreg:$0x1] =	wrdreg $0xFFFFFFFF  }
0xc1: {  	_ =	task.clear_ibuf [dreg:s6], $0x2FFFF;
	_ =	strace $0x9FFFFFFF  }
0xc2: {  	(tm) =	ssettm $0x7FFFFFFF  }
0xc3: {  	_ =	shalt  }
tec
execute0_lowered:
.L_overlay_start_1:
0x0: {  	(tag) =	ssettag $0x1  }
0x1: {  	s0 =	rddreg [dreg:$0x0]  }
0x2: {  	s2 =	rddreg [dreg:$0x1];
	s1 =	srdreg.scid  }
0x3: {  	s10 =	stileid.u32;
	s3 =	simm.s32 $0x0;
	s22 =	simm.s32 $0x80  }
0x4: {  	s23 =	simm.s32 $0x180;
	s24 =	simm.s32 $0x3400;
	s25 =	simm.s32 $0x280  }
0x5: {  	s26 =	simm.s32 $0x380;
	s28 =	simm.s32 $0x5;
	s29 =	simm.s32 $0x6  }
0x6: {  	s30 =	simm.s32 $0x7;
	s31 =	simm.s32 $0x8;
	s1 =	sand.u32 $0x1, s1  }
0x7: {  	s5 =	smul.u32 $0x2780, s10;
	[smem:$0x7FF] =	sst s3;
	s8 =	sadd.s32 $0xDE00, s0  }
0x8: {  	s4 =	sadd.s32 $0xE400, s0;
	_ =	strace $0x8000004D;
	[dreg:$0x9] =	wrdreg s8  }
0x9: {  	s7 =	sadd.s32 $0x5D400, s0;
	s12 =	smul.u32 $0x4F000, s10;
	[dreg:$0x4] =	wrdreg s22  }
0xa: {  	s13 =	sshll.u32 s10, $0x1;
	s6 =	smul.u32 $0x27800, s1;
	[dreg:$0x5] =	wrdreg s23  }
0xb: {  	s14 =	ssub.s32 $0x2, s1;
	s22 =	simm.s32 $0x9400;
	[dreg:$0x6] =	wrdreg s24  }
0xc: {  	s23 =	simm.s32 $0x1;
	[dreg:$0x7] =	wrdreg s25;
	s24 =	simm.s32 $0x2  }
0xd: {  	[dreg:$0x8] =	wrdreg s26;
	s25 =	simm.s32 $0x3;
	s26 =	simm.s32 $0x4  }
0xe: {  	s9 =	sshrl.u32 s14, $0x1;
	s5 =	sadd.s32 s5, s6;
	s6 =	sshrl.u32 s12, $0x2  }
0xf: {  	s14 =	ssub.s32 s14, s9;
	s0 =	sadd.s32 s5, s0;
	s6 =	sadd.s32 s6, s2  }
0x10: {  	s5 =	sor.u32 s1, s13;
	s1 =	smul.u32 $0xD80, s1;
	s15 =	sadd.s32 $0x3000, s6  }
0x11: {  	s14 =	smax.u32 s14, $0x1;
	s16 =	sadd.s32 $0x6000, s6;
	[dreg:$0xa] =	wrdreg s15  }
0x12: {  	s5 =	smul.u32 $0xD80, s5;
	s17 =	sadd.s32 $0x9000, s6;
	[dreg:$0xb] =	wrdreg s16  }
0x13: {  	s18 =	sadd.s32 $0xC000, s6;
	s19 =	sadd.s32 $0xF000, s6;
	[dreg:$0xc] =	wrdreg s17  }
0x14: {  	s20 =	sadd.s32 $0x12000, s6;
	s13 =	sadd.s32 $0x78400, s0;
	[dreg:$0xd] =	wrdreg s18  }
0x15: {  	s0 =	simm.s32 $0x0;
	[dreg:$0xe] =	wrdreg s19;
	s15 =	smul.u32 $0x1B00, s10  }
0x16: {  	[dreg:$0xf] =	wrdreg s20;
	s16 =	simm.s32 $0x400;
	s17 =	simm.s32 $0x9  }
0x17: {  	s18 =	simm.s32 $0x60;
	s19 =	simm.s32 $0x200;
	s5 =	sadd.s32 s5, s7  }
0x18: {  	s20 =	simm.s32 $0x6400;
	s5 =	sadd.s32 $0x20, s5;
	s21 =	sadd.s32 s15, s7  }
0x19: {  	[dreg:$0x3] =	wrdreg s5;
	s15 =	sadd.s32 s1, s21;
	s21 =	simm.s32 $0x300  }
.LBB2_1:
0x1a: {  	s1 =	rddreg [dreg:$0x9]  }
0x1b: {  	[tilespmem:s16], [sflag:$0x9] =	stream.linear.gather [hbm4b:s1+s3], $0x3000, $0x38;
	v63 =	vld [tilespmem:$0x0]  }
0x1c: {  	_ =	swait.ge [sflag:s17], $0x3000  }
0x1d: {  	[sflag:s17] =	ssyncset.done $0x0  }
0x1e: {  	[sflag:s17] =	ssyncadd.s32 $0xFFFFD000  }
0x1f: {  	[spmem:s6] =	stream.linear.scatter [tilespmem:s16], [sflag:$0x9], $0x3000, $0x38;
	v63 =	vld [tilespmem:$0x0]  }
0x20: {  	_ =	swait.ge [sflag:s17], $0x3000  }
0x21: {  	[sflag:s17] =	ssyncset.done $0x0  }
0x22: {  	s5 =	rddreg [dreg:$0xa];
	[sflag:s17] =	ssyncadd.s32 $0xFFFFD000  }
0x23: {  	[spmem:s5] =	stream.linear.scatter [tilespmem:s16], [sflag:$0x9], $0x3000, $0x38;
	v63 =	vld [tilespmem:$0x0]  }
0x24: {  	_ =	swait.ge [sflag:s17], $0x3000  }
0x25: {  	[sflag:s17] =	ssyncset.done $0x0  }
0x26: {  	s7 =	rddreg [dreg:$0xb];
	[sflag:s17] =	ssyncadd.s32 $0xFFFFD000  }
0x27: {  	[spmem:s7] =	stream.linear.scatter [tilespmem:s16], [sflag:$0x9], $0x3000, $0x38;
	v63 =	vld [tilespmem:$0x0]  }
0x28: {  	_ =	swait.ge [sflag:s17], $0x3000  }
0x29: {  	[sflag:s17] =	ssyncset.done $0x0  }
0x2a: {  	s8 =	rddreg [dreg:$0xc];
	[sflag:s17] =	ssyncadd.s32 $0xFFFFD000  }
0x2b: {  	[spmem:s8] =	stream.linear.scatter [tilespmem:s16], [sflag:$0x9], $0x3000, $0x38;
	v63 =	vld [tilespmem:$0x0]  }
0x2c: {  	_ =	swait.ge [sflag:s17], $0x3000  }
0x2d: {  	[sflag:s17] =	ssyncset.done $0x0  }
0x2e: {  	s9 =	rddreg [dreg:$0xd];
	[sflag:s17] =	ssyncadd.s32 $0xFFFFD000  }
0x2f: {  	[spmem:s9] =	stream.linear.scatter [tilespmem:s16], [sflag:$0x9], $0x3000, $0x38;
	v63 =	vld [tilespmem:$0x0]  }
0x30: {  	_ =	swait.ge [sflag:s17], $0x3000  }
0x31: {  	[sflag:s17] =	ssyncset.done $0x0  }
0x32: {  	s10 =	rddreg [dreg:$0xe];
	[sflag:s17] =	ssyncadd.s32 $0xFFFFD000  }
0x33: {  	[spmem:s10] =	stream.linear.scatter [tilespmem:s16], [sflag:$0x9], $0x3000, $0x38;
	v63 =	vld [tilespmem:$0x0]  }
0x34: {  	_ =	swait.ge [sflag:s17], $0x3000  }
0x35: {  	[sflag:s17] =	ssyncset.done $0x0  }
0x36: {  	s11 =	rddreg [dreg:$0xf];
	[sflag:s17] =	ssyncadd.s32 $0xFFFFD000  }
0x37: {  	[spmem:s11] =	stream.linear.scatter [tilespmem:s16], [sflag:$0x9], $0x1C00, $0x38;
	v63 =	vld [tilespmem:$0x0]  }
0x38: {  	_ =	swait.ge [sflag:s17], $0x1C00  }
0x39: {  	[sflag:s17] =	ssyncset.done $0x0  }
0x3a: {  	p0 =	por $0x1, $0x1;
	[sflag:s17] =	ssyncadd.s32 $0xFFFFE400  }
0x3b: {  	s1 =	simm.s32 @!p0 $0x5;
	[bflag:$0x0] =	sbarrier.arrive $0xFFFF  }
0x3c: {  	_ =	swait.ge @!p0 [sflag:s1], $0x3000  }
0x3d: {  	[sflag:s1] =	ssyncset.done @!p0 $0x0  }
0x3e: {  	s12 =	sadd.s32 $0x0, s15;
	[sflag:s1] =	ssyncadd.s32 @!p0 $0xFFFFD000  }
0x3f: {  	[tilespmem:s3], [sflag:$0x9] =	stream.linear.gather [hbm4b:s12+s3], $0x100, $0x38;
	v63 =	vld [tilespmem:$0x0]  }
0x40: {  	_ =	swait.ge [sflag:s17], $0x100  }
0x41: {  	[sflag:s17] =	ssyncset.done $0x0  }
0x42: {  	[sflag:s17] =	ssyncadd.s32 $0xFFFFFF00  }
0x43: {  	[tilespmem:s16], [sflag:$0x1] =	stream.indirect.gather [hbm4b:s4+s18], $0x80, s3, s18, $0xb8;
	v63 =	vld [tilespmem:$0x0]  }
0x44: {  	s7 =	simm.s32 @p0 $0x0;
	s8 =	simm.s32 @p0 $0x100;
	s5 =	rddreg [dreg:$0x3]  }
0x45: {  	[tilespmem:s8], [sflag:$0x9] =	stream.linear.gather @p0 [hbm4b:s5+s7], $0x100, $0x38;
	v63 =	vld [tilespmem:$0x0]  }
0x46: {  	s5 =	simm.s32 @p0 $0x9  }
0x47: {  	_ =	swait.ge @p0 [sflag:s5], $0x100  }
0x48: {  	[sflag:s5] =	ssyncset.done @p0 $0x0  }
0x49: {  	s7 =	simm.s32 @p0 $0x3400;
	[sflag:s5] =	ssyncadd.s32 @p0 $0xFFFFFF00;
	s5 =	simm.s32 @p0 $0x60  }
0x4a: {  	[tilespmem:s7], [sflag:$0x2] =	stream.indirect.gather @p0 [hbm4b:s4+s5], $0x80, s8, s5, $0xb8;
	v63 =	vld [tilespmem:$0x0]  }
0x4b: {  	s5 =	simm.s32 @!p0 $0x6  }
0x4c: {  	_ =	swait.ge @!p0 [sflag:s5], $0x3000  }
0x4d: {  	s7 =	sadd.s32 @!p0 $0x0, s15;
	s8 =	simm.s32 @!p0 $0x100;
	[sflag:s5] =	ssyncset.done @!p0 $0x0  }
0x4e: {  	s7 =	sadd.s32 @!p0 $0x20, s7;
	[sflag:s5] =	ssyncadd.s32 @!p0 $0xFFFFD000;
	s5 =	simm.s32 @!p0 $0x0  }
0x4f: {  	[tilespmem:s8], [sflag:$0x9] =	stream.linear.gather @!p0 [hbm4b:s7+s5], $0x100, $0x38;
	v63 =	vld [tilespmem:$0x0]  }
0x50: {  	s5 =	simm.s32 @!p0 $0x9  }
0x51: {  	_ =	swait.ge @!p0 [sflag:s5], $0x100  }
0x52: {  	[sflag:s5] =	ssyncset.done @!p0 $0x0  }
0x53: {  	s7 =	simm.s32 @!p0 $0x3400;
	[sflag:s5] =	ssyncadd.s32 @!p0 $0xFFFFFF00;
	s5 =	simm.s32 @!p0 $0x60  }
0x54: {  	[tilespmem:s7], [sflag:$0x2] =	stream.indirect.gather @!p0 [hbm4b:s4+s5], $0x80, s8, s5, $0xb8;
	v63 =	vld [tilespmem:$0x0]  }
0x55: {  	s5 =	simm.s32 @!p0 $0x7  }
0x56: {  	_ =	swait.ge @!p0 [sflag:s5], $0x3000  }
0x57: {  	[sflag:s5] =	ssyncset.done @!p0 $0x0  }
0x58: {  	s8 =	sadd.s32 $0x40, s12;
	[sflag:s5] =	ssyncadd.s32 @!p0 $0xFFFFD000  }
0x59: {  	[tilespmem:s19], [sflag:$0x9] =	stream.linear.gather [hbm4b:s8+s3], $0x100, $0x38;
	v63 =	vld [tilespmem:$0x0]  }
0x5a: {  	_ =	swait.ge [sflag:s17], $0x100  }
0x5b: {  	[sflag:s17] =	ssyncset.done $0x0  }
0x5c: {  	s5 =	simm.s32 @!p0 $0x8;
	[sflag:s17] =	ssyncadd.s32 $0xFFFFFF00  }
0x5d: {  	[tilespmem:s20], [sflag:$0x3] =	stream.indirect.gather [hbm4b:s4+s18], $0x80, s19, s18, $0xb8;
	v63 =	vld [tilespmem:$0x0]  }
0x5e: {  	_ =	swait.ge @!p0 [sflag:s5], $0x3000  }
0x5f: {  	[sflag:s5] =	ssyncset.done @!p0 $0x0  }
0x60: {  	s1 =	sadd.s32 $0x60, s12;
	[sflag:s5] =	ssyncadd.s32 @!p0 $0xFFFFD000  }
0x61: {  	[tilespmem:s21], [sflag:$0x9] =	stream.linear.gather [hbm4b:s1+s3], $0x100, $0x38;
	v63 =	vld [tilespmem:$0x0]  }
0x62: {  	_ =	swait.ge [sflag:s17], $0x100  }
0x63: {  	[sflag:s17] =	ssyncset.done $0x0  }
0x64: {  	[sflag:s17] =	ssyncadd.s32 $0xFFFFFF00  }
0x65: {  	[tilespmem:s22], [sflag:$0x4] =	stream.indirect.gather [hbm4b:s4+s18], $0x80, s21, s18, $0xb8;
	v63 =	vld [tilespmem:$0x0]  }
0x66: {  	_ =	swait.ge [sflag:s23], $0x3000  }
0x67: {  	[sflag:s23] =	ssyncset.done $0x0  }
0x68: {  	s9 =	rddreg [dreg:$0x4];
	[sflag:s23] =	ssyncadd.s32 $0xFFFFD000  }
0x69: {  	[spmem:s2] =	stream.indirect.scatter.add.f32 [tilespmem:s16], [sflag:$0x5], $0x80, s9, s18, $0xb8;
	v63 =	vld [tilespmem:$0x0]  }
0x6a: {  	_ =	swait.ge [sflag:s24], $0x3000  }
0x6b: {  	s10 =	rddreg [dreg:$0x5];
	[sflag:s24] =	ssyncset.done $0x0  }
0x6c: {  	s11 =	rddreg [dreg:$0x6];
	[sflag:s24] =	ssyncadd.s32 $0xFFFFD000  }
0x6d: {  	[spmem:s2] =	stream.indirect.scatter.add.f32 [tilespmem:s11], [sflag:$0x6], $0x80, s10, s18, $0xb8;
	v63 =	vld [tilespmem:$0x0]  }
0x6e: {  	_ =	swait.ge [sflag:s25], $0x3000  }
0x6f: {  	[sflag:s25] =	ssyncset.done $0x0  }
0x70: {  	s12 =	rddreg [dreg:$0x7];
	[sflag:s25] =	ssyncadd.s32 $0xFFFFD000  }
0x71: {  	[spmem:s2] =	stream.indirect.scatter.add.f32 [tilespmem:s20], [sflag:$0x7], $0x80, s12, s18, $0xb8;
	v63 =	vld [tilespmem:$0x0]  }
0x72: {  	s5 =	simm.s32 $0x100;
	_ =	swait.ge [sflag:s26], $0x3000  }
0x73: {  	s1 =	simm.s32 $0x80;
	[sflag:s26] =	ssyncset.done $0x0;
	s7 =	rddreg [dreg:$0x8]  }
.LBB2_2:
0x74: {  	p1 =	seq.s32 s1, $0x0  }
0x75: {  	[sflag:s26] =	ssyncadd.s32 $0xFFFFD000;
	s9 =	simm.s32 @!p1 $0x5  }
0x76: {  	[spmem:s2] =	stream.indirect.scatter.add.f32 [tilespmem:s22], [sflag:$0x8], $0x80, s7, s18, $0xb8;
	v63 =	vld [tilespmem:$0x0]  }
0x77: {  	_ =	swait.ge @!p1 [sflag:s9], $0x3000  }
0x78: {  	[sflag:s9] =	ssyncset.done @!p1 $0x0  }
0x79: {  	s7 =	sadd.s32 s1, s15;
	[sflag:s9] =	ssyncadd.s32 @!p1 $0xFFFFD000  }
0x7a: {  	[tilespmem:s3], [sflag:$0x9] =	stream.linear.gather [hbm4b:s7+s3], $0x100, $0x38;
	v63 =	vld [tilespmem:$0x0]  }
0x7b: {  	_ =	swait.ge [sflag:s17], $0x100  }
0x7c: {  	s8 =	smov.u32 s5;
	s10 =	sadd.s32 @!p1 s1, s15;
	[sflag:s17] =	ssyncset.done $0x0  }
0x7d: {  	s1 =	smov.u32 s8;
	s11 =	simm.s32 @p1 $0x100;
	[sflag:s17] =	ssyncadd.s32 $0xFFFFFF00  }
0x7e: {  	[tilespmem:s16], [sflag:$0x1] =	stream.indirect.gather [hbm4b:s4+s18], $0x80, s3, s18, $0xb8;
	v63 =	vld [tilespmem:$0x0]  }
0x7f: {  	s12 =	simm.s32 @p1 $0x9;
	s9 =	simm.s32 @p1 $0x0;
	s8 =	rddreg [dreg:$0x3]  }
0x80: {  	[tilespmem:s11], [sflag:$0x9] =	stream.linear.gather @p1 [hbm4b:s8+s9], $0x100, $0x38;
	v63 =	vld [tilespmem:$0x0]  }
0x81: {  	_ =	swait.ge @p1 [sflag:s12], $0x100  }
0x82: {  	s8 =	simm.s32 @!p1 $0x6;
	[sflag:s12] =	ssyncset.done @p1 $0x0  }
0x83: {  	s9 =	simm.s32 @p1 $0x60;
	[sflag:s12] =	ssyncadd.s32 @p1 $0xFFFFFF00;
	s12 =	simm.s32 @p1 $0x3400  }
0x84: {  	[tilespmem:s12], [sflag:$0x2] =	stream.indirect.gather @p1 [hbm4b:s4+s9], $0x80, s11, s9, $0xb8;
	v63 =	vld [tilespmem:$0x0]  }
0x85: {  	_ =	swait.ge @!p1 [sflag:s8], $0x3000  }
0x86: {  	s10 =	sadd.s32 @!p1 $0x20, s10;
	s9 =	simm.s32 @!p1 $0x9;
	[sflag:s8] =	ssyncset.done @!p1 $0x0  }
0x87: {  	s11 =	simm.s32 @!p1 $0x100;
	[sflag:s8] =	ssyncadd.s32 @!p1 $0xFFFFD000;
	s8 =	simm.s32 @!p1 $0x0  }
0x88: {  	[tilespmem:s11], [sflag:$0x9] =	stream.linear.gather @!p1 [hbm4b:s10+s8], $0x100, $0x38;
	v63 =	vld [tilespmem:$0x0]  }
0x89: {  	_ =	swait.ge @!p1 [sflag:s9], $0x100  }
0x8a: {  	s8 =	simm.s32 @!p1 $0x7;
	[sflag:s9] =	ssyncset.done @!p1 $0x0  }
0x8b: {  	s10 =	simm.s32 @!p1 $0x3400;
	[sflag:s9] =	ssyncadd.s32 @!p1 $0xFFFFFF00;
	s9 =	simm.s32 @!p1 $0x60  }
0x8c: {  	[tilespmem:s10], [sflag:$0x2] =	stream.indirect.gather @!p1 [hbm4b:s4+s9], $0x80, s11, s9, $0xb8;
	v63 =	vld [tilespmem:$0x0]  }
0x8d: {  	_ =	swait.ge @!p1 [sflag:s8], $0x3000  }
0x8e: {  	[sflag:s8] =	ssyncset.done @!p1 $0x0  }
0x8f: {  	s12 =	sadd.s32 $0x40, s7;
	[sflag:s8] =	ssyncadd.s32 @!p1 $0xFFFFD000  }
0x90: {  	[tilespmem:s19], [sflag:$0x9] =	stream.linear.gather [hbm4b:s12+s3], $0x100, $0x38;
	v63 =	vld [tilespmem:$0x0]  }
0x91: {  	_ =	swait.ge [sflag:s17], $0x100  }
0x92: {  	[sflag:s17] =	ssyncset.done $0x0  }
0x93: {  	s8 =	simm.s32 @!p1 $0x8;
	[sflag:s17] =	ssyncadd.s32 $0xFFFFFF00  }
0x94: {  	[tilespmem:s20], [sflag:$0x3] =	stream.indirect.gather [hbm4b:s4+s18], $0x80, s19, s18, $0xb8;
	v63 =	vld [tilespmem:$0x0]  }
0x95: {  	_ =	swait.ge @!p1 [sflag:s8], $0x3000  }
0x96: {  	[sflag:s8] =	ssyncset.done @!p1 $0x0  }
0x97: {  	s7 =	sadd.s32 $0x60, s7;
	[sflag:s8] =	ssyncadd.s32 @!p1 $0xFFFFD000  }
0x98: {  	[tilespmem:s21], [sflag:$0x9] =	stream.linear.gather [hbm4b:s7+s3], $0x100, $0x38;
	v63 =	vld [tilespmem:$0x0]  }
0x99: {  	_ =	swait.ge [sflag:s17], $0x100  }
0x9a: {  	[sflag:s17] =	ssyncset.done $0x0  }
0x9b: {  	[sflag:s17] =	ssyncadd.s32 $0xFFFFFF00  }
0x9c: {  	[tilespmem:s22], [sflag:$0x4] =	stream.indirect.gather [hbm4b:s4+s18], $0x80, s21, s18, $0xb8;
	v63 =	vld [tilespmem:$0x0]  }
0x9d: {  	_ =	swait.ge [sflag:s23], $0x3000  }
0x9e: {  	[sflag:s23] =	ssyncset.done $0x0  }
0x9f: {  	s9 =	rddreg [dreg:$0x4];
	[sflag:s23] =	ssyncadd.s32 $0xFFFFD000  }
0xa0: {  	[spmem:s2] =	stream.indirect.scatter.add.f32 [tilespmem:s16], [sflag:$0x5], $0x80, s9, s18, $0xb8;
	v63 =	vld [tilespmem:$0x0]  }
0xa1: {  	_ =	swait.ge [sflag:s24], $0x3000  }
0xa2: {  	[sflag:s24] =	ssyncset.done $0x0;
	s10 =	rddreg [dreg:$0x5]  }
0xa3: {  	s5 =	sadd.s32 $0x80, s5;
	s11 =	rddreg [dreg:$0x6];
	[sflag:s24] =	ssyncadd.s32 $0xFFFFD000  }
0xa4: {  	[spmem:s2] =	stream.indirect.scatter.add.f32 [tilespmem:s11], [sflag:$0x6], $0x80, s10, s18, $0xb8;
	v63 =	vld [tilespmem:$0x0]  }
0xa5: {  	p0 =	sne.s32 s5, $0xD80;
	_ =	swait.ge [sflag:s25], $0x3000  }
.Ltmp0:
0xa6: {  	[sflag:s25] =	ssyncset.done $0x0;
	(pc) =	sbr.rel @p0 .LBB2_2-.Ltmp0, $4  }
0xa7: {  	s12 =	rddreg [dreg:$0x7];
	[sflag:s25] =	ssyncadd.s32 $0xFFFFD000  }
0xa8: {  	[spmem:s2] =	stream.indirect.scatter.add.f32 [tilespmem:s20], [sflag:$0x7], $0x80, s12, s18, $0xb8;
	v63 =	vld [tilespmem:$0x0]  }
0xa9: {  	_ =	swait.ge [sflag:s26], $0x3000  }
0xaa: {  	[sflag:s26] =	ssyncset.done $0x0;
	s7 =	rddreg [dreg:$0x8]  }
0xab: {  	p0 =	seq.s32 s1, $0x0  }
0xac: {  	[sflag:s26] =	ssyncadd.s32 $0xFFFFD000;
	s5 =	simm.s32 @!p0 $0x5  }
0xad: {  	[spmem:s2] =	stream.indirect.scatter.add.f32 [tilespmem:s22], [sflag:$0x8], $0x80, s7, s18, $0xb8;
	v63 =	vld [tilespmem:$0x0]  }
0xae: {  	_ =	swait.ge @!p0 [sflag:s5], $0x3000  }
0xaf: {  	[sflag:s5] =	ssyncset.done @!p0 $0x0  }
0xb0: {  	s10 =	sadd.s32 s1, s15;
	[sflag:s5] =	ssyncadd.s32 @!p0 $0xFFFFD000  }
0xb1: {  	[tilespmem:s3], [sflag:$0x9] =	stream.linear.gather [hbm4b:s10+s3], $0x100, $0x38;
	v63 =	vld [tilespmem:$0x0]  }
0xb2: {  	_ =	swait.ge [sflag:s17], $0x100  }
0xb3: {  	[sflag:s17] =	ssyncset.done $0x0  }
0xb4: {  	[sflag:s17] =	ssyncadd.s32 $0xFFFFFF00  }
0xb5: {  	[tilespmem:s16], [sflag:$0x1] =	stream.indirect.gather [hbm4b:s4+s18], $0x80, s3, s18, $0xb8;
	v63 =	vld [tilespmem:$0x0]  }
0xb6: {  	s8 =	simm.s32 @p0 $0x0;
	s9 =	simm.s32 @p0 $0x100;
	s7 =	rddreg [dreg:$0x3]  }
0xb7: {  	[tilespmem:s9], [sflag:$0x9] =	stream.linear.gather @p0 [hbm4b:s7+s8], $0x100, $0x38;
	v63 =	vld [tilespmem:$0x0]  }
0xb8: {  	s7 =	simm.s32 @p0 $0x9  }
0xb9: {  	_ =	swait.ge @p0 [sflag:s7], $0x100  }
0xba: {  	[sflag:s7] =	ssyncset.done @p0 $0x0  }
0xbb: {  	s8 =	simm.s32 @p0 $0x3400;
	[sflag:s7] =	ssyncadd.s32 @p0 $0xFFFFFF00;
	s7 =	simm.s32 @p0 $0x60  }
0xbc: {  	[tilespmem:s8], [sflag:$0x2] =	stream.indirect.gather @p0 [hbm4b:s4+s7], $0x80, s9, s7, $0xb8;
	v63 =	vld [tilespmem:$0x0]  }
0xbd: {  	s7 =	simm.s32 @!p0 $0x6  }
0xbe: {  	s1 =	sadd.s32 @!p0 s1, s15;
	_ =	swait.ge @!p0 [sflag:s7], $0x3000  }
0xbf: {  	s1 =	sadd.s32 @!p0 $0x20, s1;
	[sflag:s7] =	ssyncset.done @!p0 $0x0  }
0xc0: {  	s8 =	simm.s32 @!p0 $0x100;
	[sflag:s7] =	ssyncadd.s32 @!p0 $0xFFFFD000;
	s7 =	simm.s32 @!p0 $0x0  }
0xc1: {  	[tilespmem:s8], [sflag:$0x9] =	stream.linear.gather @!p0 [hbm4b:s1+s7], $0x100, $0x38;
	v63 =	vld [tilespmem:$0x0]  }
0xc2: {  	s1 =	simm.s32 @!p0 $0x9  }
0xc3: {  	_ =	swait.ge @!p0 [sflag:s1], $0x100  }
0xc4: {  	[sflag:s1] =	ssyncset.done @!p0 $0x0  }
0xc5: {  	s7 =	simm.s32 @!p0 $0x3400;
	[sflag:s1] =	ssyncadd.s32 @!p0 $0xFFFFFF00;
	s1 =	simm.s32 @!p0 $0x60  }
0xc6: {  	[tilespmem:s7], [sflag:$0x2] =	stream.indirect.gather @!p0 [hbm4b:s4+s1], $0x80, s8, s1, $0xb8;
	v63 =	vld [tilespmem:$0x0]  }
0xc7: {  	s1 =	simm.s32 @!p0 $0x7  }
0xc8: {  	_ =	swait.ge @!p0 [sflag:s1], $0x3000  }
0xc9: {  	[sflag:s1] =	ssyncset.done @!p0 $0x0  }
0xca: {  	s11 =	sadd.s32 $0x40, s10;
	[sflag:s1] =	ssyncadd.s32 @!p0 $0xFFFFD000  }
0xcb: {  	[tilespmem:s19], [sflag:$0x9] =	stream.linear.gather [hbm4b:s11+s3], $0x100, $0x38;
	v63 =	vld [tilespmem:$0x0]  }
0xcc: {  	_ =	swait.ge [sflag:s17], $0x100  }
0xcd: {  	[sflag:s17] =	ssyncset.done $0x0  }
0xce: {  	s1 =	simm.s32 @!p0 $0x8;
	[sflag:s17] =	ssyncadd.s32 $0xFFFFFF00  }
0xcf: {  	[tilespmem:s20], [sflag:$0x3] =	stream.indirect.gather [hbm4b:s4+s18], $0x80, s19, s18, $0xb8;
	v63 =	vld [tilespmem:$0x0]  }
0xd0: {  	_ =	swait.ge @!p0 [sflag:s1], $0x3000  }
0xd1: {  	[sflag:s1] =	ssyncset.done @!p0 $0x0  }
0xd2: {  	s12 =	sadd.s32 $0x60, s10;
	[sflag:s1] =	ssyncadd.s32 @!p0 $0xFFFFD000  }
0xd3: {  	[tilespmem:s21], [sflag:$0x9] =	stream.linear.gather [hbm4b:s12+s3], $0x100, $0x38;
	v63 =	vld [tilespmem:$0x0]  }
0xd4: {  	_ =	swait.ge [sflag:s17], $0x100  }
0xd5: {  	[sflag:s17] =	ssyncset.done $0x0  }
0xd6: {  	[sflag:s17] =	ssyncadd.s32 $0xFFFFFF00  }
0xd7: {  	[tilespmem:s22], [sflag:$0x4] =	stream.indirect.gather [hbm4b:s4+s18], $0x80, s21, s18, $0xb8;
	v63 =	vld [tilespmem:$0x0]  }
0xd8: {  	_ =	swait.ge [sflag:s23], $0x3000  }
0xd9: {  	[sflag:s23] =	ssyncset.done $0x0  }
0xda: {  	s5 =	rddreg [dreg:$0x4];
	[sflag:s23] =	ssyncadd.s32 $0xFFFFD000  }
0xdb: {  	[spmem:s2] =	stream.indirect.scatter.add.f32 [tilespmem:s16], [sflag:$0x5], $0x80, s5, s18, $0xb8;
	v63 =	vld [tilespmem:$0x0]  }
0xdc: {  	_ =	swait.ge [sflag:s24], $0x3000  }
0xdd: {  	s7 =	rddreg [dreg:$0x5];
	[sflag:s24] =	ssyncset.done $0x0  }
0xde: {  	s8 =	rddreg [dreg:$0x6];
	[sflag:s24] =	ssyncadd.s32 $0xFFFFD000  }
0xdf: {  	[spmem:s2] =	stream.indirect.scatter.add.f32 [tilespmem:s8], [sflag:$0x6], $0x80, s7, s18, $0xb8;
	v63 =	vld [tilespmem:$0x0]  }
0xe0: {  	_ =	swait.ge [sflag:s25], $0x3000  }
0xe1: {  	[sflag:s25] =	ssyncset.done $0x0  }
0xe2: {  	s9 =	rddreg [dreg:$0x7];
	[sflag:s25] =	ssyncadd.s32 $0xFFFFD000  }
0xe3: {  	[spmem:s2] =	stream.indirect.scatter.add.f32 [tilespmem:s20], [sflag:$0x7], $0x80, s9, s18, $0xb8;
	v63 =	vld [tilespmem:$0x0]  }
0xe4: {  	_ =	swait.ge [sflag:s26], $0x3000  }
0xe5: {  	[sflag:s26] =	ssyncset.done $0x0  }
0xe6: {  	s10 =	rddreg [dreg:$0x8];
	[sflag:s26] =	ssyncadd.s32 $0xFFFFD000  }
0xe7: {  	[spmem:s2] =	stream.indirect.scatter.add.f32 [tilespmem:s22], [sflag:$0x8], $0x80, s10, s18, $0xb8;
	v63 =	vld [tilespmem:$0x0]  }
0xe8: {  	_ =	swait.ge [sflag:s28], $0x3000  }
0xe9: {  	[sflag:s28] =	ssyncset.done $0x0  }
0xea: {  	[sflag:s28] =	ssyncadd.s32 $0xFFFFD000  }
0xeb: {  	_ =	swait.ge [sflag:s29], $0x3000  }
0xec: {  	[sflag:s29] =	ssyncset.done $0x0  }
0xed: {  	[sflag:s29] =	ssyncadd.s32 $0xFFFFD000  }
0xee: {  	_ =	swait.ge [sflag:s30], $0x3000  }
0xef: {  	[sflag:s30] =	ssyncset.done $0x0  }
0xf0: {  	[sflag:s30] =	ssyncadd.s32 $0xFFFFD000  }
0xf1: {  	s11 =	stileid.u32;
	_ =	swait.ge [sflag:s31], $0x3000  }
0xf2: {  	s0 =	sadd.s32 $0x1, s0;
	s1 =	sshll.u32 s11, $0x6;
	[sflag:s31] =	ssyncset.done $0x0  }
0xf3: {  	p0 =	sne.s32 s0, s14;
	s1 =	sor.u32 $0x1C09, s1;
	[sflag:s31] =	ssyncadd.s32 $0xFFFFD000  }
.Ltmp1:
0xf4: {  	s12 =	sshrl.u32 s6, $0x3;
	[bflag:$0x0] =	sbarrier.arrive $0xFFFF;
	(pc) =	sbr.rel @p0 .LBB2_1-.Ltmp1, $4  }
0xf5: {  	[hbm:s13], [sflag:s1] =	dma.local [spmem:s12], $0x2780  }
0xf6: {  	_ =	swait.ge [sflag:s17], $0x2780  }
0xf7: {  	[sflag:s17] =	ssyncset.done $0x0  }
0xf8: {  	[sflag:s17] =	ssyncadd.s32 $0xFFFFD880  }
0xf9: {  	_ =	sfence.sel $0x180000  }
0xfa: {  	[bflag:$0x0] =	sbarrier.arrive $0xFFFF  }
0xfb: {  	_ =	strace $0x9000004D  }
0xfc: {  	s0 =	stileid.u32;
	[bflag:$0x2] =	sbarrier.arrive $0xFFFF  }
0xfd: {  	p0 =	sne.s32 s0, $0x0;
	s0 =	rddreg [dreg:$0x2]  }
0xfe: {  	s0 =	sadd.s32 @!p0 $0x100000, s0  }
0xff: {  	[sflag:s0] =	ssyncadd.tile.s32 @!p0 $0x1;
	_ =	shalt  }
.Lfunc_end2:
_tile_overlayer_lowered:
.L_overlay_start_2:
0x100: {  	(tag) =	ssettag $0x2  }
0x101: {  	s0 =	rddreg [dreg:$0x0];
	s2 =	stileid.u32  }
0x102: {  	s1 =	rddreg [dreg:$0x1];
	p0 =	sne.s32 s2, $0x0  }
0x103: {  	s3 =	rddreg [dreg:$0x2];
	[bflag:$0x3] =	sbarrier.arrive $0xFFFF;
	s2 =	simm.s32 @!p0 $0x1C09  }
0x104: {  	[timem:s3], [sflag:s2] =	dma.local @!p0 [hbm:s0], s1  }
0x105: {  	s0 =	simm.s32 @!p0 $0x9  }
0x106: {  	_ =	swait.ge @!p0 [sflag:s0], s1  }
0x107: {  	s1 =	ssub.s32 @!p0 $0x0, s1;
	[sflag:s0] =	ssyncset.done @!p0 $0x0  }
0x108: {  	[sflag:s0] =	ssyncadd.s32 @!p0 s1  }
0x109: {  	[bflag:$0x3] =	sbarrier.arrive $0xFFFF  }
0x10a: {  	_ =	shalt  }

// kernel: kernel.19.cloned.1.call-start
scs
__scs_entry_jumppad:
0x0: {  	(pc) =	sbr.rel $0x88, $3  }
0x1: {  	(tag) =	ssettag $0x0;
	lr =	simm.s32 $0x1  }
0x2: {  	[smem:$0x3F92] =	sst lr;
	_ =	strace $0xD0000000  }
0x3: {  	_ = 	snop  }
0x4: {  	_ = 	snop  }
0x5: {  	_ = 	snop  }
0x6: {  	_ = 	snop  }
0x7: {  	_ = 	snop  }
__scs_overlays_trampoline_lowered:
0x8: {  	[smem:$0x3FA1] =	sst s0  }
0x9: {  	[smem:$0x3FA2] =	sst s1  }
0xa: {  	[smem:$0x3FA3] =	sst s2  }
0xb: {  	[smem:$0x3FA4] =	sst s3  }
0xc: {  	[smem:$0x3FA5] =	sst s4  }
0xd: {  	[smem:$0x3FA6] =	sst s5  }
0xe: {  	[smem:$0x3FA7] =	sst s6  }
0xf: {  	[smem:$0x3FA8] =	sst s7  }
0x10: {  	[smem:$0x3FA9] =	sst s8  }
0x11: {  	[smem:$0x3FAA] =	sst s9;
	s0 =	simm.s32 @!p0 $0x0  }
0x12: {  	s1 =	sld [smem:$0x3F90];
	s0 =	simm.s32 @p0 $0x1  }
0x13: {  	[smem:$0x3FAB] =	sst s0;
	s0 =	simm.s32 @!p1 $0x0  }
0x14: {  	s2 =	sld [smem:$0x3F8F];
	s0 =	simm.s32 @p1 $0x1  }
0x15: {  	[smem:$0x3FAC] =	sst s0;
	s0 =	simm.s32 @!p2 $0x0  }
0x16: {  	s3 =	sld [smem:$0x3FDB];
	s0 =	simm.s32 @p2 $0x1  }
0x17: {  	s4 =	simm.s32 $0x1BF5;
	[smem:$0x3FAE] =	sst s0  }
0x18: {  	s0 =	sld [smem:$0x3F91];
	_ =	swait.ge [sflag:s4], $0x0  }
0x19: {  	s7 =	sld [smem:$0x3F92]  }
0x1a: {  	s8 =	sadd.s32 $0xFFFFE003, lr  }
0x1b: {  	s9 =	sadd.s32 $0xFFFFFEF7, lr;
	s5 =	simm.s32 $0xFFFFFFFF;
	p2 =	slt.u32 s8, $0xFFFFF086  }
0x1c: {  	p1 =	slt.u32 s9, $0xF7A;
	s5 =	simm.s32 @!p2 $0x0  }
0x1d: {  	s5 =	simm.s32 @p1 $0x1;
	p0 =	seq.s32 s7, s2  }
0x1e: {  	s7 =	smul.u32 @!p0 $0xF7A, s2;
	p2 =	seq.s32 @!p0 s5, $0x0  }
0x1f: {  	s9 =	smul.u32 $0xF7A, s1;
	s8 =	simm.s32 @!p0 $0x1BF5;
	p2 =	por !p2, p0  }
0x20: {  	[sflag:s8] =	ssyncset.s32 @!p0 $0xFFFFF086;
	s6 =	sadd.s32 @!p0 s3, s7;
	s7 =	simm.s32 @!p0 $0x108  }
0x21: {  	s3 =	sadd.s32 s3, s9;
	s6 =	sadd.s32 @!p0 $0x88, s6;
	s7 =	simm.s32 @p2 $0x1082  }
0x22: {  	[simem:s7], [sflag:s8] =	dma.local @!p0 [hbm:s6], $0xF7A  }
0x23: {  	s9 =	sor.u32 $0xD0000000, s2;
	s6 =	simm.s32 $0x108;
	_ =	swait.ge @!p0 [sflag:s8], $0x0  }
0x24: {  	s3 =	sadd.s32 $0x88, s3;
	s6 =	simm.s32 @!p1 $0x1082;
	[sflag:s4] =	ssyncset.s32 $0xFFFFF086  }
0x25: {  	[simem:s6], [sflag:s4] =	dma.local [hbm:s3], $0xF7A  }
0x26: {  	[smem:$0x3F92] =	sst s1;
	(tag) =	ssettag s2;
	_ =	strace s9  }
0x27: {  	s1 =	sld [smem:$0x3FA2]  }
0x28: {  	s2 =	sld [smem:$0x3FA3]  }
0x29: {  	s4 =	sld [smem:$0x3FA5]  }
0x2a: {  	p0 =	seq.s32 s5, $0x0;
	s5 =	sld [smem:$0x3FA6]  }
0x2b: {  	s6 =	sld [smem:$0x3FA7]  }
0x2c: {  	s7 =	sld [smem:$0x3FA8]  }
0x2d: {  	s3 =	simm.s32 $0x108;
	s8 =	sld [smem:$0x3FA9]  }
0x2e: {  	s3 =	simm.s32 @!p0 $0x1082;
	s9 =	sld [smem:$0x3FAA]  }
0x2f: {  	lr =	sadd.s32 s0, s3;
	s0 =	sld [smem:$0x3FA1]  }
0x30: {  	s3 =	sld [smem:$0x3FA4]  }
0x31: {  	[smem:$0x3FAD] =	sst s10  }
0x32: {  	s10 =	sld [smem:$0x3FAB];
	_ =	sdelay $0x3  }
0x33: {  	p0 =	seq.s32 s10, $0x1;
	s10 =	sld [smem:$0x3FAD];
	_ =	sdelay $0x3  }
0x34: {  	[smem:$0x3FAD] =	sst s10  }
0x35: {  	s10 =	sld [smem:$0x3FAC];
	_ =	sdelay $0x3  }
0x36: {  	p1 =	seq.s32 s10, $0x1;
	s10 =	sld [smem:$0x3FAD];
	_ =	sdelay $0x3  }
0x37: {  	[smem:$0x3FAD] =	sst s10  }
0x38: {  	s10 =	sld [smem:$0x3FAE]  }
0x39: {  	_ = 	snop;
	(pc) =	sbr.ind lr, $3  }
0x3a: {  	_ = 	snop  }
0x3b: {  	_ = 	snop  }
0x3c: {  	p2 =	seq.s32 s10, $0x1;
	s10 =	sld [smem:$0x3FAD]  }
0x3d: {  	_ =	shalt  }
0x3e: {  	_ =	shalt  }
0x3f: {  	_ =	shalt  }
0x40: {  	_ =	shalt  }
0x41: {  	_ =	shalt  }
0x42: {  	_ =	shalt  }
0x43: {  	_ =	shalt  }
0x44: {  	_ =	shalt  }
0x45: {  	_ =	shalt  }
0x46: {  	_ =	shalt  }
0x47: {  	_ =	shalt  }
0x48: {  	_ =	shalt  }
0x49: {  	_ =	shalt  }
0x4a: {  	_ =	shalt  }
0x4b: {  	_ =	shalt  }
0x4c: {  	_ =	shalt  }
0x4d: {  	_ =	shalt  }
0x4e: {  	_ =	shalt  }
0x4f: {  	_ =	shalt  }
0x50: {  	_ =	shalt  }
0x51: {  	_ =	shalt  }
0x52: {  	_ =	shalt  }
0x53: {  	_ =	shalt  }
0x54: {  	_ =	shalt  }
0x55: {  	_ =	shalt  }
0x56: {  	_ =	shalt  }
0x57: {  	_ =	shalt  }
0x58: {  	_ =	shalt  }
0x59: {  	_ =	shalt  }
0x5a: {  	_ =	shalt  }
0x5b: {  	_ =	shalt  }
0x5c: {  	_ =	shalt  }
0x5d: {  	_ =	shalt  }
0x5e: {  	_ =	shalt  }
0x5f: {  	_ =	shalt  }
0x60: {  	_ =	shalt  }
0x61: {  	_ =	shalt  }
0x62: {  	_ =	shalt  }
0x63: {  	_ =	shalt  }
0x64: {  	_ =	shalt  }
0x65: {  	_ =	shalt  }
0x66: {  	_ =	shalt  }
0x67: {  	_ =	shalt  }
0x68: {  	_ =	shalt  }
0x69: {  	_ =	shalt  }
0x6a: {  	_ =	shalt  }
0x6b: {  	_ =	shalt  }
0x6c: {  	_ =	shalt  }
0x6d: {  	_ =	shalt  }
0x6e: {  	_ =	shalt  }
0x6f: {  	_ =	shalt  }
0x70: {  	_ =	shalt  }
0x71: {  	_ =	shalt  }
0x72: {  	_ =	shalt  }
0x73: {  	_ =	shalt  }
0x74: {  	_ =	shalt  }
0x75: {  	_ =	shalt  }
0x76: {  	_ =	shalt  }
0x77: {  	_ =	shalt  }
0x78: {  	_ =	shalt  }
0x79: {  	_ =	shalt  }
0x7a: {  	_ =	shalt  }
0x7b: {  	_ =	shalt  }
0x7c: {  	_ =	shalt  }
0x7d: {  	_ =	shalt  }
0x7e: {  	_ =	shalt  }
0x7f: {  	_ =	shalt  }
0x80: {  	_ =	shalt  }
0x81: {  	_ =	shalt  }
0x82: {  	_ =	shalt  }
0x83: {  	_ =	shalt  }
0x84: {  	_ =	shalt  }
0x85: {  	_ =	shalt  }
0x86: {  	_ =	shalt  }
0x87: {  	_ =	shalt  }
.Lfunc_end0:
.L_simem_size_0:
called_computation.3_lowered:
.L_overlay_start_0:
0x88: {  	s2 =	sld [smem:$0x3FD9]  }
0x89: {  	s3 =	sld [smem:$0x3FFE];
	_ =	sdelay $0x1  }
0x8a: {  	s1 =	srdreg.scid  }
0x8b: {  	s0 =	sand.u32 $0x1, s1  }
0x8c: {  	s16 =	sshll.u32 s0, $0xA;
	s2 =	sadd.s32 s3, s2  }
0x8d: {  	s2 =	sadd.s32 s2, s16  }
0x8e: {  	[smem:$0x3FB9] =	sst s2  }
0x8f: {  	_ = 	snop  }
0x90: {  	(tm) =	ssettm $0x1  }
0x91: {  	s17 =	sld [smem:$0x3FFB];
	_ =	sdelay $0x3  }
0x92: {  	_ =	strace s17  }
0x93: {  	s2 =	sld [smem:$0x3FFC];
	_ =	sdelay $0x3  }
0x94: {  	_ =	strace s2  }
0x95: {  	s2 =	sld [smem:$0x3FFD];
	_ =	sdelay $0x3  }
0x96: {  	_ =	strace s2  }
0x97: {  	_ =	strace $0x8FFFFFFF  }
0x98: {  	s18 =	sld [smem:$0x3FDB];
	_ =	sdelay $0x1  }
0x99: {  	s19 =	simm.s32 $_scs_section_size  }
0x9a: {  	s4 =	simm.s32 $_size__tile_overlayer_lowered;
	s5 =	simm.s32 $_tile_overlayer_lowered  }
0x9b: {  	s22 =	simm.s32 $0x1BFF;
	s21 =	sshll.u32 s5, $0x1;
	s2 =	sadd.s32 s19, s18  }
0x9c: {  	s6 =	simm.s32 $0x0;
	s20 =	sshll.u32 s4, $0x1;
	s4 =	sadd.s32 s21, s2  }
0x9d: {  	[timem:s6], [sflag:s22] =	dma.local [hbm:s4], s20  }
0x9e: {  	_ =	swait.ge [sflag:s22], s20  }
0x9f: {  	s3 =	ssub.s32 $0x0, s20;
	[sflag:s22] =	ssyncset.done $0x0  }
0xa0: {  	[sflag:s22] =	ssyncadd.s32 s3;
	_ =	sdelay $0x1  }
0xa1: {  	s23 =	simm.s32 $0x1B8B  }
0xa2: {  	_ =	swait.ge [sflag:s23], $0x1  }
0xa3: {  	[sflag:s23] =	ssyncset.done $0x0  }
0xa4: {  	s25 =	simm.s32 $0x1B8E;
	s24 =	sld [smem:$0x3FFE];
	[sflag:s23] =	ssyncadd.s32 $0xFFFFFFFF  }
0xa5: {  	s26 =	simm.s32 $execute0_lowered;
	[smem:$0x3FD2] =	sst s25  }
0xa6: {  	s4 =	sshll.u32 s26, $0x1;
	_ =	strace $0x8000004F;
	[dreg:$0x1] =	wrdreg $0xFFFFFFFF  }
0xa7: {  	s28 =	simm.s32 $_size_execute0_lowered;
	s2 =	sadd.s32 s2, s4;
	[dreg:$0x0] =	wrdreg $0x0  }
0xa8: {  	s4 =	sshll.u32 s28, $0x1;
	[dreg:$0x2] =	wrdreg s2  }
0xa9: {  	[dreg:$0x3] =	wrdreg s4  }
0xaa: {  	[dreg:$0x4] =	wrdreg $0xC0  }
0xab: {  	_ =	task [dreg:s6], $0x5FFFF  }
0xac: {  	[dreg:$0x1] =	wrdreg $0xFFFFFFFF  }
0xad: {  	[dreg:$0x0] =	wrdreg $0x60  }
0xae: {  	[dreg:$0x2] =	wrdreg s24  }
0xaf: {  	[dreg:$0x3] =	wrdreg $0xC4000  }
0xb0: {  	[dreg:$0x4] =	wrdreg $0x9  }
0xb1: {  	_ =	task.clear_ibuf [dreg:s6], $0x5FFFF;
	_ =	strace $0x9000004F  }
0xb2: {  	s29 =	simm.s32 $0x9;
	_ =	strace $0x80000051  }
0xb3: {  	_ =	swait.ge [sflag:s29], $0x1  }
0xb4: {  	[sflag:s29] =	ssyncadd.s32 $0xFFFFFFFF  }
0xb5: {  	_ =	strace $0x90000051  }
0xb6: {  	_ =	sfence  }
0xb7: {  	s30 =	sld [smem:$0x0];
	_ =	sdelay $0x2  }
0xb8: {  	s31 =	sshll.u32 s1, $0xD;
	s1 =	sshrl.u32 s1, $0x2  }
0xb9: {  	s3 =	sand.u32 $0x4000, s31;
	s1 =	sadd.s32 s1, s30  }
0xba: {  	s0 =	sor.u32 s3, s0;
	s1 =	sshll.u32 s1, $0x11  }
0xbb: {  	s0 =	sor.u32 s1, s0  }
0xbc: {  	s0 =	sadd.s32 $0x8F2B, s0  }
0xbd: {  	[sflag:s0] =	ssyncadd.remote.s32 $0x1  }
0xbe: {  	_ =	sfence.sel $0xFFFF  }
0xbf: {  	[dreg:$0x0] =	wrdreg $0xFFFFFFFF;
	(pc) =	sbr.abs _section_cstart, $3  }
0xc0: {  	[dreg:$0x1] =	wrdreg $0xFFFFFFFF  }
0xc1: {  	_ =	task.clear_ibuf [dreg:s6], $0x2FFFF;
	_ =	strace $0x9FFFFFFF  }
0xc2: {  	(tm) =	ssettm $0x7FFFFFFF  }
0xc3: {  	_ =	shalt  }
tec
execute0_lowered:
.L_overlay_start_1:
0x0: {  	(tag) =	ssettag $0x1  }
0x1: {  	s0 =	rddreg [dreg:$0x0]  }
0x2: {  	s2 =	rddreg [dreg:$0x1];
	s1 =	srdreg.scid  }
0x3: {  	s10 =	stileid.u32;
	s3 =	simm.s32 $0x0;
	s22 =	simm.s32 $0x80  }
0x4: {  	s23 =	simm.s32 $0x180;
	s24 =	simm.s32 $0x3400;
	s25 =	simm.s32 $0x280  }
0x5: {  	s26 =	simm.s32 $0x380;
	s28 =	simm.s32 $0x5;
	s29 =	simm.s32 $0x6  }
0x6: {  	s30 =	simm.s32 $0x7;
	s31 =	simm.s32 $0x8;
	s1 =	sand.u32 $0x1, s1  }
0x7: {  	s5 =	smul.u32 $0x2780, s10;
	[smem:$0x7FF] =	sst s3;
	s8 =	sadd.s32 $0xDE00, s0  }
0x8: {  	s4 =	sadd.s32 $0xE400, s0;
	_ =	strace $0x80000050;
	[dreg:$0x9] =	wrdreg s8  }
0x9: {  	s7 =	sadd.s32 $0x5D400, s0;
	s12 =	smul.u32 $0x4F000, s10;
	[dreg:$0x4] =	wrdreg s22  }
0xa: {  	s13 =	sshll.u32 s10, $0x1;
	s6 =	smul.u32 $0x27800, s1;
	[dreg:$0x5] =	wrdreg s23  }
0xb: {  	s14 =	ssub.s32 $0x2, s1;
	s22 =	simm.s32 $0x9400;
	[dreg:$0x6] =	wrdreg s24  }
0xc: {  	s23 =	simm.s32 $0x1;
	[dreg:$0x7] =	wrdreg s25;
	s24 =	simm.s32 $0x2  }
0xd: {  	[dreg:$0x8] =	wrdreg s26;
	s25 =	simm.s32 $0x3;
	s26 =	simm.s32 $0x4  }
0xe: {  	s9 =	sshrl.u32 s14, $0x1;
	s5 =	sadd.s32 s5, s6;
	s6 =	sshrl.u32 s12, $0x2  }
0xf: {  	s14 =	ssub.s32 s14, s9;
	s0 =	sadd.s32 s5, s0;
	s6 =	sadd.s32 s6, s2  }
0x10: {  	s5 =	sor.u32 s1, s13;
	s1 =	smul.u32 $0xD80, s1;
	s15 =	sadd.s32 $0x3000, s6  }
0x11: {  	s14 =	smax.u32 s14, $0x1;
	s16 =	sadd.s32 $0x6000, s6;
	[dreg:$0xa] =	wrdreg s15  }
0x12: {  	s5 =	smul.u32 $0xD80, s5;
	s17 =	sadd.s32 $0x9000, s6;
	[dreg:$0xb] =	wrdreg s16  }
0x13: {  	s18 =	sadd.s32 $0xC000, s6;
	s19 =	sadd.s32 $0xF000, s6;
	[dreg:$0xc] =	wrdreg s17  }
0x14: {  	s20 =	sadd.s32 $0x12000, s6;
	s13 =	sadd.s32 $0x78400, s0;
	[dreg:$0xd] =	wrdreg s18  }
0x15: {  	s0 =	simm.s32 $0x0;
	[dreg:$0xe] =	wrdreg s19;
	s15 =	smul.u32 $0x1B00, s10  }
0x16: {  	[dreg:$0xf] =	wrdreg s20;
	s16 =	simm.s32 $0x400;
	s17 =	simm.s32 $0x9  }
0x17: {  	s18 =	simm.s32 $0x60;
	s19 =	simm.s32 $0x200;
	s5 =	sadd.s32 s5, s7  }
0x18: {  	s20 =	simm.s32 $0x6400;
	s5 =	sadd.s32 $0x20, s5;
	s21 =	sadd.s32 s15, s7  }
0x19: {  	[dreg:$0x3] =	wrdreg s5;
	s15 =	sadd.s32 s1, s21;
	s21 =	simm.s32 $0x300  }
.LBB2_1:
0x1a: {  	s1 =	rddreg [dreg:$0x9]  }
0x1b: {  	[tilespmem:s16], [sflag:$0x9] =	stream.linear.gather [hbm4b:s1+s3], $0x3000, $0x38;
	v63 =	vld [tilespmem:$0x0]  }
0x1c: {  	_ =	swait.ge [sflag:s17], $0x3000  }
0x1d: {  	[sflag:s17] =	ssyncset.done $0x0  }
0x1e: {  	[sflag:s17] =	ssyncadd.s32 $0xFFFFD000  }
0x1f: {  	[spmem:s6] =	stream.linear.scatter [tilespmem:s16], [sflag:$0x9], $0x3000, $0x38;
	v63 =	vld [tilespmem:$0x0]  }
0x20: {  	_ =	swait.ge [sflag:s17], $0x3000  }
0x21: {  	[sflag:s17] =	ssyncset.done $0x0  }
0x22: {  	s5 =	rddreg [dreg:$0xa];
	[sflag:s17] =	ssyncadd.s32 $0xFFFFD000  }
0x23: {  	[spmem:s5] =	stream.linear.scatter [tilespmem:s16], [sflag:$0x9], $0x3000, $0x38;
	v63 =	vld [tilespmem:$0x0]  }
0x24: {  	_ =	swait.ge [sflag:s17], $0x3000  }
0x25: {  	[sflag:s17] =	ssyncset.done $0x0  }
0x26: {  	s7 =	rddreg [dreg:$0xb];
	[sflag:s17] =	ssyncadd.s32 $0xFFFFD000  }
0x27: {  	[spmem:s7] =	stream.linear.scatter [tilespmem:s16], [sflag:$0x9], $0x3000, $0x38;
	v63 =	vld [tilespmem:$0x0]  }
0x28: {  	_ =	swait.ge [sflag:s17], $0x3000  }
0x29: {  	[sflag:s17] =	ssyncset.done $0x0  }
0x2a: {  	s8 =	rddreg [dreg:$0xc];
	[sflag:s17] =	ssyncadd.s32 $0xFFFFD000  }
0x2b: {  	[spmem:s8] =	stream.linear.scatter [tilespmem:s16], [sflag:$0x9], $0x3000, $0x38;
	v63 =	vld [tilespmem:$0x0]  }
0x2c: {  	_ =	swait.ge [sflag:s17], $0x3000  }
0x2d: {  	[sflag:s17] =	ssyncset.done $0x0  }
0x2e: {  	s9 =	rddreg [dreg:$0xd];
	[sflag:s17] =	ssyncadd.s32 $0xFFFFD000  }
0x2f: {  	[spmem:s9] =	stream.linear.scatter [tilespmem:s16], [sflag:$0x9], $0x3000, $0x38;
	v63 =	vld [tilespmem:$0x0]  }
0x30: {  	_ =	swait.ge [sflag:s17], $0x3000  }
0x31: {  	[sflag:s17] =	ssyncset.done $0x0  }
0x32: {  	s10 =	rddreg [dreg:$0xe];
	[sflag:s17] =	ssyncadd.s32 $0xFFFFD000  }
0x33: {  	[spmem:s10] =	stream.linear.scatter [tilespmem:s16], [sflag:$0x9], $0x3000, $0x38;
	v63 =	vld [tilespmem:$0x0]  }
0x34: {  	_ =	swait.ge [sflag:s17], $0x3000  }
0x35: {  	[sflag:s17] =	ssyncset.done $0x0  }
0x36: {  	s11 =	rddreg [dreg:$0xf];
	[sflag:s17] =	ssyncadd.s32 $0xFFFFD000  }
0x37: {  	[spmem:s11] =	stream.linear.scatter [tilespmem:s16], [sflag:$0x9], $0x1C00, $0x38;
	v63 =	vld [tilespmem:$0x0]  }
0x38: {  	_ =	swait.ge [sflag:s17], $0x1C00  }
0x39: {  	[sflag:s17] =	ssyncset.done $0x0  }
0x3a: {  	p0 =	por $0x1, $0x1;
	[sflag:s17] =	ssyncadd.s32 $0xFFFFE400  }
0x3b: {  	s1 =	simm.s32 @!p0 $0x5;
	[bflag:$0x0] =	sbarrier.arrive $0xFFFF  }
0x3c: {  	_ =	swait.ge @!p0 [sflag:s1], $0x3000  }
0x3d: {  	[sflag:s1] =	ssyncset.done @!p0 $0x0  }
0x3e: {  	s12 =	sadd.s32 $0x0, s15;
	[sflag:s1] =	ssyncadd.s32 @!p0 $0xFFFFD000  }
0x3f: {  	[tilespmem:s3], [sflag:$0x9] =	stream.linear.gather [hbm4b:s12+s3], $0x100, $0x38;
	v63 =	vld [tilespmem:$0x0]  }
0x40: {  	_ =	swait.ge [sflag:s17], $0x100  }
0x41: {  	[sflag:s17] =	ssyncset.done $0x0  }
0x42: {  	[sflag:s17] =	ssyncadd.s32 $0xFFFFFF00  }
0x43: {  	[tilespmem:s16], [sflag:$0x1] =	stream.indirect.gather [hbm4b:s4+s18], $0x80, s3, s18, $0xb8;
	v63 =	vld [tilespmem:$0x0]  }
0x44: {  	s7 =	simm.s32 @p0 $0x0;
	s8 =	simm.s32 @p0 $0x100;
	s5 =	rddreg [dreg:$0x3]  }
0x45: {  	[tilespmem:s8], [sflag:$0x9] =	stream.linear.gather @p0 [hbm4b:s5+s7], $0x100, $0x38;
	v63 =	vld [tilespmem:$0x0]  }
0x46: {  	s5 =	simm.s32 @p0 $0x9  }
0x47: {  	_ =	swait.ge @p0 [sflag:s5], $0x100  }
0x48: {  	[sflag:s5] =	ssyncset.done @p0 $0x0  }
0x49: {  	s7 =	simm.s32 @p0 $0x3400;
	[sflag:s5] =	ssyncadd.s32 @p0 $0xFFFFFF00;
	s5 =	simm.s32 @p0 $0x60  }
0x4a: {  	[tilespmem:s7], [sflag:$0x2] =	stream.indirect.gather @p0 [hbm4b:s4+s5], $0x80, s8, s5, $0xb8;
	v63 =	vld [tilespmem:$0x0]  }
0x4b: {  	s5 =	simm.s32 @!p0 $0x6  }
0x4c: {  	_ =	swait.ge @!p0 [sflag:s5], $0x3000  }
0x4d: {  	s7 =	sadd.s32 @!p0 $0x0, s15;
	s8 =	simm.s32 @!p0 $0x100;
	[sflag:s5] =	ssyncset.done @!p0 $0x0  }
0x4e: {  	s7 =	sadd.s32 @!p0 $0x20, s7;
	[sflag:s5] =	ssyncadd.s32 @!p0 $0xFFFFD000;
	s5 =	simm.s32 @!p0 $0x0  }
0x4f: {  	[tilespmem:s8], [sflag:$0x9] =	stream.linear.gather @!p0 [hbm4b:s7+s5], $0x100, $0x38;
	v63 =	vld [tilespmem:$0x0]  }
0x50: {  	s5 =	simm.s32 @!p0 $0x9  }
0x51: {  	_ =	swait.ge @!p0 [sflag:s5], $0x100  }
0x52: {  	[sflag:s5] =	ssyncset.done @!p0 $0x0  }
0x53: {  	s7 =	simm.s32 @!p0 $0x3400;
	[sflag:s5] =	ssyncadd.s32 @!p0 $0xFFFFFF00;
	s5 =	simm.s32 @!p0 $0x60  }
0x54: {  	[tilespmem:s7], [sflag:$0x2] =	stream.indirect.gather @!p0 [hbm4b:s4+s5], $0x80, s8, s5, $0xb8;
	v63 =	vld [tilespmem:$0x0]  }
0x55: {  	s5 =	simm.s32 @!p0 $0x7  }
0x56: {  	_ =	swait.ge @!p0 [sflag:s5], $0x3000  }
0x57: {  	[sflag:s5] =	ssyncset.done @!p0 $0x0  }
0x58: {  	s8 =	sadd.s32 $0x40, s12;
	[sflag:s5] =	ssyncadd.s32 @!p0 $0xFFFFD000  }
0x59: {  	[tilespmem:s19], [sflag:$0x9] =	stream.linear.gather [hbm4b:s8+s3], $0x100, $0x38;
	v63 =	vld [tilespmem:$0x0]  }
0x5a: {  	_ =	swait.ge [sflag:s17], $0x100  }
0x5b: {  	[sflag:s17] =	ssyncset.done $0x0  }
0x5c: {  	s5 =	simm.s32 @!p0 $0x8;
	[sflag:s17] =	ssyncadd.s32 $0xFFFFFF00  }
0x5d: {  	[tilespmem:s20], [sflag:$0x3] =	stream.indirect.gather [hbm4b:s4+s18], $0x80, s19, s18, $0xb8;
	v63 =	vld [tilespmem:$0x0]  }
0x5e: {  	_ =	swait.ge @!p0 [sflag:s5], $0x3000  }
0x5f: {  	[sflag:s5] =	ssyncset.done @!p0 $0x0  }
0x60: {  	s1 =	sadd.s32 $0x60, s12;
	[sflag:s5] =	ssyncadd.s32 @!p0 $0xFFFFD000  }
0x61: {  	[tilespmem:s21], [sflag:$0x9] =	stream.linear.gather [hbm4b:s1+s3], $0x100, $0x38;
	v63 =	vld [tilespmem:$0x0]  }
0x62: {  	_ =	swait.ge [sflag:s17], $0x100  }
0x63: {  	[sflag:s17] =	ssyncset.done $0x0  }
0x64: {  	[sflag:s17] =	ssyncadd.s32 $0xFFFFFF00  }
0x65: {  	[tilespmem:s22], [sflag:$0x4] =	stream.indirect.gather [hbm4b:s4+s18], $0x80, s21, s18, $0xb8;
	v63 =	vld [tilespmem:$0x0]  }
0x66: {  	_ =	swait.ge [sflag:s23], $0x3000  }
0x67: {  	[sflag:s23] =	ssyncset.done $0x0  }
0x68: {  	s9 =	rddreg [dreg:$0x4];
	[sflag:s23] =	ssyncadd.s32 $0xFFFFD000  }
0x69: {  	[spmem:s2] =	stream.indirect.scatter.add.f32 [tilespmem:s16], [sflag:$0x5], $0x80, s9, s18, $0xb8;
	v63 =	vld [tilespmem:$0x0]  }
0x6a: {  	_ =	swait.ge [sflag:s24], $0x3000  }
0x6b: {  	s10 =	rddreg [dreg:$0x5];
	[sflag:s24] =	ssyncset.done $0x0  }
0x6c: {  	s11 =	rddreg [dreg:$0x6];
	[sflag:s24] =	ssyncadd.s32 $0xFFFFD000  }
0x6d: {  	[spmem:s2] =	stream.indirect.scatter.add.f32 [tilespmem:s11], [sflag:$0x6], $0x80, s10, s18, $0xb8;
	v63 =	vld [tilespmem:$0x0]  }
0x6e: {  	_ =	swait.ge [sflag:s25], $0x3000  }
0x6f: {  	[sflag:s25] =	ssyncset.done $0x0  }
0x70: {  	s12 =	rddreg [dreg:$0x7];
	[sflag:s25] =	ssyncadd.s32 $0xFFFFD000  }
0x71: {  	[spmem:s2] =	stream.indirect.scatter.add.f32 [tilespmem:s20], [sflag:$0x7], $0x80, s12, s18, $0xb8;
	v63 =	vld [tilespmem:$0x0]  }
0x72: {  	s5 =	simm.s32 $0x100;
	_ =	swait.ge [sflag:s26], $0x3000  }
0x73: {  	s1 =	simm.s32 $0x80;
	[sflag:s26] =	ssyncset.done $0x0;
	s7 =	rddreg [dreg:$0x8]  }
.LBB2_2:
0x74: {  	p1 =	seq.s32 s1, $0x0  }
0x75: {  	[sflag:s26] =	ssyncadd.s32 $0xFFFFD000;
	s9 =	simm.s32 @!p1 $0x5  }
0x76: {  	[spmem:s2] =	stream.indirect.scatter.add.f32 [tilespmem:s22], [sflag:$0x8], $0x80, s7, s18, $0xb8;
	v63 =	vld [tilespmem:$0x0]  }
0x77: {  	_ =	swait.ge @!p1 [sflag:s9], $0x3000  }
0x78: {  	[sflag:s9] =	ssyncset.done @!p1 $0x0  }
0x79: {  	s7 =	sadd.s32 s1, s15;
	[sflag:s9] =	ssyncadd.s32 @!p1 $0xFFFFD000  }
0x7a: {  	[tilespmem:s3], [sflag:$0x9] =	stream.linear.gather [hbm4b:s7+s3], $0x100, $0x38;
	v63 =	vld [tilespmem:$0x0]  }
0x7b: {  	_ =	swait.ge [sflag:s17], $0x100  }
0x7c: {  	s8 =	smov.u32 s5;
	s10 =	sadd.s32 @!p1 s1, s15;
	[sflag:s17] =	ssyncset.done $0x0  }
0x7d: {  	s1 =	smov.u32 s8;
	s11 =	simm.s32 @p1 $0x100;
	[sflag:s17] =	ssyncadd.s32 $0xFFFFFF00  }
0x7e: {  	[tilespmem:s16], [sflag:$0x1] =	stream.indirect.gather [hbm4b:s4+s18], $0x80, s3, s18, $0xb8;
	v63 =	vld [tilespmem:$0x0]  }
0x7f: {  	s12 =	simm.s32 @p1 $0x9;
	s9 =	simm.s32 @p1 $0x0;
	s8 =	rddreg [dreg:$0x3]  }
0x80: {  	[tilespmem:s11], [sflag:$0x9] =	stream.linear.gather @p1 [hbm4b:s8+s9], $0x100, $0x38;
	v63 =	vld [tilespmem:$0x0]  }
0x81: {  	_ =	swait.ge @p1 [sflag:s12], $0x100  }
0x82: {  	s8 =	simm.s32 @!p1 $0x6;
	[sflag:s12] =	ssyncset.done @p1 $0x0  }
0x83: {  	s9 =	simm.s32 @p1 $0x60;
	[sflag:s12] =	ssyncadd.s32 @p1 $0xFFFFFF00;
	s12 =	simm.s32 @p1 $0x3400  }
0x84: {  	[tilespmem:s12], [sflag:$0x2] =	stream.indirect.gather @p1 [hbm4b:s4+s9], $0x80, s11, s9, $0xb8;
	v63 =	vld [tilespmem:$0x0]  }
0x85: {  	_ =	swait.ge @!p1 [sflag:s8], $0x3000  }
0x86: {  	s10 =	sadd.s32 @!p1 $0x20, s10;
	s9 =	simm.s32 @!p1 $0x9;
	[sflag:s8] =	ssyncset.done @!p1 $0x0  }
0x87: {  	s11 =	simm.s32 @!p1 $0x100;
	[sflag:s8] =	ssyncadd.s32 @!p1 $0xFFFFD000;
	s8 =	simm.s32 @!p1 $0x0  }
0x88: {  	[tilespmem:s11], [sflag:$0x9] =	stream.linear.gather @!p1 [hbm4b:s10+s8], $0x100, $0x38;
	v63 =	vld [tilespmem:$0x0]  }
0x89: {  	_ =	swait.ge @!p1 [sflag:s9], $0x100  }
0x8a: {  	s8 =	simm.s32 @!p1 $0x7;
	[sflag:s9] =	ssyncset.done @!p1 $0x0  }
0x8b: {  	s10 =	simm.s32 @!p1 $0x3400;
	[sflag:s9] =	ssyncadd.s32 @!p1 $0xFFFFFF00;
	s9 =	simm.s32 @!p1 $0x60  }
0x8c: {  	[tilespmem:s10], [sflag:$0x2] =	stream.indirect.gather @!p1 [hbm4b:s4+s9], $0x80, s11, s9, $0xb8;
	v63 =	vld [tilespmem:$0x0]  }
0x8d: {  	_ =	swait.ge @!p1 [sflag:s8], $0x3000  }
0x8e: {  	[sflag:s8] =	ssyncset.done @!p1 $0x0  }
0x8f: {  	s12 =	sadd.s32 $0x40, s7;
	[sflag:s8] =	ssyncadd.s32 @!p1 $0xFFFFD000  }
0x90: {  	[tilespmem:s19], [sflag:$0x9] =	stream.linear.gather [hbm4b:s12+s3], $0x100, $0x38;
	v63 =	vld [tilespmem:$0x0]  }
0x91: {  	_ =	swait.ge [sflag:s17], $0x100  }
0x92: {  	[sflag:s17] =	ssyncset.done $0x0  }
0x93: {  	s8 =	simm.s32 @!p1 $0x8;
	[sflag:s17] =	ssyncadd.s32 $0xFFFFFF00  }
0x94: {  	[tilespmem:s20], [sflag:$0x3] =	stream.indirect.gather [hbm4b:s4+s18], $0x80, s19, s18, $0xb8;
	v63 =	vld [tilespmem:$0x0]  }
0x95: {  	_ =	swait.ge @!p1 [sflag:s8], $0x3000  }
0x96: {  	[sflag:s8] =	ssyncset.done @!p1 $0x0  }
0x97: {  	s7 =	sadd.s32 $0x60, s7;
	[sflag:s8] =	ssyncadd.s32 @!p1 $0xFFFFD000  }
0x98: {  	[tilespmem:s21], [sflag:$0x9] =	stream.linear.gather [hbm4b:s7+s3], $0x100, $0x38;
	v63 =	vld [tilespmem:$0x0]  }
0x99: {  	_ =	swait.ge [sflag:s17], $0x100  }
0x9a: {  	[sflag:s17] =	ssyncset.done $0x0  }
0x9b: {  	[sflag:s17] =	ssyncadd.s32 $0xFFFFFF00  }
0x9c: {  	[tilespmem:s22], [sflag:$0x4] =	stream.indirect.gather [hbm4b:s4+s18], $0x80, s21, s18, $0xb8;
	v63 =	vld [tilespmem:$0x0]  }
0x9d: {  	_ =	swait.ge [sflag:s23], $0x3000  }
0x9e: {  	[sflag:s23] =	ssyncset.done $0x0  }
0x9f: {  	s9 =	rddreg [dreg:$0x4];
	[sflag:s23] =	ssyncadd.s32 $0xFFFFD000  }
0xa0: {  	[spmem:s2] =	stream.indirect.scatter.add.f32 [tilespmem:s16], [sflag:$0x5], $0x80, s9, s18, $0xb8;
	v63 =	vld [tilespmem:$0x0]  }
0xa1: {  	_ =	swait.ge [sflag:s24], $0x3000  }
0xa2: {  	[sflag:s24] =	ssyncset.done $0x0;
	s10 =	rddreg [dreg:$0x5]  }
0xa3: {  	s5 =	sadd.s32 $0x80, s5;
	s11 =	rddreg [dreg:$0x6];
	[sflag:s24] =	ssyncadd.s32 $0xFFFFD000  }
0xa4: {  	[spmem:s2] =	stream.indirect.scatter.add.f32 [tilespmem:s11], [sflag:$0x6], $0x80, s10, s18, $0xb8;
	v63 =	vld [tilespmem:$0x0]  }
0xa5: {  	p0 =	sne.s32 s5, $0xD80;
	_ =	swait.ge [sflag:s25], $0x3000  }
.Ltmp0:
0xa6: {  	[sflag:s25] =	ssyncset.done $0x0;
	(pc) =	sbr.rel @p0 .LBB2_2-.Ltmp0, $4  }
0xa7: {  	s12 =	rddreg [dreg:$0x7];
	[sflag:s25] =	ssyncadd.s32 $0xFFFFD000  }
0xa8: {  	[spmem:s2] =	stream.indirect.scatter.add.f32 [tilespmem:s20], [sflag:$0x7], $0x80, s12, s18, $0xb8;
	v63 =	vld [tilespmem:$0x0]  }
0xa9: {  	_ =	swait.ge [sflag:s26], $0x3000  }
0xaa: {  	[sflag:s26] =	ssyncset.done $0x0;
	s7 =	rddreg [dreg:$0x8]  }
0xab: {  	p0 =	seq.s32 s1, $0x0  }
0xac: {  	[sflag:s26] =	ssyncadd.s32 $0xFFFFD000;
	s5 =	simm.s32 @!p0 $0x5  }
0xad: {  	[spmem:s2] =	stream.indirect.scatter.add.f32 [tilespmem:s22], [sflag:$0x8], $0x80, s7, s18, $0xb8;
	v63 =	vld [tilespmem:$0x0]  }
0xae: {  	_ =	swait.ge @!p0 [sflag:s5], $0x3000  }
0xaf: {  	[sflag:s5] =	ssyncset.done @!p0 $0x0  }
0xb0: {  	s10 =	sadd.s32 s1, s15;
	[sflag:s5] =	ssyncadd.s32 @!p0 $0xFFFFD000  }
0xb1: {  	[tilespmem:s3], [sflag:$0x9] =	stream.linear.gather [hbm4b:s10+s3], $0x100, $0x38;
	v63 =	vld [tilespmem:$0x0]  }
0xb2: {  	_ =	swait.ge [sflag:s17], $0x100  }
0xb3: {  	[sflag:s17] =	ssyncset.done $0x0  }
0xb4: {  	[sflag:s17] =	ssyncadd.s32 $0xFFFFFF00  }
0xb5: {  	[tilespmem:s16], [sflag:$0x1] =	stream.indirect.gather [hbm4b:s4+s18], $0x80, s3, s18, $0xb8;
	v63 =	vld [tilespmem:$0x0]  }
0xb6: {  	s8 =	simm.s32 @p0 $0x0;
	s9 =	simm.s32 @p0 $0x100;
	s7 =	rddreg [dreg:$0x3]  }
0xb7: {  	[tilespmem:s9], [sflag:$0x9] =	stream.linear.gather @p0 [hbm4b:s7+s8], $0x100, $0x38;
	v63 =	vld [tilespmem:$0x0]  }
0xb8: {  	s7 =	simm.s32 @p0 $0x9  }
0xb9: {  	_ =	swait.ge @p0 [sflag:s7], $0x100  }
0xba: {  	[sflag:s7] =	ssyncset.done @p0 $0x0  }
0xbb: {  	s8 =	simm.s32 @p0 $0x3400;
	[sflag:s7] =	ssyncadd.s32 @p0 $0xFFFFFF00;
	s7 =	simm.s32 @p0 $0x60  }
0xbc: {  	[tilespmem:s8], [sflag:$0x2] =	stream.indirect.gather @p0 [hbm4b:s4+s7], $0x80, s9, s7, $0xb8;
	v63 =	vld [tilespmem:$0x0]  }
0xbd: {  	s7 =	simm.s32 @!p0 $0x6  }
0xbe: {  	s1 =	sadd.s32 @!p0 s1, s15;
	_ =	swait.ge @!p0 [sflag:s7], $0x3000  }
0xbf: {  	s1 =	sadd.s32 @!p0 $0x20, s1;
	[sflag:s7] =	ssyncset.done @!p0 $0x0  }
0xc0: {  	s8 =	simm.s32 @!p0 $0x100;
	[sflag:s7] =	ssyncadd.s32 @!p0 $0xFFFFD000;
	s7 =	simm.s32 @!p0 $0x0  }
0xc1: {  	[tilespmem:s8], [sflag:$0x9] =	stream.linear.gather @!p0 [hbm4b:s1+s7], $0x100, $0x38;
	v63 =	vld [tilespmem:$0x0]  }
0xc2: {  	s1 =	simm.s32 @!p0 $0x9  }
0xc3: {  	_ =	swait.ge @!p0 [sflag:s1], $0x100  }
0xc4: {  	[sflag:s1] =	ssyncset.done @!p0 $0x0  }
0xc5: {  	s7 =	simm.s32 @!p0 $0x3400;
	[sflag:s1] =	ssyncadd.s32 @!p0 $0xFFFFFF00;
	s1 =	simm.s32 @!p0 $0x60  }
0xc6: {  	[tilespmem:s7], [sflag:$0x2] =	stream.indirect.gather @!p0 [hbm4b:s4+s1], $0x80, s8, s1, $0xb8;
	v63 =	vld [tilespmem:$0x0]  }
0xc7: {  	s1 =	simm.s32 @!p0 $0x7  }
0xc8: {  	_ =	swait.ge @!p0 [sflag:s1], $0x3000  }
0xc9: {  	[sflag:s1] =	ssyncset.done @!p0 $0x0  }
0xca: {  	s11 =	sadd.s32 $0x40, s10;
	[sflag:s1] =	ssyncadd.s32 @!p0 $0xFFFFD000  }
0xcb: {  	[tilespmem:s19], [sflag:$0x9] =	stream.linear.gather [hbm4b:s11+s3], $0x100, $0x38;
	v63 =	vld [tilespmem:$0x0]  }
0xcc: {  	_ =	swait.ge [sflag:s17], $0x100  }
0xcd: {  	[sflag:s17] =	ssyncset.done $0x0  }
0xce: {  	s1 =	simm.s32 @!p0 $0x8;
	[sflag:s17] =	ssyncadd.s32 $0xFFFFFF00  }
0xcf: {  	[tilespmem:s20], [sflag:$0x3] =	stream.indirect.gather [hbm4b:s4+s18], $0x80, s19, s18, $0xb8;
	v63 =	vld [tilespmem:$0x0]  }
0xd0: {  	_ =	swait.ge @!p0 [sflag:s1], $0x3000  }
0xd1: {  	[sflag:s1] =	ssyncset.done @!p0 $0x0  }
0xd2: {  	s12 =	sadd.s32 $0x60, s10;
	[sflag:s1] =	ssyncadd.s32 @!p0 $0xFFFFD000  }
0xd3: {  	[tilespmem:s21], [sflag:$0x9] =	stream.linear.gather [hbm4b:s12+s3], $0x100, $0x38;
	v63 =	vld [tilespmem:$0x0]  }
0xd4: {  	_ =	swait.ge [sflag:s17], $0x100  }
0xd5: {  	[sflag:s17] =	ssyncset.done $0x0  }
0xd6: {  	[sflag:s17] =	ssyncadd.s32 $0xFFFFFF00  }
0xd7: {  	[tilespmem:s22], [sflag:$0x4] =	stream.indirect.gather [hbm4b:s4+s18], $0x80, s21, s18, $0xb8;
	v63 =	vld [tilespmem:$0x0]  }
0xd8: {  	_ =	swait.ge [sflag:s23], $0x3000  }
0xd9: {  	[sflag:s23] =	ssyncset.done $0x0  }
0xda: {  	s5 =	rddreg [dreg:$0x4];
	[sflag:s23] =	ssyncadd.s32 $0xFFFFD000  }
0xdb: {  	[spmem:s2] =	stream.indirect.scatter.add.f32 [tilespmem:s16], [sflag:$0x5], $0x80, s5, s18, $0xb8;
	v63 =	vld [tilespmem:$0x0]  }
0xdc: {  	_ =	swait.ge [sflag:s24], $0x3000  }
0xdd: {  	s7 =	rddreg [dreg:$0x5];
	[sflag:s24] =	ssyncset.done $0x0  }
0xde: {  	s8 =	rddreg [dreg:$0x6];
	[sflag:s24] =	ssyncadd.s32 $0xFFFFD000  }
0xdf: {  	[spmem:s2] =	stream.indirect.scatter.add.f32 [tilespmem:s8], [sflag:$0x6], $0x80, s7, s18, $0xb8;
	v63 =	vld [tilespmem:$0x0]  }
0xe0: {  	_ =	swait.ge [sflag:s25], $0x3000  }
0xe1: {  	[sflag:s25] =	ssyncset.done $0x0  }
0xe2: {  	s9 =	rddreg [dreg:$0x7];
	[sflag:s25] =	ssyncadd.s32 $0xFFFFD000  }
0xe3: {  	[spmem:s2] =	stream.indirect.scatter.add.f32 [tilespmem:s20], [sflag:$0x7], $0x80, s9, s18, $0xb8;
	v63 =	vld [tilespmem:$0x0]  }
0xe4: {  	_ =	swait.ge [sflag:s26], $0x3000  }
0xe5: {  	[sflag:s26] =	ssyncset.done $0x0  }
0xe6: {  	s10 =	rddreg [dreg:$0x8];
	[sflag:s26] =	ssyncadd.s32 $0xFFFFD000  }
0xe7: {  	[spmem:s2] =	stream.indirect.scatter.add.f32 [tilespmem:s22], [sflag:$0x8], $0x80, s10, s18, $0xb8;
	v63 =	vld [tilespmem:$0x0]  }
0xe8: {  	_ =	swait.ge [sflag:s28], $0x3000  }
0xe9: {  	[sflag:s28] =	ssyncset.done $0x0  }
0xea: {  	[sflag:s28] =	ssyncadd.s32 $0xFFFFD000  }
0xeb: {  	_ =	swait.ge [sflag:s29], $0x3000  }
0xec: {  	[sflag:s29] =	ssyncset.done $0x0  }
0xed: {  	[sflag:s29] =	ssyncadd.s32 $0xFFFFD000  }
0xee: {  	_ =	swait.ge [sflag:s30], $0x3000  }
0xef: {  	[sflag:s30] =	ssyncset.done $0x0  }
0xf0: {  	[sflag:s30] =	ssyncadd.s32 $0xFFFFD000  }
0xf1: {  	s11 =	stileid.u32;
	_ =	swait.ge [sflag:s31], $0x3000  }
0xf2: {  	s0 =	sadd.s32 $0x1, s0;
	s1 =	sshll.u32 s11, $0x6;
	[sflag:s31] =	ssyncset.done $0x0  }
0xf3: {  	p0 =	sne.s32 s0, s14;
	s1 =	sor.u32 $0x1C09, s1;
	[sflag:s31] =	ssyncadd.s32 $0xFFFFD000  }
.Ltmp1:
0xf4: {  	s12 =	sshrl.u32 s6, $0x3;
	[bflag:$0x0] =	sbarrier.arrive $0xFFFF;
	(pc) =	sbr.rel @p0 .LBB2_1-.Ltmp1, $4  }
0xf5: {  	[hbm:s13], [sflag:s1] =	dma.local [spmem:s12], $0x2780  }
0xf6: {  	_ =	swait.ge [sflag:s17], $0x2780  }
0xf7: {  	[sflag:s17] =	ssyncset.done $0x0  }
0xf8: {  	[sflag:s17] =	ssyncadd.s32 $0xFFFFD880  }
0xf9: {  	_ =	sfence.sel $0x180000  }
0xfa: {  	[bflag:$0x0] =	sbarrier.arrive $0xFFFF  }
0xfb: {  	_ =	strace $0x90000050  }
0xfc: {  	s0 =	stileid.u32;
	[bflag:$0x2] =	sbarrier.arrive $0xFFFF  }
0xfd: {  	p0 =	sne.s32 s0, $0x0;
	s0 =	rddreg [dreg:$0x2]  }
0xfe: {  	s0 =	sadd.s32 @!p0 $0x100000, s0  }
0xff: {  	[sflag:s0] =	ssyncadd.tile.s32 @!p0 $0x1;
	_ =	shalt  }
.Lfunc_end2:
_tile_overlayer_lowered:
.L_overlay_start_2:
0x100: {  	(tag) =	ssettag $0x2  }
0x101: {  	s0 =	rddreg [dreg:$0x0];
	s2 =	stileid.u32  }
0x102: {  	s1 =	rddreg [dreg:$0x1];
	p0 =	sne.s32 s2, $0x0  }
0x103: {  	s3 =	rddreg [dreg:$0x2];
	[bflag:$0x3] =	sbarrier.arrive $0xFFFF;
	s2 =	simm.s32 @!p0 $0x1C09  }
0x104: {  	[timem:s3], [sflag:s2] =	dma.local @!p0 [hbm:s0], s1  }
0x105: {  	s0 =	simm.s32 @!p0 $0x9  }
0x106: {  	_ =	swait.ge @!p0 [sflag:s0], s1  }
0x107: {  	s1 =	ssub.s32 @!p0 $0x0, s1;
	[sflag:s0] =	ssyncset.done @!p0 $0x0  }
0x108: {  	[sflag:s0] =	ssyncadd.s32 @!p0 s1  }
0x109: {  	[bflag:$0x3] =	sbarrier.arrive $0xFFFF  }
0x10a: {  	_ =	shalt  }

</sc_bundles>
